<compile_context>
chip_gen: v7x
topology: tpu7x:2x2x1
jax: 0.10.2.dev20260603
libtpu: 0.0.44.dev20260713+nightly
codegen_flags: <defaults>
</compile_context>

<pallas_src>
import functools

import jax
import jax.numpy as jnp
from jax import lax
from jax.experimental import pallas as pl
from jax.experimental.pallas import tpu as pltpu
from jax.experimental.pallas import tpu_sc as plsc

N = 10000
E = 320000
D = 128
H = 128
DIM = 3
OUT = 128

_NBLK = 2000
_EBLK = 2000


def _elu(v):
    return jnp.where(v > 0, v, jnp.exp(v) - 1.0)


def _pre_body(x_ref, posp_ref, wxs_ref, wxd_ref, wg_ref, be0_ref, a_ref, b_ref):
    g = jnp.dot(posp_ref[...], wg_ref[...], preferred_element_type=jnp.float32)
    xs = jnp.dot(x_ref[...], wxs_ref[...], preferred_element_type=jnp.float32)
    xd = jnp.dot(x_ref[...], wxd_ref[...], preferred_element_type=jnp.float32)
    a_ref[...] = xs - g + be0_ref[...]
    b_ref[...] = xd + g


_PBLK = 2000


def _node_tables(xp, posp, wxs, wxd, wg, be0):
    grid = (N // _PBLK,)
    return pl.pallas_call(
        _pre_body,
        grid=grid,
        in_specs=[
            pl.BlockSpec((_PBLK, D), lambda i: (i, 0)),
            pl.BlockSpec((_PBLK, 8), lambda i: (i, 0)),
            pl.BlockSpec((D, H), lambda i: (0, 0)),
            pl.BlockSpec((D, H), lambda i: (0, 0)),
            pl.BlockSpec((8, H), lambda i: (0, 0)),
            pl.BlockSpec((1, H), lambda i: (0, 0)),
        ],
        out_specs=[
            pl.BlockSpec((_PBLK, H), lambda i: (i, 0)),
            pl.BlockSpec((_PBLK, H), lambda i: (i, 0)),
        ],
        out_shape=[
            jax.ShapeDtypeStruct((N, H), jnp.float32),
            jax.ShapeDtypeStruct((N, H), jnp.float32),
        ],
    )(xp, posp, wxs, wxd, wg, be0)


def _edge_body(h1p_ref, we2_ref, be2_ref, we3_ref, be3_ref, out_ref):
    h1 = _elu(h1p_ref[...]).astype(jnp.bfloat16)
    h2 = _elu(jnp.dot(h1, we2_ref[...].astype(jnp.bfloat16),
                      preferred_element_type=jnp.float32) + be2_ref[...])
    out_ref[...] = (jnp.dot(h2.astype(jnp.bfloat16),
                            we3_ref[...].astype(jnp.bfloat16),
                            preferred_element_type=jnp.float32) + be3_ref[...])


def _make_edge_mlp(ne):
    grid = (ne // _EBLK,)

    def call(h1p, we2, be2, we3, be3):
        return pl.pallas_call(
            _edge_body,
            grid=grid,
            in_specs=[
                pl.BlockSpec((_EBLK, H), lambda i: (i, 0)),
                pl.BlockSpec((H, H), lambda i: (0, 0)),
                pl.BlockSpec((1, H), lambda i: (0, 0)),
                pl.BlockSpec((H, H), lambda i: (0, 0)),
                pl.BlockSpec((1, H), lambda i: (0, 0)),
            ],
            out_specs=pl.BlockSpec((_EBLK, H), lambda i: (i, 0)),
            out_shape=jax.ShapeDtypeStruct((ne, H), jnp.float32),
        )(h1p, we2, be2, we3, be3)

    return call


def _node_body(x_ref, s0_ref, s1_ref, s2_ref, s3_ref, wn0x_ref, wn0e_ref,
               bn0_ref, wn2_ref, bn2_ref, wn3_ref, bn3_ref, wd0_ref, bd0_ref,
               wd2_ref, bd2_ref, wd3_ref, bd3_ref, out_ref):
    seg = (s0_ref[...] + s1_ref[...]) + (s2_ref[...] + s3_ref[...])
    h = (jnp.dot(x_ref[...], wn0x_ref[...], preferred_element_type=jnp.float32)
         + jnp.dot(seg, wn0e_ref[...], preferred_element_type=jnp.float32)
         + bn0_ref[...])
    h = _elu(h)
    h = _elu(jnp.dot(h, wn2_ref[...], preferred_element_type=jnp.float32)
             + bn2_ref[...])
    na = jnp.dot(h, wn3_ref[...], preferred_element_type=jnp.float32) + bn3_ref[...]
    d = _elu(jnp.dot(na, wd0_ref[...], preferred_element_type=jnp.float32)
             + bd0_ref[...])
    d = _elu(jnp.dot(d, wd2_ref[...], preferred_element_type=jnp.float32)
             + bd2_ref[...])
    out_ref[...] = (jnp.dot(d, wd3_ref[...], preferred_element_type=jnp.float32)
                    + bd3_ref[...])


def _node_mlp(x, segs, wn0x, wn0e, bn0, wn2, bn2, wn3, bn3,
              wd0, bd0, wd2, bd2, wd3, bd3):
    grid = (N // _NBLK,)
    row = lambda i: (i, 0)
    full = lambda i: (0, 0)
    return pl.pallas_call(
        _node_body,
        grid=grid,
        in_specs=[
            pl.BlockSpec((_NBLK, D), row),
            pl.BlockSpec((_NBLK, H), row),
            pl.BlockSpec((_NBLK, H), row),
            pl.BlockSpec((_NBLK, H), row),
            pl.BlockSpec((_NBLK, H), row),
            pl.BlockSpec((D, H), full),
            pl.BlockSpec((H, H), full),
            pl.BlockSpec((1, H), full),
            pl.BlockSpec((H, H), full),
            pl.BlockSpec((1, H), full),
            pl.BlockSpec((H, H), full),
            pl.BlockSpec((1, H), full),
            pl.BlockSpec((H, H), full),
            pl.BlockSpec((1, H), full),
            pl.BlockSpec((H, H), full),
            pl.BlockSpec((1, H), full),
            pl.BlockSpec((H, OUT), full),
            pl.BlockSpec((1, OUT), full),
        ],
        out_specs=pl.BlockSpec((_NBLK, OUT), row),
        out_shape=jax.ShapeDtypeStruct((N, OUT), jnp.float32),
    )(x, *segs, wn0x, wn0e, bn0, wn2, bn2, wn3, bn3,
      wd0, bd0, wd2, bd2, wd3, bd3)


_NC = 2
_NS = 16
_NW = _NC * _NS
_CH = 128
_NPAD = 10240
_SEG_PER_TILE = _NPAD // _NS

_sc_mesh = plsc.VectorSubcoreMesh(core_axis_name="c", subcore_axis_name="s")


def _make_sc_gather(ne):
    nchunk = ne // _CH
    wch = nchunk // _NW
    ntail = nchunk - _NW * wch
    tail0 = _NW * wch
    npairs = (wch + 1) // 2
    odd = (wch % 2) == 1

    @functools.partial(
        pl.kernel,
        out_type=jax.ShapeDtypeStruct((ne, H), jnp.float32),
        mesh=_sc_mesh,
        scratch_types=[
            pltpu.VMEM((2, _CH), jnp.int32),
            pltpu.VMEM((2, _CH), jnp.int32),
            pltpu.VMEM((2, _CH, H), jnp.float32),
            pltpu.VMEM((2, _CH, H), jnp.float32),
            pltpu.SemaphoreType.DMA,
            pltpu.SemaphoreType.DMA,
            pltpu.SemaphoreType.DMA,
            pltpu.SemaphoreType.DMA,
            pltpu.SemaphoreType.DMA,
            pltpu.SemaphoreType.DMA,
        ],
    )
    def gather(a_hbm, b_hbm, src_hbm, dst_hbm, out_hbm,
               sidx, didx, bufa, bufb,
               isem0, isem1, rsem0, rsem1, osem0, osem1):
        wid = lax.axis_index("s") * _NC + lax.axis_index("c")
        strip = wid * wch * _CH
        isems = (isem0, isem1)
        rsems = (rsem0, rsem1)
        osems = (osem0, osem1)

        def issue_idx(c, s, sem):
            base = strip + c * _CH
            pltpu.async_copy(src_hbm.at[pl.ds(base, _CH)], sidx.at[s], sem)
            pltpu.async_copy(dst_hbm.at[pl.ds(base, _CH)], didx.at[s], sem)

        def wait_idx(s, sem):
            pltpu.make_async_copy(src_hbm.at[pl.ds(0, _CH)], sidx.at[s],
                                  sem).wait()
            pltpu.make_async_copy(dst_hbm.at[pl.ds(0, _CH)], didx.at[s],
                                  sem).wait()

        def issue_rows(s, sem):
            pltpu.async_copy(a_hbm.at[sidx.at[s]], bufa.at[s], sem)
            pltpu.async_copy(b_hbm.at[didx.at[s]], bufb.at[s], sem)

        def wait_rows(s, sem):
            pltpu.make_async_copy(a_hbm.at[pl.ds(0, _CH)], bufa.at[s],
                                  sem).wait()
            pltpu.make_async_copy(b_hbm.at[pl.ds(0, _CH)], bufb.at[s],
                                  sem).wait()

        def issue_out(i, s, sem):
            base = strip + i * _CH
            pltpu.async_copy(bufa.at[s], out_hbm.at[pl.ds(base, _CH)], sem)

        def wait_out(s, sem):
            pltpu.make_async_copy(bufa.at[s], out_hbm.at[pl.ds(0, _CH)],
                                  sem).wait()

        def add_rows(s):
            def row(r, rc):
                for j in range(H // 16):
                    bufa[s, r, pl.ds(j * 16, 16)] = (
                        bufa[s, r, pl.ds(j * 16, 16)]
                        + bufb[s, r, pl.ds(j * 16, 16)])
                return rc
            lax.fori_loop(0, _CH, row, 0)

        issue_idx(0, 0, isems[0])
        issue_idx(1, 1, isems[1])
        wait_idx(0, isems[0])
        issue_rows(0, rsems[0])

        def step(i, s, pf_rows, drain_out, pf_idx):
            sp = 1 - s

            @pl.when(pf_rows)
            def _prefetch_rows():
                wait_idx(sp, isems[sp])

                @pl.when(drain_out)
                def _drain_out():
                    wait_out(sp, osems[sp])

                issue_rows(sp, rsems[sp])

            wait_rows(s, rsems[s])

            @pl.when(pf_idx)
            def _prefetch_idx():
                issue_idx(i + 2, s, isems[s])

            add_rows(s)
            issue_out(i, s, osems[s])

        def body(k, carry):
            i0 = 2 * k
            step(i0, 0, i0 + 1 < wch, k >= 1, i0 + 2 < wch)
            i1 = 2 * k + 1
            if odd:
                @pl.when(i1 < wch)
                def _odd_step():
                    step(i1, 1, i1 + 1 < wch, i1 >= 1, i1 + 2 < wch)
            else:
                step(i1, 1, i1 + 1 < wch, i1 >= 1, i1 + 2 < wch)
            return carry

        lax.fori_loop(0, npairs, body, 0)
        wait_out(0, osems[0])
        wait_out(1, osems[1])

        @pl.when(wid < ntail)
        def _tail():
            base = (tail0 + wid) * _CH
            pltpu.sync_copy(src_hbm.at[pl.ds(base, _CH)], sidx.at[0])
            pltpu.sync_copy(dst_hbm.at[pl.ds(base, _CH)], didx.at[0])
            cpa = pltpu.async_copy(a_hbm.at[sidx.at[0]], bufa.at[0], rsem0)
            cpb = pltpu.async_copy(b_hbm.at[didx.at[0]], bufb.at[0], rsem1)
            cpa.wait()
            cpb.wait()
            add_rows(0)
            pltpu.sync_copy(bufa.at[0], out_hbm.at[pl.ds(base, _CH)])

    return gather


def _make_sc_scatter(ne):
    nchunk = ne // _CH
    wch = nchunk // _NW
    ntail = nchunk - _NW * wch
    tail0 = _NW * wch
    npairs = (wch + 1) // 2
    odd = (wch % 2) == 1

    @functools.partial(
        pl.kernel,
        out_type=jax.ShapeDtypeStruct((_NC * _NPAD, H), jnp.float32),
        mesh=_sc_mesh,
        scratch_types=[
            pltpu.VMEM((2, _CH), jnp.int32),
            pltpu.VMEM((2, _CH, H), jnp.float32),
            pltpu.VMEM_SHARED((_NPAD, H), jnp.float32),
            pltpu.SemaphoreType.DMA,
            pltpu.SemaphoreType.DMA,
            pltpu.SemaphoreType.DMA,
            pltpu.SemaphoreType.DMA,
        ],
    )
    def scatter(ea_hbm, src_hbm, zeros_hbm, out_hbm,
                sidx, buf, acc, isem0, isem1, dsem0, dsem1):
        cax = lax.axis_index("c")
        sax = lax.axis_index("s")
        wid = sax * _NC + cax
        strip = wid * wch * _CH
        pltpu.sync_copy(zeros_hbm.at[pl.ds(sax * _SEG_PER_TILE, _SEG_PER_TILE)],
                        acc.at[pl.ds(sax * _SEG_PER_TILE, _SEG_PER_TILE)])
        plsc.subcore_barrier()

        isems = (isem0, isem1)
        dsems = (dsem0, dsem1)

        def issue(c, s):
            base = strip + c * _CH
            pltpu.async_copy(src_hbm.at[pl.ds(base, _CH)], sidx.at[s],
                             isems[s])
            pltpu.async_copy(ea_hbm.at[pl.ds(base, _CH)], buf.at[s], dsems[s])

        def wait_in(s):
            pltpu.make_async_copy(src_hbm.at[pl.ds(0, _CH)], sidx.at[s],
                                  isems[s]).wait()
            pltpu.make_async_copy(ea_hbm.at[pl.ds(0, _CH)], buf.at[s],
                                  dsems[s]).wait()

        issue(0, 0)

        def step(i, s, prefetch):
            sp = 1 - s

            @pl.when(prefetch)
            def _prefetch():
                issue(i + 1, sp)

            wait_in(s)
            pltpu.sync_copy(buf.at[s], acc.at[sidx.at[s]], add=True)

        def body(k, carry):
            i0 = 2 * k
            step(i0, 0, i0 + 1 < wch)
            i1 = 2 * k + 1
            if odd:
                @pl.when(i1 < wch)
                def _odd_step():
                    step(i1, 1, i1 + 1 < wch)
            else:
                step(i1, 1, i1 + 1 < wch)
            return carry

        lax.fori_loop(0, npairs, body, 0)

        @pl.when(wid < ntail)
        def _tail():
            base = (tail0 + wid) * _CH
            pltpu.sync_copy(src_hbm.at[pl.ds(base, _CH)], sidx.at[0])
            pltpu.sync_copy(ea_hbm.at[pl.ds(base, _CH)], buf.at[0])
            pltpu.sync_copy(buf.at[0], acc.at[sidx.at[0]], add=True)

        plsc.subcore_barrier()
        pltpu.sync_copy(acc.at[pl.ds(sax * _SEG_PER_TILE, _SEG_PER_TILE)],
                        out_hbm.at[pl.ds(cax * _NPAD + sax * _SEG_PER_TILE,
                                         _SEG_PER_TILE)])

    return scatter


_NSPLIT = 2
_EPART = E // _NSPLIT
_sc_gather_part = _make_sc_gather(_EPART)
_sc_scatter_part = _make_sc_scatter(_EPART)
_edge_mlp_part = _make_edge_mlp(_EPART)


def kernel(x, edge_index, pos, We0, be0, We2, be2, We3, be3,
           Wn0, bn0, Wn2, bn2, Wn3, bn3, Wd0, bd0, Wd2, bd2, Wd3, bd3):
    src = edge_index[0]
    dst = edge_index[1]
    posp = jnp.pad(pos, ((0, 0), (0, 8 - DIM)))
    wg = jnp.pad(We0[:DIM], ((0, 8 - DIM), (0, 0)))
    wxs = We0[DIM:DIM + D]
    wxd = We0[DIM + D:]
    a, b = _node_tables(x, posp, wxs, wxd, wg, be0.reshape(1, H))

    be2r, be3r = be2.reshape(1, H), be3.reshape(1, H)
    zeros = jnp.zeros((_NPAD, H), jnp.float32)
    srcs = [src[i * _EPART:(i + 1) * _EPART] for i in range(_NSPLIT)]
    dsts = [dst[i * _EPART:(i + 1) * _EPART] for i in range(_NSPLIT)]
    h1ps = [_sc_gather_part(a, b, srcs[i], dsts[i]) for i in range(_NSPLIT)]
    eas = [_edge_mlp_part(h1ps[i], We2, be2r, We3, be3r)
           for i in range(_NSPLIT)]
    sgs = [_sc_scatter_part(eas[i], srcs[i], zeros) for i in range(_NSPLIT)]
    segs = []
    for sg in sgs:
        segs.append(sg[:N])
        segs.append(sg[_NPAD:_NPAD + N])

    return _node_mlp(x, segs,
                     Wn0[:D], Wn0[D:], bn0.reshape(1, H),
                     Wn2, bn2.reshape(1, H), Wn3, bn3.reshape(1, H),
                     Wd0, bd0.reshape(1, H), Wd2, bd2.reshape(1, H),
                     Wd3, bd3.reshape(1, OUT))

# --- scband reference (transcript-rebuilt; emitter-appended) ---
"""Pipeline reference for scband-mgn-1675037245681 (READ-ONLY COPY).

The authoritative reference and input builder live on the scoring server;
editing this copy changes nothing except your own understanding.
"""

import jax, jax.numpy as jnp
import numpy as np

N = 10000
E = 320000
D = 128
H = 128
DIM = 3
OUT = 128


def _mlp(x, W0, b0, W2, b2, W3, b3):
    h = jax.nn.elu(x @ W0 + b0)
    h = jax.nn.elu(h @ W2 + b2)
    return h @ W3 + b3


def setup_inputs(seed: int = 0) -> dict:
    key = jax.random.key(seed)
    ks = jax.random.split(key, 24)
    x = jax.random.normal(ks[0], (N, D), dtype=jnp.float32)
    edge_index = jax.random.randint(ks[1], (2, E), 0, N, dtype=jnp.int32)
    pos = jax.random.normal(ks[2], (N, DIM), dtype=jnp.float32)
    e_in = DIM + 2 * D
    n_in = D + H
    s = 0.05
    params = {
        'We0': jax.random.normal(ks[3], (e_in, H), jnp.float32) * s,
        'be0': jnp.zeros((H,), jnp.float32),
        'We2': jax.random.normal(ks[4], (H, H), jnp.float32) * s,
        'be2': jnp.zeros((H,), jnp.float32),
        'We3': jax.random.normal(ks[5], (H, H), jnp.float32) * s,
        'be3': jnp.zeros((H,), jnp.float32),
        'Wn0': jax.random.normal(ks[6], (n_in, H), jnp.float32) * s,
        'bn0': jnp.zeros((H,), jnp.float32),
        'Wn2': jax.random.normal(ks[7], (H, H), jnp.float32) * s,
        'bn2': jnp.zeros((H,), jnp.float32),
        'Wn3': jax.random.normal(ks[8], (H, H), jnp.float32) * s,
        'bn3': jnp.zeros((H,), jnp.float32),
        'Wd0': jax.random.normal(ks[9], (H, H), jnp.float32) * s,
        'bd0': jnp.zeros((H,), jnp.float32),
        'Wd2': jax.random.normal(ks[10], (H, H), jnp.float32) * s,
        'bd2': jnp.zeros((H,), jnp.float32),
        'Wd3': jax.random.normal(ks[11], (H, OUT), jnp.float32) * s,
        'bd3': jnp.zeros((OUT,), jnp.float32),
    }
    inp = {'x': x, 'edge_index': edge_index, 'pos': pos}
    inp.update(params)
    return inp


def reference(x, edge_index, pos, We0, be0, We2, be2, We3, be3,
              Wn0, bn0, Wn2, bn2, Wn3, bn3, Wd0, bd0, Wd2, bd2, Wd3, bd3):
    src = edge_index[0]
    dst = edge_index[1]
    # EdgeNet
    edge_geo = pos[dst] - pos[src]
    node_i = x[src]
    node_j = x[dst]
    e_inputs = jnp.concatenate((edge_geo, node_i, node_j), axis=1)
    edge_attr = _mlp(e_inputs, We0, be0, We2, be2, We3, be3)
    # NodeNet: sparse_coo(edge_index, edge_attr[:, i]) @ ones(N,1) == row-wise
    # (src-indexed) sum of edge features -> segment_sum over src indices
    edge_sum = jax.ops.segment_sum(edge_attr, src, num_segments=x.shape[0])
    n_inputs = jnp.concatenate((x, edge_sum), axis=1)
    node_attr = _mlp(n_inputs, Wn0, bn0, Wn2, bn2, Wn3, bn3)
    # Decoder
    out = _mlp(node_attr, Wd0, bd0, Wd2, bd2, Wd3, bd3)
    return out

if __name__ == "__main__":
    import jax
    _d = setup_inputs()
    print(jax.jit(kernel)(*tuple(_d.values())))

</pallas_src>

<mosaic_0001>
#map = affine_map<(d0, d1) -> (0, 0)>
#map1 = affine_map<(d0, d1) -> (0)>
module attributes {stable_mosaic.version = 14 : i64} {
  func.func @gather(%arg0: i32, %arg1: i32, %arg2: memref<10000x128xf32, #tpu.memory_space<hbm>>, %arg3: memref<10000x128xf32, #tpu.memory_space<hbm>>, %arg4: memref<160000xi32, #tpu.memory_space<hbm>>, %arg5: memref<160000xi32, #tpu.memory_space<hbm>>, %arg6: memref<160000x128xf32, #tpu.memory_space<hbm>>, %arg7: memref<2x128xi32, #tpu.memory_space<vmem>>, %arg8: memref<2x128xi32, #tpu.memory_space<vmem>>, %arg9: memref<2x128x128xf32, #tpu.memory_space<vmem>>, %arg10: memref<2x128x128xf32, #tpu.memory_space<vmem>>, %arg11: memref<!tpu.dma_semaphore, #tpu.memory_space<semaphore_mem>>, %arg12: memref<!tpu.dma_semaphore, #tpu.memory_space<semaphore_mem>>, %arg13: memref<!tpu.dma_semaphore, #tpu.memory_space<semaphore_mem>>, %arg14: memref<!tpu.dma_semaphore, #tpu.memory_space<semaphore_mem>>, %arg15: memref<!tpu.dma_semaphore, #tpu.memory_space<semaphore_mem>>, %arg16: memref<!tpu.dma_semaphore, #tpu.memory_space<semaphore_mem>>) attributes {dimension_semantics = [#tpu.dimension_semantics<core_parallel>, #tpu.dimension_semantics<subcore_parallel>], iteration_bounds = array<i64: 2, 16>, scalar_prefetch = 0 : i64, scratch_operands = 10 : i64, tpu.core_type = #tpu.core_type<sc_vector_subcore>, window_params = [{transform_indices = #map}, {transform_indices = #map}, {transform_indices = #map1}, {transform_indices = #map1}, {transform_indices = #map}]} {
    %mul3A = arith.constant 2 : i32
    %mul3A_0 = arith.muli %arg1, %mul3A : i32
    %add3A = arith.addi %mul3A_0, %arg0 : i32
    %mul3A_1 = arith.constant 39 : i32
    %mul3A_2 = arith.muli %add3A, %mul3A_1 : i32
    %mul3A_3 = arith.constant 128 : i32
    %mul3A_4 = arith.muli %mul3A_2, %mul3A_3 : i32
    %add3A_5 = arith.constant 0 : i32
    %add3A_6 = arith.addi %mul3A_4, %add3A_5 : i32
    %dma_start3A = arith.constant 0 : i32
    %dma_start3A_7 = arith.constant 0 : i32
    %dma_start3A_8 = tpu.memref_slice %arg7[%dma_start3A, %dma_start3A_7] : memref<2x128xi32, #tpu.memory_space<vmem>> -> memref<1x128xi32, #tpu.memory_space<vmem>>
    %dma_start3A_9 = tpu.memref_squeeze %dma_start3A_8 : memref<1x128xi32, #tpu.memory_space<vmem>> -> memref<128xi32, #tpu.memory_space<vmem>>
    %dma_start3A_10 = tpu.memref_slice %arg4[%add3A_6] : memref<160000xi32, #tpu.memory_space<hbm>> -> memref<128xi32, #tpu.memory_space<hbm>>
    %dma_start3A_11 = arith.constant 0 : i32
    %dma_start3A_12 = tpu.memref_slice %arg7[%dma_start3A, %dma_start3A_11] : memref<2x128xi32, #tpu.memory_space<vmem>> -> memref<1x128xi32, #tpu.memory_space<vmem>>
    %dma_start3A_13 = tpu.memref_squeeze %dma_start3A_12 : memref<1x128xi32, #tpu.memory_space<vmem>> -> memref<128xi32, #tpu.memory_space<vmem>>
    %dma_start3A_14 = tpu.memref_slice %arg4[%add3A_6] : memref<160000xi32, #tpu.memory_space<hbm>> -> memref<128xi32, #tpu.memory_space<hbm>>
    tpu.enqueue_dma source(%dma_start3A_14 : memref<128xi32, #tpu.memory_space<hbm>>) target(%dma_start3A_13 : memref<128xi32, #tpu.memory_space<vmem>>) target_semaphore(%arg11 : memref<!tpu.dma_semaphore, #tpu.memory_space<semaphore_mem>>)
    %dma_start3A_15 = arith.constant 0 : i32
    %dma_start3A_16 = arith.constant 0 : i32
    %dma_start3A_17 = tpu.memref_slice %arg8[%dma_start3A_15, %dma_start3A_16] : memref<2x128xi32, #tpu.memory_space<vmem>> -> memref<1x128xi32, #tpu.memory_space<vmem>>
    %dma_start3A_18 = tpu.memref_squeeze %dma_start3A_17 : memref<1x128xi32, #tpu.memory_space<vmem>> -> memref<128xi32, #tpu.memory_space<vmem>>
    %dma_start3A_19 = tpu.memref_slice %arg5[%add3A_6] : memref<160000xi32, #tpu.memory_space<hbm>> -> memref<128xi32, #tpu.memory_space<hbm>>
    %dma_start3A_20 = arith.constant 0 : i32
    %dma_start3A_21 = tpu.memref_slice %arg8[%dma_start3A_15, %dma_start3A_20] : memref<2x128xi32, #tpu.memory_space<vmem>> -> memref<1x128xi32, #tpu.memory_space<vmem>>
    %dma_start3A_22 = tpu.memref_squeeze %dma_start3A_21 : memref<1x128xi32, #tpu.memory_space<vmem>> -> memref<128xi32, #tpu.memory_space<vmem>>
    %dma_start3A_23 = tpu.memref_slice %arg5[%add3A_6] : memref<160000xi32, #tpu.memory_space<hbm>> -> memref<128xi32, #tpu.memory_space<hbm>>
    tpu.enqueue_dma source(%dma_start3A_23 : memref<128xi32, #tpu.memory_space<hbm>>) target(%dma_start3A_22 : memref<128xi32, #tpu.memory_space<vmem>>) target_semaphore(%arg11 : memref<!tpu.dma_semaphore, #tpu.memory_space<semaphore_mem>>)
    %add3A_24 = arith.constant 128 : i32
    %add3A_25 = arith.addi %mul3A_4, %add3A_24 : i32
    %dma_start3A_26 = arith.constant 1 : i32
    %dma_start3A_27 = arith.constant 0 : i32
    %dma_start3A_28 = tpu.memref_slice %arg7[%dma_start3A_26, %dma_start3A_27] : memref<2x128xi32, #tpu.memory_space<vmem>> -> memref<1x128xi32, #tpu.memory_space<vmem>>
    %dma_start3A_29 = tpu.memref_squeeze %dma_start3A_28 : memref<1x128xi32, #tpu.memory_space<vmem>> -> memref<128xi32, #tpu.memory_space<vmem>>
    %dma_start3A_30 = tpu.memref_slice %arg4[%add3A_25] : memref<160000xi32, #tpu.memory_space<hbm>> -> memref<128xi32, #tpu.memory_space<hbm>>
    %dma_start3A_31 = arith.constant 0 : i32
    %dma_start3A_32 = tpu.memref_slice %arg7[%dma_start3A_26, %dma_start3A_31] : memref<2x128xi32, #tpu.memory_space<vmem>> -> memref<1x128xi32, #tpu.memory_space<vmem>>
    %dma_start3A_33 = tpu.memref_squeeze %dma_start3A_32 : memref<1x128xi32, #tpu.memory_space<vmem>> -> memref<128xi32, #tpu.memory_space<vmem>>
    %dma_start3A_34 = tpu.memref_slice %arg4[%add3A_25] : memref<160000xi32, #tpu.memory_space<hbm>> -> memref<128xi32, #tpu.memory_space<hbm>>
    tpu.enqueue_dma source(%dma_start3A_34 : memref<128xi32, #tpu.memory_space<hbm>>) target(%dma_start3A_33 : memref<128xi32, #tpu.memory_space<vmem>>) target_semaphore(%arg12 : memref<!tpu.dma_semaphore, #tpu.memory_space<semaphore_mem>>)
    %dma_start3A_35 = arith.constant 1 : i32
    %dma_start3A_36 = arith.constant 0 : i32
    %dma_start3A_37 = tpu.memref_slice %arg8[%dma_start3A_35, %dma_start3A_36] : memref<2x128xi32, #tpu.memory_space<vmem>> -> memref<1x128xi32, #tpu.memory_space<vmem>>
    %dma_start3A_38 = tpu.memref_squeeze %dma_start3A_37 : memref<1x128xi32, #tpu.memory_space<vmem>> -> memref<128xi32, #tpu.memory_space<vmem>>
    %dma_start3A_39 = tpu.memref_slice %arg5[%add3A_25] : memref<160000xi32, #tpu.memory_space<hbm>> -> memref<128xi32, #tpu.memory_space<hbm>>
    %dma_start3A_40 = arith.constant 0 : i32
    %dma_start3A_41 = tpu.memref_slice %arg8[%dma_start3A_35, %dma_start3A_40] : memref<2x128xi32, #tpu.memory_space<vmem>> -> memref<1x128xi32, #tpu.memory_space<vmem>>
    %dma_start3A_42 = tpu.memref_squeeze %dma_start3A_41 : memref<1x128xi32, #tpu.memory_space<vmem>> -> memref<128xi32, #tpu.memory_space<vmem>>
    %dma_start3A_43 = tpu.memref_slice %arg5[%add3A_25] : memref<160000xi32, #tpu.memory_space<hbm>> -> memref<128xi32, #tpu.memory_space<hbm>>
    tpu.enqueue_dma source(%dma_start3A_43 : memref<128xi32, #tpu.memory_space<hbm>>) target(%dma_start3A_42 : memref<128xi32, #tpu.memory_space<vmem>>) target_semaphore(%arg12 : memref<!tpu.dma_semaphore, #tpu.memory_space<semaphore_mem>>)
    %dma_wait3A = arith.constant 0 : i32
    %dma_wait3A_44 = arith.constant 0 : i32
    %dma_wait3A_45 = tpu.memref_slice %arg7[%dma_wait3A, %dma_wait3A_44] : memref<2x128xi32, #tpu.memory_space<vmem>> -> memref<1x128xi32, #tpu.memory_space<vmem>>
    %dma_wait3A_46 = tpu.memref_squeeze %dma_wait3A_45 : memref<1x128xi32, #tpu.memory_space<vmem>> -> memref<128xi32, #tpu.memory_space<vmem>>
    %dma_wait3A_47 = arith.constant 0 : i32
    %dma_wait3A_48 = tpu.memref_slice %arg4[%dma_wait3A_47] : memref<160000xi32, #tpu.memory_space<hbm>> -> memref<128xi32, #tpu.memory_space<hbm>>
    %dma_wait3A_49 = arith.constant 0 : i32
    %dma_wait3A_50 = tpu.memref_slice %arg7[%dma_wait3A, %dma_wait3A_49] : memref<2x128xi32, #tpu.memory_space<vmem>> -> memref<1x128xi32, #tpu.memory_space<vmem>>
    %dma_wait3A_51 = tpu.memref_squeeze %dma_wait3A_50 : memref<1x128xi32, #tpu.memory_space<vmem>> -> memref<128xi32, #tpu.memory_space<vmem>>
    %dma_wait3A_52 = arith.constant 0 : i32
    %dma_wait3A_53 = tpu.memref_slice %arg4[%dma_wait3A_52] : memref<160000xi32, #tpu.memory_space<hbm>> -> memref<128xi32, #tpu.memory_space<hbm>>
    tpu.wait_dma2 semaphore(%arg11 : memref<!tpu.dma_semaphore, #tpu.memory_space<semaphore_mem>>) src(%dma_wait3A_53 : memref<128xi32, #tpu.memory_space<hbm>>) dst(%dma_wait3A_51 : memref<128xi32, #tpu.memory_space<vmem>>)
    %dma_wait3A_54 = arith.constant 0 : i32
    %dma_wait3A_55 = arith.constant 0 : i32
    %dma_wait3A_56 = tpu.memref_slice %arg8[%dma_wait3A_54, %dma_wait3A_55] : memref<2x128xi32, #tpu.memory_space<vmem>> -> memref<1x128xi32, #tpu.memory_space<vmem>>
    %dma_wait3A_57 = tpu.memref_squeeze %dma_wait3A_56 : memref<1x128xi32, #tpu.memory_space<vmem>> -> memref<128xi32, #tpu.memory_space<vmem>>
    %dma_wait3A_58 = arith.constant 0 : i32
    %dma_wait3A_59 = tpu.memref_slice %arg5[%dma_wait3A_58] : memref<160000xi32, #tpu.memory_space<hbm>> -> memref<128xi32, #tpu.memory_space<hbm>>
    %dma_wait3A_60 = arith.constant 0 : i32
    %dma_wait3A_61 = tpu.memref_slice %arg8[%dma_wait3A_54, %dma_wait3A_60] : memref<2x128xi32, #tpu.memory_space<vmem>> -> memref<1x128xi32, #tpu.memory_space<vmem>>
    %dma_wait3A_62 = tpu.memref_squeeze %dma_wait3A_61 : memref<1x128xi32, #tpu.memory_space<vmem>> -> memref<128xi32, #tpu.memory_space<vmem>>
    %dma_wait3A_63 = arith.constant 0 : i32
    %dma_wait3A_64 = tpu.memref_slice %arg5[%dma_wait3A_63] : memref<160000xi32, #tpu.memory_space<hbm>> -> memref<128xi32, #tpu.memory_space<hbm>>
    tpu.wait_dma2 semaphore(%arg11 : memref<!tpu.dma_semaphore, #tpu.memory_space<semaphore_mem>>) src(%dma_wait3A_64 : memref<128xi32, #tpu.memory_space<hbm>>) dst(%dma_wait3A_62 : memref<128xi32, #tpu.memory_space<vmem>>)
    %dma_start3A_65 = arith.constant 0 : i32
    %dma_start3A_66 = arith.constant 0 : i32
    %dma_start3A_67 = arith.constant 0 : i32
    %dma_start3A_68 = arith.constant 0 : i32
    %dma_start3A_69 = tpu.memref_slice %arg9[%dma_start3A_66, %dma_start3A_67, %dma_start3A_68] : memref<2x128x128xf32, #tpu.memory_space<vmem>> -> memref<1x128x128xf32, #tpu.memory_space<vmem>>
    %dma_start3A_70 = tpu.memref_squeeze %dma_start3A_69 : memref<1x128x128xf32, #tpu.memory_space<vmem>> -> memref<128x128xf32, #tpu.memory_space<vmem>>
    %dma_start3A_71 = arith.constant 0 : i32
    %dma_start3A_72 = tpu.memref_slice %arg7[%dma_start3A_65, %dma_start3A_71] : memref<2x128xi32, #tpu.memory_space<vmem>> -> memref<1x128xi32, #tpu.memory_space<vmem>>
    %dma_start3A_73 = tpu.memref_squeeze %dma_start3A_72 : memref<1x128xi32, #tpu.memory_space<vmem>> -> memref<128xi32, #tpu.memory_space<vmem>>
    %dma_start3A_74 = arith.constant 0 : i32
    %dma_start3A_75 = arith.constant 0 : i32
    %dma_start3A_76 = tpu.memref_slice %arg2[%dma_start3A_74, %dma_start3A_75] : memref<10000x128xf32, #tpu.memory_space<hbm>> -> memref<10000x128xf32, #tpu.memory_space<hbm>>
    tpu.enqueue_indirect_dma source(%dma_start3A_76 : memref<10000x128xf32, #tpu.memory_space<hbm>>) target(%dma_start3A_70 : memref<128x128xf32, #tpu.memory_space<vmem>>) offsets(%dma_start3A_73 : memref<128xi32, #tpu.memory_space<vmem>>) semaphore(%arg13 : memref<!tpu.dma_semaphore, #tpu.memory_space<semaphore_mem>>)
    %dma_start3A_77 = arith.constant 0 : i32
    %dma_start3A_78 = arith.constant 0 : i32
    %dma_start3A_79 = arith.constant 0 : i32
    %dma_start3A_80 = arith.constant 0 : i32
    %dma_start3A_81 = tpu.memref_slice %arg10[%dma_start3A_78, %dma_start3A_79, %dma_start3A_80] : memref<2x128x128xf32, #tpu.memory_space<vmem>> -> memref<1x128x128xf32, #tpu.memory_space<vmem>>
    %dma_start3A_82 = tpu.memref_squeeze %dma_start3A_81 : memref<1x128x128xf32, #tpu.memory_space<vmem>> -> memref<128x128xf32, #tpu.memory_space<vmem>>
    %dma_start3A_83 = arith.constant 0 : i32
    %dma_start3A_84 = tpu.memref_slice %arg8[%dma_start3A_77, %dma_start3A_83] : memref<2x128xi32, #tpu.memory_space<vmem>> -> memref<1x128xi32, #tpu.memory_space<vmem>>
    %dma_start3A_85 = tpu.memref_squeeze %dma_start3A_84 : memref<1x128xi32, #tpu.memory_space<vmem>> -> memref<128xi32, #tpu.memory_space<vmem>>
    %dma_start3A_86 = arith.constant 0 : i32
    %dma_start3A_87 = arith.constant 0 : i32
    %dma_start3A_88 = tpu.memref_slice %arg3[%dma_start3A_86, %dma_start3A_87] : memref<10000x128xf32, #tpu.memory_space<hbm>> -> memref<10000x128xf32, #tpu.memory_space<hbm>>
    tpu.enqueue_indirect_dma source(%dma_start3A_88 : memref<10000x128xf32, #tpu.memory_space<hbm>>) target(%dma_start3A_82 : memref<128x128xf32, #tpu.memory_space<vmem>>) offsets(%dma_start3A_85 : memref<128xi32, #tpu.memory_space<vmem>>) semaphore(%arg13 : memref<!tpu.dma_semaphore, #tpu.memory_space<semaphore_mem>>)
    %scan3A = arith.constant 0 : i32
    %scan3A_89 = arith.constant 0 : i32
    %scan3A_90 = arith.constant 20 : i32
    %scan3A_91 = arith.addi %scan3A_89, %scan3A_90 : i32
    %scan3A_92 = arith.constant 1 : i32
    scf.for %scan3A_126 = %scan3A_89 to %scan3A_91 step %scan3A_92  : i32 {
      %mul3A_127 = arith.constant 2 : i32
      %mul3A_128 = arith.muli %mul3A_127, %scan3A_126 : i32
      %add3A_129 = arith.constant 1 : i32
      %add3A_130 = arith.addi %mul3A_128, %add3A_129 : i32
      %lt3A_131 = arith.constant 39 : i32
      %lt3A_132 = arith.cmpi slt, %add3A_130, %lt3A_131 : i32
      %ge3A = arith.constant 1 : i32
      %ge3A_133 = arith.cmpi sge, %scan3A_126, %ge3A : i32
      %add3A_134 = arith.constant 2 : i32
      %add3A_135 = arith.addi %mul3A_128, %add3A_134 : i32
      %lt3A_136 = arith.constant 39 : i32
      %lt3A_137 = arith.cmpi slt, %add3A_135, %lt3A_136 : i32
      %convert_element_type3A_138 = arith.extui %lt3A_132 : i1 to i32
      %cond3A_139 = arith.constant 0 : i32
      %cond3A_140 = arith.cmpi ne, %convert_element_type3A_138, %cond3A_139 : i32
      scf.if %cond3A_140 {
        %dma_wait3A_205 = arith.constant 1 : i32
        %dma_wait3A_206 = arith.constant 0 : i32
        %dma_wait3A_207 = tpu.memref_slice %arg7[%dma_wait3A_205, %dma_wait3A_206] : memref<2x128xi32, #tpu.memory_space<vmem>> -> memref<1x128xi32, #tpu.memory_space<vmem>>
        %dma_wait3A_208 = tpu.memref_squeeze %dma_wait3A_207 : memref<1x128xi32, #tpu.memory_space<vmem>> -> memref<128xi32, #tpu.memory_space<vmem>>
        %dma_wait3A_209 = arith.constant 0 : i32
        %dma_wait3A_210 = tpu.memref_slice %arg4[%dma_wait3A_209] : memref<160000xi32, #tpu.memory_space<hbm>> -> memref<128xi32, #tpu.memory_space<hbm>>
        %dma_wait3A_211 = arith.constant 0 : i32
        %dma_wait3A_212 = tpu.memref_slice %arg7[%dma_wait3A_205, %dma_wait3A_211] : memref<2x128xi32, #tpu.memory_space<vmem>> -> memref<1x128xi32, #tpu.memory_space<vmem>>
        %dma_wait3A_213 = tpu.memref_squeeze %dma_wait3A_212 : memref<1x128xi32, #tpu.memory_space<vmem>> -> memref<128xi32, #tpu.memory_space<vmem>>
        %dma_wait3A_214 = arith.constant 0 : i32
        %dma_wait3A_215 = tpu.memref_slice %arg4[%dma_wait3A_214] : memref<160000xi32, #tpu.memory_space<hbm>> -> memref<128xi32, #tpu.memory_space<hbm>>
        tpu.wait_dma2 semaphore(%arg12 : memref<!tpu.dma_semaphore, #tpu.memory_space<semaphore_mem>>) src(%dma_wait3A_215 : memref<128xi32, #tpu.memory_space<hbm>>) dst(%dma_wait3A_213 : memref<128xi32, #tpu.memory_space<vmem>>)
        %dma_wait3A_216 = arith.constant 1 : i32
        %dma_wait3A_217 = arith.constant 0 : i32
        %dma_wait3A_218 = tpu.memref_slice %arg8[%dma_wait3A_216, %dma_wait3A_217] : memref<2x128xi32, #tpu.memory_space<vmem>> -> memref<1x128xi32, #tpu.memory_space<vmem>>
        %dma_wait3A_219 = tpu.memref_squeeze %dma_wait3A_218 : memref<1x128xi32, #tpu.memory_space<vmem>> -> memref<128xi32, #tpu.memory_space<vmem>>
        %dma_wait3A_220 = arith.constant 0 : i32
        %dma_wait3A_221 = tpu.memref_slice %arg5[%dma_wait3A_220] : memref<160000xi32, #tpu.memory_space<hbm>> -> memref<128xi32, #tpu.memory_space<hbm>>
        %dma_wait3A_222 = arith.constant 0 : i32
        %dma_wait3A_223 = tpu.memref_slice %arg8[%dma_wait3A_216, %dma_wait3A_222] : memref<2x128xi32, #tpu.memory_space<vmem>> -> memref<1x128xi32, #tpu.memory_space<vmem>>
        %dma_wait3A_224 = tpu.memref_squeeze %dma_wait3A_223 : memref<1x128xi32, #tpu.memory_space<vmem>> -> memref<128xi32, #tpu.memory_space<vmem>>
        %dma_wait3A_225 = arith.constant 0 : i32
        %dma_wait3A_226 = tpu.memref_slice %arg5[%dma_wait3A_225] : memref<160000xi32, #tpu.memory_space<hbm>> -> memref<128xi32, #tpu.memory_space<hbm>>
        tpu.wait_dma2 semaphore(%arg12 : memref<!tpu.dma_semaphore, #tpu.memory_space<semaphore_mem>>) src(%dma_wait3A_226 : memref<128xi32, #tpu.memory_space<hbm>>) dst(%dma_wait3A_224 : memref<128xi32, #tpu.memory_space<vmem>>)
        %convert_element_type3A_227 = arith.extui %ge3A_133 : i1 to i32
        %cond3A_228 = arith.constant 0 : i32
        %cond3A_229 = arith.cmpi ne, %convert_element_type3A_227, %cond3A_228 : i32
        scf.if %cond3A_229 {
          %dma_wait3A_254 = arith.constant 1 : i32
          %dma_wait3A_255 = arith.constant 0 : i32
          %dma_wait3A_256 = arith.constant 0 : i32
          %dma_wait3A_257 = tpu.memref_slice %arg9[%dma_wait3A_254, %dma_wait3A_255, %dma_wait3A_256] : memref<2x128x128xf32, #tpu.memory_space<vmem>> -> memref<1x128x128xf32, #tpu.memory_space<vmem>>
          %dma_wait3A_258 = tpu.memref_squeeze %dma_wait3A_257 : memref<1x128x128xf32, #tpu.memory_space<vmem>> -> memref<128x128xf32, #tpu.memory_space<vmem>>
          %dma_wait3A_259 = arith.constant 0 : i32
          %dma_wait3A_260 = arith.constant 0 : i32
          %dma_wait3A_261 = tpu.memref_slice %arg6[%dma_wait3A_259, %dma_wait3A_260] : memref<160000x128xf32, #tpu.memory_space<hbm>> -> memref<128x128xf32, #tpu.memory_space<hbm>>
          %dma_wait3A_262 = arith.constant 0 : i32
          %dma_wait3A_263 = arith.constant 0 : i32
          %dma_wait3A_264 = tpu.memref_slice %arg6[%dma_wait3A_262, %dma_wait3A_263] : memref<160000x128xf32, #tpu.memory_space<hbm>> -> memref<128x128xf32, #tpu.memory_space<hbm>>
          %dma_wait3A_265 = arith.constant 0 : i32
          %dma_wait3A_266 = arith.constant 0 : i32
          %dma_wait3A_267 = tpu.memref_slice %arg9[%dma_wait3A_254, %dma_wait3A_265, %dma_wait3A_266] : memref<2x128x128xf32, #tpu.memory_space<vmem>> -> memref<1x128x128xf32, #tpu.memory_space<vmem>>
          %dma_wait3A_268 = tpu.memref_squeeze %dma_wait3A_267 : memref<1x128x128xf32, #tpu.memory_space<vmem>> -> memref<128x128xf32, #tpu.memory_space<vmem>>
          tpu.wait_dma2 semaphore(%arg16 : memref<!tpu.dma_semaphore, #tpu.memory_space<semaphore_mem>>) src(%dma_wait3A_268 : memref<128x128xf32, #tpu.memory_space<vmem>>) dst(%dma_wait3A_264 : memref<128x128xf32, #tpu.memory_space<hbm>>)
        } else {
        }
        %dma_start3A_230 = arith.constant 1 : i32
        %dma_start3A_231 = arith.constant 1 : i32
        %dma_start3A_232 = arith.constant 0 : i32
        %dma_start3A_233 = arith.constant 0 : i32
        %dma_start3A_234 = tpu.memref_slice %arg9[%dma_start3A_231, %dma_start3A_232, %dma_start3A_233] : memref<2x128x128xf32, #tpu.memory_space<vmem>> -> memref<1x128x128xf32, #tpu.memory_space<vmem>>
        %dma_start3A_235 = tpu.memref_squeeze %dma_start3A_234 : memref<1x128x128xf32, #tpu.memory_space<vmem>> -> memref<128x128xf32, #tpu.memory_space<vmem>>
        %dma_start3A_236 = arith.constant 0 : i32
        %dma_start3A_237 = tpu.memref_slice %arg7[%dma_start3A_230, %dma_start3A_236] : memref<2x128xi32, #tpu.memory_space<vmem>> -> memref<1x128xi32, #tpu.memory_space<vmem>>
        %dma_start3A_238 = tpu.memref_squeeze %dma_start3A_237 : memref<1x128xi32, #tpu.memory_space<vmem>> -> memref<128xi32, #tpu.memory_space<vmem>>
        %dma_start3A_239 = arith.constant 0 : i32
        %dma_start3A_240 = arith.constant 0 : i32
        %dma_start3A_241 = tpu.memref_slice %arg2[%dma_start3A_239, %dma_start3A_240] : memref<10000x128xf32, #tpu.memory_space<hbm>> -> memref<10000x128xf32, #tpu.memory_space<hbm>>
        tpu.enqueue_indirect_dma source(%dma_start3A_241 : memref<10000x128xf32, #tpu.memory_space<hbm>>) target(%dma_start3A_235 : memref<128x128xf32, #tpu.memory_space<vmem>>) offsets(%dma_start3A_238 : memref<128xi32, #tpu.memory_space<vmem>>) semaphore(%arg14 : memref<!tpu.dma_semaphore, #tpu.memory_space<semaphore_mem>>)
        %dma_start3A_242 = arith.constant 1 : i32
        %dma_start3A_243 = arith.constant 1 : i32
        %dma_start3A_244 = arith.constant 0 : i32
        %dma_start3A_245 = arith.constant 0 : i32
        %dma_start3A_246 = tpu.memref_slice %arg10[%dma_start3A_243, %dma_start3A_244, %dma_start3A_245] : memref<2x128x128xf32, #tpu.memory_space<vmem>> -> memref<1x128x128xf32, #tpu.memory_space<vmem>>
        %dma_start3A_247 = tpu.memref_squeeze %dma_start3A_246 : memref<1x128x128xf32, #tpu.memory_space<vmem>> -> memref<128x128xf32, #tpu.memory_space<vmem>>
        %dma_start3A_248 = arith.constant 0 : i32
        %dma_start3A_249 = tpu.memref_slice %arg8[%dma_start3A_242, %dma_start3A_248] : memref<2x128xi32, #tpu.memory_space<vmem>> -> memref<1x128xi32, #tpu.memory_space<vmem>>
        %dma_start3A_250 = tpu.memref_squeeze %dma_start3A_249 : memref<1x128xi32, #tpu.memory_space<vmem>> -> memref<128xi32, #tpu.memory_space<vmem>>
        %dma_start3A_251 = arith.constant 0 : i32
        %dma_start3A_252 = arith.constant 0 : i32
        %dma_start3A_253 = tpu.memref_slice %arg3[%dma_start3A_251, %dma_start3A_252] : memref<10000x128xf32, #tpu.memory_space<hbm>> -> memref<10000x128xf32, #tpu.memory_space<hbm>>
        tpu.enqueue_indirect_dma source(%dma_start3A_253 : memref<10000x128xf32, #tpu.memory_space<hbm>>) target(%dma_start3A_247 : memref<128x128xf32, #tpu.memory_space<vmem>>) offsets(%dma_start3A_250 : memref<128xi32, #tpu.memory_space<vmem>>) semaphore(%arg14 : memref<!tpu.dma_semaphore, #tpu.memory_space<semaphore_mem>>)
      } else {
      }
      %dma_wait3A_141 = arith.constant 0 : i32
      %dma_wait3A_142 = arith.constant 0 : i32
      %dma_wait3A_143 = arith.constant 0 : i32
      %dma_wait3A_144 = tpu.memref_slice %arg9[%dma_wait3A_141, %dma_wait3A_142, %dma_wait3A_143] : memref<2x128x128xf32, #tpu.memory_space<vmem>> -> memref<1x128x128xf32, #tpu.memory_space<vmem>>
      %dma_wait3A_145 = tpu.memref_squeeze %dma_wait3A_144 : memref<1x128x128xf32, #tpu.memory_space<vmem>> -> memref<128x128xf32, #tpu.memory_space<vmem>>
      %dma_wait3A_146 = arith.constant 0 : i32
      %dma_wait3A_147 = arith.constant 0 : i32
      %dma_wait3A_148 = tpu.memref_slice %arg2[%dma_wait3A_146, %dma_wait3A_147] : memref<10000x128xf32, #tpu.memory_space<hbm>> -> memref<128x128xf32, #tpu.memory_space<hbm>>
      %dma_wait3A_149 = arith.constant 0 : i32
      %dma_wait3A_150 = arith.constant 0 : i32
      %dma_wait3A_151 = tpu.memref_slice %arg9[%dma_wait3A_141, %dma_wait3A_149, %dma_wait3A_150] : memref<2x128x128xf32, #tpu.memory_space<vmem>> -> memref<1x128x128xf32, #tpu.memory_space<vmem>>
      %dma_wait3A_152 = tpu.memref_squeeze %dma_wait3A_151 : memref<1x128x128xf32, #tpu.memory_space<vmem>> -> memref<128x128xf32, #tpu.memory_space<vmem>>
      %dma_wait3A_153 = arith.constant 0 : i32
      %dma_wait3A_154 = arith.constant 0 : i32
      %dma_wait3A_155 = tpu.memref_slice %arg2[%dma_wait3A_153, %dma_wait3A_154] : memref<10000x128xf32, #tpu.memory_space<hbm>> -> memref<128x128xf32, #tpu.memory_space<hbm>>
      tpu.wait_dma2 semaphore(%arg13 : memref<!tpu.dma_semaphore, #tpu.memory_space<semaphore_mem>>) src(%dma_wait3A_155 : memref<128x128xf32, #tpu.memory_space<hbm>>) dst(%dma_wait3A_152 : memref<128x128xf32, #tpu.memory_space<vmem>>)
      %dma_wait3A_156 = arith.constant 0 : i32
      %dma_wait3A_157 = arith.constant 0 : i32
      %dma_wait3A_158 = arith.constant 0 : i32
      %dma_wait3A_159 = tpu.memref_slice %arg10[%dma_wait3A_156, %dma_wait3A_157, %dma_wait3A_158] : memref<2x128x128xf32, #tpu.memory_space<vmem>> -> memref<1x128x128xf32, #tpu.memory_space<vmem>>
      %dma_wait3A_160 = tpu.memref_squeeze %dma_wait3A_159 : memref<1x128x128xf32, #tpu.memory_space<vmem>> -> memref<128x128xf32, #tpu.memory_space<vmem>>
      %dma_wait3A_161 = arith.constant 0 : i32
      %dma_wait3A_162 = arith.constant 0 : i32
      %dma_wait3A_163 = tpu.memref_slice %arg3[%dma_wait3A_161, %dma_wait3A_162] : memref<10000x128xf32, #tpu.memory_space<hbm>> -> memref<128x128xf32, #tpu.memory_space<hbm>>
      %dma_wait3A_164 = arith.constant 0 : i32
      %dma_wait3A_165 = arith.constant 0 : i32
      %dma_wait3A_166 = tpu.memref_slice %arg10[%dma_wait3A_156, %dma_wait3A_164, %dma_wait3A_165] : memref<2x128x128xf32, #tpu.memory_space<vmem>> -> memref<1x128x128xf32, #tpu.memory_space<vmem>>
      %dma_wait3A_167 = tpu.memref_squeeze %dma_wait3A_166 : memref<1x128x128xf32, #tpu.memory_space<vmem>> -> memref<128x128xf32, #tpu.memory_space<vmem>>
      %dma_wait3A_168 = arith.constant 0 : i32
      %dma_wait3A_169 = arith.constant 0 : i32
      %dma_wait3A_170 = tpu.memref_slice %arg3[%dma_wait3A_168, %dma_wait3A_169] : memref<10000x128xf32, #tpu.memory_space<hbm>> -> memref<128x128xf32, #tpu.memory_space<hbm>>
      tpu.wait_dma2 semaphore(%arg13 : memref<!tpu.dma_semaphore, #tpu.memory_space<semaphore_mem>>) src(%dma_wait3A_170 : memref<128x128xf32, #tpu.memory_space<hbm>>) dst(%dma_wait3A_167 : memref<128x128xf32, #tpu.memory_space<vmem>>)
      %convert_element_type3A_171 = arith.extui %lt3A_137 : i1 to i32
      %cond3A_172 = arith.constant 0 : i32
      %cond3A_173 = arith.cmpi ne, %convert_element_type3A_171, %cond3A_172 : i32
      scf.if %cond3A_173 {
        %add3A_205 = arith.constant 2 : i32
        %add3A_206 = arith.addi %mul3A_128, %add3A_205 : i32
        %mul3A_207 = arith.constant 128 : i32
        %mul3A_208 = arith.muli %add3A_206, %mul3A_207 : i32
        %add3A_209 = arith.addi %mul3A_4, %mul3A_208 : i32
        %dma_start3A_210 = arith.constant 0 : i32
        %dma_start3A_211 = arith.constant 0 : i32
        %dma_start3A_212 = tpu.memref_slice %arg7[%dma_start3A_210, %dma_start3A_211] : memref<2x128xi32, #tpu.memory_space<vmem>> -> memref<1x128xi32, #tpu.memory_space<vmem>>
        %dma_start3A_213 = tpu.memref_squeeze %dma_start3A_212 : memref<1x128xi32, #tpu.memory_space<vmem>> -> memref<128xi32, #tpu.memory_space<vmem>>
        %dma_start3A_214 = tpu.memref_slice %arg4[%add3A_209] : memref<160000xi32, #tpu.memory_space<hbm>> -> memref<128xi32, #tpu.memory_space<hbm>>
        %dma_start3A_215 = arith.constant 0 : i32
        %dma_start3A_216 = tpu.memref_slice %arg7[%dma_start3A_210, %dma_start3A_215] : memref<2x128xi32, #tpu.memory_space<vmem>> -> memref<1x128xi32, #tpu.memory_space<vmem>>
        %dma_start3A_217 = tpu.memref_squeeze %dma_start3A_216 : memref<1x128xi32, #tpu.memory_space<vmem>> -> memref<128xi32, #tpu.memory_space<vmem>>
        %dma_start3A_218 = tpu.memref_slice %arg4[%add3A_209] : memref<160000xi32, #tpu.memory_space<hbm>> -> memref<128xi32, #tpu.memory_space<hbm>>
        tpu.enqueue_dma source(%dma_start3A_218 : memref<128xi32, #tpu.memory_space<hbm>>) target(%dma_start3A_217 : memref<128xi32, #tpu.memory_space<vmem>>) target_semaphore(%arg11 : memref<!tpu.dma_semaphore, #tpu.memory_space<semaphore_mem>>)
        %dma_start3A_219 = arith.constant 0 : i32
        %dma_start3A_220 = arith.constant 0 : i32
        %dma_start3A_221 = tpu.memref_slice %arg8[%dma_start3A_219, %dma_start3A_220] : memref<2x128xi32, #tpu.memory_space<vmem>> -> memref<1x128xi32, #tpu.memory_space<vmem>>
        %dma_start3A_222 = tpu.memref_squeeze %dma_start3A_221 : memref<1x128xi32, #tpu.memory_space<vmem>> -> memref<128xi32, #tpu.memory_space<vmem>>
        %dma_start3A_223 = tpu.memref_slice %arg5[%add3A_209] : memref<160000xi32, #tpu.memory_space<hbm>> -> memref<128xi32, #tpu.memory_space<hbm>>
        %dma_start3A_224 = arith.constant 0 : i32
        %dma_start3A_225 = tpu.memref_slice %arg8[%dma_start3A_219, %dma_start3A_224] : memref<2x128xi32, #tpu.memory_space<vmem>> -> memref<1x128xi32, #tpu.memory_space<vmem>>
        %dma_start3A_226 = tpu.memref_squeeze %dma_start3A_225 : memref<1x128xi32, #tpu.memory_space<vmem>> -> memref<128xi32, #tpu.memory_space<vmem>>
        %dma_start3A_227 = tpu.memref_slice %arg5[%add3A_209] : memref<160000xi32, #tpu.memory_space<hbm>> -> memref<128xi32, #tpu.memory_space<hbm>>
        tpu.enqueue_dma source(%dma_start3A_227 : memref<128xi32, #tpu.memory_space<hbm>>) target(%dma_start3A_226 : memref<128xi32, #tpu.memory_space<vmem>>) target_semaphore(%arg11 : memref<!tpu.dma_semaphore, #tpu.memory_space<semaphore_mem>>)
      } else {
      }
      %scan3A_174 = arith.constant 0 : i32
      %scan3A_175 = arith.constant 0 : i32
      %scan3A_176 = arith.constant 128 : i32
      %scan3A_177 = arith.addi %scan3A_175, %scan3A_176 : i32
      %scan3A_178 = arith.constant 1 : i32
      scf.for %scan3A_205 = %scan3A_175 to %scan3A_177 step %scan3A_178  : i32 {
        %get3A = arith.constant 0 : i32
        %get3A_206 = arith.index_cast %get3A : i32 to index
        %get3A_207 = arith.index_cast %scan3A_205 : i32 to index
        %get3A_208 = arith.constant 0 : index
        %get3A_209 = tpu.vector_load %arg9[%get3A_206, %get3A_207, %get3A_208] {strides = array<i32>} : memref<2x128x128xf32, #tpu.memory_space<vmem>>, vector<1x1x16xf32>,
        %get3A_210 = vector.shape_cast %get3A_209 : vector<1x1x16xf32> to vector<16xf32>
        %get3A_211 = arith.constant 0 : i32
        %get3A_212 = arith.index_cast %get3A_211 : i32 to index
        %get3A_213 = arith.index_cast %scan3A_205 : i32 to index
        %get3A_214 = arith.constant 0 : index
        %get3A_215 = tpu.vector_load %arg10[%get3A_212, %get3A_213, %get3A_214] {strides = array<i32>} : memref<2x128x128xf32, #tpu.memory_space<vmem>>, vector<1x1x16xf32>,
        %get3A_216 = vector.shape_cast %get3A_215 : vector<1x1x16xf32> to vector<16xf32>
        %add3A_217 = arith.addf %get3A_210, %get3A_216 : vector<16xf32>
        %swap3A = arith.constant 0 : i32
        %swap3A_218 = arith.index_cast %swap3A : i32 to index
        %swap3A_219 = arith.index_cast %scan3A_205 : i32 to index
        %swap3A_220 = arith.constant 0 : index
        %swap3A_221 = tpu.vector_load %arg9[%swap3A_218, %swap3A_219, %swap3A_220] {strides = array<i32>} : memref<2x128x128xf32, #tpu.memory_space<vmem>>, vector<1x1x16xf32>,
        %swap3A_222 = vector.shape_cast %swap3A_221 : vector<1x1x16xf32> to vector<16xf32>
        %swap3A_223 = vector.shape_cast %add3A_217 : vector<16xf32> to vector<1x1x16xf32>
        tpu.vector_store %arg9[%swap3A_218, %swap3A_219, %swap3A_220], %swap3A_223 {strides = array<i32>} : memref<2x128x128xf32, #tpu.memory_space<vmem>>, vector<1x1x16xf32>,
        %get3A_224 = arith.constant 0 : i32
        %get3A_225 = arith.index_cast %get3A_224 : i32 to index
        %get3A_226 = arith.index_cast %scan3A_205 : i32 to index
        %get3A_227 = arith.constant 16 : index
        %get3A_228 = tpu.vector_load %arg9[%get3A_225, %get3A_226, %get3A_227] {strides = array<i32>} : memref<2x128x128xf32, #tpu.memory_space<vmem>>, vector<1x1x16xf32>,
        %get3A_229 = vector.shape_cast %get3A_228 : vector<1x1x16xf32> to vector<16xf32>
        %get3A_230 = arith.constant 0 : i32
        %get3A_231 = arith.index_cast %get3A_230 : i32 to index
        %get3A_232 = arith.index_cast %scan3A_205 : i32 to index
        %get3A_233 = arith.constant 16 : index
        %get3A_234 = tpu.vector_load %arg10[%get3A_231, %get3A_232, %get3A_233] {strides = array<i32>} : memref<2x128x128xf32, #tpu.memory_space<vmem>>, vector<1x1x16xf32>,
        %get3A_235 = vector.shape_cast %get3A_234 : vector<1x1x16xf32> to vector<16xf32>
        %add3A_236 = arith.addf %get3A_229, %get3A_235 : vector<16xf32>
        %swap3A_237 = arith.constant 0 : i32
        %swap3A_238 = arith.index_cast %swap3A_237 : i32 to index
        %swap3A_239 = arith.index_cast %scan3A_205 : i32 to index
        %swap3A_240 = arith.constant 16 : index
        %swap3A_241 = tpu.vector_load %arg9[%swap3A_238, %swap3A_239, %swap3A_240] {strides = array<i32>} : memref<2x128x128xf32, #tpu.memory_space<vmem>>, vector<1x1x16xf32>,
        %swap3A_242 = vector.shape_cast %swap3A_241 : vector<1x1x16xf32> to vector<16xf32>
        %swap3A_243 = vector.shape_cast %add3A_236 : vector<16xf32> to vector<1x1x16xf32>
        tpu.vector_store %arg9[%swap3A_238, %swap3A_239, %swap3A_240], %swap3A_243 {strides = array<i32>} : memref<2x128x128xf32, #tpu.memory_space<vmem>>, vector<1x1x16xf32>,
        %get3A_244 = arith.constant 0 : i32
        %get3A_245 = arith.index_cast %get3A_244 : i32 to index
        %get3A_246 = arith.index_cast %scan3A_205 : i32 to index
        %get3A_247 = arith.constant 32 : index
        %get3A_248 = tpu.vector_load %arg9[%get3A_245, %get3A_246, %get3A_247] {strides = array<i32>} : memref<2x128x128xf32, #tpu.memory_space<vmem>>, vector<1x1x16xf32>,
        %get3A_249 = vector.shape_cast %get3A_248 : vector<1x1x16xf32> to vector<16xf32>
        %get3A_250 = arith.constant 0 : i32
        %get3A_251 = arith.index_cast %get3A_250 : i32 to index
        %get3A_252 = arith.index_cast %scan3A_205 : i32 to index
        %get3A_253 = arith.constant 32 : index
        %get3A_254 = tpu.vector_load %arg10[%get3A_251, %get3A_252, %get3A_253] {strides = array<i32>} : memref<2x128x128xf32, #tpu.memory_space<vmem>>, vector<1x1x16xf32>,
        %get3A_255 = vector.shape_cast %get3A_254 : vector<1x1x16xf32> to vector<16xf32>
        %add3A_256 = arith.addf %get3A_249, %get3A_255 : vector<16xf32>
        %swap3A_257 = arith.constant 0 : i32
        %swap3A_258 = arith.index_cast %swap3A_257 : i32 to index
        %swap3A_259 = arith.index_cast %scan3A_205 : i32 to index
        %swap3A_260 = arith.constant 32 : index
        %swap3A_261 = tpu.vector_load %arg9[%swap3A_258, %swap3A_259, %swap3A_260] {strides = array<i32>} : memref<2x128x128xf32, #tpu.memory_space<vmem>>, vector<1x1x16xf32>,
        %swap3A_262 = vector.shape_cast %swap3A_261 : vector<1x1x16xf32> to vector<16xf32>
        %swap3A_263 = vector.shape_cast %add3A_256 : vector<16xf32> to vector<1x1x16xf32>
        tpu.vector_store %arg9[%swap3A_258, %swap3A_259, %swap3A_260], %swap3A_263 {strides = array<i32>} : memref<2x128x128xf32, #tpu.memory_space<vmem>>, vector<1x1x16xf32>,
        %get3A_264 = arith.constant 0 : i32
        %get3A_265 = arith.index_cast %get3A_264 : i32 to index
        %get3A_266 = arith.index_cast %scan3A_205 : i32 to index
        %get3A_267 = arith.constant 48 : index
        %get3A_268 = tpu.vector_load %arg9[%get3A_265, %get3A_266, %get3A_267] {strides = array<i32>} : memref<2x128x128xf32, #tpu.memory_space<vmem>>, vector<1x1x16xf32>,
        %get3A_269 = vector.shape_cast %get3A_268 : vector<1x1x16xf32> to vector<16xf32>
        %get3A_270 = arith.constant 0 : i32
        %get3A_271 = arith.index_cast %get3A_270 : i32 to index
        %get3A_272 = arith.index_cast %scan3A_205 : i32 to index
        %get3A_273 = arith.constant 48 : index
        %get3A_274 = tpu.vector_load %arg10[%get3A_271, %get3A_272, %get3A_273] {strides = array<i32>} : memref<2x128x128xf32, #tpu.memory_space<vmem>>, vector<1x1x16xf32>,
        %get3A_275 = vector.shape_cast %get3A_274 : vector<1x1x16xf32> to vector<16xf32>
        %add3A_276 = arith.addf %get3A_269, %get3A_275 : vector<16xf32>
        %swap3A_277 = arith.constant 0 : i32
        %swap3A_278 = arith.index_cast %swap3A_277 : i32 to index
        %swap3A_279 = arith.index_cast %scan3A_205 : i32 to index
        %swap3A_280 = arith.constant 48 : index
        %swap3A_281 = tpu.vector_load %arg9[%swap3A_278, %swap3A_279, %swap3A_280] {strides = array<i32>} : memref<2x128x128xf32, #tpu.memory_space<vmem>>, vector<1x1x16xf32>,
        %swap3A_282 = vector.shape_cast %swap3A_281 : vector<1x1x16xf32> to vector<16xf32>
        %swap3A_283 = vector.shape_cast %add3A_276 : vector<16xf32> to vector<1x1x16xf32>
        tpu.vector_store %arg9[%swap3A_278, %swap3A_279, %swap3A_280], %swap3A_283 {strides = array<i32>} : memref<2x128x128xf32, #tpu.memory_space<vmem>>, vector<1x1x16xf32>,
        %get3A_284 = arith.constant 0 : i32
        %get3A_285 = arith.index_cast %get3A_284 : i32 to index
        %get3A_286 = arith.index_cast %scan3A_205 : i32 to index
        %get3A_287 = arith.constant 64 : index
        %get3A_288 = tpu.vector_load %arg9[%get3A_285, %get3A_286, %get3A_287] {strides = array<i32>} : memref<2x128x128xf32, #tpu.memory_space<vmem>>, vector<1x1x16xf32>,
        %get3A_289 = vector.shape_cast %get3A_288 : vector<1x1x16xf32> to vector<16xf32>
        %get3A_290 = arith.constant 0 : i32
        %get3A_291 = arith.index_cast %get3A_290 : i32 to index
        %get3A_292 = arith.index_cast %scan3A_205 : i32 to index
        %get3A_293 = arith.constant 64 : index
        %get3A_294 = tpu.vector_load %arg10[%get3A_291, %get3A_292, %get3A_293] {strides = array<i32>} : memref<2x128x128xf32, #tpu.memory_space<vmem>>, vector<1x1x16xf32>,
        %get3A_295 = vector.shape_cast %get3A_294 : vector<1x1x16xf32> to vector<16xf32>
        %add3A_296 = arith.addf %get3A_289, %get3A_295 : vector<16xf32>
        %swap3A_297 = arith.constant 0 : i32
        %swap3A_298 = arith.index_cast %swap3A_297 : i32 to index
        %swap3A_299 = arith.index_cast %scan3A_205 : i32 to index
        %swap3A_300 = arith.constant 64 : index
        %swap3A_301 = tpu.vector_load %arg9[%swap3A_298, %swap3A_299, %swap3A_300] {strides = array<i32>} : memref<2x128x128xf32, #tpu.memory_space<vmem>>, vector<1x1x16xf32>,
        %swap3A_302 = vector.shape_cast %swap3A_301 : vector<1x1x16xf32> to vector<16xf32>
        %swap3A_303 = vector.shape_cast %add3A_296 : vector<16xf32> to vector<1x1x16xf32>
        tpu.vector_store %arg9[%swap3A_298, %swap3A_299, %swap3A_300], %swap3A_303 {strides = array<i32>} : memref<2x128x128xf32, #tpu.memory_space<vmem>>, vector<1x1x16xf32>,
        %get3A_304 = arith.constant 0 : i32
        %get3A_305 = arith.index_cast %get3A_304 : i32 to index
        %get3A_306 = arith.index_cast %scan3A_205 : i32 to index
        %get3A_307 = arith.constant 80 : index
        %get3A_308 = tpu.vector_load %arg9[%get3A_305, %get3A_306, %get3A_307] {strides = array<i32>} : memref<2x128x128xf32, #tpu.memory_space<vmem>>, vector<1x1x16xf32>,
        %get3A_309 = vector.shape_cast %get3A_308 : vector<1x1x16xf32> to vector<16xf32>
        %get3A_310 = arith.constant 0 : i32
        %get3A_311 = arith.index_cast %get3A_310 : i32 to index
        %get3A_312 = arith.index_cast %scan3A_205 : i32 to index
        %get3A_313 = arith.constant 80 : index
        %get3A_314 = tpu.vector_load %arg10[%get3A_311, %get3A_312, %get3A_313] {strides = array<i32>} : memref<2x128x128xf32, #tpu.memory_space<vmem>>, vector<1x1x16xf32>,
        %get3A_315 = vector.shape_cast %get3A_314 : vector<1x1x16xf32> to vector<16xf32>
        %add3A_316 = arith.addf %get3A_309, %get3A_315 : vector<16xf32>
        %swap3A_317 = arith.constant 0 : i32
        %swap3A_318 = arith.index_cast %swap3A_317 : i32 to index
        %swap3A_319 = arith.index_cast %scan3A_205 : i32 to index
        %swap3A_320 = arith.constant 80 : index
        %swap3A_321 = tpu.vector_load %arg9[%swap3A_318, %swap3A_319, %swap3A_320] {strides = array<i32>} : memref<2x128x128xf32, #tpu.memory_space<vmem>>, vector<1x1x16xf32>,
        %swap3A_322 = vector.shape_cast %swap3A_321 : vector<1x1x16xf32> to vector<16xf32>
        %swap3A_323 = vector.shape_cast %add3A_316 : vector<16xf32> to vector<1x1x16xf32>
        tpu.vector_store %arg9[%swap3A_318, %swap3A_319, %swap3A_320], %swap3A_323 {strides = array<i32>} : memref<2x128x128xf32, #tpu.memory_space<vmem>>, vector<1x1x16xf32>,
        %get3A_324 = arith.constant 0 : i32
        %get3A_325 = arith.index_cast %get3A_324 : i32 to index
        %get3A_326 = arith.index_cast %scan3A_205 : i32 to index
        %get3A_327 = arith.constant 96 : index
        %get3A_328 = tpu.vector_load %arg9[%get3A_325, %get3A_326, %get3A_327] {strides = array<i32>} : memref<2x128x128xf32, #tpu.memory_space<vmem>>, vector<1x1x16xf32>,
        %get3A_329 = vector.shape_cast %get3A_328 : vector<1x1x16xf32> to vector<16xf32>
        %get3A_330 = arith.constant 0 : i32
        %get3A_331 = arith.index_cast %get3A_330 : i32 to index
        %get3A_332 = arith.index_cast %scan3A_205 : i32 to index
        %get3A_333 = arith.constant 96 : index
        %get3A_334 = tpu.vector_load %arg10[%get3A_331, %get3A_332, %get3A_333] {strides = array<i32>} : memref<2x128x128xf32, #tpu.memory_space<vmem>>, vector<1x1x16xf32>,
        %get3A_335 = vector.shape_cast %get3A_334 : vector<1x1x16xf32> to vector<16xf32>
        %add3A_336 = arith.addf %get3A_329, %get3A_335 : vector<16xf32>
        %swap3A_337 = arith.constant 0 : i32
        %swap3A_338 = arith.index_cast %swap3A_337 : i32 to index
        %swap3A_339 = arith.index_cast %scan3A_205 : i32 to index
        %swap3A_340 = arith.constant 96 : index
        %swap3A_341 = tpu.vector_load %arg9[%swap3A_338, %swap3A_339, %swap3A_340] {strides = array<i32>} : memref<2x128x128xf32, #tpu.memory_space<vmem>>, vector<1x1x16xf32>,
        %swap3A_342 = vector.shape_cast %swap3A_341 : vector<1x1x16xf32> to vector<16xf32>
        %swap3A_343 = vector.shape_cast %add3A_336 : vector<16xf32> to vector<1x1x16xf32>
        tpu.vector_store %arg9[%swap3A_338, %swap3A_339, %swap3A_340], %swap3A_343 {strides = array<i32>} : memref<2x128x128xf32, #tpu.memory_space<vmem>>, vector<1x1x16xf32>,
        %get3A_344 = arith.constant 0 : i32
        %get3A_345 = arith.index_cast %get3A_344 : i32 to index
        %get3A_346 = arith.index_cast %scan3A_205 : i32 to index
        %get3A_347 = arith.constant 112 : index
        %get3A_348 = tpu.vector_load %arg9[%get3A_345, %get3A_346, %get3A_347] {strides = array<i32>} : memref<2x128x128xf32, #tpu.memory_space<vmem>>, vector<1x1x16xf32>,
        %get3A_349 = vector.shape_cast %get3A_348 : vector<1x1x16xf32> to vector<16xf32>
        %get3A_350 = arith.constant 0 : i32
        %get3A_351 = arith.index_cast %get3A_350 : i32 to index
        %get3A_352 = arith.index_cast %scan3A_205 : i32 to index
        %get3A_353 = arith.constant 112 : index
        %get3A_354 = tpu.vector_load %arg10[%get3A_351, %get3A_352, %get3A_353] {strides = array<i32>} : memref<2x128x128xf32, #tpu.memory_space<vmem>>, vector<1x1x16xf32>,
        %get3A_355 = vector.shape_cast %get3A_354 : vector<1x1x16xf32> to vector<16xf32>
        %add3A_356 = arith.addf %get3A_349, %get3A_355 : vector<16xf32>
        %swap3A_357 = arith.constant 0 : i32
        %swap3A_358 = arith.index_cast %swap3A_357 : i32 to index
        %swap3A_359 = arith.index_cast %scan3A_205 : i32 to index
        %swap3A_360 = arith.constant 112 : index
        %swap3A_361 = tpu.vector_load %arg9[%swap3A_358, %swap3A_359, %swap3A_360] {strides = array<i32>} : memref<2x128x128xf32, #tpu.memory_space<vmem>>, vector<1x1x16xf32>,
        %swap3A_362 = vector.shape_cast %swap3A_361 : vector<1x1x16xf32> to vector<16xf32>
        %swap3A_363 = vector.shape_cast %add3A_356 : vector<16xf32> to vector<1x1x16xf32>
        tpu.vector_store %arg9[%swap3A_358, %swap3A_359, %swap3A_360], %swap3A_363 {strides = array<i32>} : memref<2x128x128xf32, #tpu.memory_space<vmem>>, vector<1x1x16xf32>,
      }
      %scan3A_179 = arith.constant 128 : i32
      %mul3A_180 = arith.constant 128 : i32
      %mul3A_181 = arith.muli %mul3A_128, %mul3A_180 : i32
      %add3A_182 = arith.addi %mul3A_4, %mul3A_181 : i32
      %dma_start3A_183 = arith.constant 0 : i32
      %dma_start3A_184 = arith.constant 0 : i32
      %dma_start3A_185 = arith.constant 0 : i32
      %dma_start3A_186 = tpu.memref_slice %arg9[%dma_start3A_183, %dma_start3A_184, %dma_start3A_185] : memref<2x128x128xf32, #tpu.memory_space<vmem>> -> memref<1x128x128xf32, #tpu.memory_space<vmem>>
      %dma_start3A_187 = tpu.memref_squeeze %dma_start3A_186 : memref<1x128x128xf32, #tpu.memory_space<vmem>> -> memref<128x128xf32, #tpu.memory_space<vmem>>
      %dma_start3A_188 = arith.constant 0 : i32
      %dma_start3A_189 = tpu.memref_slice %arg6[%add3A_182, %dma_start3A_188] : memref<160000x128xf32, #tpu.memory_space<hbm>> -> memref<128x128xf32, #tpu.memory_space<hbm>>
      %dma_start3A_190 = arith.constant 0 : i32
      %dma_start3A_191 = tpu.memref_slice %arg6[%add3A_182, %dma_start3A_190] : memref<160000x128xf32, #tpu.memory_space<hbm>> -> memref<128x128xf32, #tpu.memory_space<hbm>>
      %dma_start3A_192 = arith.constant 0 : i32
      %dma_start3A_193 = arith.constant 0 : i32
      %dma_start3A_194 = tpu.memref_slice %arg9[%dma_start3A_183, %dma_start3A_192, %dma_start3A_193] : memref<2x128x128xf32, #tpu.memory_space<vmem>> -> memref<1x128x128xf32, #tpu.memory_space<vmem>>
      %dma_start3A_195 = tpu.memref_squeeze %dma_start3A_194 : memref<1x128x128xf32, #tpu.memory_space<vmem>> -> memref<128x128xf32, #tpu.memory_space<vmem>>
      tpu.enqueue_dma source(%dma_start3A_195 : memref<128x128xf32, #tpu.memory_space<vmem>>) target(%dma_start3A_191 : memref<128x128xf32, #tpu.memory_space<hbm>>) target_semaphore(%arg15 : memref<!tpu.dma_semaphore, #tpu.memory_space<semaphore_mem>>)
      %mul3A_196 = arith.constant 2 : i32
      %mul3A_197 = arith.muli %mul3A_196, %scan3A_126 : i32
      %add3A_198 = arith.constant 1 : i32
      %add3A_199 = arith.addi %mul3A_197, %add3A_198 : i32
      %lt3A_200 = arith.constant 39 : i32
      %lt3A_201 = arith.cmpi slt, %add3A_199, %lt3A_200 : i32
      %convert_element_type3A_202 = arith.extui %lt3A_201 : i1 to i32
      %cond3A_203 = arith.constant 0 : i32
      %cond3A_204 = arith.cmpi ne, %convert_element_type3A_202, %cond3A_203 : i32
      scf.if %cond3A_204 {
        %add3A_205 = arith.constant 1 : i32
        %add3A_206 = arith.addi %add3A_199, %add3A_205 : i32
        %lt3A_207 = arith.constant 39 : i32
        %lt3A_208 = arith.cmpi slt, %add3A_206, %lt3A_207 : i32
        %ge3A_209 = arith.constant 1 : i32
        %ge3A_210 = arith.cmpi sge, %add3A_199, %ge3A_209 : i32
        %add3A_211 = arith.constant 2 : i32
        %add3A_212 = arith.addi %add3A_199, %add3A_211 : i32
        %lt3A_213 = arith.constant 39 : i32
        %lt3A_214 = arith.cmpi slt, %add3A_212, %lt3A_213 : i32
        %convert_element_type3A_215 = arith.extui %lt3A_208 : i1 to i32
        %cond3A_216 = arith.constant 0 : i32
        %cond3A_217 = arith.cmpi ne, %convert_element_type3A_215, %cond3A_216 : i32
        scf.if %cond3A_217 {
          %dma_wait3A_273 = arith.constant 0 : i32
          %dma_wait3A_274 = arith.constant 0 : i32
          %dma_wait3A_275 = tpu.memref_slice %arg7[%dma_wait3A_273, %dma_wait3A_274] : memref<2x128xi32, #tpu.memory_space<vmem>> -> memref<1x128xi32, #tpu.memory_space<vmem>>
          %dma_wait3A_276 = tpu.memref_squeeze %dma_wait3A_275 : memref<1x128xi32, #tpu.memory_space<vmem>> -> memref<128xi32, #tpu.memory_space<vmem>>
          %dma_wait3A_277 = arith.constant 0 : i32
          %dma_wait3A_278 = tpu.memref_slice %arg4[%dma_wait3A_277] : memref<160000xi32, #tpu.memory_space<hbm>> -> memref<128xi32, #tpu.memory_space<hbm>>
          %dma_wait3A_279 = arith.constant 0 : i32
          %dma_wait3A_280 = tpu.memref_slice %arg7[%dma_wait3A_273, %dma_wait3A_279] : memref<2x128xi32, #tpu.memory_space<vmem>> -> memref<1x128xi32, #tpu.memory_space<vmem>>
          %dma_wait3A_281 = tpu.memref_squeeze %dma_wait3A_280 : memref<1x128xi32, #tpu.memory_space<vmem>> -> memref<128xi32, #tpu.memory_space<vmem>>
          %dma_wait3A_282 = arith.constant 0 : i32
          %dma_wait3A_283 = tpu.memref_slice %arg4[%dma_wait3A_282] : memref<160000xi32, #tpu.memory_space<hbm>> -> memref<128xi32, #tpu.memory_space<hbm>>
          tpu.wait_dma2 semaphore(%arg11 : memref<!tpu.dma_semaphore, #tpu.memory_space<semaphore_mem>>) src(%dma_wait3A_283 : memref<128xi32, #tpu.memory_space<hbm>>) dst(%dma_wait3A_281 : memref<128xi32, #tpu.memory_space<vmem>>)
          %dma_wait3A_284 = arith.constant 0 : i32
          %dma_wait3A_285 = arith.constant 0 : i32
          %dma_wait3A_286 = tpu.memref_slice %arg8[%dma_wait3A_284, %dma_wait3A_285] : memref<2x128xi32, #tpu.memory_space<vmem>> -> memref<1x128xi32, #tpu.memory_space<vmem>>
          %dma_wait3A_287 = tpu.memref_squeeze %dma_wait3A_286 : memref<1x128xi32, #tpu.memory_space<vmem>> -> memref<128xi32, #tpu.memory_space<vmem>>
          %dma_wait3A_288 = arith.constant 0 : i32
          %dma_wait3A_289 = tpu.memref_slice %arg5[%dma_wait3A_288] : memref<160000xi32, #tpu.memory_space<hbm>> -> memref<128xi32, #tpu.memory_space<hbm>>
          %dma_wait3A_290 = arith.constant 0 : i32
          %dma_wait3A_291 = tpu.memref_slice %arg8[%dma_wait3A_284, %dma_wait3A_290] : memref<2x128xi32, #tpu.memory_space<vmem>> -> memref<1x128xi32, #tpu.memory_space<vmem>>
          %dma_wait3A_292 = tpu.memref_squeeze %dma_wait3A_291 : memref<1x128xi32, #tpu.memory_space<vmem>> -> memref<128xi32, #tpu.memory_space<vmem>>
          %dma_wait3A_293 = arith.constant 0 : i32
          %dma_wait3A_294 = tpu.memref_slice %arg5[%dma_wait3A_293] : memref<160000xi32, #tpu.memory_space<hbm>> -> memref<128xi32, #tpu.memory_space<hbm>>
          tpu.wait_dma2 semaphore(%arg11 : memref<!tpu.dma_semaphore, #tpu.memory_space<semaphore_mem>>) src(%dma_wait3A_294 : memref<128xi32, #tpu.memory_space<hbm>>) dst(%dma_wait3A_292 : memref<128xi32, #tpu.memory_space<vmem>>)
          %convert_element_type3A_295 = arith.extui %ge3A_210 : i1 to i32
          %cond3A_296 = arith.constant 0 : i32
          %cond3A_297 = arith.cmpi ne, %convert_element_type3A_295, %cond3A_296 : i32
          scf.if %cond3A_297 {
            %dma_wait3A_322 = arith.constant 0 : i32
            %dma_wait3A_323 = arith.constant 0 : i32
            %dma_wait3A_324 = arith.constant 0 : i32
            %dma_wait3A_325 = tpu.memref_slice %arg9[%dma_wait3A_322, %dma_wait3A_323, %dma_wait3A_324] : memref<2x128x128xf32, #tpu.memory_space<vmem>> -> memref<1x128x128xf32, #tpu.memory_space<vmem>>
            %dma_wait3A_326 = tpu.memref_squeeze %dma_wait3A_325 : memref<1x128x128xf32, #tpu.memory_space<vmem>> -> memref<128x128xf32, #tpu.memory_space<vmem>>
            %dma_wait3A_327 = arith.constant 0 : i32
            %dma_wait3A_328 = arith.constant 0 : i32
            %dma_wait3A_329 = tpu.memref_slice %arg6[%dma_wait3A_327, %dma_wait3A_328] : memref<160000x128xf32, #tpu.memory_space<hbm>> -> memref<128x128xf32, #tpu.memory_space<hbm>>
            %dma_wait3A_330 = arith.constant 0 : i32
            %dma_wait3A_331 = arith.constant 0 : i32
            %dma_wait3A_332 = tpu.memref_slice %arg6[%dma_wait3A_330, %dma_wait3A_331] : memref<160000x128xf32, #tpu.memory_space<hbm>> -> memref<128x128xf32, #tpu.memory_space<hbm>>
            %dma_wait3A_333 = arith.constant 0 : i32
            %dma_wait3A_334 = arith.constant 0 : i32
            %dma_wait3A_335 = tpu.memref_slice %arg9[%dma_wait3A_322, %dma_wait3A_333, %dma_wait3A_334] : memref<2x128x128xf32, #tpu.memory_space<vmem>> -> memref<1x128x128xf32, #tpu.memory_space<vmem>>
            %dma_wait3A_336 = tpu.memref_squeeze %dma_wait3A_335 : memref<1x128x128xf32, #tpu.memory_space<vmem>> -> memref<128x128xf32, #tpu.memory_space<vmem>>
            tpu.wait_dma2 semaphore(%arg15 : memref<!tpu.dma_semaphore, #tpu.memory_space<semaphore_mem>>) src(%dma_wait3A_336 : memref<128x128xf32, #tpu.memory_space<vmem>>) dst(%dma_wait3A_332 : memref<128x128xf32, #tpu.memory_space<hbm>>)
          } else {
          }
          %dma_start3A_298 = arith.constant 0 : i32
          %dma_start3A_299 = arith.constant 0 : i32
          %dma_start3A_300 = arith.constant 0 : i32
          %dma_start3A_301 = arith.constant 0 : i32
          %dma_start3A_302 = tpu.memref_slice %arg9[%dma_start3A_299, %dma_start3A_300, %dma_start3A_301] : memref<2x128x128xf32, #tpu.memory_space<vmem>> -> memref<1x128x128xf32, #tpu.memory_space<vmem>>
          %dma_start3A_303 = tpu.memref_squeeze %dma_start3A_302 : memref<1x128x128xf32, #tpu.memory_space<vmem>> -> memref<128x128xf32, #tpu.memory_space<vmem>>
          %dma_start3A_304 = arith.constant 0 : i32
          %dma_start3A_305 = tpu.memref_slice %arg7[%dma_start3A_298, %dma_start3A_304] : memref<2x128xi32, #tpu.memory_space<vmem>> -> memref<1x128xi32, #tpu.memory_space<vmem>>
          %dma_start3A_306 = tpu.memref_squeeze %dma_start3A_305 : memref<1x128xi32, #tpu.memory_space<vmem>> -> memref<128xi32, #tpu.memory_space<vmem>>
          %dma_start3A_307 = arith.constant 0 : i32
          %dma_start3A_308 = arith.constant 0 : i32
          %dma_start3A_309 = tpu.memref_slice %arg2[%dma_start3A_307, %dma_start3A_308] : memref<10000x128xf32, #tpu.memory_space<hbm>> -> memref<10000x128xf32, #tpu.memory_space<hbm>>
          tpu.enqueue_indirect_dma source(%dma_start3A_309 : memref<10000x128xf32, #tpu.memory_space<hbm>>) target(%dma_start3A_303 : memref<128x128xf32, #tpu.memory_space<vmem>>) offsets(%dma_start3A_306 : memref<128xi32, #tpu.memory_space<vmem>>) semaphore(%arg13 : memref<!tpu.dma_semaphore, #tpu.memory_space<semaphore_mem>>)
          %dma_start3A_310 = arith.constant 0 : i32
          %dma_start3A_311 = arith.constant 0 : i32
          %dma_start3A_312 = arith.constant 0 : i32
          %dma_start3A_313 = arith.constant 0 : i32
          %dma_start3A_314 = tpu.memref_slice %arg10[%dma_start3A_311, %dma_start3A_312, %dma_start3A_313] : memref<2x128x128xf32, #tpu.memory_space<vmem>> -> memref<1x128x128xf32, #tpu.memory_space<vmem>>
          %dma_start3A_315 = tpu.memref_squeeze %dma_start3A_314 : memref<1x128x128xf32, #tpu.memory_space<vmem>> -> memref<128x128xf32, #tpu.memory_space<vmem>>
          %dma_start3A_316 = arith.constant 0 : i32
          %dma_start3A_317 = tpu.memref_slice %arg8[%dma_start3A_310, %dma_start3A_316] : memref<2x128xi32, #tpu.memory_space<vmem>> -> memref<1x128xi32, #tpu.memory_space<vmem>>
          %dma_start3A_318 = tpu.memref_squeeze %dma_start3A_317 : memref<1x128xi32, #tpu.memory_space<vmem>> -> memref<128xi32, #tpu.memory_space<vmem>>
          %dma_start3A_319 = arith.constant 0 : i32
          %dma_start3A_320 = arith.constant 0 : i32
          %dma_start3A_321 = tpu.memref_slice %arg3[%dma_start3A_319, %dma_start3A_320] : memref<10000x128xf32, #tpu.memory_space<hbm>> -> memref<10000x128xf32, #tpu.memory_space<hbm>>
          tpu.enqueue_indirect_dma source(%dma_start3A_321 : memref<10000x128xf32, #tpu.memory_space<hbm>>) target(%dma_start3A_315 : memref<128x128xf32, #tpu.memory_space<vmem>>) offsets(%dma_start3A_318 : memref<128xi32, #tpu.memory_space<vmem>>) semaphore(%arg13 : memref<!tpu.dma_semaphore, #tpu.memory_space<semaphore_mem>>)
        } else {
        }
        %dma_wait3A_218 = arith.constant 1 : i32
        %dma_wait3A_219 = arith.constant 0 : i32
        %dma_wait3A_220 = arith.constant 0 : i32
        %dma_wait3A_221 = tpu.memref_slice %arg9[%dma_wait3A_218, %dma_wait3A_219, %dma_wait3A_220] : memref<2x128x128xf32, #tpu.memory_space<vmem>> -> memref<1x128x128xf32, #tpu.memory_space<vmem>>
        %dma_wait3A_222 = tpu.memref_squeeze %dma_wait3A_221 : memref<1x128x128xf32, #tpu.memory_space<vmem>> -> memref<128x128xf32, #tpu.memory_space<vmem>>
        %dma_wait3A_223 = arith.constant 0 : i32
        %dma_wait3A_224 = arith.constant 0 : i32
        %dma_wait3A_225 = tpu.memref_slice %arg2[%dma_wait3A_223, %dma_wait3A_224] : memref<10000x128xf32, #tpu.memory_space<hbm>> -> memref<128x128xf32, #tpu.memory_space<hbm>>
        %dma_wait3A_226 = arith.constant 0 : i32
        %dma_wait3A_227 = arith.constant 0 : i32
        %dma_wait3A_228 = tpu.memref_slice %arg9[%dma_wait3A_218, %dma_wait3A_226, %dma_wait3A_227] : memref<2x128x128xf32, #tpu.memory_space<vmem>> -> memref<1x128x128xf32, #tpu.memory_space<vmem>>
        %dma_wait3A_229 = tpu.memref_squeeze %dma_wait3A_228 : memref<1x128x128xf32, #tpu.memory_space<vmem>> -> memref<128x128xf32, #tpu.memory_space<vmem>>
        %dma_wait3A_230 = arith.constant 0 : i32
        %dma_wait3A_231 = arith.constant 0 : i32
        %dma_wait3A_232 = tpu.memref_slice %arg2[%dma_wait3A_230, %dma_wait3A_231] : memref<10000x128xf32, #tpu.memory_space<hbm>> -> memref<128x128xf32, #tpu.memory_space<hbm>>
        tpu.wait_dma2 semaphore(%arg14 : memref<!tpu.dma_semaphore, #tpu.memory_space<semaphore_mem>>) src(%dma_wait3A_232 : memref<128x128xf32, #tpu.memory_space<hbm>>) dst(%dma_wait3A_229 : memref<128x128xf32, #tpu.memory_space<vmem>>)
        %dma_wait3A_233 = arith.constant 1 : i32
        %dma_wait3A_234 = arith.constant 0 : i32
        %dma_wait3A_235 = arith.constant 0 : i32
        %dma_wait3A_236 = tpu.memref_slice %arg10[%dma_wait3A_233, %dma_wait3A_234, %dma_wait3A_235] : memref<2x128x128xf32, #tpu.memory_space<vmem>> -> memref<1x128x128xf32, #tpu.memory_space<vmem>>
        %dma_wait3A_237 = tpu.memref_squeeze %dma_wait3A_236 : memref<1x128x128xf32, #tpu.memory_space<vmem>> -> memref<128x128xf32, #tpu.memory_space<vmem>>
        %dma_wait3A_238 = arith.constant 0 : i32
        %dma_wait3A_239 = arith.constant 0 : i32
        %dma_wait3A_240 = tpu.memref_slice %arg3[%dma_wait3A_238, %dma_wait3A_239] : memref<10000x128xf32, #tpu.memory_space<hbm>> -> memref<128x128xf32, #tpu.memory_space<hbm>>
        %dma_wait3A_241 = arith.constant 0 : i32
        %dma_wait3A_242 = arith.constant 0 : i32
        %dma_wait3A_243 = tpu.memref_slice %arg10[%dma_wait3A_233, %dma_wait3A_241, %dma_wait3A_242] : memref<2x128x128xf32, #tpu.memory_space<vmem>> -> memref<1x128x128xf32, #tpu.memory_space<vmem>>
        %dma_wait3A_244 = tpu.memref_squeeze %dma_wait3A_243 : memref<1x128x128xf32, #tpu.memory_space<vmem>> -> memref<128x128xf32, #tpu.memory_space<vmem>>
        %dma_wait3A_245 = arith.constant 0 : i32
        %dma_wait3A_246 = arith.constant 0 : i32
        %dma_wait3A_247 = tpu.memref_slice %arg3[%dma_wait3A_245, %dma_wait3A_246] : memref<10000x128xf32, #tpu.memory_space<hbm>> -> memref<128x128xf32, #tpu.memory_space<hbm>>
        tpu.wait_dma2 semaphore(%arg14 : memref<!tpu.dma_semaphore, #tpu.memory_space<semaphore_mem>>) src(%dma_wait3A_247 : memref<128x128xf32, #tpu.memory_space<hbm>>) dst(%dma_wait3A_244 : memref<128x128xf32, #tpu.memory_space<vmem>>)
        %convert_element_type3A_248 = arith.extui %lt3A_214 : i1 to i32
        %cond3A_249 = arith.constant 0 : i32
        %cond3A_250 = arith.cmpi ne, %convert_element_type3A_248, %cond3A_249 : i32
        scf.if %cond3A_250 {
          %add3A_273 = arith.constant 2 : i32
          %add3A_274 = arith.addi %add3A_199, %add3A_273 : i32
          %mul3A_275 = arith.constant 128 : i32
          %mul3A_276 = arith.muli %add3A_274, %mul3A_275 : i32
          %add3A_277 = arith.addi %mul3A_4, %mul3A_276 : i32
          %dma_start3A_278 = arith.constant 1 : i32
          %dma_start3A_279 = arith.constant 0 : i32
          %dma_start3A_280 = tpu.memref_slice %arg7[%dma_start3A_278, %dma_start3A_279] : memref<2x128xi32, #tpu.memory_space<vmem>> -> memref<1x128xi32, #tpu.memory_space<vmem>>
          %dma_start3A_281 = tpu.memref_squeeze %dma_start3A_280 : memref<1x128xi32, #tpu.memory_space<vmem>> -> memref<128xi32, #tpu.memory_space<vmem>>
          %dma_start3A_282 = tpu.memref_slice %arg4[%add3A_277] : memref<160000xi32, #tpu.memory_space<hbm>> -> memref<128xi32, #tpu.memory_space<hbm>>
          %dma_start3A_283 = arith.constant 0 : i32
          %dma_start3A_284 = tpu.memref_slice %arg7[%dma_start3A_278, %dma_start3A_283] : memref<2x128xi32, #tpu.memory_space<vmem>> -> memref<1x128xi32, #tpu.memory_space<vmem>>
          %dma_start3A_285 = tpu.memref_squeeze %dma_start3A_284 : memref<1x128xi32, #tpu.memory_space<vmem>> -> memref<128xi32, #tpu.memory_space<vmem>>
          %dma_start3A_286 = tpu.memref_slice %arg4[%add3A_277] : memref<160000xi32, #tpu.memory_space<hbm>> -> memref<128xi32, #tpu.memory_space<hbm>>
          tpu.enqueue_dma source(%dma_start3A_286 : memref<128xi32, #tpu.memory_space<hbm>>) target(%dma_start3A_285 : memref<128xi32, #tpu.memory_space<vmem>>) target_semaphore(%arg12 : memref<!tpu.dma_semaphore, #tpu.memory_space<semaphore_mem>>)
          %dma_start3A_287 = arith.constant 1 : i32
          %dma_start3A_288 = arith.constant 0 : i32
          %dma_start3A_289 = tpu.memref_slice %arg8[%dma_start3A_287, %dma_start3A_288] : memref<2x128xi32, #tpu.memory_space<vmem>> -> memref<1x128xi32, #tpu.memory_space<vmem>>
          %dma_start3A_290 = tpu.memref_squeeze %dma_start3A_289 : memref<1x128xi32, #tpu.memory_space<vmem>> -> memref<128xi32, #tpu.memory_space<vmem>>
          %dma_start3A_291 = tpu.memref_slice %arg5[%add3A_277] : memref<160000xi32, #tpu.memory_space<hbm>> -> memref<128xi32, #tpu.memory_space<hbm>>
          %dma_start3A_292 = arith.constant 0 : i32
          %dma_start3A_293 = tpu.memref_slice %arg8[%dma_start3A_287, %dma_start3A_292] : memref<2x128xi32, #tpu.memory_space<vmem>> -> memref<1x128xi32, #tpu.memory_space<vmem>>
          %dma_start3A_294 = tpu.memref_squeeze %dma_start3A_293 : memref<1x128xi32, #tpu.memory_space<vmem>> -> memref<128xi32, #tpu.memory_space<vmem>>
          %dma_start3A_295 = tpu.memref_slice %arg5[%add3A_277] : memref<160000xi32, #tpu.memory_space<hbm>> -> memref<128xi32, #tpu.memory_space<hbm>>
          tpu.enqueue_dma source(%dma_start3A_295 : memref<128xi32, #tpu.memory_space<hbm>>) target(%dma_start3A_294 : memref<128xi32, #tpu.memory_space<vmem>>) target_semaphore(%arg12 : memref<!tpu.dma_semaphore, #tpu.memory_space<semaphore_mem>>)
        } else {
        }
        %scan3A_251 = arith.constant 0 : i32
        %scan3A_252 = arith.constant 0 : i32
        %scan3A_253 = arith.constant 128 : i32
        %scan3A_254 = arith.addi %scan3A_252, %scan3A_253 : i32
        %scan3A_255 = arith.constant 1 : i32
        scf.for %scan3A_273 = %scan3A_252 to %scan3A_254 step %scan3A_255  : i32 {
          %get3A = arith.constant 1 : i32
          %get3A_274 = arith.index_cast %get3A : i32 to index
          %get3A_275 = arith.index_cast %scan3A_273 : i32 to index
          %get3A_276 = arith.constant 0 : index
          %get3A_277 = tpu.vector_load %arg9[%get3A_274, %get3A_275, %get3A_276] {strides = array<i32>} : memref<2x128x128xf32, #tpu.memory_space<vmem>>, vector<1x1x16xf32>,
          %get3A_278 = vector.shape_cast %get3A_277 : vector<1x1x16xf32> to vector<16xf32>
          %get3A_279 = arith.constant 1 : i32
          %get3A_280 = arith.index_cast %get3A_279 : i32 to index
          %get3A_281 = arith.index_cast %scan3A_273 : i32 to index
          %get3A_282 = arith.constant 0 : index
          %get3A_283 = tpu.vector_load %arg10[%get3A_280, %get3A_281, %get3A_282] {strides = array<i32>} : memref<2x128x128xf32, #tpu.memory_space<vmem>>, vector<1x1x16xf32>,
          %get3A_284 = vector.shape_cast %get3A_283 : vector<1x1x16xf32> to vector<16xf32>
          %add3A_285 = arith.addf %get3A_278, %get3A_284 : vector<16xf32>
          %swap3A = arith.constant 1 : i32
          %swap3A_286 = arith.index_cast %swap3A : i32 to index
          %swap3A_287 = arith.index_cast %scan3A_273 : i32 to index
          %swap3A_288 = arith.constant 0 : index
          %swap3A_289 = tpu.vector_load %arg9[%swap3A_286, %swap3A_287, %swap3A_288] {strides = array<i32>} : memref<2x128x128xf32, #tpu.memory_space<vmem>>, vector<1x1x16xf32>,
          %swap3A_290 = vector.shape_cast %swap3A_289 : vector<1x1x16xf32> to vector<16xf32>
          %swap3A_291 = vector.shape_cast %add3A_285 : vector<16xf32> to vector<1x1x16xf32>
          tpu.vector_store %arg9[%swap3A_286, %swap3A_287, %swap3A_288], %swap3A_291 {strides = array<i32>} : memref<2x128x128xf32, #tpu.memory_space<vmem>>, vector<1x1x16xf32>,
          %get3A_292 = arith.constant 1 : i32
          %get3A_293 = arith.index_cast %get3A_292 : i32 to index
          %get3A_294 = arith.index_cast %scan3A_273 : i32 to index
          %get3A_295 = arith.constant 16 : index
          %get3A_296 = tpu.vector_load %arg9[%get3A_293, %get3A_294, %get3A_295] {strides = array<i32>} : memref<2x128x128xf32, #tpu.memory_space<vmem>>, vector<1x1x16xf32>,
          %get3A_297 = vector.shape_cast %get3A_296 : vector<1x1x16xf32> to vector<16xf32>
          %get3A_298 = arith.constant 1 : i32
          %get3A_299 = arith.index_cast %get3A_298 : i32 to index
          %get3A_300 = arith.index_cast %scan3A_273 : i32 to index
          %get3A_301 = arith.constant 16 : index
          %get3A_302 = tpu.vector_load %arg10[%get3A_299, %get3A_300, %get3A_301] {strides = array<i32>} : memref<2x128x128xf32, #tpu.memory_space<vmem>>, vector<1x1x16xf32>,
          %get3A_303 = vector.shape_cast %get3A_302 : vector<1x1x16xf32> to vector<16xf32>
          %add3A_304 = arith.addf %get3A_297, %get3A_303 : vector<16xf32>
          %swap3A_305 = arith.constant 1 : i32
          %swap3A_306 = arith.index_cast %swap3A_305 : i32 to index
          %swap3A_307 = arith.index_cast %scan3A_273 : i32 to index
          %swap3A_308 = arith.constant 16 : index
          %swap3A_309 = tpu.vector_load %arg9[%swap3A_306, %swap3A_307, %swap3A_308] {strides = array<i32>} : memref<2x128x128xf32, #tpu.memory_space<vmem>>, vector<1x1x16xf32>,
          %swap3A_310 = vector.shape_cast %swap3A_309 : vector<1x1x16xf32> to vector<16xf32>
          %swap3A_311 = vector.shape_cast %add3A_304 : vector<16xf32> to vector<1x1x16xf32>
          tpu.vector_store %arg9[%swap3A_306, %swap3A_307, %swap3A_308], %swap3A_311 {strides = array<i32>} : memref<2x128x128xf32, #tpu.memory_space<vmem>>, vector<1x1x16xf32>,
          %get3A_312 = arith.constant 1 : i32
          %get3A_313 = arith.index_cast %get3A_312 : i32 to index
          %get3A_314 = arith.index_cast %scan3A_273 : i32 to index
          %get3A_315 = arith.constant 32 : index
          %get3A_316 = tpu.vector_load %arg9[%get3A_313, %get3A_314, %get3A_315] {strides = array<i32>} : memref<2x128x128xf32, #tpu.memory_space<vmem>>, vector<1x1x16xf32>,
          %get3A_317 = vector.shape_cast %get3A_316 : vector<1x1x16xf32> to vector<16xf32>
          %get3A_318 = arith.constant 1 : i32
          %get3A_319 = arith.index_cast %get3A_318 : i32 to index
          %get3A_320 = arith.index_cast %scan3A_273 : i32 to index
          %get3A_321 = arith.constant 32 : index
          %get3A_322 = tpu.vector_load %arg10[%get3A_319, %get3A_320, %get3A_321] {strides = array<i32>} : memref<2x128x128xf32, #tpu.memory_space<vmem>>, vector<1x1x16xf32>,
          %get3A_323 = vector.shape_cast %get3A_322 : vector<1x1x16xf32> to vector<16xf32>
          %add3A_324 = arith.addf %get3A_317, %get3A_323 : vector<16xf32>
          %swap3A_325 = arith.constant 1 : i32
          %swap3A_326 = arith.index_cast %swap3A_325 : i32 to index
          %swap3A_327 = arith.index_cast %scan3A_273 : i32 to index
          %swap3A_328 = arith.constant 32 : index
          %swap3A_329 = tpu.vector_load %arg9[%swap3A_326, %swap3A_327, %swap3A_328] {strides = array<i32>} : memref<2x128x128xf32, #tpu.memory_space<vmem>>, vector<1x1x16xf32>,
          %swap3A_330 = vector.shape_cast %swap3A_329 : vector<1x1x16xf32> to vector<16xf32>
          %swap3A_331 = vector.shape_cast %add3A_324 : vector<16xf32> to vector<1x1x16xf32>
          tpu.vector_store %arg9[%swap3A_326, %swap3A_327, %swap3A_328], %swap3A_331 {strides = array<i32>} : memref<2x128x128xf32, #tpu.memory_space<vmem>>, vector<1x1x16xf32>,
          %get3A_332 = arith.constant 1 : i32
          %get3A_333 = arith.index_cast %get3A_332 : i32 to index
          %get3A_334 = arith.index_cast %scan3A_273 : i32 to index
          %get3A_335 = arith.constant 48 : index
          %get3A_336 = tpu.vector_load %arg9[%get3A_333, %get3A_334, %get3A_335] {strides = array<i32>} : memref<2x128x128xf32, #tpu.memory_space<vmem>>, vector<1x1x16xf32>,
          %get3A_337 = vector.shape_cast %get3A_336 : vector<1x1x16xf32> to vector<16xf32>
          %get3A_338 = arith.constant 1 : i32
          %get3A_339 = arith.index_cast %get3A_338 : i32 to index
          %get3A_340 = arith.index_cast %scan3A_273 : i32 to index
          %get3A_341 = arith.constant 48 : index
          %get3A_342 = tpu.vector_load %arg10[%get3A_339, %get3A_340, %get3A_341] {strides = array<i32>} : memref<2x128x128xf32, #tpu.memory_space<vmem>>, vector<1x1x16xf32>,
          %get3A_343 = vector.shape_cast %get3A_342 : vector<1x1x16xf32> to vector<16xf32>
          %add3A_344 = arith.addf %get3A_337, %get3A_343 : vector<16xf32>
          %swap3A_345 = arith.constant 1 : i32
          %swap3A_346 = arith.index_cast %swap3A_345 : i32 to index
          %swap3A_347 = arith.index_cast %scan3A_273 : i32 to index
          %swap3A_348 = arith.constant 48 : index
          %swap3A_349 = tpu.vector_load %arg9[%swap3A_346, %swap3A_347, %swap3A_348] {strides = array<i32>} : memref<2x128x128xf32, #tpu.memory_space<vmem>>, vector<1x1x16xf32>,
          %swap3A_350 = vector.shape_cast %swap3A_349 : vector<1x1x16xf32> to vector<16xf32>
          %swap3A_351 = vector.shape_cast %add3A_344 : vector<16xf32> to vector<1x1x16xf32>
          tpu.vector_store %arg9[%swap3A_346, %swap3A_347, %swap3A_348], %swap3A_351 {strides = array<i32>} : memref<2x128x128xf32, #tpu.memory_space<vmem>>, vector<1x1x16xf32>,
          %get3A_352 = arith.constant 1 : i32
          %get3A_353 = arith.index_cast %get3A_352 : i32 to index
          %get3A_354 = arith.index_cast %scan3A_273 : i32 to index
          %get3A_355 = arith.constant 64 : index
          %get3A_356 = tpu.vector_load %arg9[%get3A_353, %get3A_354, %get3A_355] {strides = array<i32>} : memref<2x128x128xf32, #tpu.memory_space<vmem>>, vector<1x1x16xf32>,
          %get3A_357 = vector.shape_cast %get3A_356 : vector<1x1x16xf32> to vector<16xf32>
          %get3A_358 = arith.constant 1 : i32
          %get3A_359 = arith.index_cast %get3A_358 : i32 to index
          %get3A_360 = arith.index_cast %scan3A_273 : i32 to index
          %get3A_361 = arith.constant 64 : index
          %get3A_362 = tpu.vector_load %arg10[%get3A_359, %get3A_360, %get3A_361] {strides = array<i32>} : memref<2x128x128xf32, #tpu.memory_space<vmem>>, vector<1x1x16xf32>,
          %get3A_363 = vector.shape_cast %get3A_362 : vector<1x1x16xf32> to vector<16xf32>
          %add3A_364 = arith.addf %get3A_357, %get3A_363 : vector<16xf32>
          %swap3A_365 = arith.constant 1 : i32
          %swap3A_366 = arith.index_cast %swap3A_365 : i32 to index
          %swap3A_367 = arith.index_cast %scan3A_273 : i32 to index
          %swap3A_368 = arith.constant 64 : index
          %swap3A_369 = tpu.vector_load %arg9[%swap3A_366, %swap3A_367, %swap3A_368] {strides = array<i32>} : memref<2x128x128xf32, #tpu.memory_space<vmem>>, vector<1x1x16xf32>,
          %swap3A_370 = vector.shape_cast %swap3A_369 : vector<1x1x16xf32> to vector<16xf32>
          %swap3A_371 = vector.shape_cast %add3A_364 : vector<16xf32> to vector<1x1x16xf32>
          tpu.vector_store %arg9[%swap3A_366, %swap3A_367, %swap3A_368], %swap3A_371 {strides = array<i32>} : memref<2x128x128xf32, #tpu.memory_space<vmem>>, vector<1x1x16xf32>,
          %get3A_372 = arith.constant 1 : i32
          %get3A_373 = arith.index_cast %get3A_372 : i32 to index
          %get3A_374 = arith.index_cast %scan3A_273 : i32 to index
          %get3A_375 = arith.constant 80 : index
          %get3A_376 = tpu.vector_load %arg9[%get3A_373, %get3A_374, %get3A_375] {strides = array<i32>} : memref<2x128x128xf32, #tpu.memory_space<vmem>>, vector<1x1x16xf32>,
          %get3A_377 = vector.shape_cast %get3A_376 : vector<1x1x16xf32> to vector<16xf32>
          %get3A_378 = arith.constant 1 : i32
          %get3A_379 = arith.index_cast %get3A_378 : i32 to index
          %get3A_380 = arith.index_cast %scan3A_273 : i32 to index
          %get3A_381 = arith.constant 80 : index
          %get3A_382 = tpu.vector_load %arg10[%get3A_379, %get3A_380, %get3A_381] {strides = array<i32>} : memref<2x128x128xf32, #tpu.memory_space<vmem>>, vector<1x1x16xf32>,
          %get3A_383 = vector.shape_cast %get3A_382 : vector<1x1x16xf32> to vector<16xf32>
          %add3A_384 = arith.addf %get3A_377, %get3A_383 : vector<16xf32>
          %swap3A_385 = arith.constant 1 : i32
          %swap3A_386 = arith.index_cast %swap3A_385 : i32 to index
          %swap3A_387 = arith.index_cast %scan3A_273 : i32 to index
          %swap3A_388 = arith.constant 80 : index
          %swap3A_389 = tpu.vector_load %arg9[%swap3A_386, %swap3A_387, %swap3A_388] {strides = array<i32>} : memref<2x128x128xf32, #tpu.memory_space<vmem>>, vector<1x1x16xf32>,
          %swap3A_390 = vector.shape_cast %swap3A_389 : vector<1x1x16xf32> to vector<16xf32>
          %swap3A_391 = vector.shape_cast %add3A_384 : vector<16xf32> to vector<1x1x16xf32>
          tpu.vector_store %arg9[%swap3A_386, %swap3A_387, %swap3A_388], %swap3A_391 {strides = array<i32>} : memref<2x128x128xf32, #tpu.memory_space<vmem>>, vector<1x1x16xf32>,
          %get3A_392 = arith.constant 1 : i32
          %get3A_393 = arith.index_cast %get3A_392 : i32 to index
          %get3A_394 = arith.index_cast %scan3A_273 : i32 to index
          %get3A_395 = arith.constant 96 : index
          %get3A_396 = tpu.vector_load %arg9[%get3A_393, %get3A_394, %get3A_395] {strides = array<i32>} : memref<2x128x128xf32, #tpu.memory_space<vmem>>, vector<1x1x16xf32>,
          %get3A_397 = vector.shape_cast %get3A_396 : vector<1x1x16xf32> to vector<16xf32>
          %get3A_398 = arith.constant 1 : i32
          %get3A_399 = arith.index_cast %get3A_398 : i32 to index
          %get3A_400 = arith.index_cast %scan3A_273 : i32 to index
          %get3A_401 = arith.constant 96 : index
          %get3A_402 = tpu.vector_load %arg10[%get3A_399, %get3A_400, %get3A_401] {strides = array<i32>} : memref<2x128x128xf32, #tpu.memory_space<vmem>>, vector<1x1x16xf32>,
          %get3A_403 = vector.shape_cast %get3A_402 : vector<1x1x16xf32> to vector<16xf32>
          %add3A_404 = arith.addf %get3A_397, %get3A_403 : vector<16xf32>
          %swap3A_405 = arith.constant 1 : i32
          %swap3A_406 = arith.index_cast %swap3A_405 : i32 to index
          %swap3A_407 = arith.index_cast %scan3A_273 : i32 to index
          %swap3A_408 = arith.constant 96 : index
          %swap3A_409 = tpu.vector_load %arg9[%swap3A_406, %swap3A_407, %swap3A_408] {strides = array<i32>} : memref<2x128x128xf32, #tpu.memory_space<vmem>>, vector<1x1x16xf32>,
          %swap3A_410 = vector.shape_cast %swap3A_409 : vector<1x1x16xf32> to vector<16xf32>
          %swap3A_411 = vector.shape_cast %add3A_404 : vector<16xf32> to vector<1x1x16xf32>
          tpu.vector_store %arg9[%swap3A_406, %swap3A_407, %swap3A_408], %swap3A_411 {strides = array<i32>} : memref<2x128x128xf32, #tpu.memory_space<vmem>>, vector<1x1x16xf32>,
          %get3A_412 = arith.constant 1 : i32
          %get3A_413 = arith.index_cast %get3A_412 : i32 to index
          %get3A_414 = arith.index_cast %scan3A_273 : i32 to index
          %get3A_415 = arith.constant 112 : index
          %get3A_416 = tpu.vector_load %arg9[%get3A_413, %get3A_414, %get3A_415] {strides = array<i32>} : memref<2x128x128xf32, #tpu.memory_space<vmem>>, vector<1x1x16xf32>,
          %get3A_417 = vector.shape_cast %get3A_416 : vector<1x1x16xf32> to vector<16xf32>
          %get3A_418 = arith.constant 1 : i32
          %get3A_419 = arith.index_cast %get3A_418 : i32 to index
          %get3A_420 = arith.index_cast %scan3A_273 : i32 to index
          %get3A_421 = arith.constant 112 : index
          %get3A_422 = tpu.vector_load %arg10[%get3A_419, %get3A_420, %get3A_421] {strides = array<i32>} : memref<2x128x128xf32, #tpu.memory_space<vmem>>, vector<1x1x16xf32>,
          %get3A_423 = vector.shape_cast %get3A_422 : vector<1x1x16xf32> to vector<16xf32>
          %add3A_424 = arith.addf %get3A_417, %get3A_423 : vector<16xf32>
          %swap3A_425 = arith.constant 1 : i32
          %swap3A_426 = arith.index_cast %swap3A_425 : i32 to index
          %swap3A_427 = arith.index_cast %scan3A_273 : i32 to index
          %swap3A_428 = arith.constant 112 : index
          %swap3A_429 = tpu.vector_load %arg9[%swap3A_426, %swap3A_427, %swap3A_428] {strides = array<i32>} : memref<2x128x128xf32, #tpu.memory_space<vmem>>, vector<1x1x16xf32>,
          %swap3A_430 = vector.shape_cast %swap3A_429 : vector<1x1x16xf32> to vector<16xf32>
          %swap3A_431 = vector.shape_cast %add3A_424 : vector<16xf32> to vector<1x1x16xf32>
          tpu.vector_store %arg9[%swap3A_426, %swap3A_427, %swap3A_428], %swap3A_431 {strides = array<i32>} : memref<2x128x128xf32, #tpu.memory_space<vmem>>, vector<1x1x16xf32>,
        }
        %scan3A_256 = arith.constant 128 : i32
        %mul3A_257 = arith.constant 128 : i32
        %mul3A_258 = arith.muli %add3A_199, %mul3A_257 : i32
        %add3A_259 = arith.addi %mul3A_4, %mul3A_258 : i32
        %dma_start3A_260 = arith.constant 1 : i32
        %dma_start3A_261 = arith.constant 0 : i32
        %dma_start3A_262 = arith.constant 0 : i32
        %dma_start3A_263 = tpu.memref_slice %arg9[%dma_start3A_260, %dma_start3A_261, %dma_start3A_262] : memref<2x128x128xf32, #tpu.memory_space<vmem>> -> memref<1x128x128xf32, #tpu.memory_space<vmem>>
        %dma_start3A_264 = tpu.memref_squeeze %dma_start3A_263 : memref<1x128x128xf32, #tpu.memory_space<vmem>> -> memref<128x128xf32, #tpu.memory_space<vmem>>
        %dma_start3A_265 = arith.constant 0 : i32
        %dma_start3A_266 = tpu.memref_slice %arg6[%add3A_259, %dma_start3A_265] : memref<160000x128xf32, #tpu.memory_space<hbm>> -> memref<128x128xf32, #tpu.memory_space<hbm>>
        %dma_start3A_267 = arith.constant 0 : i32
        %dma_start3A_268 = tpu.memref_slice %arg6[%add3A_259, %dma_start3A_267] : memref<160000x128xf32, #tpu.memory_space<hbm>> -> memref<128x128xf32, #tpu.memory_space<hbm>>
        %dma_start3A_269 = arith.constant 0 : i32
        %dma_start3A_270 = arith.constant 0 : i32
        %dma_start3A_271 = tpu.memref_slice %arg9[%dma_start3A_260, %dma_start3A_269, %dma_start3A_270] : memref<2x128x128xf32, #tpu.memory_space<vmem>> -> memref<1x128x128xf32, #tpu.memory_space<vmem>>
        %dma_start3A_272 = tpu.memref_squeeze %dma_start3A_271 : memref<1x128x128xf32, #tpu.memory_space<vmem>> -> memref<128x128xf32, #tpu.memory_space<vmem>>
        tpu.enqueue_dma source(%dma_start3A_272 : memref<128x128xf32, #tpu.memory_space<vmem>>) target(%dma_start3A_268 : memref<128x128xf32, #tpu.memory_space<hbm>>) target_semaphore(%arg16 : memref<!tpu.dma_semaphore, #tpu.memory_space<semaphore_mem>>)
      } else {
      }
    }
    %scan3A_93 = arith.constant 20 : i32
    %dma_wait3A_94 = arith.constant 0 : i32
    %dma_wait3A_95 = arith.constant 0 : i32
    %dma_wait3A_96 = arith.constant 0 : i32
    %dma_wait3A_97 = tpu.memref_slice %arg9[%dma_wait3A_94, %dma_wait3A_95, %dma_wait3A_96] : memref<2x128x128xf32, #tpu.memory_space<vmem>> -> memref<1x128x128xf32, #tpu.memory_space<vmem>>
    %dma_wait3A_98 = tpu.memref_squeeze %dma_wait3A_97 : memref<1x128x128xf32, #tpu.memory_space<vmem>> -> memref<128x128xf32, #tpu.memory_space<vmem>>
    %dma_wait3A_99 = arith.constant 0 : i32
    %dma_wait3A_100 = arith.constant 0 : i32
    %dma_wait3A_101 = tpu.memref_slice %arg6[%dma_wait3A_99, %dma_wait3A_100] : memref<160000x128xf32, #tpu.memory_space<hbm>> -> memref<128x128xf32, #tpu.memory_space<hbm>>
    %dma_wait3A_102 = arith.constant 0 : i32
    %dma_wait3A_103 = arith.constant 0 : i32
    %dma_wait3A_104 = tpu.memref_slice %arg6[%dma_wait3A_102, %dma_wait3A_103] : memref<160000x128xf32, #tpu.memory_space<hbm>> -> memref<128x128xf32, #tpu.memory_space<hbm>>
    %dma_wait3A_105 = arith.constant 0 : i32
    %dma_wait3A_106 = arith.constant 0 : i32
    %dma_wait3A_107 = tpu.memref_slice %arg9[%dma_wait3A_94, %dma_wait3A_105, %dma_wait3A_106] : memref<2x128x128xf32, #tpu.memory_space<vmem>> -> memref<1x128x128xf32, #tpu.memory_space<vmem>>
    %dma_wait3A_108 = tpu.memref_squeeze %dma_wait3A_107 : memref<1x128x128xf32, #tpu.memory_space<vmem>> -> memref<128x128xf32, #tpu.memory_space<vmem>>
    tpu.wait_dma2 semaphore(%arg15 : memref<!tpu.dma_semaphore, #tpu.memory_space<semaphore_mem>>) src(%dma_wait3A_108 : memref<128x128xf32, #tpu.memory_space<vmem>>) dst(%dma_wait3A_104 : memref<128x128xf32, #tpu.memory_space<hbm>>)
    %dma_wait3A_109 = arith.constant 1 : i32
    %dma_wait3A_110 = arith.constant 0 : i32
    %dma_wait3A_111 = arith.constant 0 : i32
    %dma_wait3A_112 = tpu.memref_slice %arg9[%dma_wait3A_109, %dma_wait3A_110, %dma_wait3A_111] : memref<2x128x128xf32, #tpu.memory_space<vmem>> -> memref<1x128x128xf32, #tpu.memory_space<vmem>>
    %dma_wait3A_113 = tpu.memref_squeeze %dma_wait3A_112 : memref<1x128x128xf32, #tpu.memory_space<vmem>> -> memref<128x128xf32, #tpu.memory_space<vmem>>
    %dma_wait3A_114 = arith.constant 0 : i32
    %dma_wait3A_115 = arith.constant 0 : i32
    %dma_wait3A_116 = tpu.memref_slice %arg6[%dma_wait3A_114, %dma_wait3A_115] : memref<160000x128xf32, #tpu.memory_space<hbm>> -> memref<128x128xf32, #tpu.memory_space<hbm>>
    %dma_wait3A_117 = arith.constant 0 : i32
    %dma_wait3A_118 = arith.constant 0 : i32
    %dma_wait3A_119 = tpu.memref_slice %arg6[%dma_wait3A_117, %dma_wait3A_118] : memref<160000x128xf32, #tpu.memory_space<hbm>> -> memref<128x128xf32, #tpu.memory_space<hbm>>
    %dma_wait3A_120 = arith.constant 0 : i32
    %dma_wait3A_121 = arith.constant 0 : i32
    %dma_wait3A_122 = tpu.memref_slice %arg9[%dma_wait3A_109, %dma_wait3A_120, %dma_wait3A_121] : memref<2x128x128xf32, #tpu.memory_space<vmem>> -> memref<1x128x128xf32, #tpu.memory_space<vmem>>
    %dma_wait3A_123 = tpu.memref_squeeze %dma_wait3A_122 : memref<1x128x128xf32, #tpu.memory_space<vmem>> -> memref<128x128xf32, #tpu.memory_space<vmem>>
    tpu.wait_dma2 semaphore(%arg16 : memref<!tpu.dma_semaphore, #tpu.memory_space<semaphore_mem>>) src(%dma_wait3A_123 : memref<128x128xf32, #tpu.memory_space<vmem>>) dst(%dma_wait3A_119 : memref<128x128xf32, #tpu.memory_space<hbm>>)
    %lt3A = arith.constant 2 : i32
    %lt3A_124 = arith.cmpi slt, %add3A, %lt3A : i32
    %convert_element_type3A = arith.extui %lt3A_124 : i1 to i32
    %cond3A = arith.constant 0 : i32
    %cond3A_125 = arith.cmpi ne, %convert_element_type3A, %cond3A : i32
    scf.if %cond3A_125 {
      %add3A_126 = arith.constant 1248 : i32
      %add3A_127 = arith.addi %add3A_126, %add3A : i32
      %mul3A_128 = arith.constant 128 : i32
      %mul3A_129 = arith.muli %add3A_127, %mul3A_128 : i32
      %run_scoped3A = arith.constant 0 : i32
      "tpu.region"() ({
        %run_scoped3A_186 = tpu.sem_alloc : memref<!tpu.dma_semaphore, #tpu.memory_space<semaphore_mem>>
        %dma_start3A_187 = arith.constant 0 : i32
        %dma_start3A_188 = tpu.memref_slice %arg7[%run_scoped3A, %dma_start3A_187] : memref<2x128xi32, #tpu.memory_space<vmem>> -> memref<1x128xi32, #tpu.memory_space<vmem>>
        %dma_start3A_189 = tpu.memref_squeeze %dma_start3A_188 : memref<1x128xi32, #tpu.memory_space<vmem>> -> memref<128xi32, #tpu.memory_space<vmem>>
        %dma_start3A_190 = tpu.memref_slice %arg4[%mul3A_129] : memref<160000xi32, #tpu.memory_space<hbm>> -> memref<128xi32, #tpu.memory_space<hbm>>
        %dma_start3A_191 = arith.constant 0 : i32
        %dma_start3A_192 = tpu.memref_slice %arg7[%run_scoped3A, %dma_start3A_191] : memref<2x128xi32, #tpu.memory_space<vmem>> -> memref<1x128xi32, #tpu.memory_space<vmem>>
        %dma_start3A_193 = tpu.memref_squeeze %dma_start3A_192 : memref<1x128xi32, #tpu.memory_space<vmem>> -> memref<128xi32, #tpu.memory_space<vmem>>
        %dma_start3A_194 = tpu.memref_slice %arg4[%mul3A_129] : memref<160000xi32, #tpu.memory_space<hbm>> -> memref<128xi32, #tpu.memory_space<hbm>>
        tpu.enqueue_dma source(%dma_start3A_194 : memref<128xi32, #tpu.memory_space<hbm>>) target(%dma_start3A_193 : memref<128xi32, #tpu.memory_space<vmem>>) target_semaphore(%run_scoped3A_186 : memref<!tpu.dma_semaphore, #tpu.memory_space<semaphore_mem>>)
        %dma_wait3A_195 = arith.constant 0 : i32
        %dma_wait3A_196 = tpu.memref_slice %arg7[%run_scoped3A, %dma_wait3A_195] : memref<2x128xi32, #tpu.memory_space<vmem>> -> memref<1x128xi32, #tpu.memory_space<vmem>>
        %dma_wait3A_197 = tpu.memref_squeeze %dma_wait3A_196 : memref<1x128xi32, #tpu.memory_space<vmem>> -> memref<128xi32, #tpu.memory_space<vmem>>
        %dma_wait3A_198 = tpu.memref_slice %arg4[%mul3A_129] : memref<160000xi32, #tpu.memory_space<hbm>> -> memref<128xi32, #tpu.memory_space<hbm>>
        %dma_wait3A_199 = arith.constant 0 : i32
        %dma_wait3A_200 = tpu.memref_slice %arg7[%run_scoped3A, %dma_wait3A_199] : memref<2x128xi32, #tpu.memory_space<vmem>> -> memref<1x128xi32, #tpu.memory_space<vmem>>
        %dma_wait3A_201 = tpu.memref_squeeze %dma_wait3A_200 : memref<1x128xi32, #tpu.memory_space<vmem>> -> memref<128xi32, #tpu.memory_space<vmem>>
        %dma_wait3A_202 = tpu.memref_slice %arg4[%mul3A_129] : memref<160000xi32, #tpu.memory_space<hbm>> -> memref<128xi32, #tpu.memory_space<hbm>>
        tpu.wait_dma2 semaphore(%run_scoped3A_186 : memref<!tpu.dma_semaphore, #tpu.memory_space<semaphore_mem>>) src(%dma_wait3A_202 : memref<128xi32, #tpu.memory_space<hbm>>) dst(%dma_wait3A_201 : memref<128xi32, #tpu.memory_space<vmem>>)
        tpu.yield
      }) : () -> ()
      %run_scoped3A_130 = arith.constant 0 : i32
      "tpu.region"() ({
        %run_scoped3A_186 = tpu.sem_alloc : memref<!tpu.dma_semaphore, #tpu.memory_space<semaphore_mem>>
        %dma_start3A_187 = arith.constant 0 : i32
        %dma_start3A_188 = tpu.memref_slice %arg8[%run_scoped3A_130, %dma_start3A_187] : memref<2x128xi32, #tpu.memory_space<vmem>> -> memref<1x128xi32, #tpu.memory_space<vmem>>
        %dma_start3A_189 = tpu.memref_squeeze %dma_start3A_188 : memref<1x128xi32, #tpu.memory_space<vmem>> -> memref<128xi32, #tpu.memory_space<vmem>>
        %dma_start3A_190 = tpu.memref_slice %arg5[%mul3A_129] : memref<160000xi32, #tpu.memory_space<hbm>> -> memref<128xi32, #tpu.memory_space<hbm>>
        %dma_start3A_191 = arith.constant 0 : i32
        %dma_start3A_192 = tpu.memref_slice %arg8[%run_scoped3A_130, %dma_start3A_191] : memref<2x128xi32, #tpu.memory_space<vmem>> -> memref<1x128xi32, #tpu.memory_space<vmem>>
        %dma_start3A_193 = tpu.memref_squeeze %dma_start3A_192 : memref<1x128xi32, #tpu.memory_space<vmem>> -> memref<128xi32, #tpu.memory_space<vmem>>
        %dma_start3A_194 = tpu.memref_slice %arg5[%mul3A_129] : memref<160000xi32, #tpu.memory_space<hbm>> -> memref<128xi32, #tpu.memory_space<hbm>>
        tpu.enqueue_dma source(%dma_start3A_194 : memref<128xi32, #tpu.memory_space<hbm>>) target(%dma_start3A_193 : memref<128xi32, #tpu.memory_space<vmem>>) target_semaphore(%run_scoped3A_186 : memref<!tpu.dma_semaphore, #tpu.memory_space<semaphore_mem>>)
        %dma_wait3A_195 = arith.constant 0 : i32
        %dma_wait3A_196 = tpu.memref_slice %arg8[%run_scoped3A_130, %dma_wait3A_195] : memref<2x128xi32, #tpu.memory_space<vmem>> -> memref<1x128xi32, #tpu.memory_space<vmem>>
        %dma_wait3A_197 = tpu.memref_squeeze %dma_wait3A_196 : memref<1x128xi32, #tpu.memory_space<vmem>> -> memref<128xi32, #tpu.memory_space<vmem>>
        %dma_wait3A_198 = tpu.memref_slice %arg5[%mul3A_129] : memref<160000xi32, #tpu.memory_space<hbm>> -> memref<128xi32, #tpu.memory_space<hbm>>
        %dma_wait3A_199 = arith.constant 0 : i32
        %dma_wait3A_200 = tpu.memref_slice %arg8[%run_scoped3A_130, %dma_wait3A_199] : memref<2x128xi32, #tpu.memory_space<vmem>> -> memref<1x128xi32, #tpu.memory_space<vmem>>
        %dma_wait3A_201 = tpu.memref_squeeze %dma_wait3A_200 : memref<1x128xi32, #tpu.memory_space<vmem>> -> memref<128xi32, #tpu.memory_space<vmem>>
        %dma_wait3A_202 = tpu.memref_slice %arg5[%mul3A_129] : memref<160000xi32, #tpu.memory_space<hbm>> -> memref<128xi32, #tpu.memory_space<hbm>>
        tpu.wait_dma2 semaphore(%run_scoped3A_186 : memref<!tpu.dma_semaphore, #tpu.memory_space<semaphore_mem>>) src(%dma_wait3A_202 : memref<128xi32, #tpu.memory_space<hbm>>) dst(%dma_wait3A_201 : memref<128xi32, #tpu.memory_space<vmem>>)
        tpu.yield
      }) : () -> ()
      %dma_start3A_131 = arith.constant 0 : i32
      %dma_start3A_132 = arith.constant 0 : i32
      %dma_start3A_133 = arith.constant 0 : i32
      %dma_start3A_134 = arith.constant 0 : i32
      %dma_start3A_135 = tpu.memref_slice %arg9[%dma_start3A_132, %dma_start3A_133, %dma_start3A_134] : memref<2x128x128xf32, #tpu.memory_space<vmem>> -> memref<1x128x128xf32, #tpu.memory_space<vmem>>
      %dma_start3A_136 = tpu.memref_squeeze %dma_start3A_135 : memref<1x128x128xf32, #tpu.memory_space<vmem>> -> memref<128x128xf32, #tpu.memory_space<vmem>>
      %dma_start3A_137 = arith.constant 0 : i32
      %dma_start3A_138 = tpu.memref_slice %arg7[%dma_start3A_131, %dma_start3A_137] : memref<2x128xi32, #tpu.memory_space<vmem>> -> memref<1x128xi32, #tpu.memory_space<vmem>>
      %dma_start3A_139 = tpu.memref_squeeze %dma_start3A_138 : memref<1x128xi32, #tpu.memory_space<vmem>> -> memref<128xi32, #tpu.memory_space<vmem>>
      %dma_start3A_140 = arith.constant 0 : i32
      %dma_start3A_141 = arith.constant 0 : i32
      %dma_start3A_142 = tpu.memref_slice %arg2[%dma_start3A_140, %dma_start3A_141] : memref<10000x128xf32, #tpu.memory_space<hbm>> -> memref<10000x128xf32, #tpu.memory_space<hbm>>
      tpu.enqueue_indirect_dma source(%dma_start3A_142 : memref<10000x128xf32, #tpu.memory_space<hbm>>) target(%dma_start3A_136 : memref<128x128xf32, #tpu.memory_space<vmem>>) offsets(%dma_start3A_139 : memref<128xi32, #tpu.memory_space<vmem>>) semaphore(%arg13 : memref<!tpu.dma_semaphore, #tpu.memory_space<semaphore_mem>>)
      %dma_start3A_143 = arith.constant 0 : i32
      %dma_start3A_144 = arith.constant 0 : i32
      %dma_start3A_145 = arith.constant 0 : i32
      %dma_start3A_146 = arith.constant 0 : i32
      %dma_start3A_147 = tpu.memref_slice %arg10[%dma_start3A_144, %dma_start3A_145, %dma_start3A_146] : memref<2x128x128xf32, #tpu.memory_space<vmem>> -> memref<1x128x128xf32, #tpu.memory_space<vmem>>
      %dma_start3A_148 = tpu.memref_squeeze %dma_start3A_147 : memref<1x128x128xf32, #tpu.memory_space<vmem>> -> memref<128x128xf32, #tpu.memory_space<vmem>>
      %dma_start3A_149 = arith.constant 0 : i32
      %dma_start3A_150 = tpu.memref_slice %arg8[%dma_start3A_143, %dma_start3A_149] : memref<2x128xi32, #tpu.memory_space<vmem>> -> memref<1x128xi32, #tpu.memory_space<vmem>>
      %dma_start3A_151 = tpu.memref_squeeze %dma_start3A_150 : memref<1x128xi32, #tpu.memory_space<vmem>> -> memref<128xi32, #tpu.memory_space<vmem>>
      %dma_start3A_152 = arith.constant 0 : i32
      %dma_start3A_153 = arith.constant 0 : i32
      %dma_start3A_154 = tpu.memref_slice %arg3[%dma_start3A_152, %dma_start3A_153] : memref<10000x128xf32, #tpu.memory_space<hbm>> -> memref<10000x128xf32, #tpu.memory_space<hbm>>
      tpu.enqueue_indirect_dma source(%dma_start3A_154 : memref<10000x128xf32, #tpu.memory_space<hbm>>) target(%dma_start3A_148 : memref<128x128xf32, #tpu.memory_space<vmem>>) offsets(%dma_start3A_151 : memref<128xi32, #tpu.memory_space<vmem>>) semaphore(%arg14 : memref<!tpu.dma_semaphore, #tpu.memory_space<semaphore_mem>>)
      %dma_wait3A_155 = arith.constant 0 : i32
      %dma_wait3A_156 = arith.constant 0 : i32
      %dma_wait3A_157 = arith.constant 0 : i32
      %dma_wait3A_158 = arith.constant 0 : i32
      %dma_wait3A_159 = tpu.memref_slice %arg9[%dma_wait3A_156, %dma_wait3A_157, %dma_wait3A_158] : memref<2x128x128xf32, #tpu.memory_space<vmem>> -> memref<1x128x128xf32, #tpu.memory_space<vmem>>
      %dma_wait3A_160 = tpu.memref_squeeze %dma_wait3A_159 : memref<1x128x128xf32, #tpu.memory_space<vmem>> -> memref<128x128xf32, #tpu.memory_space<vmem>>
      %dma_wait3A_161 = arith.constant 0 : i32
      %dma_wait3A_162 = tpu.memref_slice %arg7[%dma_wait3A_155, %dma_wait3A_161] : memref<2x128xi32, #tpu.memory_space<vmem>> -> memref<1x128xi32, #tpu.memory_space<vmem>>
      %dma_wait3A_163 = tpu.memref_squeeze %dma_wait3A_162 : memref<1x128xi32, #tpu.memory_space<vmem>> -> memref<128xi32, #tpu.memory_space<vmem>>
      %dma_wait3A_164 = arith.constant 0 : i32
      %dma_wait3A_165 = arith.constant 0 : i32
      %dma_wait3A_166 = tpu.memref_slice %arg2[%dma_wait3A_164, %dma_wait3A_165] : memref<10000x128xf32, #tpu.memory_space<hbm>> -> memref<10000x128xf32, #tpu.memory_space<hbm>>
      tpu.wait_indirect_dma semaphore(%arg13 : memref<!tpu.dma_semaphore, #tpu.memory_space<semaphore_mem>>) src(%dma_wait3A_166 : memref<10000x128xf32, #tpu.memory_space<hbm>>) dst(%dma_wait3A_160 : memref<128x128xf32, #tpu.memory_space<vmem>>)
      %dma_wait3A_167 = arith.constant 0 : i32
      %dma_wait3A_168 = arith.constant 0 : i32
      %dma_wait3A_169 = arith.constant 0 : i32
      %dma_wait3A_170 = arith.constant 0 : i32
      %dma_wait3A_171 = tpu.memref_slice %arg10[%dma_wait3A_168, %dma_wait3A_169, %dma_wait3A_170] : memref<2x128x128xf32, #tpu.memory_space<vmem>> -> memref<1x128x128xf32, #tpu.memory_space<vmem>>
      %dma_wait3A_172 = tpu.memref_squeeze %dma_wait3A_171 : memref<1x128x128xf32, #tpu.memory_space<vmem>> -> memref<128x128xf32, #tpu.memory_space<vmem>>
      %dma_wait3A_173 = arith.constant 0 : i32
      %dma_wait3A_174 = tpu.memref_slice %arg8[%dma_wait3A_167, %dma_wait3A_173] : memref<2x128xi32, #tpu.memory_space<vmem>> -> memref<1x128xi32, #tpu.memory_space<vmem>>
      %dma_wait3A_175 = tpu.memref_squeeze %dma_wait3A_174 : memref<1x128xi32, #tpu.memory_space<vmem>> -> memref<128xi32, #tpu.memory_space<vmem>>
      %dma_wait3A_176 = arith.constant 0 : i32
      %dma_wait3A_177 = arith.constant 0 : i32
      %dma_wait3A_178 = tpu.memref_slice %arg3[%dma_wait3A_176, %dma_wait3A_177] : memref<10000x128xf32, #tpu.memory_space<hbm>> -> memref<10000x128xf32, #tpu.memory_space<hbm>>
      tpu.wait_indirect_dma semaphore(%arg14 : memref<!tpu.dma_semaphore, #tpu.memory_space<semaphore_mem>>) src(%dma_wait3A_178 : memref<10000x128xf32, #tpu.memory_space<hbm>>) dst(%dma_wait3A_172 : memref<128x128xf32, #tpu.memory_space<vmem>>)
      %scan3A_179 = arith.constant 0 : i32
      %scan3A_180 = arith.constant 0 : i32
      %scan3A_181 = arith.constant 128 : i32
      %scan3A_182 = arith.addi %scan3A_180, %scan3A_181 : i32
      %scan3A_183 = arith.constant 1 : i32
      scf.for %scan3A_186 = %scan3A_180 to %scan3A_182 step %scan3A_183  : i32 {
        %get3A = arith.constant 0 : i32
        %get3A_187 = arith.index_cast %get3A : i32 to index
        %get3A_188 = arith.index_cast %scan3A_186 : i32 to index
        %get3A_189 = arith.constant 0 : index
        %get3A_190 = tpu.vector_load %arg9[%get3A_187, %get3A_188, %get3A_189] {strides = array<i32>} : memref<2x128x128xf32, #tpu.memory_space<vmem>>, vector<1x1x16xf32>,
        %get3A_191 = vector.shape_cast %get3A_190 : vector<1x1x16xf32> to vector<16xf32>
        %get3A_192 = arith.constant 0 : i32
        %get3A_193 = arith.index_cast %get3A_192 : i32 to index
        %get3A_194 = arith.index_cast %scan3A_186 : i32 to index
        %get3A_195 = arith.constant 0 : index
        %get3A_196 = tpu.vector_load %arg10[%get3A_193, %get3A_194, %get3A_195] {strides = array<i32>} : memref<2x128x128xf32, #tpu.memory_space<vmem>>, vector<1x1x16xf32>,
        %get3A_197 = vector.shape_cast %get3A_196 : vector<1x1x16xf32> to vector<16xf32>
        %add3A_198 = arith.addf %get3A_191, %get3A_197 : vector<16xf32>
        %swap3A = arith.constant 0 : i32
        %swap3A_199 = arith.index_cast %swap3A : i32 to index
        %swap3A_200 = arith.index_cast %scan3A_186 : i32 to index
        %swap3A_201 = arith.constant 0 : index
        %swap3A_202 = tpu.vector_load %arg9[%swap3A_199, %swap3A_200, %swap3A_201] {strides = array<i32>} : memref<2x128x128xf32, #tpu.memory_space<vmem>>, vector<1x1x16xf32>,
        %swap3A_203 = vector.shape_cast %swap3A_202 : vector<1x1x16xf32> to vector<16xf32>
        %swap3A_204 = vector.shape_cast %add3A_198 : vector<16xf32> to vector<1x1x16xf32>
        tpu.vector_store %arg9[%swap3A_199, %swap3A_200, %swap3A_201], %swap3A_204 {strides = array<i32>} : memref<2x128x128xf32, #tpu.memory_space<vmem>>, vector<1x1x16xf32>,
        %get3A_205 = arith.constant 0 : i32
        %get3A_206 = arith.index_cast %get3A_205 : i32 to index
        %get3A_207 = arith.index_cast %scan3A_186 : i32 to index
        %get3A_208 = arith.constant 16 : index
        %get3A_209 = tpu.vector_load %arg9[%get3A_206, %get3A_207, %get3A_208] {strides = array<i32>} : memref<2x128x128xf32, #tpu.memory_space<vmem>>, vector<1x1x16xf32>,
        %get3A_210 = vector.shape_cast %get3A_209 : vector<1x1x16xf32> to vector<16xf32>
        %get3A_211 = arith.constant 0 : i32
        %get3A_212 = arith.index_cast %get3A_211 : i32 to index
        %get3A_213 = arith.index_cast %scan3A_186 : i32 to index
        %get3A_214 = arith.constant 16 : index
        %get3A_215 = tpu.vector_load %arg10[%get3A_212, %get3A_213, %get3A_214] {strides = array<i32>} : memref<2x128x128xf32, #tpu.memory_space<vmem>>, vector<1x1x16xf32>,
        %get3A_216 = vector.shape_cast %get3A_215 : vector<1x1x16xf32> to vector<16xf32>
        %add3A_217 = arith.addf %get3A_210, %get3A_216 : vector<16xf32>
        %swap3A_218 = arith.constant 0 : i32
        %swap3A_219 = arith.index_cast %swap3A_218 : i32 to index
        %swap3A_220 = arith.index_cast %scan3A_186 : i32 to index
        %swap3A_221 = arith.constant 16 : index
        %swap3A_222 = tpu.vector_load %arg9[%swap3A_219, %swap3A_220, %swap3A_221] {strides = array<i32>} : memref<2x128x128xf32, #tpu.memory_space<vmem>>, vector<1x1x16xf32>,
        %swap3A_223 = vector.shape_cast %swap3A_222 : vector<1x1x16xf32> to vector<16xf32>
        %swap3A_224 = vector.shape_cast %add3A_217 : vector<16xf32> to vector<1x1x16xf32>
        tpu.vector_store %arg9[%swap3A_219, %swap3A_220, %swap3A_221], %swap3A_224 {strides = array<i32>} : memref<2x128x128xf32, #tpu.memory_space<vmem>>, vector<1x1x16xf32>,
        %get3A_225 = arith.constant 0 : i32
        %get3A_226 = arith.index_cast %get3A_225 : i32 to index
        %get3A_227 = arith.index_cast %scan3A_186 : i32 to index
        %get3A_228 = arith.constant 32 : index
        %get3A_229 = tpu.vector_load %arg9[%get3A_226, %get3A_227, %get3A_228] {strides = array<i32>} : memref<2x128x128xf32, #tpu.memory_space<vmem>>, vector<1x1x16xf32>,
        %get3A_230 = vector.shape_cast %get3A_229 : vector<1x1x16xf32> to vector<16xf32>
        %get3A_231 = arith.constant 0 : i32
        %get3A_232 = arith.index_cast %get3A_231 : i32 to index
        %get3A_233 = arith.index_cast %scan3A_186 : i32 to index
        %get3A_234 = arith.constant 32 : index
        %get3A_235 = tpu.vector_load %arg10[%get3A_232, %get3A_233, %get3A_234] {strides = array<i32>} : memref<2x128x128xf32, #tpu.memory_space<vmem>>, vector<1x1x16xf32>,
        %get3A_236 = vector.shape_cast %get3A_235 : vector<1x1x16xf32> to vector<16xf32>
        %add3A_237 = arith.addf %get3A_230, %get3A_236 : vector<16xf32>
        %swap3A_238 = arith.constant 0 : i32
        %swap3A_239 = arith.index_cast %swap3A_238 : i32 to index
        %swap3A_240 = arith.index_cast %scan3A_186 : i32 to index
        %swap3A_241 = arith.constant 32 : index
        %swap3A_242 = tpu.vector_load %arg9[%swap3A_239, %swap3A_240, %swap3A_241] {strides = array<i32>} : memref<2x128x128xf32, #tpu.memory_space<vmem>>, vector<1x1x16xf32>,
        %swap3A_243 = vector.shape_cast %swap3A_242 : vector<1x1x16xf32> to vector<16xf32>
        %swap3A_244 = vector.shape_cast %add3A_237 : vector<16xf32> to vector<1x1x16xf32>
        tpu.vector_store %arg9[%swap3A_239, %swap3A_240, %swap3A_241], %swap3A_244 {strides = array<i32>} : memref<2x128x128xf32, #tpu.memory_space<vmem>>, vector<1x1x16xf32>,
        %get3A_245 = arith.constant 0 : i32
        %get3A_246 = arith.index_cast %get3A_245 : i32 to index
        %get3A_247 = arith.index_cast %scan3A_186 : i32 to index
        %get3A_248 = arith.constant 48 : index
        %get3A_249 = tpu.vector_load %arg9[%get3A_246, %get3A_247, %get3A_248] {strides = array<i32>} : memref<2x128x128xf32, #tpu.memory_space<vmem>>, vector<1x1x16xf32>,
        %get3A_250 = vector.shape_cast %get3A_249 : vector<1x1x16xf32> to vector<16xf32>
        %get3A_251 = arith.constant 0 : i32
        %get3A_252 = arith.index_cast %get3A_251 : i32 to index
        %get3A_253 = arith.index_cast %scan3A_186 : i32 to index
        %get3A_254 = arith.constant 48 : index
        %get3A_255 = tpu.vector_load %arg10[%get3A_252, %get3A_253, %get3A_254] {strides = array<i32>} : memref<2x128x128xf32, #tpu.memory_space<vmem>>, vector<1x1x16xf32>,
        %get3A_256 = vector.shape_cast %get3A_255 : vector<1x1x16xf32> to vector<16xf32>
        %add3A_257 = arith.addf %get3A_250, %get3A_256 : vector<16xf32>
        %swap3A_258 = arith.constant 0 : i32
        %swap3A_259 = arith.index_cast %swap3A_258 : i32 to index
        %swap3A_260 = arith.index_cast %scan3A_186 : i32 to index
        %swap3A_261 = arith.constant 48 : index
        %swap3A_262 = tpu.vector_load %arg9[%swap3A_259, %swap3A_260, %swap3A_261] {strides = array<i32>} : memref<2x128x128xf32, #tpu.memory_space<vmem>>, vector<1x1x16xf32>,
        %swap3A_263 = vector.shape_cast %swap3A_262 : vector<1x1x16xf32> to vector<16xf32>
        %swap3A_264 = vector.shape_cast %add3A_257 : vector<16xf32> to vector<1x1x16xf32>
        tpu.vector_store %arg9[%swap3A_259, %swap3A_260, %swap3A_261], %swap3A_264 {strides = array<i32>} : memref<2x128x128xf32, #tpu.memory_space<vmem>>, vector<1x1x16xf32>,
        %get3A_265 = arith.constant 0 : i32
        %get3A_266 = arith.index_cast %get3A_265 : i32 to index
        %get3A_267 = arith.index_cast %scan3A_186 : i32 to index
        %get3A_268 = arith.constant 64 : index
        %get3A_269 = tpu.vector_load %arg9[%get3A_266, %get3A_267, %get3A_268] {strides = array<i32>} : memref<2x128x128xf32, #tpu.memory_space<vmem>>, vector<1x1x16xf32>,
        %get3A_270 = vector.shape_cast %get3A_269 : vector<1x1x16xf32> to vector<16xf32>
        %get3A_271 = arith.constant 0 : i32
        %get3A_272 = arith.index_cast %get3A_271 : i32 to index
        %get3A_273 = arith.index_cast %scan3A_186 : i32 to index
        %get3A_274 = arith.constant 64 : index
        %get3A_275 = tpu.vector_load %arg10[%get3A_272, %get3A_273, %get3A_274] {strides = array<i32>} : memref<2x128x128xf32, #tpu.memory_space<vmem>>, vector<1x1x16xf32>,
        %get3A_276 = vector.shape_cast %get3A_275 : vector<1x1x16xf32> to vector<16xf32>
        %add3A_277 = arith.addf %get3A_270, %get3A_276 : vector<16xf32>
        %swap3A_278 = arith.constant 0 : i32
        %swap3A_279 = arith.index_cast %swap3A_278 : i32 to index
        %swap3A_280 = arith.index_cast %scan3A_186 : i32 to index
        %swap3A_281 = arith.constant 64 : index
        %swap3A_282 = tpu.vector_load %arg9[%swap3A_279, %swap3A_280, %swap3A_281] {strides = array<i32>} : memref<2x128x128xf32, #tpu.memory_space<vmem>>, vector<1x1x16xf32>,
        %swap3A_283 = vector.shape_cast %swap3A_282 : vector<1x1x16xf32> to vector<16xf32>
        %swap3A_284 = vector.shape_cast %add3A_277 : vector<16xf32> to vector<1x1x16xf32>
        tpu.vector_store %arg9[%swap3A_279, %swap3A_280, %swap3A_281], %swap3A_284 {strides = array<i32>} : memref<2x128x128xf32, #tpu.memory_space<vmem>>, vector<1x1x16xf32>,
        %get3A_285 = arith.constant 0 : i32
        %get3A_286 = arith.index_cast %get3A_285 : i32 to index
        %get3A_287 = arith.index_cast %scan3A_186 : i32 to index
        %get3A_288 = arith.constant 80 : index
        %get3A_289 = tpu.vector_load %arg9[%get3A_286, %get3A_287, %get3A_288] {strides = array<i32>} : memref<2x128x128xf32, #tpu.memory_space<vmem>>, vector<1x1x16xf32>,
        %get3A_290 = vector.shape_cast %get3A_289 : vector<1x1x16xf32> to vector<16xf32>
        %get3A_291 = arith.constant 0 : i32
        %get3A_292 = arith.index_cast %get3A_291 : i32 to index
        %get3A_293 = arith.index_cast %scan3A_186 : i32 to index
        %get3A_294 = arith.constant 80 : index
        %get3A_295 = tpu.vector_load %arg10[%get3A_292, %get3A_293, %get3A_294] {strides = array<i32>} : memref<2x128x128xf32, #tpu.memory_space<vmem>>, vector<1x1x16xf32>,
        %get3A_296 = vector.shape_cast %get3A_295 : vector<1x1x16xf32> to vector<16xf32>
        %add3A_297 = arith.addf %get3A_290, %get3A_296 : vector<16xf32>
        %swap3A_298 = arith.constant 0 : i32
        %swap3A_299 = arith.index_cast %swap3A_298 : i32 to index
        %swap3A_300 = arith.index_cast %scan3A_186 : i32 to index
        %swap3A_301 = arith.constant 80 : index
        %swap3A_302 = tpu.vector_load %arg9[%swap3A_299, %swap3A_300, %swap3A_301] {strides = array<i32>} : memref<2x128x128xf32, #tpu.memory_space<vmem>>, vector<1x1x16xf32>,
        %swap3A_303 = vector.shape_cast %swap3A_302 : vector<1x1x16xf32> to vector<16xf32>
        %swap3A_304 = vector.shape_cast %add3A_297 : vector<16xf32> to vector<1x1x16xf32>
        tpu.vector_store %arg9[%swap3A_299, %swap3A_300, %swap3A_301], %swap3A_304 {strides = array<i32>} : memref<2x128x128xf32, #tpu.memory_space<vmem>>, vector<1x1x16xf32>,
        %get3A_305 = arith.constant 0 : i32
        %get3A_306 = arith.index_cast %get3A_305 : i32 to index
        %get3A_307 = arith.index_cast %scan3A_186 : i32 to index
        %get3A_308 = arith.constant 96 : index
        %get3A_309 = tpu.vector_load %arg9[%get3A_306, %get3A_307, %get3A_308] {strides = array<i32>} : memref<2x128x128xf32, #tpu.memory_space<vmem>>, vector<1x1x16xf32>,
        %get3A_310 = vector.shape_cast %get3A_309 : vector<1x1x16xf32> to vector<16xf32>
        %get3A_311 = arith.constant 0 : i32
        %get3A_312 = arith.index_cast %get3A_311 : i32 to index
        %get3A_313 = arith.index_cast %scan3A_186 : i32 to index
        %get3A_314 = arith.constant 96 : index
        %get3A_315 = tpu.vector_load %arg10[%get3A_312, %get3A_313, %get3A_314] {strides = array<i32>} : memref<2x128x128xf32, #tpu.memory_space<vmem>>, vector<1x1x16xf32>,
        %get3A_316 = vector.shape_cast %get3A_315 : vector<1x1x16xf32> to vector<16xf32>
        %add3A_317 = arith.addf %get3A_310, %get3A_316 : vector<16xf32>
        %swap3A_318 = arith.constant 0 : i32
        %swap3A_319 = arith.index_cast %swap3A_318 : i32 to index
        %swap3A_320 = arith.index_cast %scan3A_186 : i32 to index
        %swap3A_321 = arith.constant 96 : index
        %swap3A_322 = tpu.vector_load %arg9[%swap3A_319, %swap3A_320, %swap3A_321] {strides = array<i32>} : memref<2x128x128xf32, #tpu.memory_space<vmem>>, vector<1x1x16xf32>,
        %swap3A_323 = vector.shape_cast %swap3A_322 : vector<1x1x16xf32> to vector<16xf32>
        %swap3A_324 = vector.shape_cast %add3A_317 : vector<16xf32> to vector<1x1x16xf32>
        tpu.vector_store %arg9[%swap3A_319, %swap3A_320, %swap3A_321], %swap3A_324 {strides = array<i32>} : memref<2x128x128xf32, #tpu.memory_space<vmem>>, vector<1x1x16xf32>,
        %get3A_325 = arith.constant 0 : i32
        %get3A_326 = arith.index_cast %get3A_325 : i32 to index
        %get3A_327 = arith.index_cast %scan3A_186 : i32 to index
        %get3A_328 = arith.constant 112 : index
        %get3A_329 = tpu.vector_load %arg9[%get3A_326, %get3A_327, %get3A_328] {strides = array<i32>} : memref<2x128x128xf32, #tpu.memory_space<vmem>>, vector<1x1x16xf32>,
        %get3A_330 = vector.shape_cast %get3A_329 : vector<1x1x16xf32> to vector<16xf32>
        %get3A_331 = arith.constant 0 : i32
        %get3A_332 = arith.index_cast %get3A_331 : i32 to index
        %get3A_333 = arith.index_cast %scan3A_186 : i32 to index
        %get3A_334 = arith.constant 112 : index
        %get3A_335 = tpu.vector_load %arg10[%get3A_332, %get3A_333, %get3A_334] {strides = array<i32>} : memref<2x128x128xf32, #tpu.memory_space<vmem>>, vector<1x1x16xf32>,
        %get3A_336 = vector.shape_cast %get3A_335 : vector<1x1x16xf32> to vector<16xf32>
        %add3A_337 = arith.addf %get3A_330, %get3A_336 : vector<16xf32>
        %swap3A_338 = arith.constant 0 : i32
        %swap3A_339 = arith.index_cast %swap3A_338 : i32 to index
        %swap3A_340 = arith.index_cast %scan3A_186 : i32 to index
        %swap3A_341 = arith.constant 112 : index
        %swap3A_342 = tpu.vector_load %arg9[%swap3A_339, %swap3A_340, %swap3A_341] {strides = array<i32>} : memref<2x128x128xf32, #tpu.memory_space<vmem>>, vector<1x1x16xf32>,
        %swap3A_343 = vector.shape_cast %swap3A_342 : vector<1x1x16xf32> to vector<16xf32>
        %swap3A_344 = vector.shape_cast %add3A_337 : vector<16xf32> to vector<1x1x16xf32>
        tpu.vector_store %arg9[%swap3A_339, %swap3A_340, %swap3A_341], %swap3A_344 {strides = array<i32>} : memref<2x128x128xf32, #tpu.memory_space<vmem>>, vector<1x1x16xf32>,
      }
      %scan3A_184 = arith.constant 128 : i32
      %run_scoped3A_185 = arith.constant 0 : i32
      "tpu.region"() ({
        %run_scoped3A_186 = tpu.sem_alloc : memref<!tpu.dma_semaphore, #tpu.memory_space<semaphore_mem>>
        %dma_start3A_187 = arith.constant 0 : i32
        %dma_start3A_188 = arith.constant 0 : i32
        %dma_start3A_189 = tpu.memref_slice %arg9[%run_scoped3A_185, %dma_start3A_187, %dma_start3A_188] : memref<2x128x128xf32, #tpu.memory_space<vmem>> -> memref<1x128x128xf32, #tpu.memory_space<vmem>>
        %dma_start3A_190 = tpu.memref_squeeze %dma_start3A_189 : memref<1x128x128xf32, #tpu.memory_space<vmem>> -> memref<128x128xf32, #tpu.memory_space<vmem>>
        %dma_start3A_191 = arith.constant 0 : i32
        %dma_start3A_192 = tpu.memref_slice %arg6[%mul3A_129, %dma_start3A_191] : memref<160000x128xf32, #tpu.memory_space<hbm>> -> memref<128x128xf32, #tpu.memory_space<hbm>>
        %dma_start3A_193 = arith.constant 0 : i32
        %dma_start3A_194 = tpu.memref_slice %arg6[%mul3A_129, %dma_start3A_193] : memref<160000x128xf32, #tpu.memory_space<hbm>> -> memref<128x128xf32, #tpu.memory_space<hbm>>
        %dma_start3A_195 = arith.constant 0 : i32
        %dma_start3A_196 = arith.constant 0 : i32
        %dma_start3A_197 = tpu.memref_slice %arg9[%run_scoped3A_185, %dma_start3A_195, %dma_start3A_196] : memref<2x128x128xf32, #tpu.memory_space<vmem>> -> memref<1x128x128xf32, #tpu.memory_space<vmem>>
        %dma_start3A_198 = tpu.memref_squeeze %dma_start3A_197 : memref<1x128x128xf32, #tpu.memory_space<vmem>> -> memref<128x128xf32, #tpu.memory_space<vmem>>
        tpu.enqueue_dma source(%dma_start3A_198 : memref<128x128xf32, #tpu.memory_space<vmem>>) target(%dma_start3A_194 : memref<128x128xf32, #tpu.memory_space<hbm>>) target_semaphore(%run_scoped3A_186 : memref<!tpu.dma_semaphore, #tpu.memory_space<semaphore_mem>>)
        %dma_wait3A_199 = arith.constant 0 : i32
        %dma_wait3A_200 = arith.constant 0 : i32
        %dma_wait3A_201 = tpu.memref_slice %arg9[%run_scoped3A_185, %dma_wait3A_199, %dma_wait3A_200] : memref<2x128x128xf32, #tpu.memory_space<vmem>> -> memref<1x128x128xf32, #tpu.memory_space<vmem>>
        %dma_wait3A_202 = tpu.memref_squeeze %dma_wait3A_201 : memref<1x128x128xf32, #tpu.memory_space<vmem>> -> memref<128x128xf32, #tpu.memory_space<vmem>>
        %dma_wait3A_203 = arith.constant 0 : i32
        %dma_wait3A_204 = tpu.memref_slice %arg6[%mul3A_129, %dma_wait3A_203] : memref<160000x128xf32, #tpu.memory_space<hbm>> -> memref<128x128xf32, #tpu.memory_space<hbm>>
        %dma_wait3A_205 = arith.constant 0 : i32
        %dma_wait3A_206 = tpu.memref_slice %arg6[%mul3A_129, %dma_wait3A_205] : memref<160000x128xf32, #tpu.memory_space<hbm>> -> memref<128x128xf32, #tpu.memory_space<hbm>>
        %dma_wait3A_207 = arith.constant 0 : i32
        %dma_wait3A_208 = arith.constant 0 : i32
        %dma_wait3A_209 = tpu.memref_slice %arg9[%run_scoped3A_185, %dma_wait3A_207, %dma_wait3A_208] : memref<2x128x128xf32, #tpu.memory_space<vmem>> -> memref<1x128x128xf32, #tpu.memory_space<vmem>>
        %dma_wait3A_210 = tpu.memref_squeeze %dma_wait3A_209 : memref<1x128x128xf32, #tpu.memory_space<vmem>> -> memref<128x128xf32, #tpu.memory_space<vmem>>
        tpu.wait_dma2 semaphore(%run_scoped3A_186 : memref<!tpu.dma_semaphore, #tpu.memory_space<semaphore_mem>>) src(%dma_wait3A_210 : memref<128x128xf32, #tpu.memory_space<vmem>>) dst(%dma_wait3A_206 : memref<128x128xf32, #tpu.memory_space<hbm>>)
        tpu.yield
      }) : () -> ()
    } else {
    }
    return
  }
}

#map = affine_map<(d0, d1) -> (0, 0)>
#map1 = affine_map<(d0, d1) -> (0)>
module attributes {stable_mosaic.version = 14 : i64} {
  func.func @gather(%arg0: i32, %arg1: i32, %arg2: memref<10000x128xf32, #tpu.memory_space<hbm>>, %arg3: memref<10000x128xf32, #tpu.memory_space<hbm>>, %arg4: memref<160000xi32, #tpu.memory_space<hbm>>, %arg5: memref<160000xi32, #tpu.memory_space<hbm>>, %arg6: memref<160000x128xf32, #tpu.memory_space<hbm>>, %arg7: memref<2x128xi32, #tpu.memory_space<vmem>>, %arg8: memref<2x128xi32, #tpu.memory_space<vmem>>, %arg9: memref<2x128x128xf32, #tpu.memory_space<vmem>>, %arg10: memref<2x128x128xf32, #tpu.memory_space<vmem>>, %arg11: memref<!tpu.dma_semaphore, #tpu.memory_space<semaphore_mem>>, %arg12: memref<!tpu.dma_semaphore, #tpu.memory_space<semaphore_mem>>, %arg13: memref<!tpu.dma_semaphore, #tpu.memory_space<semaphore_mem>>, %arg14: memref<!tpu.dma_semaphore, #tpu.memory_space<semaphore_mem>>, %arg15: memref<!tpu.dma_semaphore, #tpu.memory_space<semaphore_mem>>, %arg16: memref<!tpu.dma_semaphore, #tpu.memory_space<semaphore_mem>>) attributes {dimension_semantics = [#tpu.dimension_semantics<core_parallel>, #tpu.dimension_semantics<subcore_parallel>], iteration_bounds = array<i64: 2, 16>, scalar_prefetch = 0 : i64, scratch_operands = 10 : i64, tpu.core_type = #tpu.core_type<sc_vector_subcore>, window_params = [{transform_indices = #map}, {transform_indices = #map}, {transform_indices = #map1}, {transform_indices = #map1}, {transform_indices = #map}]} {
    %mul3A = arith.constant 2 : i32
    %mul3A_0 = arith.muli %arg1, %mul3A : i32
    %add3A = arith.addi %mul3A_0, %arg0 : i32
    %mul3A_1 = arith.constant 39 : i32
    %mul3A_2 = arith.muli %add3A, %mul3A_1 : i32
    %mul3A_3 = arith.constant 128 : i32
    %mul3A_4 = arith.muli %mul3A_2, %mul3A_3 : i32
    %add3A_5 = arith.constant 0 : i32
    %add3A_6 = arith.addi %mul3A_4, %add3A_5 : i32
    %dma_start3A = arith.constant 0 : i32
    %dma_start3A_7 = arith.constant 0 : i32
    %dma_start3A_8 = tpu.memref_slice %arg7[%dma_start3A, %dma_start3A_7] : memref<2x128xi32, #tpu.memory_space<vmem>> -> memref<1x128xi32, #tpu.memory_space<vmem>>
    %dma_start3A_9 = tpu.memref_squeeze %dma_start3A_8 : memref<1x128xi32, #tpu.memory_space<vmem>> -> memref<128xi32, #tpu.memory_space<vmem>>
    %dma_start3A_10 = tpu.memref_slice %arg4[%add3A_6] : memref<160000xi32, #tpu.memory_space<hbm>> -> memref<128xi32, #tpu.memory_space<hbm>>
    %dma_start3A_11 = arith.constant 0 : i32
    %dma_start3A_12 = tpu.memref_slice %arg7[%dma_start3A, %dma_start3A_11] : memref<2x128xi32, #tpu.memory_space<vmem>> -> memref<1x128xi32, #tpu.memory_space<vmem>>
    %dma_start3A_13 = tpu.memref_squeeze %dma_start3A_12 : memref<1x128xi32, #tpu.memory_space<vmem>> -> memref<128xi32, #tpu.memory_space<vmem>>
    %dma_start3A_14 = tpu.memref_slice %arg4[%add3A_6] : memref<160000xi32, #tpu.memory_space<hbm>> -> memref<128xi32, #tpu.memory_space<hbm>>
    tpu.enqueue_dma source(%dma_start3A_14 : memref<128xi32, #tpu.memory_space<hbm>>) target(%dma_start3A_13 : memref<128xi32, #tpu.memory_space<vmem>>) target_semaphore(%arg11 : memref<!tpu.dma_semaphore, #tpu.memory_space<semaphore_mem>>)
    %dma_start3A_15 = arith.constant 0 : i32
    %dma_start3A_16 = arith.constant 0 : i32
    %dma_start3A_17 = tpu.memref_slice %arg8[%dma_start3A_15, %dma_start3A_16] : memref<2x128xi32, #tpu.memory_space<vmem>> -> memref<1x128xi32, #tpu.memory_space<vmem>>
    %dma_start3A_18 = tpu.memref_squeeze %dma_start3A_17 : memref<1x128xi32, #tpu.memory_space<vmem>> -> memref<128xi32, #tpu.memory_space<vmem>>
    %dma_start3A_19 = tpu.memref_slice %arg5[%add3A_6] : memref<160000xi32, #tpu.memory_space<hbm>> -> memref<128xi32, #tpu.memory_space<hbm>>
    %dma_start3A_20 = arith.constant 0 : i32
    %dma_start3A_21 = tpu.memref_slice %arg8[%dma_start3A_15, %dma_start3A_20] : memref<2x128xi32, #tpu.memory_space<vmem>> -> memref<1x128xi32, #tpu.memory_space<vmem>>
    %dma_start3A_22 = tpu.memref_squeeze %dma_start3A_21 : memref<1x128xi32, #tpu.memory_space<vmem>> -> memref<128xi32, #tpu.memory_space<vmem>>
    %dma_start3A_23 = tpu.memref_slice %arg5[%add3A_6] : memref<160000xi32, #tpu.memory_space<hbm>> -> memref<128xi32, #tpu.memory_space<hbm>>
    tpu.enqueue_dma source(%dma_start3A_23 : memref<128xi32, #tpu.memory_space<hbm>>) target(%dma_start3A_22 : memref<128xi32, #tpu.memory_space<vmem>>) target_semaphore(%arg11 : memref<!tpu.dma_semaphore, #tpu.memory_space<semaphore_mem>>)
    %add3A_24 = arith.constant 128 : i32
    %add3A_25 = arith.addi %mul3A_4, %add3A_24 : i32
    %dma_start3A_26 = arith.constant 1 : i32
    %dma_start3A_27 = arith.constant 0 : i32
    %dma_start3A_28 = tpu.memref_slice %arg7[%dma_start3A_26, %dma_start3A_27] : memref<2x128xi32, #tpu.memory_space<vmem>> -> memref<1x128xi32, #tpu.memory_space<vmem>>
    %dma_start3A_29 = tpu.memref_squeeze %dma_start3A_28 : memref<1x128xi32, #tpu.memory_space<vmem>> -> memref<128xi32, #tpu.memory_space<vmem>>
    %dma_start3A_30 = tpu.memref_slice %arg4[%add3A_25] : memref<160000xi32, #tpu.memory_space<hbm>> -> memref<128xi32, #tpu.memory_space<hbm>>
    %dma_start3A_31 = arith.constant 0 : i32
    %dma_start3A_32 = tpu.memref_slice %arg7[%dma_start3A_26, %dma_start3A_31] : memref<2x128xi32, #tpu.memory_space<vmem>> -> memref<1x128xi32, #tpu.memory_space<vmem>>
    %dma_start3A_33 = tpu.memref_squeeze %dma_start3A_32 : memref<1x128xi32, #tpu.memory_space<vmem>> -> memref<128xi32, #tpu.memory_space<vmem>>
    %dma_start3A_34 = tpu.memref_slice %arg4[%add3A_25] : memref<160000xi32, #tpu.memory_space<hbm>> -> memref<128xi32, #tpu.memory_space<hbm>>
    tpu.enqueue_dma source(%dma_start3A_34 : memref<128xi32, #tpu.memory_space<hbm>>) target(%dma_start3A_33 : memref<128xi32, #tpu.memory_space<vmem>>) target_semaphore(%arg12 : memref<!tpu.dma_semaphore, #tpu.memory_space<semaphore_mem>>)
    %dma_start3A_35 = arith.constant 1 : i32
    %dma_start3A_36 = arith.constant 0 : i32
    %dma_start3A_37 = tpu.memref_slice %arg8[%dma_start3A_35, %dma_start3A_36] : memref<2x128xi32, #tpu.memory_space<vmem>> -> memref<1x128xi32, #tpu.memory_space<vmem>>
    %dma_start3A_38 = tpu.memref_squeeze %dma_start3A_37 : memref<1x128xi32, #tpu.memory_space<vmem>> -> memref<128xi32, #tpu.memory_space<vmem>>
    %dma_start3A_39 = tpu.memref_slice %arg5[%add3A_25] : memref<160000xi32, #tpu.memory_space<hbm>> -> memref<128xi32, #tpu.memory_space<hbm>>
    %dma_start3A_40 = arith.constant 0 : i32
    %dma_start3A_41 = tpu.memref_slice %arg8[%dma_start3A_35, %dma_start3A_40] : memref<2x128xi32, #tpu.memory_space<vmem>> -> memref<1x128xi32, #tpu.memory_space<vmem>>
    %dma_start3A_42 = tpu.memref_squeeze %dma_start3A_41 : memref<1x128xi32, #tpu.memory_space<vmem>> -> memref<128xi32, #tpu.memory_space<vmem>>
    %dma_start3A_43 = tpu.memref_slice %arg5[%add3A_25] : memref<160000xi32, #tpu.memory_space<hbm>> -> memref<128xi32, #tpu.memory_space<hbm>>
    tpu.enqueue_dma source(%dma_start3A_43 : memref<128xi32, #tpu.memory_space<hbm>>) target(%dma_start3A_42 : memref<128xi32, #tpu.memory_space<vmem>>) target_semaphore(%arg12 : memref<!tpu.dma_semaphore, #tpu.memory_space<semaphore_mem>>)
    %dma_wait3A = arith.constant 0 : i32
    %dma_wait3A_44 = arith.constant 0 : i32
    %dma_wait3A_45 = tpu.memref_slice %arg7[%dma_wait3A, %dma_wait3A_44] : memref<2x128xi32, #tpu.memory_space<vmem>> -> memref<1x128xi32, #tpu.memory_space<vmem>>
    %dma_wait3A_46 = tpu.memref_squeeze %dma_wait3A_45 : memref<1x128xi32, #tpu.memory_space<vmem>> -> memref<128xi32, #tpu.memory_space<vmem>>
    %dma_wait3A_47 = arith.constant 0 : i32
    %dma_wait3A_48 = tpu.memref_slice %arg4[%dma_wait3A_47] : memref<160000xi32, #tpu.memory_space<hbm>> -> memref<128xi32, #tpu.memory_space<hbm>>
    %dma_wait3A_49 = arith.constant 0 : i32
    %dma_wait3A_50 = tpu.memref_slice %arg7[%dma_wait3A, %dma_wait3A_49] : memref<2x128xi32, #tpu.memory_space<vmem>> -> memref<1x128xi32, #tpu.memory_space<vmem>>
    %dma_wait3A_51 = tpu.memref_squeeze %dma_wait3A_50 : memref<1x128xi32, #tpu.memory_space<vmem>> -> memref<128xi32, #tpu.memory_space<vmem>>
    %dma_wait3A_52 = arith.constant 0 : i32
    %dma_wait3A_53 = tpu.memref_slice %arg4[%dma_wait3A_52] : memref<160000xi32, #tpu.memory_space<hbm>> -> memref<128xi32, #tpu.memory_space<hbm>>
    tpu.wait_dma2 semaphore(%arg11 : memref<!tpu.dma_semaphore, #tpu.memory_space<semaphore_mem>>) src(%dma_wait3A_53 : memref<128xi32, #tpu.memory_space<hbm>>) dst(%dma_wait3A_51 : memref<128xi32, #tpu.memory_space<vmem>>)
    %dma_wait3A_54 = arith.constant 0 : i32
    %dma_wait3A_55 = arith.constant 0 : i32
    %dma_wait3A_56 = tpu.memref_slice %arg8[%dma_wait3A_54, %dma_wait3A_55] : memref<2x128xi32, #tpu.memory_space<vmem>> -> memref<1x128xi32, #tpu.memory_space<vmem>>
    %dma_wait3A_57 = tpu.memref_squeeze %dma_wait3A_56 : memref<1x128xi32, #tpu.memory_space<vmem>> -> memref<128xi32, #tpu.memory_space<vmem>>
    %dma_wait3A_58 = arith.constant 0 : i32
    %dma_wait3A_59 = tpu.memref_slice %arg5[%dma_wait3A_58] : memref<160000xi32, #tpu.memory_space<hbm>> -> memref<128xi32, #tpu.memory_space<hbm>>
    %dma_wait3A_60 = arith.constant 0 : i32
    %dma_wait3A_61 = tpu.memref_slice %arg8[%dma_wait3A_54, %dma_wait3A_60] : memref<2x128xi32, #tpu.memory_space<vmem>> -> memref<1x128xi32, #tpu.memory_space<vmem>>
    %dma_wait3A_62 = tpu.memref_squeeze %dma_wait3A_61 : memref<1x128xi32, #tpu.memory_space<vmem>> -> memref<128xi32, #tpu.memory_space<vmem>>
    %dma_wait3A_63 = arith.constant 0 : i32
    %dma_wait3A_64 = tpu.memref_slice %arg5[%dma_wait3A_63] : memref<160000xi32, #tpu.memory_space<hbm>> -> memref<128xi32, #tpu.memory_space<hbm>>
    tpu.wait_dma2 semaphore(%arg11 : memref<!tpu.dma_semaphore, #tpu.memory_space<semaphore_mem>>) src(%dma_wait3A_64 : memref<128xi32, #tpu.memory_space<hbm>>) dst(%dma_wait3A_62 : memref<128xi32, #tpu.memory_space<vmem>>)
    %dma_start3A_65 = arith.constant 0 : i32
    %dma_start3A_66 = arith.constant 0 : i32
    %dma_start3A_67 = arith.constant 0 : i32
    %dma_start3A_68 = arith.constant 0 : i32
    %dma_start3A_69 = tpu.memref_slice %arg9[%dma_start3A_66, %dma_start3A_67, %dma_start3A_68] : memref<2x128x128xf32, #tpu.memory_space<vmem>> -> memref<1x128x128xf32, #tpu.memory_space<vmem>>
    %dma_start3A_70 = tpu.memref_squeeze %dma_start3A_69 : memref<1x128x128xf32, #tpu.memory_space<vmem>> -> memref<128x128xf32, #tpu.memory_space<vmem>>
    %dma_start3A_71 = arith.constant 0 : i32
    %dma_start3A_72 = tpu.memref_slice %arg7[%dma_start3A_65, %dma_start3A_71] : memref<2x128xi32, #tpu.memory_space<vmem>> -> memref<1x128xi32, #tpu.memory_space<vmem>>
    %dma_start3A_73 = tpu.memref_squeeze %dma_start3A_72 : memref<1x128xi32, #tpu.memory_space<vmem>> -> memref<128xi32, #tpu.memory_space<vmem>>
    %dma_start3A_74 = arith.constant 0 : i32
    %dma_start3A_75 = arith.constant 0 : i32
    %dma_start3A_76 = tpu.memref_slice %arg2[%dma_start3A_74, %dma_start3A_75] : memref<10000x128xf32, #tpu.memory_space<hbm>> -> memref<10000x128xf32, #tpu.memory_space<hbm>>
    tpu.enqueue_indirect_dma source(%dma_start3A_76 : memref<10000x128xf32, #tpu.memory_space<hbm>>) target(%dma_start3A_70 : memref<128x128xf32, #tpu.memory_space<vmem>>) offsets(%dma_start3A_73 : memref<128xi32, #tpu.memory_space<vmem>>) semaphore(%arg13 : memref<!tpu.dma_semaphore, #tpu.memory_space<semaphore_mem>>)
    %dma_start3A_77 = arith.constant 0 : i32
    %dma_start3A_78 = arith.constant 0 : i32
    %dma_start3A_79 = arith.constant 0 : i32
    %dma_start3A_80 = arith.constant 0 : i32
    %dma_start3A_81 = tpu.memref_slice %arg10[%dma_start3A_78, %dma_start3A_79, %dma_start3A_80] : memref<2x128x128xf32, #tpu.memory_space<vmem>> -> memref<1x128x128xf32, #tpu.memory_space<vmem>>
    %dma_start3A_82 = tpu.memref_squeeze %dma_start3A_81 : memref<1x128x128xf32, #tpu.memory_space<vmem>> -> memref<128x128xf32, #tpu.memory_space<vmem>>
    %dma_start3A_83 = arith.constant 0 : i32
    %dma_start3A_84 = tpu.memref_slice %arg8[%dma_start3A_77, %dma_start3A_83] : memref<2x128xi32, #tpu.memory_space<vmem>> -> memref<1x128xi32, #tpu.memory_space<vmem>>
    %dma_start3A_85 = tpu.memref_squeeze %dma_start3A_84 : memref<1x128xi32, #tpu.memory_space<vmem>> -> memref<128xi32, #tpu.memory_space<vmem>>
    %dma_start3A_86 = arith.constant 0 : i32
    %dma_start3A_87 = arith.constant 0 : i32
    %dma_start3A_88 = tpu.memref_slice %arg3[%dma_start3A_86, %dma_start3A_87] : memref<10000x128xf32, #tpu.memory_space<hbm>> -> memref<10000x128xf32, #tpu.memory_space<hbm>>
    tpu.enqueue_indirect_dma source(%dma_start3A_88 : memref<10000x128xf32, #tpu.memory_space<hbm>>) target(%dma_start3A_82 : memref<128x128xf32, #tpu.memory_space<vmem>>) offsets(%dma_start3A_85 : memref<128xi32, #tpu.memory_space<vmem>>) semaphore(%arg13 : memref<!tpu.dma_semaphore, #tpu.memory_space<semaphore_mem>>)
    %scan3A = arith.constant 0 : i32
    %scan3A_89 = arith.constant 0 : i32
    %scan3A_90 = arith.constant 20 : i32
    %scan3A_91 = arith.addi %scan3A_89, %scan3A_90 : i32
    %scan3A_92 = arith.constant 1 : i32
    scf.for %scan3A_126 = %scan3A_89 to %scan3A_91 step %scan3A_92  : i32 {
      %mul3A_127 = arith.constant 2 : i32
      %mul3A_128 = arith.muli %mul3A_127, %scan3A_126 : i32
      %add3A_129 = arith.constant 1 : i32
      %add3A_130 = arith.addi %mul3A_128, %add3A_129 : i32
      %lt3A_131 = arith.constant 39 : i32
      %lt3A_132 = arith.cmpi slt, %add3A_130, %lt3A_131 : i32
      %ge3A = arith.constant 1 : i32
      %ge3A_133 = arith.cmpi sge, %scan3A_126, %ge3A : i32
      %add3A_134 = arith.constant 2 : i32
      %add3A_135 = arith.addi %mul3A_128, %add3A_134 : i32
      %lt3A_136 = arith.constant 39 : i32
      %lt3A_137 = arith.cmpi slt, %add3A_135, %lt3A_136 : i32
      %convert_element_type3A_138 = arith.extui %lt3A_132 : i1 to i32
      %cond3A_139 = arith.constant 0 : i32
      %cond3A_140 = arith.cmpi ne, %convert_element_type3A_138, %cond3A_139 : i32
      scf.if %cond3A_140 {
        %dma_wait3A_205 = arith.constant 1 : i32
        %dma_wait3A_206 = arith.constant 0 : i32
        %dma_wait3A_207 = tpu.memref_slice %arg7[%dma_wait3A_205, %dma_wait3A_206] : memref<2x128xi32, #tpu.memory_space<vmem>> -> memref<1x128xi32, #tpu.memory_space<vmem>>
        %dma_wait3A_208 = tpu.memref_squeeze %dma_wait3A_207 : memref<1x128xi32, #tpu.memory_space<vmem>> -> memref<128xi32, #tpu.memory_space<vmem>>
        %dma_wait3A_209 = arith.constant 0 : i32
        %dma_wait3A_210 = tpu.memref_slice %arg4[%dma_wait3A_209] : memref<160000xi32, #tpu.memory_space<hbm>> -> memref<128xi32, #tpu.memory_space<hbm>>
        %dma_wait3A_211 = arith.constant 0 : i32
        %dma_wait3A_212 = tpu.memref_slice %arg7[%dma_wait3A_205, %dma_wait3A_211] : memref<2x128xi32, #tpu.memory_space<vmem>> -> memref<1x128xi32, #tpu.memory_space<vmem>>
        %dma_wait3A_213 = tpu.memref_squeeze %dma_wait3A_212 : memref<1x128xi32, #tpu.memory_space<vmem>> -> memref<128xi32, #tpu.memory_space<vmem>>
        %dma_wait3A_214 = arith.constant 0 : i32
        %dma_wait3A_215 = tpu.memref_slice %arg4[%dma_wait3A_214] : memref<160000xi32, #tpu.memory_space<hbm>> -> memref<128xi32, #tpu.memory_space<hbm>>
        tpu.wait_dma2 semaphore(%arg12 : memref<!tpu.dma_semaphore, #tpu.memory_space<semaphore_mem>>) src(%dma_wait3A_215 : memref<128xi32, #tpu.memory_space<hbm>>) dst(%dma_wait3A_213 : memref<128xi32, #tpu.memory_space<vmem>>)
        %dma_wait3A_216 = arith.constant 1 : i32
        %dma_wait3A_217 = arith.constant 0 : i32
        %dma_wait3A_218 = tpu.memref_slice %arg8[%dma_wait3A_216, %dma_wait3A_217] : memref<2x128xi32, #tpu.memory_space<vmem>> -> memref<1x128xi32, #tpu.memory_space<vmem>>
        %dma_wait3A_219 = tpu.memref_squeeze %dma_wait3A_218 : memref<1x128xi32, #tpu.memory_space<vmem>> -> memref<128xi32, #tpu.memory_space<vmem>>
        %dma_wait3A_220 = arith.constant 0 : i32
        %dma_wait3A_221 = tpu.memref_slice %arg5[%dma_wait3A_220] : memref<160000xi32, #tpu.memory_space<hbm>> -> memref<128xi32, #tpu.memory_space<hbm>>
        %dma_wait3A_222 = arith.constant 0 : i32
        %dma_wait3A_223 = tpu.memref_slice %arg8[%dma_wait3A_216, %dma_wait3A_222] : memref<2x128xi32, #tpu.memory_space<vmem>> -> memref<1x128xi32, #tpu.memory_space<vmem>>
        %dma_wait3A_224 = tpu.memref_squeeze %dma_wait3A_223 : memref<1x128xi32, #tpu.memory_space<vmem>> -> memref<128xi32, #tpu.memory_space<vmem>>
        %dma_wait3A_225 = arith.constant 0 : i32
        %dma_wait3A_226 = tpu.memref_slice %arg5[%dma_wait3A_225] : memref<160000xi32, #tpu.memory_space<hbm>> -> memref<128xi32, #tpu.memory_space<hbm>>
        tpu.wait_dma2 semaphore(%arg12 : memref<!tpu.dma_semaphore, #tpu.memory_space<semaphore_mem>>) src(%dma_wait3A_226 : memref<128xi32, #tpu.memory_space<hbm>>) dst(%dma_wait3A_224 : memref<128xi32, #tpu.memory_space<vmem>>)
        %convert_element_type3A_227 = arith.extui %ge3A_133 : i1 to i32
        %cond3A_228 = arith.constant 0 : i32
        %cond3A_229 = arith.cmpi ne, %convert_element_type3A_227, %cond3A_228 : i32
        scf.if %cond3A_229 {
          %dma_wait3A_254 = arith.constant 1 : i32
          %dma_wait3A_255 = arith.constant 0 : i32
          %dma_wait3A_256 = arith.constant 0 : i32
          %dma_wait3A_257 = tpu.memref_slice %arg9[%dma_wait3A_254, %dma_wait3A_255, %dma_wait3A_256] : memref<2x128x128xf32, #tpu.memory_space<vmem>> -> memref<1x128x128xf32, #tpu.memory_space<vmem>>
          %dma_wait3A_258 = tpu.memref_squeeze %dma_wait3A_257 : memref<1x128x128xf32, #tpu.memory_space<vmem>> -> memref<128x128xf32, #tpu.memory_space<vmem>>
          %dma_wait3A_259 = arith.constant 0 : i32
          %dma_wait3A_260 = arith.constant 0 : i32
          %dma_wait3A_261 = tpu.memref_slice %arg6[%dma_wait3A_259, %dma_wait3A_260] : memref<160000x128xf32, #tpu.memory_space<hbm>> -> memref<128x128xf32, #tpu.memory_space<hbm>>
          %dma_wait3A_262 = arith.constant 0 : i32
          %dma_wait3A_263 = arith.constant 0 : i32
          %dma_wait3A_264 = tpu.memref_slice %arg6[%dma_wait3A_262, %dma_wait3A_263] : memref<160000x128xf32, #tpu.memory_space<hbm>> -> memref<128x128xf32, #tpu.memory_space<hbm>>
          %dma_wait3A_265 = arith.constant 0 : i32
          %dma_wait3A_266 = arith.constant 0 : i32
          %dma_wait3A_267 = tpu.memref_slice %arg9[%dma_wait3A_254, %dma_wait3A_265, %dma_wait3A_266] : memref<2x128x128xf32, #tpu.memory_space<vmem>> -> memref<1x128x128xf32, #tpu.memory_space<vmem>>
          %dma_wait3A_268 = tpu.memref_squeeze %dma_wait3A_267 : memref<1x128x128xf32, #tpu.memory_space<vmem>> -> memref<128x128xf32, #tpu.memory_space<vmem>>
          tpu.wait_dma2 semaphore(%arg16 : memref<!tpu.dma_semaphore, #tpu.memory_space<semaphore_mem>>) src(%dma_wait3A_268 : memref<128x128xf32, #tpu.memory_space<vmem>>) dst(%dma_wait3A_264 : memref<128x128xf32, #tpu.memory_space<hbm>>)
        } else {
        }
        %dma_start3A_230 = arith.constant 1 : i32
        %dma_start3A_231 = arith.constant 1 : i32
        %dma_start3A_232 = arith.constant 0 : i32
        %dma_start3A_233 = arith.constant 0 : i32
        %dma_start3A_234 = tpu.memref_slice %arg9[%dma_start3A_231, %dma_start3A_232, %dma_start3A_233] : memref<2x128x128xf32, #tpu.memory_space<vmem>> -> memref<1x128x128xf32, #tpu.memory_space<vmem>>
        %dma_start3A_235 = tpu.memref_squeeze %dma_start3A_234 : memref<1x128x128xf32, #tpu.memory_space<vmem>> -> memref<128x128xf32, #tpu.memory_space<vmem>>
        %dma_start3A_236 = arith.constant 0 : i32
        %dma_start3A_237 = tpu.memref_slice %arg7[%dma_start3A_230, %dma_start3A_236] : memref<2x128xi32, #tpu.memory_space<vmem>> -> memref<1x128xi32, #tpu.memory_space<vmem>>
        %dma_start3A_238 = tpu.memref_squeeze %dma_start3A_237 : memref<1x128xi32, #tpu.memory_space<vmem>> -> memref<128xi32, #tpu.memory_space<vmem>>
        %dma_start3A_239 = arith.constant 0 : i32
        %dma_start3A_240 = arith.constant 0 : i32
        %dma_start3A_241 = tpu.memref_slice %arg2[%dma_start3A_239, %dma_start3A_240] : memref<10000x128xf32, #tpu.memory_space<hbm>> -> memref<10000x128xf32, #tpu.memory_space<hbm>>
        tpu.enqueue_indirect_dma source(%dma_start3A_241 : memref<10000x128xf32, #tpu.memory_space<hbm>>) target(%dma_start3A_235 : memref<128x128xf32, #tpu.memory_space<vmem>>) offsets(%dma_start3A_238 : memref<128xi32, #tpu.memory_space<vmem>>) semaphore(%arg14 : memref<!tpu.dma_semaphore, #tpu.memory_space<semaphore_mem>>)
        %dma_start3A_242 = arith.constant 1 : i32
        %dma_start3A_243 = arith.constant 1 : i32
        %dma_start3A_244 = arith.constant 0 : i32
        %dma_start3A_245 = arith.constant 0 : i32
        %dma_start3A_246 = tpu.memref_slice %arg10[%dma_start3A_243, %dma_start3A_244, %dma_start3A_245] : memref<2x128x128xf32, #tpu.memory_space<vmem>> -> memref<1x128x128xf32, #tpu.memory_space<vmem>>
        %dma_start3A_247 = tpu.memref_squeeze %dma_start3A_246 : memref<1x128x128xf32, #tpu.memory_space<vmem>> -> memref<128x128xf32, #tpu.memory_space<vmem>>
        %dma_start3A_248 = arith.constant 0 : i32
        %dma_start3A_249 = tpu.memref_slice %arg8[%dma_start3A_242, %dma_start3A_248] : memref<2x128xi32, #tpu.memory_space<vmem>> -> memref<1x128xi32, #tpu.memory_space<vmem>>
        %dma_start3A_250 = tpu.memref_squeeze %dma_start3A_249 : memref<1x128xi32, #tpu.memory_space<vmem>> -> memref<128xi32, #tpu.memory_space<vmem>>
        %dma_start3A_251 = arith.constant 0 : i32
        %dma_start3A_252 = arith.constant 0 : i32
        %dma_start3A_253 = tpu.memref_slice %arg3[%dma_start3A_251, %dma_start3A_252] : memref<10000x128xf32, #tpu.memory_space<hbm>> -> memref<10000x128xf32, #tpu.memory_space<hbm>>
        tpu.enqueue_indirect_dma source(%dma_start3A_253 : memref<10000x128xf32, #tpu.memory_space<hbm>>) target(%dma_start3A_247 : memref<128x128xf32, #tpu.memory_space<vmem>>) offsets(%dma_start3A_250 : memref<128xi32, #tpu.memory_space<vmem>>) semaphore(%arg14 : memref<!tpu.dma_semaphore, #tpu.memory_space<semaphore_mem>>)
      } else {
      }
      %dma_wait3A_141 = arith.constant 0 : i32
      %dma_wait3A_142 = arith.constant 0 : i32
      %dma_wait3A_143 = arith.constant 0 : i32
      %dma_wait3A_144 = tpu.memref_slice %arg9[%dma_wait3A_141, %dma_wait3A_142, %dma_wait3A_143] : memref<2x128x128xf32, #tpu.memory_space<vmem>> -> memref<1x128x128xf32, #tpu.memory_space<vmem>>
      %dma_wait3A_145 = tpu.memref_squeeze %dma_wait3A_144 : memref<1x128x128xf32, #tpu.memory_space<vmem>> -> memref<128x128xf32, #tpu.memory_space<vmem>>
      %dma_wait3A_146 = arith.constant 0 : i32
      %dma_wait3A_147 = arith.constant 0 : i32
      %dma_wait3A_148 = tpu.memref_slice %arg2[%dma_wait3A_146, %dma_wait3A_147] : memref<10000x128xf32, #tpu.memory_space<hbm>> -> memref<128x128xf32, #tpu.memory_space<hbm>>
      %dma_wait3A_149 = arith.constant 0 : i32
      %dma_wait3A_150 = arith.constant 0 : i32
      %dma_wait3A_151 = tpu.memref_slice %arg9[%dma_wait3A_141, %dma_wait3A_149, %dma_wait3A_150] : memref<2x128x128xf32, #tpu.memory_space<vmem>> -> memref<1x128x128xf32, #tpu.memory_space<vmem>>
      %dma_wait3A_152 = tpu.memref_squeeze %dma_wait3A_151 : memref<1x128x128xf32, #tpu.memory_space<vmem>> -> memref<128x128xf32, #tpu.memory_space<vmem>>
      %dma_wait3A_153 = arith.constant 0 : i32
      %dma_wait3A_154 = arith.constant 0 : i32
      %dma_wait3A_155 = tpu.memref_slice %arg2[%dma_wait3A_153, %dma_wait3A_154] : memref<10000x128xf32, #tpu.memory_space<hbm>> -> memref<128x128xf32, #tpu.memory_space<hbm>>
      tpu.wait_dma2 semaphore(%arg13 : memref<!tpu.dma_semaphore, #tpu.memory_space<semaphore_mem>>) src(%dma_wait3A_155 : memref<128x128xf32, #tpu.memory_space<hbm>>) dst(%dma_wait3A_152 : memref<128x128xf32, #tpu.memory_space<vmem>>)
      %dma_wait3A_156 = arith.constant 0 : i32
      %dma_wait3A_157 = arith.constant 0 : i32
      %dma_wait3A_158 = arith.constant 0 : i32
      %dma_wait3A_159 = tpu.memref_slice %arg10[%dma_wait3A_156, %dma_wait3A_157, %dma_wait3A_158] : memref<2x128x128xf32, #tpu.memory_space<vmem>> -> memref<1x128x128xf32, #tpu.memory_space<vmem>>
      %dma_wait3A_160 = tpu.memref_squeeze %dma_wait3A_159 : memref<1x128x128xf32, #tpu.memory_space<vmem>> -> memref<128x128xf32, #tpu.memory_space<vmem>>
      %dma_wait3A_161 = arith.constant 0 : i32
      %dma_wait3A_162 = arith.constant 0 : i32
      %dma_wait3A_163 = tpu.memref_slice %arg3[%dma_wait3A_161, %dma_wait3A_162] : memref<10000x128xf32, #tpu.memory_space<hbm>> -> memref<128x128xf32, #tpu.memory_space<hbm>>
      %dma_wait3A_164 = arith.constant 0 : i32
      %dma_wait3A_165 = arith.constant 0 : i32
      %dma_wait3A_166 = tpu.memref_slice %arg10[%dma_wait3A_156, %dma_wait3A_164, %dma_wait3A_165] : memref<2x128x128xf32, #tpu.memory_space<vmem>> -> memref<1x128x128xf32, #tpu.memory_space<vmem>>
      %dma_wait3A_167 = tpu.memref_squeeze %dma_wait3A_166 : memref<1x128x128xf32, #tpu.memory_space<vmem>> -> memref<128x128xf32, #tpu.memory_space<vmem>>
      %dma_wait3A_168 = arith.constant 0 : i32
      %dma_wait3A_169 = arith.constant 0 : i32
      %dma_wait3A_170 = tpu.memref_slice %arg3[%dma_wait3A_168, %dma_wait3A_169] : memref<10000x128xf32, #tpu.memory_space<hbm>> -> memref<128x128xf32, #tpu.memory_space<hbm>>
      tpu.wait_dma2 semaphore(%arg13 : memref<!tpu.dma_semaphore, #tpu.memory_space<semaphore_mem>>) src(%dma_wait3A_170 : memref<128x128xf32, #tpu.memory_space<hbm>>) dst(%dma_wait3A_167 : memref<128x128xf32, #tpu.memory_space<vmem>>)
      %convert_element_type3A_171 = arith.extui %lt3A_137 : i1 to i32
      %cond3A_172 = arith.constant 0 : i32
      %cond3A_173 = arith.cmpi ne, %convert_element_type3A_171, %cond3A_172 : i32
      scf.if %cond3A_173 {
        %add3A_205 = arith.constant 2 : i32
        %add3A_206 = arith.addi %mul3A_128, %add3A_205 : i32
        %mul3A_207 = arith.constant 128 : i32
        %mul3A_208 = arith.muli %add3A_206, %mul3A_207 : i32
        %add3A_209 = arith.addi %mul3A_4, %mul3A_208 : i32
        %dma_start3A_210 = arith.constant 0 : i32
        %dma_start3A_211 = arith.constant 0 : i32
        %dma_start3A_212 = tpu.memref_slice %arg7[%dma_start3A_210, %dma_start3A_211] : memref<2x128xi32, #tpu.memory_space<vmem>> -> memref<1x128xi32, #tpu.memory_space<vmem>>
        %dma_start3A_213 = tpu.memref_squeeze %dma_start3A_212 : memref<1x128xi32, #tpu.memory_space<vmem>> -> memref<128xi32, #tpu.memory_space<vmem>>
        %dma_start3A_214 = tpu.memref_slice %arg4[%add3A_209] : memref<160000xi32, #tpu.memory_space<hbm>> -> memref<128xi32, #tpu.memory_space<hbm>>
        %dma_start3A_215 = arith.constant 0 : i32
        %dma_start3A_216 = tpu.memref_slice %arg7[%dma_start3A_210, %dma_start3A_215] : memref<2x128xi32, #tpu.memory_space<vmem>> -> memref<1x128xi32, #tpu.memory_space<vmem>>
        %dma_start3A_217 = tpu.memref_squeeze %dma_start3A_216 : memref<1x128xi32, #tpu.memory_space<vmem>> -> memref<128xi32, #tpu.memory_space<vmem>>
        %dma_start3A_218 = tpu.memref_slice %arg4[%add3A_209] : memref<160000xi32, #tpu.memory_space<hbm>> -> memref<128xi32, #tpu.memory_space<hbm>>
        tpu.enqueue_dma source(%dma_start3A_218 : memref<128xi32, #tpu.memory_space<hbm>>) target(%dma_start3A_217 : memref<128xi32, #tpu.memory_space<vmem>>) target_semaphore(%arg11 : memref<!tpu.dma_semaphore, #tpu.memory_space<semaphore_mem>>)
        %dma_start3A_219 = arith.constant 0 : i32
        %dma_start3A_220 = arith.constant 0 : i32
        %dma_start3A_221 = tpu.memref_slice %arg8[%dma_start3A_219, %dma_start3A_220] : memref<2x128xi32, #tpu.memory_space<vmem>> -> memref<1x128xi32, #tpu.memory_space<vmem>>
        %dma_start3A_222 = tpu.memref_squeeze %dma_start3A_221 : memref<1x128xi32, #tpu.memory_space<vmem>> -> memref<128xi32, #tpu.memory_space<vmem>>
        %dma_start3A_223 = tpu.memref_slice %arg5[%add3A_209] : memref<160000xi32, #tpu.memory_space<hbm>> -> memref<128xi32, #tpu.memory_space<hbm>>
        %dma_start3A_224 = arith.constant 0 : i32
        %dma_start3A_225 = tpu.memref_slice %arg8[%dma_start3A_219, %dma_start3A_224] : memref<2x128xi32, #tpu.memory_space<vmem>> -> memref<1x128xi32, #tpu.memory_space<vmem>>
        %dma_start3A_226 = tpu.memref_squeeze %dma_start3A_225 : memref<1x128xi32, #tpu.memory_space<vmem>> -> memref<128xi32, #tpu.memory_space<vmem>>
        %dma_start3A_227 = tpu.memref_slice %arg5[%add3A_209] : memref<160000xi32, #tpu.memory_space<hbm>> -> memref<128xi32, #tpu.memory_space<hbm>>
        tpu.enqueue_dma source(%dma_start3A_227 : memref<128xi32, #tpu.memory_space<hbm>>) target(%dma_start3A_226 : memref<128xi32, #tpu.memory_space<vmem>>) target_semaphore(%arg11 : memref<!tpu.dma_semaphore, #tpu.memory_space<semaphore_mem>>)
      } else {
      }
      %scan3A_174 = arith.constant 0 : i32
      %scan3A_175 = arith.constant 0 : i32
      %scan3A_176 = arith.constant 128 : i32
      %scan3A_177 = arith.addi %scan3A_175, %scan3A_176 : i32
      %scan3A_178 = arith.constant 1 : i32
      scf.for %scan3A_205 = %scan3A_175 to %scan3A_177 step %scan3A_178  : i32 {
        %get3A = arith.constant 0 : i32
        %get3A_206 = arith.index_cast %get3A : i32 to index
        %get3A_207 = arith.index_cast %scan3A_205 : i32 to index
        %get3A_208 = arith.constant 0 : index
        %get3A_209 = tpu.vector_load %arg9[%get3A_206, %get3A_207, %get3A_208] {strides = array<i32>} : memref<2x128x128xf32, #tpu.memory_space<vmem>>, vector<1x1x16xf32>,
        %get3A_210 = vector.shape_cast %get3A_209 : vector<1x1x16xf32> to vector<16xf32>
        %get3A_211 = arith.constant 0 : i32
        %get3A_212 = arith.index_cast %get3A_211 : i32 to index
        %get3A_213 = arith.index_cast %scan3A_205 : i32 to index
        %get3A_214 = arith.constant 0 : index
        %get3A_215 = tpu.vector_load %arg10[%get3A_212, %get3A_213, %get3A_214] {strides = array<i32>} : memref<2x128x128xf32, #tpu.memory_space<vmem>>, vector<1x1x16xf32>,
        %get3A_216 = vector.shape_cast %get3A_215 : vector<1x1x16xf32> to vector<16xf32>
        %add3A_217 = arith.addf %get3A_210, %get3A_216 : vector<16xf32>
        %swap3A = arith.constant 0 : i32
        %swap3A_218 = arith.index_cast %swap3A : i32 to index
        %swap3A_219 = arith.index_cast %scan3A_205 : i32 to index
        %swap3A_220 = arith.constant 0 : index
        %swap3A_221 = tpu.vector_load %arg9[%swap3A_218, %swap3A_219, %swap3A_220] {strides = array<i32>} : memref<2x128x128xf32, #tpu.memory_space<vmem>>, vector<1x1x16xf32>,
        %swap3A_222 = vector.shape_cast %swap3A_221 : vector<1x1x16xf32> to vector<16xf32>
        %swap3A_223 = vector.shape_cast %add3A_217 : vector<16xf32> to vector<1x1x16xf32>
        tpu.vector_store %arg9[%swap3A_218, %swap3A_219, %swap3A_220], %swap3A_223 {strides = array<i32>} : memref<2x128x128xf32, #tpu.memory_space<vmem>>, vector<1x1x16xf32>,
        %get3A_224 = arith.constant 0 : i32
        %get3A_225 = arith.index_cast %get3A_224 : i32 to index
        %get3A_226 = arith.index_cast %scan3A_205 : i32 to index
        %get3A_227 = arith.constant 16 : index
        %get3A_228 = tpu.vector_load %arg9[%get3A_225, %get3A_226, %get3A_227] {strides = array<i32>} : memref<2x128x128xf32, #tpu.memory_space<vmem>>, vector<1x1x16xf32>,
        %get3A_229 = vector.shape_cast %get3A_228 : vector<1x1x16xf32> to vector<16xf32>
        %get3A_230 = arith.constant 0 : i32
        %get3A_231 = arith.index_cast %get3A_230 : i32 to index
        %get3A_232 = arith.index_cast %scan3A_205 : i32 to index
        %get3A_233 = arith.constant 16 : index
        %get3A_234 = tpu.vector_load %arg10[%get3A_231, %get3A_232, %get3A_233] {strides = array<i32>} : memref<2x128x128xf32, #tpu.memory_space<vmem>>, vector<1x1x16xf32>,
        %get3A_235 = vector.shape_cast %get3A_234 : vector<1x1x16xf32> to vector<16xf32>
        %add3A_236 = arith.addf %get3A_229, %get3A_235 : vector<16xf32>
        %swap3A_237 = arith.constant 0 : i32
        %swap3A_238 = arith.index_cast %swap3A_237 : i32 to index
        %swap3A_239 = arith.index_cast %scan3A_205 : i32 to index
        %swap3A_240 = arith.constant 16 : index
        %swap3A_241 = tpu.vector_load %arg9[%swap3A_238, %swap3A_239, %swap3A_240] {strides = array<i32>} : memref<2x128x128xf32, #tpu.memory_space<vmem>>, vector<1x1x16xf32>,
        %swap3A_242 = vector.shape_cast %swap3A_241 : vector<1x1x16xf32> to vector<16xf32>
        %swap3A_243 = vector.shape_cast %add3A_236 : vector<16xf32> to vector<1x1x16xf32>
        tpu.vector_store %arg9[%swap3A_238, %swap3A_239, %swap3A_240], %swap3A_243 {strides = array<i32>} : memref<2x128x128xf32, #tpu.memory_space<vmem>>, vector<1x1x16xf32>,
        %get3A_244 = arith.constant 0 : i32
        %get3A_245 = arith.index_cast %get3A_244 : i32 to index
        %get3A_246 = arith.index_cast %scan3A_205 : i32 to index
        %get3A_247 = arith.constant 32 : index
        %get3A_248 = tpu.vector_load %arg9[%get3A_245, %get3A_246, %get3A_247] {strides = array<i32>} : memref<2x128x128xf32, #tpu.memory_space<vmem>>, vector<1x1x16xf32>,
        %get3A_249 = vector.shape_cast %get3A_248 : vector<1x1x16xf32> to vector<16xf32>
        %get3A_250 = arith.constant 0 : i32
        %get3A_251 = arith.index_cast %get3A_250 : i32 to index
        %get3A_252 = arith.index_cast %scan3A_205 : i32 to index
        %get3A_253 = arith.constant 32 : index
        %get3A_254 = tpu.vector_load %arg10[%get3A_251, %get3A_252, %get3A_253] {strides = array<i32>} : memref<2x128x128xf32, #tpu.memory_space<vmem>>, vector<1x1x16xf32>,
        %get3A_255 = vector.shape_cast %get3A_254 : vector<1x1x16xf32> to vector<16xf32>
        %add3A_256 = arith.addf %get3A_249, %get3A_255 : vector<16xf32>
        %swap3A_257 = arith.constant 0 : i32
        %swap3A_258 = arith.index_cast %swap3A_257 : i32 to index
        %swap3A_259 = arith.index_cast %scan3A_205 : i32 to index
        %swap3A_260 = arith.constant 32 : index
        %swap3A_261 = tpu.vector_load %arg9[%swap3A_258, %swap3A_259, %swap3A_260] {strides = array<i32>} : memref<2x128x128xf32, #tpu.memory_space<vmem>>, vector<1x1x16xf32>,
        %swap3A_262 = vector.shape_cast %swap3A_261 : vector<1x1x16xf32> to vector<16xf32>
        %swap3A_263 = vector.shape_cast %add3A_256 : vector<16xf32> to vector<1x1x16xf32>
        tpu.vector_store %arg9[%swap3A_258, %swap3A_259, %swap3A_260], %swap3A_263 {strides = array<i32>} : memref<2x128x128xf32, #tpu.memory_space<vmem>>, vector<1x1x16xf32>,
        %get3A_264 = arith.constant 0 : i32
        %get3A_265 = arith.index_cast %get3A_264 : i32 to index
        %get3A_266 = arith.index_cast %scan3A_205 : i32 to index
        %get3A_267 = arith.constant 48 : index
        %get3A_268 = tpu.vector_load %arg9[%get3A_265, %get3A_266, %get3A_267] {strides = array<i32>} : memref<2x128x128xf32, #tpu.memory_space<vmem>>, vector<1x1x16xf32>,
        %get3A_269 = vector.shape_cast %get3A_268 : vector<1x1x16xf32> to vector<16xf32>
        %get3A_270 = arith.constant 0 : i32
        %get3A_271 = arith.index_cast %get3A_270 : i32 to index
        %get3A_272 = arith.index_cast %scan3A_205 : i32 to index
        %get3A_273 = arith.constant 48 : index
        %get3A_274 = tpu.vector_load %arg10[%get3A_271, %get3A_272, %get3A_273] {strides = array<i32>} : memref<2x128x128xf32, #tpu.memory_space<vmem>>, vector<1x1x16xf32>,
        %get3A_275 = vector.shape_cast %get3A_274 : vector<1x1x16xf32> to vector<16xf32>
        %add3A_276 = arith.addf %get3A_269, %get3A_275 : vector<16xf32>
        %swap3A_277 = arith.constant 0 : i32
        %swap3A_278 = arith.index_cast %swap3A_277 : i32 to index
        %swap3A_279 = arith.index_cast %scan3A_205 : i32 to index
        %swap3A_280 = arith.constant 48 : index
        %swap3A_281 = tpu.vector_load %arg9[%swap3A_278, %swap3A_279, %swap3A_280] {strides = array<i32>} : memref<2x128x128xf32, #tpu.memory_space<vmem>>, vector<1x1x16xf32>,
        %swap3A_282 = vector.shape_cast %swap3A_281 : vector<1x1x16xf32> to vector<16xf32>
        %swap3A_283 = vector.shape_cast %add3A_276 : vector<16xf32> to vector<1x1x16xf32>
        tpu.vector_store %arg9[%swap3A_278, %swap3A_279, %swap3A_280], %swap3A_283 {strides = array<i32>} : memref<2x128x128xf32, #tpu.memory_space<vmem>>, vector<1x1x16xf32>,
        %get3A_284 = arith.constant 0 : i32
        %get3A_285 = arith.index_cast %get3A_284 : i32 to index
        %get3A_286 = arith.index_cast %scan3A_205 : i32 to index
        %get3A_287 = arith.constant 64 : index
        %get3A_288 = tpu.vector_load %arg9[%get3A_285, %get3A_286, %get3A_287] {strides = array<i32>} : memref<2x128x128xf32, #tpu.memory_space<vmem>>, vector<1x1x16xf32>,
        %get3A_289 = vector.shape_cast %get3A_288 : vector<1x1x16xf32> to vector<16xf32>
        %get3A_290 = arith.constant 0 : i32
        %get3A_291 = arith.index_cast %get3A_290 : i32 to index
        %get3A_292 = arith.index_cast %scan3A_205 : i32 to index
        %get3A_293 = arith.constant 64 : index
        %get3A_294 = tpu.vector_load %arg10[%get3A_291, %get3A_292, %get3A_293] {strides = array<i32>} : memref<2x128x128xf32, #tpu.memory_space<vmem>>, vector<1x1x16xf32>,
        %get3A_295 = vector.shape_cast %get3A_294 : vector<1x1x16xf32> to vector<16xf32>
        %add3A_296 = arith.addf %get3A_289, %get3A_295 : vector<16xf32>
        %swap3A_297 = arith.constant 0 : i32
        %swap3A_298 = arith.index_cast %swap3A_297 : i32 to index
        %swap3A_299 = arith.index_cast %scan3A_205 : i32 to index
        %swap3A_300 = arith.constant 64 : index
        %swap3A_301 = tpu.vector_load %arg9[%swap3A_298, %swap3A_299, %swap3A_300] {strides = array<i32>} : memref<2x128x128xf32, #tpu.memory_space<vmem>>, vector<1x1x16xf32>,
        %swap3A_302 = vector.shape_cast %swap3A_301 : vector<1x1x16xf32> to vector<16xf32>
        %swap3A_303 = vector.shape_cast %add3A_296 : vector<16xf32> to vector<1x1x16xf32>
        tpu.vector_store %arg9[%swap3A_298, %swap3A_299, %swap3A_300], %swap3A_303 {strides = array<i32>} : memref<2x128x128xf32, #tpu.memory_space<vmem>>, vector<1x1x16xf32>,
        %get3A_304 = arith.constant 0 : i32
        %get3A_305 = arith.index_cast %get3A_304 : i32 to index
        %get3A_306 = arith.index_cast %scan3A_205 : i32 to index
        %get3A_307 = arith.constant 80 : index
        %get3A_308 = tpu.vector_load %arg9[%get3A_305, %get3A_306, %get3A_307] {strides = array<i32>} : memref<2x128x128xf32, #tpu.memory_space<vmem>>, vector<1x1x16xf32>,
        %get3A_309 = vector.shape_cast %get3A_308 : vector<1x1x16xf32> to vector<16xf32>
        %get3A_310 = arith.constant 0 : i32
        %get3A_311 = arith.index_cast %get3A_310 : i32 to index
        %get3A_312 = arith.index_cast %scan3A_205 : i32 to index
        %get3A_313 = arith.constant 80 : index
        %get3A_314 = tpu.vector_load %arg10[%get3A_311, %get3A_312, %get3A_313] {strides = array<i32>} : memref<2x128x128xf32, #tpu.memory_space<vmem>>, vector<1x1x16xf32>,
        %get3A_315 = vector.shape_cast %get3A_314 : vector<1x1x16xf32> to vector<16xf32>
        %add3A_316 = arith.addf %get3A_309, %get3A_315 : vector<16xf32>
        %swap3A_317 = arith.constant 0 : i32
        %swap3A_318 = arith.index_cast %swap3A_317 : i32 to index
        %swap3A_319 = arith.index_cast %scan3A_205 : i32 to index
        %swap3A_320 = arith.constant 80 : index
        %swap3A_321 = tpu.vector_load %arg9[%swap3A_318, %swap3A_319, %swap3A_320] {strides = array<i32>} : memref<2x128x128xf32, #tpu.memory_space<vmem>>, vector<1x1x16xf32>,
        %swap3A_322 = vector.shape_cast %swap3A_321 : vector<1x1x16xf32> to vector<16xf32>
        %swap3A_323 = vector.shape_cast %add3A_316 : vector<16xf32> to vector<1x1x16xf32>
        tpu.vector_store %arg9[%swap3A_318, %swap3A_319, %swap3A_320], %swap3A_323 {strides = array<i32>} : memref<2x128x128xf32, #tpu.memory_space<vmem>>, vector<1x1x16xf32>,
        %get3A_324 = arith.constant 0 : i32
        %get3A_325 = arith.index_cast %get3A_324 : i32 to index
        %get3A_326 = arith.index_cast %scan3A_205 : i32 to index
        %get3A_327 = arith.constant 96 : index
        %get3A_328 = tpu.vector_load %arg9[%get3A_325, %get3A_326, %get3A_327] {strides = array<i32>} : memref<2x128x128xf32, #tpu.memory_space<vmem>>, vector<1x1x16xf32>,
        %get3A_329 = vector.shape_cast %get3A_328 : vector<1x1x16xf32> to vector<16xf32>
        %get3A_330 = arith.constant 0 : i32
        %get3A_331 = arith.index_cast %get3A_330 : i32 to index
        %get3A_332 = arith.index_cast %scan3A_205 : i32 to index
        %get3A_333 = arith.constant 96 : index
        %get3A_334 = tpu.vector_load %arg10[%get3A_331, %get3A_332, %get3A_333] {strides = array<i32>} : memref<2x128x128xf32, #tpu.memory_space<vmem>>, vector<1x1x16xf32>,
        %get3A_335 = vector.shape_cast %get3A_334 : vector<1x1x16xf32> to vector<16xf32>
        %add3A_336 = arith.addf %get3A_329, %get3A_335 : vector<16xf32>
        %swap3A_337 = arith.constant 0 : i32
        %swap3A_338 = arith.index_cast %swap3A_337 : i32 to index
        %swap3A_339 = arith.index_cast %scan3A_205 : i32 to index
        %swap3A_340 = arith.constant 96 : index
        %swap3A_341 = tpu.vector_load %arg9[%swap3A_338, %swap3A_339, %swap3A_340] {strides = array<i32>} : memref<2x128x128xf32, #tpu.memory_space<vmem>>, vector<1x1x16xf32>,
        %swap3A_342 = vector.shape_cast %swap3A_341 : vector<1x1x16xf32> to vector<16xf32>
        %swap3A_343 = vector.shape_cast %add3A_336 : vector<16xf32> to vector<1x1x16xf32>
        tpu.vector_store %arg9[%swap3A_338, %swap3A_339, %swap3A_340], %swap3A_343 {strides = array<i32>} : memref<2x128x128xf32, #tpu.memory_space<vmem>>, vector<1x1x16xf32>,
        %get3A_344 = arith.constant 0 : i32
        %get3A_345 = arith.index_cast %get3A_344 : i32 to index
        %get3A_346 = arith.index_cast %scan3A_205 : i32 to index
        %get3A_347 = arith.constant 112 : index
        %get3A_348 = tpu.vector_load %arg9[%get3A_345, %get3A_346, %get3A_347] {strides = array<i32>} : memref<2x128x128xf32, #tpu.memory_space<vmem>>, vector<1x1x16xf32>,
        %get3A_349 = vector.shape_cast %get3A_348 : vector<1x1x16xf32> to vector<16xf32>
        %get3A_350 = arith.constant 0 : i32
        %get3A_351 = arith.index_cast %get3A_350 : i32 to index
        %get3A_352 = arith.index_cast %scan3A_205 : i32 to index
        %get3A_353 = arith.constant 112 : index
        %get3A_354 = tpu.vector_load %arg10[%get3A_351, %get3A_352, %get3A_353] {strides = array<i32>} : memref<2x128x128xf32, #tpu.memory_space<vmem>>, vector<1x1x16xf32>,
        %get3A_355 = vector.shape_cast %get3A_354 : vector<1x1x16xf32> to vector<16xf32>
        %add3A_356 = arith.addf %get3A_349, %get3A_355 : vector<16xf32>
        %swap3A_357 = arith.constant 0 : i32
        %swap3A_358 = arith.index_cast %swap3A_357 : i32 to index
        %swap3A_359 = arith.index_cast %scan3A_205 : i32 to index
        %swap3A_360 = arith.constant 112 : index
        %swap3A_361 = tpu.vector_load %arg9[%swap3A_358, %swap3A_359, %swap3A_360] {strides = array<i32>} : memref<2x128x128xf32, #tpu.memory_space<vmem>>, vector<1x1x16xf32>,
        %swap3A_362 = vector.shape_cast %swap3A_361 : vector<1x1x16xf32> to vector<16xf32>
        %swap3A_363 = vector.shape_cast %add3A_356 : vector<16xf32> to vector<1x1x16xf32>
        tpu.vector_store %arg9[%swap3A_358, %swap3A_359, %swap3A_360], %swap3A_363 {strides = array<i32>} : memref<2x128x128xf32, #tpu.memory_space<vmem>>, vector<1x1x16xf32>,
      }
      %scan3A_179 = arith.constant 128 : i32
      %mul3A_180 = arith.constant 128 : i32
      %mul3A_181 = arith.muli %mul3A_128, %mul3A_180 : i32
      %add3A_182 = arith.addi %mul3A_4, %mul3A_181 : i32
      %dma_start3A_183 = arith.constant 0 : i32
      %dma_start3A_184 = arith.constant 0 : i32
      %dma_start3A_185 = arith.constant 0 : i32
      %dma_start3A_186 = tpu.memref_slice %arg9[%dma_start3A_183, %dma_start3A_184, %dma_start3A_185] : memref<2x128x128xf32, #tpu.memory_space<vmem>> -> memref<1x128x128xf32, #tpu.memory_space<vmem>>
      %dma_start3A_187 = tpu.memref_squeeze %dma_start3A_186 : memref<1x128x128xf32, #tpu.memory_space<vmem>> -> memref<128x128xf32, #tpu.memory_space<vmem>>
      %dma_start3A_188 = arith.constant 0 : i32
      %dma_start3A_189 = tpu.memref_slice %arg6[%add3A_182, %dma_start3A_188] : memref<160000x128xf32, #tpu.memory_space<hbm>> -> memref<128x128xf32, #tpu.memory_space<hbm>>
      %dma_start3A_190 = arith.constant 0 : i32
      %dma_start3A_191 = tpu.memref_slice %arg6[%add3A_182, %dma_start3A_190] : memref<160000x128xf32, #tpu.memory_space<hbm>> -> memref<128x128xf32, #tpu.memory_space<hbm>>
      %dma_start3A_192 = arith.constant 0 : i32
      %dma_start3A_193 = arith.constant 0 : i32
      %dma_start3A_194 = tpu.memref_slice %arg9[%dma_start3A_183, %dma_start3A_192, %dma_start3A_193] : memref<2x128x128xf32, #tpu.memory_space<vmem>> -> memref<1x128x128xf32, #tpu.memory_space<vmem>>
      %dma_start3A_195 = tpu.memref_squeeze %dma_start3A_194 : memref<1x128x128xf32, #tpu.memory_space<vmem>> -> memref<128x128xf32, #tpu.memory_space<vmem>>
      tpu.enqueue_dma source(%dma_start3A_195 : memref<128x128xf32, #tpu.memory_space<vmem>>) target(%dma_start3A_191 : memref<128x128xf32, #tpu.memory_space<hbm>>) target_semaphore(%arg15 : memref<!tpu.dma_semaphore, #tpu.memory_space<semaphore_mem>>)
      %mul3A_196 = arith.constant 2 : i32
      %mul3A_197 = arith.muli %mul3A_196, %scan3A_126 : i32
      %add3A_198 = arith.constant 1 : i32
      %add3A_199 = arith.addi %mul3A_197, %add3A_198 : i32
      %lt3A_200 = arith.constant 39 : i32
      %lt3A_201 = arith.cmpi slt, %add3A_199, %lt3A_200 : i32
      %convert_element_type3A_202 = arith.extui %lt3A_201 : i1 to i32
      %cond3A_203 = arith.constant 0 : i32
      %cond3A_204 = arith.cmpi ne, %convert_element_type3A_202, %cond3A_203 : i32
      scf.if %cond3A_204 {
        %add3A_205 = arith.constant 1 : i32
        %add3A_206 = arith.addi %add3A_199, %add3A_205 : i32
        %lt3A_207 = arith.constant 39 : i32
        %lt3A_208 = arith.cmpi slt, %add3A_206, %lt3A_207 : i32
        %ge3A_209 = arith.constant 1 : i32
        %ge3A_210 = arith.cmpi sge, %add3A_199, %ge3A_209 : i32
        %add3A_211 = arith.constant 2 : i32
        %add3A_212 = arith.addi %add3A_199, %add3A_211 : i32
        %lt3A_213 = arith.constant 39 : i32
        %lt3A_214 = arith.cmpi slt, %add3A_212, %lt3A_213 : i32
        %convert_element_type3A_215 = arith.extui %lt3A_208 : i1 to i32
        %cond3A_216 = arith.constant 0 : i32
        %cond3A_217 = arith.cmpi ne, %convert_element_type3A_215, %cond3A_216 : i32
        scf.if %cond3A_217 {
          %dma_wait3A_273 = arith.constant 0 : i32
          %dma_wait3A_274 = arith.constant 0 : i32
          %dma_wait3A_275 = tpu.memref_slice %arg7[%dma_wait3A_273, %dma_wait3A_274] : memref<2x128xi32, #tpu.memory_space<vmem>> -> memref<1x128xi32, #tpu.memory_space<vmem>>
          %dma_wait3A_276 = tpu.memref_squeeze %dma_wait3A_275 : memref<1x128xi32, #tpu.memory_space<vmem>> -> memref<128xi32, #tpu.memory_space<vmem>>
          %dma_wait3A_277 = arith.constant 0 : i32
          %dma_wait3A_278 = tpu.memref_slice %arg4[%dma_wait3A_277] : memref<160000xi32, #tpu.memory_space<hbm>> -> memref<128xi32, #tpu.memory_space<hbm>>
          %dma_wait3A_279 = arith.constant 0 : i32
          %dma_wait3A_280 = tpu.memref_slice %arg7[%dma_wait3A_273, %dma_wait3A_279] : memref<2x128xi32, #tpu.memory_space<vmem>> -> memref<1x128xi32, #tpu.memory_space<vmem>>
          %dma_wait3A_281 = tpu.memref_squeeze %dma_wait3A_280 : memref<1x128xi32, #tpu.memory_space<vmem>> -> memref<128xi32, #tpu.memory_space<vmem>>
          %dma_wait3A_282 = arith.constant 0 : i32
          %dma_wait3A_283 = tpu.memref_slice %arg4[%dma_wait3A_282] : memref<160000xi32, #tpu.memory_space<hbm>> -> memref<128xi32, #tpu.memory_space<hbm>>
          tpu.wait_dma2 semaphore(%arg11 : memref<!tpu.dma_semaphore, #tpu.memory_space<semaphore_mem>>) src(%dma_wait3A_283 : memref<128xi32, #tpu.memory_space<hbm>>) dst(%dma_wait3A_281 : memref<128xi32, #tpu.memory_space<vmem>>)
          %dma_wait3A_284 = arith.constant 0 : i32
          %dma_wait3A_285 = arith.constant 0 : i32
          %dma_wait3A_286 = tpu.memref_slice %arg8[%dma_wait3A_284, %dma_wait3A_285] : memref<2x128xi32, #tpu.memory_space<vmem>> -> memref<1x128xi32, #tpu.memory_space<vmem>>
          %dma_wait3A_287 = tpu.memref_squeeze %dma_wait3A_286 : memref<1x128xi32, #tpu.memory_space<vmem>> -> memref<128xi32, #tpu.memory_space<vmem>>
          %dma_wait3A_288 = arith.constant 0 : i32
          %dma_wait3A_289 = tpu.memref_slice %arg5[%dma_wait3A_288] : memref<160000xi32, #tpu.memory_space<hbm>> -> memref<128xi32, #tpu.memory_space<hbm>>
          %dma_wait3A_290 = arith.constant 0 : i32
          %dma_wait3A_291 = tpu.memref_slice %arg8[%dma_wait3A_284, %dma_wait3A_290] : memref<2x128xi32, #tpu.memory_space<vmem>> -> memref<1x128xi32, #tpu.memory_space<vmem>>
          %dma_wait3A_292 = tpu.memref_squeeze %dma_wait3A_291 : memref<1x128xi32, #tpu.memory_space<vmem>> -> memref<128xi32, #tpu.memory_space<vmem>>
          %dma_wait3A_293 = arith.constant 0 : i32
          %dma_wait3A_294 = tpu.memref_slice %arg5[%dma_wait3A_293] : memref<160000xi32, #tpu.memory_space<hbm>> -> memref<128xi32, #tpu.memory_space<hbm>>
          tpu.wait_dma2 semaphore(%arg11 : memref<!tpu.dma_semaphore, #tpu.memory_space<semaphore_mem>>) src(%dma_wait3A_294 : memref<128xi32, #tpu.memory_space<hbm>>) dst(%dma_wait3A_292 : memref<128xi32, #tpu.memory_space<vmem>>)
          %convert_element_type3A_295 = arith.extui %ge3A_210 : i1 to i32
          %cond3A_296 = arith.constant 0 : i32
          %cond3A_297 = arith.cmpi ne, %convert_element_type3A_295, %cond3A_296 : i32
          scf.if %cond3A_297 {
            %dma_wait3A_322 = arith.constant 0 : i32
            %dma_wait3A_323 = arith.constant 0 : i32
            %dma_wait3A_324 = arith.constant 0 : i32
            %dma_wait3A_325 = tpu.memref_slice %arg9[%dma_wait3A_322, %dma_wait3A_323, %dma_wait3A_324] : memref<2x128x128xf32, #tpu.memory_space<vmem>> -> memref<1x128x128xf32, #tpu.memory_space<vmem>>
            %dma_wait3A_326 = tpu.memref_squeeze %dma_wait3A_325 : memref<1x128x128xf32, #tpu.memory_space<vmem>> -> memref<128x128xf32, #tpu.memory_space<vmem>>
            %dma_wait3A_327 = arith.constant 0 : i32
            %dma_wait3A_328 = arith.constant 0 : i32
            %dma_wait3A_329 = tpu.memref_slice %arg6[%dma_wait3A_327, %dma_wait3A_328] : memref<160000x128xf32, #tpu.memory_space<hbm>> -> memref<128x128xf32, #tpu.memory_space<hbm>>
            %dma_wait3A_330 = arith.constant 0 : i32
            %dma_wait3A_331 = arith.constant 0 : i32
            %dma_wait3A_332 = tpu.memref_slice %arg6[%dma_wait3A_330, %dma_wait3A_331] : memref<160000x128xf32, #tpu.memory_space<hbm>> -> memref<128x128xf32, #tpu.memory_space<hbm>>
            %dma_wait3A_333 = arith.constant 0 : i32
            %dma_wait3A_334 = arith.constant 0 : i32
            %dma_wait3A_335 = tpu.memref_slice %arg9[%dma_wait3A_322, %dma_wait3A_333, %dma_wait3A_334] : memref<2x128x128xf32, #tpu.memory_space<vmem>> -> memref<1x128x128xf32, #tpu.memory_space<vmem>>
            %dma_wait3A_336 = tpu.memref_squeeze %dma_wait3A_335 : memref<1x128x128xf32, #tpu.memory_space<vmem>> -> memref<128x128xf32, #tpu.memory_space<vmem>>
            tpu.wait_dma2 semaphore(%arg15 : memref<!tpu.dma_semaphore, #tpu.memory_space<semaphore_mem>>) src(%dma_wait3A_336 : memref<128x128xf32, #tpu.memory_space<vmem>>) dst(%dma_wait3A_332 : memref<128x128xf32, #tpu.memory_space<hbm>>)
          } else {
          }
          %dma_start3A_298 = arith.constant 0 : i32
          %dma_start3A_299 = arith.constant 0 : i32
          %dma_start3A_300 = arith.constant 0 : i32
          %dma_start3A_301 = arith.constant 0 : i32
          %dma_start3A_302 = tpu.memref_slice %arg9[%dma_start3A_299, %dma_start3A_300, %dma_start3A_301] : memref<2x128x128xf32, #tpu.memory_space<vmem>> -> memref<1x128x128xf32, #tpu.memory_space<vmem>>
          %dma_start3A_303 = tpu.memref_squeeze %dma_start3A_302 : memref<1x128x128xf32, #tpu.memory_space<vmem>> -> memref<128x128xf32, #tpu.memory_space<vmem>>
          %dma_start3A_304 = arith.constant 0 : i32
          %dma_start3A_305 = tpu.memref_slice %arg7[%dma_start3A_298, %dma_start3A_304] : memref<2x128xi32, #tpu.memory_space<vmem>> -> memref<1x128xi32, #tpu.memory_space<vmem>>
          %dma_start3A_306 = tpu.memref_squeeze %dma_start3A_305 : memref<1x128xi32, #tpu.memory_space<vmem>> -> memref<128xi32, #tpu.memory_space<vmem>>
          %dma_start3A_307 = arith.constant 0 : i32
          %dma_start3A_308 = arith.constant 0 : i32
          %dma_start3A_309 = tpu.memref_slice %arg2[%dma_start3A_307, %dma_start3A_308] : memref<10000x128xf32, #tpu.memory_space<hbm>> -> memref<10000x128xf32, #tpu.memory_space<hbm>>
          tpu.enqueue_indirect_dma source(%dma_start3A_309 : memref<10000x128xf32, #tpu.memory_space<hbm>>) target(%dma_start3A_303 : memref<128x128xf32, #tpu.memory_space<vmem>>) offsets(%dma_start3A_306 : memref<128xi32, #tpu.memory_space<vmem>>) semaphore(%arg13 : memref<!tpu.dma_semaphore, #tpu.memory_space<semaphore_mem>>)
          %dma_start3A_310 = arith.constant 0 : i32
          %dma_start3A_311 = arith.constant 0 : i32
          %dma_start3A_312 = arith.constant 0 : i32
          %dma_start3A_313 = arith.constant 0 : i32
          %dma_start3A_314 = tpu.memref_slice %arg10[%dma_start3A_311, %dma_start3A_312, %dma_start3A_313] : memref<2x128x128xf32, #tpu.memory_space<vmem>> -> memref<1x128x128xf32, #tpu.memory_space<vmem>>
          %dma_start3A_315 = tpu.memref_squeeze %dma_start3A_314 : memref<1x128x128xf32, #tpu.memory_space<vmem>> -> memref<128x128xf32, #tpu.memory_space<vmem>>
          %dma_start3A_316 = arith.constant 0 : i32
          %dma_start3A_317 = tpu.memref_slice %arg8[%dma_start3A_310, %dma_start3A_316] : memref<2x128xi32, #tpu.memory_space<vmem>> -> memref<1x128xi32, #tpu.memory_space<vmem>>
          %dma_start3A_318 = tpu.memref_squeeze %dma_start3A_317 : memref<1x128xi32, #tpu.memory_space<vmem>> -> memref<128xi32, #tpu.memory_space<vmem>>
          %dma_start3A_319 = arith.constant 0 : i32
          %dma_start3A_320 = arith.constant 0 : i32
          %dma_start3A_321 = tpu.memref_slice %arg3[%dma_start3A_319, %dma_start3A_320] : memref<10000x128xf32, #tpu.memory_space<hbm>> -> memref<10000x128xf32, #tpu.memory_space<hbm>>
          tpu.enqueue_indirect_dma source(%dma_start3A_321 : memref<10000x128xf32, #tpu.memory_space<hbm>>) target(%dma_start3A_315 : memref<128x128xf32, #tpu.memory_space<vmem>>) offsets(%dma_start3A_318 : memref<128xi32, #tpu.memory_space<vmem>>) semaphore(%arg13 : memref<!tpu.dma_semaphore, #tpu.memory_space<semaphore_mem>>)
        } else {
        }
        %dma_wait3A_218 = arith.constant 1 : i32
        %dma_wait3A_219 = arith.constant 0 : i32
        %dma_wait3A_220 = arith.constant 0 : i32
        %dma_wait3A_221 = tpu.memref_slice %arg9[%dma_wait3A_218, %dma_wait3A_219, %dma_wait3A_220] : memref<2x128x128xf32, #tpu.memory_space<vmem>> -> memref<1x128x128xf32, #tpu.memory_space<vmem>>
        %dma_wait3A_222 = tpu.memref_squeeze %dma_wait3A_221 : memref<1x128x128xf32, #tpu.memory_space<vmem>> -> memref<128x128xf32, #tpu.memory_space<vmem>>
        %dma_wait3A_223 = arith.constant 0 : i32
        %dma_wait3A_224 = arith.constant 0 : i32
        %dma_wait3A_225 = tpu.memref_slice %arg2[%dma_wait3A_223, %dma_wait3A_224] : memref<10000x128xf32, #tpu.memory_space<hbm>> -> memref<128x128xf32, #tpu.memory_space<hbm>>
        %dma_wait3A_226 = arith.constant 0 : i32
        %dma_wait3A_227 = arith.constant 0 : i32
        %dma_wait3A_228 = tpu.memref_slice %arg9[%dma_wait3A_218, %dma_wait3A_226, %dma_wait3A_227] : memref<2x128x128xf32, #tpu.memory_space<vmem>> -> memref<1x128x128xf32, #tpu.memory_space<vmem>>
        %dma_wait3A_229 = tpu.memref_squeeze %dma_wait3A_228 : memref<1x128x128xf32, #tpu.memory_space<vmem>> -> memref<128x128xf32, #tpu.memory_space<vmem>>
        %dma_wait3A_230 = arith.constant 0 : i32
        %dma_wait3A_231 = arith.constant 0 : i32
        %dma_wait3A_232 = tpu.memref_slice %arg2[%dma_wait3A_230, %dma_wait3A_231] : memref<10000x128xf32, #tpu.memory_space<hbm>> -> memref<128x128xf32, #tpu.memory_space<hbm>>
        tpu.wait_dma2 semaphore(%arg14 : memref<!tpu.dma_semaphore, #tpu.memory_space<semaphore_mem>>) src(%dma_wait3A_232 : memref<128x128xf32, #tpu.memory_space<hbm>>) dst(%dma_wait3A_229 : memref<128x128xf32, #tpu.memory_space<vmem>>)
        %dma_wait3A_233 = arith.constant 1 : i32
        %dma_wait3A_234 = arith.constant 0 : i32
        %dma_wait3A_235 = arith.constant 0 : i32
        %dma_wait3A_236 = tpu.memref_slice %arg10[%dma_wait3A_233, %dma_wait3A_234, %dma_wait3A_235] : memref<2x128x128xf32, #tpu.memory_space<vmem>> -> memref<1x128x128xf32, #tpu.memory_space<vmem>>
        %dma_wait3A_237 = tpu.memref_squeeze %dma_wait3A_236 : memref<1x128x128xf32, #tpu.memory_space<vmem>> -> memref<128x128xf32, #tpu.memory_space<vmem>>
        %dma_wait3A_238 = arith.constant 0 : i32
        %dma_wait3A_239 = arith.constant 0 : i32
        %dma_wait3A_240 = tpu.memref_slice %arg3[%dma_wait3A_238, %dma_wait3A_239] : memref<10000x128xf32, #tpu.memory_space<hbm>> -> memref<128x128xf32, #tpu.memory_space<hbm>>
        %dma_wait3A_241 = arith.constant 0 : i32
        %dma_wait3A_242 = arith.constant 0 : i32
        %dma_wait3A_243 = tpu.memref_slice %arg10[%dma_wait3A_233, %dma_wait3A_241, %dma_wait3A_242] : memref<2x128x128xf32, #tpu.memory_space<vmem>> -> memref<1x128x128xf32, #tpu.memory_space<vmem>>
        %dma_wait3A_244 = tpu.memref_squeeze %dma_wait3A_243 : memref<1x128x128xf32, #tpu.memory_space<vmem>> -> memref<128x128xf32, #tpu.memory_space<vmem>>
        %dma_wait3A_245 = arith.constant 0 : i32
        %dma_wait3A_246 = arith.constant 0 : i32
        %dma_wait3A_247 = tpu.memref_slice %arg3[%dma_wait3A_245, %dma_wait3A_246] : memref<10000x128xf32, #tpu.memory_space<hbm>> -> memref<128x128xf32, #tpu.memory_space<hbm>>
        tpu.wait_dma2 semaphore(%arg14 : memref<!tpu.dma_semaphore, #tpu.memory_space<semaphore_mem>>) src(%dma_wait3A_247 : memref<128x128xf32, #tpu.memory_space<hbm>>) dst(%dma_wait3A_244 : memref<128x128xf32, #tpu.memory_space<vmem>>)
        %convert_element_type3A_248 = arith.extui %lt3A_214 : i1 to i32
        %cond3A_249 = arith.constant 0 : i32
        %cond3A_250 = arith.cmpi ne, %convert_element_type3A_248, %cond3A_249 : i32
        scf.if %cond3A_250 {
          %add3A_273 = arith.constant 2 : i32
          %add3A_274 = arith.addi %add3A_199, %add3A_273 : i32
          %mul3A_275 = arith.constant 128 : i32
          %mul3A_276 = arith.muli %add3A_274, %mul3A_275 : i32
          %add3A_277 = arith.addi %mul3A_4, %mul3A_276 : i32
          %dma_start3A_278 = arith.constant 1 : i32
          %dma_start3A_279 = arith.constant 0 : i32
          %dma_start3A_280 = tpu.memref_slice %arg7[%dma_start3A_278, %dma_start3A_279] : memref<2x128xi32, #tpu.memory_space<vmem>> -> memref<1x128xi32, #tpu.memory_space<vmem>>
          %dma_start3A_281 = tpu.memref_squeeze %dma_start3A_280 : memref<1x128xi32, #tpu.memory_space<vmem>> -> memref<128xi32, #tpu.memory_space<vmem>>
          %dma_start3A_282 = tpu.memref_slice %arg4[%add3A_277] : memref<160000xi32, #tpu.memory_space<hbm>> -> memref<128xi32, #tpu.memory_space<hbm>>
          %dma_start3A_283 = arith.constant 0 : i32
          %dma_start3A_284 = tpu.memref_slice %arg7[%dma_start3A_278, %dma_start3A_283] : memref<2x128xi32, #tpu.memory_space<vmem>> -> memref<1x128xi32, #tpu.memory_space<vmem>>
          %dma_start3A_285 = tpu.memref_squeeze %dma_start3A_284 : memref<1x128xi32, #tpu.memory_space<vmem>> -> memref<128xi32, #tpu.memory_space<vmem>>
          %dma_start3A_286 = tpu.memref_slice %arg4[%add3A_277] : memref<160000xi32, #tpu.memory_space<hbm>> -> memref<128xi32, #tpu.memory_space<hbm>>
          tpu.enqueue_dma source(%dma_start3A_286 : memref<128xi32, #tpu.memory_space<hbm>>) target(%dma_start3A_285 : memref<128xi32, #tpu.memory_space<vmem>>) target_semaphore(%arg12 : memref<!tpu.dma_semaphore, #tpu.memory_space<semaphore_mem>>)
          %dma_start3A_287 = arith.constant 1 : i32
          %dma_start3A_288 = arith.constant 0 : i32
          %dma_start3A_289 = tpu.memref_slice %arg8[%dma_start3A_287, %dma_start3A_288] : memref<2x128xi32, #tpu.memory_space<vmem>> -> memref<1x128xi32, #tpu.memory_space<vmem>>
          %dma_start3A_290 = tpu.memref_squeeze %dma_start3A_289 : memref<1x128xi32, #tpu.memory_space<vmem>> -> memref<128xi32, #tpu.memory_space<vmem>>
          %dma_start3A_291 = tpu.memref_slice %arg5[%add3A_277] : memref<160000xi32, #tpu.memory_space<hbm>> -> memref<128xi32, #tpu.memory_space<hbm>>
          %dma_start3A_292 = arith.constant 0 : i32
          %dma_start3A_293 = tpu.memref_slice %arg8[%dma_start3A_287, %dma_start3A_292] : memref<2x128xi32, #tpu.memory_space<vmem>> -> memref<1x128xi32, #tpu.memory_space<vmem>>
          %dma_start3A_294 = tpu.memref_squeeze %dma_start3A_293 : memref<1x128xi32, #tpu.memory_space<vmem>> -> memref<128xi32, #tpu.memory_space<vmem>>
          %dma_start3A_295 = tpu.memref_slice %arg5[%add3A_277] : memref<160000xi32, #tpu.memory_space<hbm>> -> memref<128xi32, #tpu.memory_space<hbm>>
          tpu.enqueue_dma source(%dma_start3A_295 : memref<128xi32, #tpu.memory_space<hbm>>) target(%dma_start3A_294 : memref<128xi32, #tpu.memory_space<vmem>>) target_semaphore(%arg12 : memref<!tpu.dma_semaphore, #tpu.memory_space<semaphore_mem>>)
        } else {
        }
        %scan3A_251 = arith.constant 0 : i32
        %scan3A_252 = arith.constant 0 : i32
        %scan3A_253 = arith.constant 128 : i32
        %scan3A_254 = arith.addi %scan3A_252, %scan3A_253 : i32
        %scan3A_255 = arith.constant 1 : i32
        scf.for %scan3A_273 = %scan3A_252 to %scan3A_254 step %scan3A_255  : i32 {
          %get3A = arith.constant 1 : i32
          %get3A_274 = arith.index_cast %get3A : i32 to index
          %get3A_275 = arith.index_cast %scan3A_273 : i32 to index
          %get3A_276 = arith.constant 0 : index
          %get3A_277 = tpu.vector_load %arg9[%get3A_274, %get3A_275, %get3A_276] {strides = array<i32>} : memref<2x128x128xf32, #tpu.memory_space<vmem>>, vector<1x1x16xf32>,
          %get3A_278 = vector.shape_cast %get3A_277 : vector<1x1x16xf32> to vector<16xf32>
          %get3A_279 = arith.constant 1 : i32
          %get3A_280 = arith.index_cast %get3A_279 : i32 to index
          %get3A_281 = arith.index_cast %scan3A_273 : i32 to index
          %get3A_282 = arith.constant 0 : index
          %get3A_283 = tpu.vector_load %arg10[%get3A_280, %get3A_281, %get3A_282] {strides = array<i32>} : memref<2x128x128xf32, #tpu.memory_space<vmem>>, vector<1x1x16xf32>,
          %get3A_284 = vector.shape_cast %get3A_283 : vector<1x1x16xf32> to vector<16xf32>
          %add3A_285 = arith.addf %get3A_278, %get3A_284 : vector<16xf32>
          %swap3A = arith.constant 1 : i32
          %swap3A_286 = arith.index_cast %swap3A : i32 to index
          %swap3A_287 = arith.index_cast %scan3A_273 : i32 to index
          %swap3A_288 = arith.constant 0 : index
          %swap3A_289 = tpu.vector_load %arg9[%swap3A_286, %swap3A_287, %swap3A_288] {strides = array<i32>} : memref<2x128x128xf32, #tpu.memory_space<vmem>>, vector<1x1x16xf32>,
          %swap3A_290 = vector.shape_cast %swap3A_289 : vector<1x1x16xf32> to vector<16xf32>
          %swap3A_291 = vector.shape_cast %add3A_285 : vector<16xf32> to vector<1x1x16xf32>
          tpu.vector_store %arg9[%swap3A_286, %swap3A_287, %swap3A_288], %swap3A_291 {strides = array<i32>} : memref<2x128x128xf32, #tpu.memory_space<vmem>>, vector<1x1x16xf32>,
          %get3A_292 = arith.constant 1 : i32
          %get3A_293 = arith.index_cast %get3A_292 : i32 to index
          %get3A_294 = arith.index_cast %scan3A_273 : i32 to index
          %get3A_295 = arith.constant 16 : index
          %get3A_296 = tpu.vector_load %arg9[%get3A_293, %get3A_294, %get3A_295] {strides = array<i32>} : memref<2x128x128xf32, #tpu.memory_space<vmem>>, vector<1x1x16xf32>,
          %get3A_297 = vector.shape_cast %get3A_296 : vector<1x1x16xf32> to vector<16xf32>
          %get3A_298 = arith.constant 1 : i32
          %get3A_299 = arith.index_cast %get3A_298 : i32 to index
          %get3A_300 = arith.index_cast %scan3A_273 : i32 to index
          %get3A_301 = arith.constant 16 : index
          %get3A_302 = tpu.vector_load %arg10[%get3A_299, %get3A_300, %get3A_301] {strides = array<i32>} : memref<2x128x128xf32, #tpu.memory_space<vmem>>, vector<1x1x16xf32>,
          %get3A_303 = vector.shape_cast %get3A_302 : vector<1x1x16xf32> to vector<16xf32>
          %add3A_304 = arith.addf %get3A_297, %get3A_303 : vector<16xf32>
          %swap3A_305 = arith.constant 1 : i32
          %swap3A_306 = arith.index_cast %swap3A_305 : i32 to index
          %swap3A_307 = arith.index_cast %scan3A_273 : i32 to index
          %swap3A_308 = arith.constant 16 : index
          %swap3A_309 = tpu.vector_load %arg9[%swap3A_306, %swap3A_307, %swap3A_308] {strides = array<i32>} : memref<2x128x128xf32, #tpu.memory_space<vmem>>, vector<1x1x16xf32>,
          %swap3A_310 = vector.shape_cast %swap3A_309 : vector<1x1x16xf32> to vector<16xf32>
          %swap3A_311 = vector.shape_cast %add3A_304 : vector<16xf32> to vector<1x1x16xf32>
          tpu.vector_store %arg9[%swap3A_306, %swap3A_307, %swap3A_308], %swap3A_311 {strides = array<i32>} : memref<2x128x128xf32, #tpu.memory_space<vmem>>, vector<1x1x16xf32>,
          %get3A_312 = arith.constant 1 : i32
          %get3A_313 = arith.index_cast %get3A_312 : i32 to index
          %get3A_314 = arith.index_cast %scan3A_273 : i32 to index
          %get3A_315 = arith.constant 32 : index
          %get3A_316 = tpu.vector_load %arg9[%get3A_313, %get3A_314, %get3A_315] {strides = array<i32>} : memref<2x128x128xf32, #tpu.memory_space<vmem>>, vector<1x1x16xf32>,
          %get3A_317 = vector.shape_cast %get3A_316 : vector<1x1x16xf32> to vector<16xf32>
          %get3A_318 = arith.constant 1 : i32
          %get3A_319 = arith.index_cast %get3A_318 : i32 to index
          %get3A_320 = arith.index_cast %scan3A_273 : i32 to index
          %get3A_321 = arith.constant 32 : index
          %get3A_322 = tpu.vector_load %arg10[%get3A_319, %get3A_320, %get3A_321] {strides = array<i32>} : memref<2x128x128xf32, #tpu.memory_space<vmem>>, vector<1x1x16xf32>,
          %get3A_323 = vector.shape_cast %get3A_322 : vector<1x1x16xf32> to vector<16xf32>
          %add3A_324 = arith.addf %get3A_317, %get3A_323 : vector<16xf32>
          %swap3A_325 = arith.constant 1 : i32
          %swap3A_326 = arith.index_cast %swap3A_325 : i32 to index
          %swap3A_327 = arith.index_cast %scan3A_273 : i32 to index
          %swap3A_328 = arith.constant 32 : index
          %swap3A_329 = tpu.vector_load %arg9[%swap3A_326, %swap3A_327, %swap3A_328] {strides = array<i32>} : memref<2x128x128xf32, #tpu.memory_space<vmem>>, vector<1x1x16xf32>,
          %swap3A_330 = vector.shape_cast %swap3A_329 : vector<1x1x16xf32> to vector<16xf32>
          %swap3A_331 = vector.shape_cast %add3A_324 : vector<16xf32> to vector<1x1x16xf32>
          tpu.vector_store %arg9[%swap3A_326, %swap3A_327, %swap3A_328], %swap3A_331 {strides = array<i32>} : memref<2x128x128xf32, #tpu.memory_space<vmem>>, vector<1x1x16xf32>,
          %get3A_332 = arith.constant 1 : i32
          %get3A_333 = arith.index_cast %get3A_332 : i32 to index
          %get3A_334 = arith.index_cast %scan3A_273 : i32 to index
          %get3A_335 = arith.constant 48 : index
          %get3A_336 = tpu.vector_load %arg9[%get3A_333, %get3A_334, %get3A_335] {strides = array<i32>} : memref<2x128x128xf32, #tpu.memory_space<vmem>>, vector<1x1x16xf32>,
          %get3A_337 = vector.shape_cast %get3A_336 : vector<1x1x16xf32> to vector<16xf32>
          %get3A_338 = arith.constant 1 : i32
          %get3A_339 = arith.index_cast %get3A_338 : i32 to index
          %get3A_340 = arith.index_cast %scan3A_273 : i32 to index
          %get3A_341 = arith.constant 48 : index
          %get3A_342 = tpu.vector_load %arg10[%get3A_339, %get3A_340, %get3A_341] {strides = array<i32>} : memref<2x128x128xf32, #tpu.memory_space<vmem>>, vector<1x1x16xf32>,
          %get3A_343 = vector.shape_cast %get3A_342 : vector<1x1x16xf32> to vector<16xf32>
          %add3A_344 = arith.addf %get3A_337, %get3A_343 : vector<16xf32>
          %swap3A_345 = arith.constant 1 : i32
          %swap3A_346 = arith.index_cast %swap3A_345 : i32 to index
          %swap3A_347 = arith.index_cast %scan3A_273 : i32 to index
          %swap3A_348 = arith.constant 48 : index
          %swap3A_349 = tpu.vector_load %arg9[%swap3A_346, %swap3A_347, %swap3A_348] {strides = array<i32>} : memref<2x128x128xf32, #tpu.memory_space<vmem>>, vector<1x1x16xf32>,
          %swap3A_350 = vector.shape_cast %swap3A_349 : vector<1x1x16xf32> to vector<16xf32>
          %swap3A_351 = vector.shape_cast %add3A_344 : vector<16xf32> to vector<1x1x16xf32>
          tpu.vector_store %arg9[%swap3A_346, %swap3A_347, %swap3A_348], %swap3A_351 {strides = array<i32>} : memref<2x128x128xf32, #tpu.memory_space<vmem>>, vector<1x1x16xf32>,
          %get3A_352 = arith.constant 1 : i32
          %get3A_353 = arith.index_cast %get3A_352 : i32 to index
          %get3A_354 = arith.index_cast %scan3A_273 : i32 to index
          %get3A_355 = arith.constant 64 : index
          %get3A_356 = tpu.vector_load %arg9[%get3A_353, %get3A_354, %get3A_355] {strides = array<i32>} : memref<2x128x128xf32, #tpu.memory_space<vmem>>, vector<1x1x16xf32>,
          %get3A_357 = vector.shape_cast %get3A_356 : vector<1x1x16xf32> to vector<16xf32>
          %get3A_358 = arith.constant 1 : i32
          %get3A_359 = arith.index_cast %get3A_358 : i32 to index
          %get3A_360 = arith.index_cast %scan3A_273 : i32 to index
          %get3A_361 = arith.constant 64 : index
          %get3A_362 = tpu.vector_load %arg10[%get3A_359, %get3A_360, %get3A_361] {strides = array<i32>} : memref<2x128x128xf32, #tpu.memory_space<vmem>>, vector<1x1x16xf32>,
          %get3A_363 = vector.shape_cast %get3A_362 : vector<1x1x16xf32> to vector<16xf32>
          %add3A_364 = arith.addf %get3A_357, %get3A_363 : vector<16xf32>
          %swap3A_365 = arith.constant 1 : i32
          %swap3A_366 = arith.index_cast %swap3A_365 : i32 to index
          %swap3A_367 = arith.index_cast %scan3A_273 : i32 to index
          %swap3A_368 = arith.constant 64 : index
          %swap3A_369 = tpu.vector_load %arg9[%swap3A_366, %swap3A_367, %swap3A_368] {strides = array<i32>} : memref<2x128x128xf32, #tpu.memory_space<vmem>>, vector<1x1x16xf32>,
          %swap3A_370 = vector.shape_cast %swap3A_369 : vector<1x1x16xf32> to vector<16xf32>
          %swap3A_371 = vector.shape_cast %add3A_364 : vector<16xf32> to vector<1x1x16xf32>
          tpu.vector_store %arg9[%swap3A_366, %swap3A_367, %swap3A_368], %swap3A_371 {strides = array<i32>} : memref<2x128x128xf32, #tpu.memory_space<vmem>>, vector<1x1x16xf32>,
          %get3A_372 = arith.constant 1 : i32
          %get3A_373 = arith.index_cast %get3A_372 : i32 to index
          %get3A_374 = arith.index_cast %scan3A_273 : i32 to index
          %get3A_375 = arith.constant 80 : index
          %get3A_376 = tpu.vector_load %arg9[%get3A_373, %get3A_374, %get3A_375] {strides = array<i32>} : memref<2x128x128xf32, #tpu.memory_space<vmem>>, vector<1x1x16xf32>,
          %get3A_377 = vector.shape_cast %get3A_376 : vector<1x1x16xf32> to vector<16xf32>
          %get3A_378 = arith.constant 1 : i32
          %get3A_379 = arith.index_cast %get3A_378 : i32 to index
          %get3A_380 = arith.index_cast %scan3A_273 : i32 to index
          %get3A_381 = arith.constant 80 : index
          %get3A_382 = tpu.vector_load %arg10[%get3A_379, %get3A_380, %get3A_381] {strides = array<i32>} : memref<2x128x128xf32, #tpu.memory_space<vmem>>, vector<1x1x16xf32>,
          %get3A_383 = vector.shape_cast %get3A_382 : vector<1x1x16xf32> to vector<16xf32>
          %add3A_384 = arith.addf %get3A_377, %get3A_383 : vector<16xf32>
          %swap3A_385 = arith.constant 1 : i32
          %swap3A_386 = arith.index_cast %swap3A_385 : i32 to index
          %swap3A_387 = arith.index_cast %scan3A_273 : i32 to index
          %swap3A_388 = arith.constant 80 : index
          %swap3A_389 = tpu.vector_load %arg9[%swap3A_386, %swap3A_387, %swap3A_388] {strides = array<i32>} : memref<2x128x128xf32, #tpu.memory_space<vmem>>, vector<1x1x16xf32>,
          %swap3A_390 = vector.shape_cast %swap3A_389 : vector<1x1x16xf32> to vector<16xf32>
          %swap3A_391 = vector.shape_cast %add3A_384 : vector<16xf32> to vector<1x1x16xf32>
          tpu.vector_store %arg9[%swap3A_386, %swap3A_387, %swap3A_388], %swap3A_391 {strides = array<i32>} : memref<2x128x128xf32, #tpu.memory_space<vmem>>, vector<1x1x16xf32>,
          %get3A_392 = arith.constant 1 : i32
          %get3A_393 = arith.index_cast %get3A_392 : i32 to index
          %get3A_394 = arith.index_cast %scan3A_273 : i32 to index
          %get3A_395 = arith.constant 96 : index
          %get3A_396 = tpu.vector_load %arg9[%get3A_393, %get3A_394, %get3A_395] {strides = array<i32>} : memref<2x128x128xf32, #tpu.memory_space<vmem>>, vector<1x1x16xf32>,
          %get3A_397 = vector.shape_cast %get3A_396 : vector<1x1x16xf32> to vector<16xf32>
          %get3A_398 = arith.constant 1 : i32
          %get3A_399 = arith.index_cast %get3A_398 : i32 to index
          %get3A_400 = arith.index_cast %scan3A_273 : i32 to index
          %get3A_401 = arith.constant 96 : index
          %get3A_402 = tpu.vector_load %arg10[%get3A_399, %get3A_400, %get3A_401] {strides = array<i32>} : memref<2x128x128xf32, #tpu.memory_space<vmem>>, vector<1x1x16xf32>,
          %get3A_403 = vector.shape_cast %get3A_402 : vector<1x1x16xf32> to vector<16xf32>
          %add3A_404 = arith.addf %get3A_397, %get3A_403 : vector<16xf32>
          %swap3A_405 = arith.constant 1 : i32
          %swap3A_406 = arith.index_cast %swap3A_405 : i32 to index
          %swap3A_407 = arith.index_cast %scan3A_273 : i32 to index
          %swap3A_408 = arith.constant 96 : index
          %swap3A_409 = tpu.vector_load %arg9[%swap3A_406, %swap3A_407, %swap3A_408] {strides = array<i32>} : memref<2x128x128xf32, #tpu.memory_space<vmem>>, vector<1x1x16xf32>,
          %swap3A_410 = vector.shape_cast %swap3A_409 : vector<1x1x16xf32> to vector<16xf32>
          %swap3A_411 = vector.shape_cast %add3A_404 : vector<16xf32> to vector<1x1x16xf32>
          tpu.vector_store %arg9[%swap3A_406, %swap3A_407, %swap3A_408], %swap3A_411 {strides = array<i32>} : memref<2x128x128xf32, #tpu.memory_space<vmem>>, vector<1x1x16xf32>,
          %get3A_412 = arith.constant 1 : i32
          %get3A_413 = arith.index_cast %get3A_412 : i32 to index
          %get3A_414 = arith.index_cast %scan3A_273 : i32 to index
          %get3A_415 = arith.constant 112 : index
          %get3A_416 = tpu.vector_load %arg9[%get3A_413, %get3A_414, %get3A_415] {strides = array<i32>} : memref<2x128x128xf32, #tpu.memory_space<vmem>>, vector<1x1x16xf32>,
          %get3A_417 = vector.shape_cast %get3A_416 : vector<1x1x16xf32> to vector<16xf32>
          %get3A_418 = arith.constant 1 : i32
          %get3A_419 = arith.index_cast %get3A_418 : i32 to index
          %get3A_420 = arith.index_cast %scan3A_273 : i32 to index
          %get3A_421 = arith.constant 112 : index
          %get3A_422 = tpu.vector_load %arg10[%get3A_419, %get3A_420, %get3A_421] {strides = array<i32>} : memref<2x128x128xf32, #tpu.memory_space<vmem>>, vector<1x1x16xf32>,
          %get3A_423 = vector.shape_cast %get3A_422 : vector<1x1x16xf32> to vector<16xf32>
          %add3A_424 = arith.addf %get3A_417, %get3A_423 : vector<16xf32>
          %swap3A_425 = arith.constant 1 : i32
          %swap3A_426 = arith.index_cast %swap3A_425 : i32 to index
          %swap3A_427 = arith.index_cast %scan3A_273 : i32 to index
          %swap3A_428 = arith.constant 112 : index
          %swap3A_429 = tpu.vector_load %arg9[%swap3A_426, %swap3A_427, %swap3A_428] {strides = array<i32>} : memref<2x128x128xf32, #tpu.memory_space<vmem>>, vector<1x1x16xf32>,
          %swap3A_430 = vector.shape_cast %swap3A_429 : vector<1x1x16xf32> to vector<16xf32>
          %swap3A_431 = vector.shape_cast %add3A_424 : vector<16xf32> to vector<1x1x16xf32>
          tpu.vector_store %arg9[%swap3A_426, %swap3A_427, %swap3A_428], %swap3A_431 {strides = array<i32>} : memref<2x128x128xf32, #tpu.memory_space<vmem>>, vector<1x1x16xf32>,
        }
        %scan3A_256 = arith.constant 128 : i32
        %mul3A_257 = arith.constant 128 : i32
        %mul3A_258 = arith.muli %add3A_199, %mul3A_257 : i32
        %add3A_259 = arith.addi %mul3A_4, %mul3A_258 : i32
        %dma_start3A_260 = arith.constant 1 : i32
        %dma_start3A_261 = arith.constant 0 : i32
        %dma_start3A_262 = arith.constant 0 : i32
        %dma_start3A_263 = tpu.memref_slice %arg9[%dma_start3A_260, %dma_start3A_261, %dma_start3A_262] : memref<2x128x128xf32, #tpu.memory_space<vmem>> -> memref<1x128x128xf32, #tpu.memory_space<vmem>>
        %dma_start3A_264 = tpu.memref_squeeze %dma_start3A_263 : memref<1x128x128xf32, #tpu.memory_space<vmem>> -> memref<128x128xf32, #tpu.memory_space<vmem>>
        %dma_start3A_265 = arith.constant 0 : i32
        %dma_start3A_266 = tpu.memref_slice %arg6[%add3A_259, %dma_start3A_265] : memref<160000x128xf32, #tpu.memory_space<hbm>> -> memref<128x128xf32, #tpu.memory_space<hbm>>
        %dma_start3A_267 = arith.constant 0 : i32
        %dma_start3A_268 = tpu.memref_slice %arg6[%add3A_259, %dma_start3A_267] : memref<160000x128xf32, #tpu.memory_space<hbm>> -> memref<128x128xf32, #tpu.memory_space<hbm>>
        %dma_start3A_269 = arith.constant 0 : i32
        %dma_start3A_270 = arith.constant 0 : i32
        %dma_start3A_271 = tpu.memref_slice %arg9[%dma_start3A_260, %dma_start3A_269, %dma_start3A_270] : memref<2x128x128xf32, #tpu.memory_space<vmem>> -> memref<1x128x128xf32, #tpu.memory_space<vmem>>
        %dma_start3A_272 = tpu.memref_squeeze %dma_start3A_271 : memref<1x128x128xf32, #tpu.memory_space<vmem>> -> memref<128x128xf32, #tpu.memory_space<vmem>>
        tpu.enqueue_dma source(%dma_start3A_272 : memref<128x128xf32, #tpu.memory_space<vmem>>) target(%dma_start3A_268 : memref<128x128xf32, #tpu.memory_space<hbm>>) target_semaphore(%arg16 : memref<!tpu.dma_semaphore, #tpu.memory_space<semaphore_mem>>)
      } else {
      }
    }
    %scan3A_93 = arith.constant 20 : i32
    %dma_wait3A_94 = arith.constant 0 : i32
    %dma_wait3A_95 = arith.constant 0 : i32
    %dma_wait3A_96 = arith.constant 0 : i32
    %dma_wait3A_97 = tpu.memref_slice %arg9[%dma_wait3A_94, %dma_wait3A_95, %dma_wait3A_96] : memref<2x128x128xf32, #tpu.memory_space<vmem>> -> memref<1x128x128xf32, #tpu.memory_space<vmem>>
    %dma_wait3A_98 = tpu.memref_squeeze %dma_wait3A_97 : memref<1x128x128xf32, #tpu.memory_space<vmem>> -> memref<128x128xf32, #tpu.memory_space<vmem>>
    %dma_wait3A_99 = arith.constant 0 : i32
    %dma_wait3A_100 = arith.constant 0 : i32
    %dma_wait3A_101 = tpu.memref_slice %arg6[%dma_wait3A_99, %dma_wait3A_100] : memref<160000x128xf32, #tpu.memory_space<hbm>> -> memref<128x128xf32, #tpu.memory_space<hbm>>
    %dma_wait3A_102 = arith.constant 0 : i32
    %dma_wait3A_103 = arith.constant 0 : i32
    %dma_wait3A_104 = tpu.memref_slice %arg6[%dma_wait3A_102, %dma_wait3A_103] : memref<160000x128xf32, #tpu.memory_space<hbm>> -> memref<128x128xf32, #tpu.memory_space<hbm>>
    %dma_wait3A_105 = arith.constant 0 : i32
    %dma_wait3A_106 = arith.constant 0 : i32
    %dma_wait3A_107 = tpu.memref_slice %arg9[%dma_wait3A_94, %dma_wait3A_105, %dma_wait3A_106] : memref<2x128x128xf32, #tpu.memory_space<vmem>> -> memref<1x128x128xf32, #tpu.memory_space<vmem>>
    %dma_wait3A_108 = tpu.memref_squeeze %dma_wait3A_107 : memref<1x128x128xf32, #tpu.memory_space<vmem>> -> memref<128x128xf32, #tpu.memory_space<vmem>>
    tpu.wait_dma2 semaphore(%arg15 : memref<!tpu.dma_semaphore, #tpu.memory_space<semaphore_mem>>) src(%dma_wait3A_108 : memref<128x128xf32, #tpu.memory_space<vmem>>) dst(%dma_wait3A_104 : memref<128x128xf32, #tpu.memory_space<hbm>>)
    %dma_wait3A_109 = arith.constant 1 : i32
    %dma_wait3A_110 = arith.constant 0 : i32
    %dma_wait3A_111 = arith.constant 0 : i32
    %dma_wait3A_112 = tpu.memref_slice %arg9[%dma_wait3A_109, %dma_wait3A_110, %dma_wait3A_111] : memref<2x128x128xf32, #tpu.memory_space<vmem>> -> memref<1x128x128xf32, #tpu.memory_space<vmem>>
    %dma_wait3A_113 = tpu.memref_squeeze %dma_wait3A_112 : memref<1x128x128xf32, #tpu.memory_space<vmem>> -> memref<128x128xf32, #tpu.memory_space<vmem>>
    %dma_wait3A_114 = arith.constant 0 : i32
    %dma_wait3A_115 = arith.constant 0 : i32
    %dma_wait3A_116 = tpu.memref_slice %arg6[%dma_wait3A_114, %dma_wait3A_115] : memref<160000x128xf32, #tpu.memory_space<hbm>> -> memref<128x128xf32, #tpu.memory_space<hbm>>
    %dma_wait3A_117 = arith.constant 0 : i32
    %dma_wait3A_118 = arith.constant 0 : i32
    %dma_wait3A_119 = tpu.memref_slice %arg6[%dma_wait3A_117, %dma_wait3A_118] : memref<160000x128xf32, #tpu.memory_space<hbm>> -> memref<128x128xf32, #tpu.memory_space<hbm>>
    %dma_wait3A_120 = arith.constant 0 : i32
    %dma_wait3A_121 = arith.constant 0 : i32
    %dma_wait3A_122 = tpu.memref_slice %arg9[%dma_wait3A_109, %dma_wait3A_120, %dma_wait3A_121] : memref<2x128x128xf32, #tpu.memory_space<vmem>> -> memref<1x128x128xf32, #tpu.memory_space<vmem>>
    %dma_wait3A_123 = tpu.memref_squeeze %dma_wait3A_122 : memref<1x128x128xf32, #tpu.memory_space<vmem>> -> memref<128x128xf32, #tpu.memory_space<vmem>>
    tpu.wait_dma2 semaphore(%arg16 : memref<!tpu.dma_semaphore, #tpu.memory_space<semaphore_mem>>) src(%dma_wait3A_123 : memref<128x128xf32, #tpu.memory_space<vmem>>) dst(%dma_wait3A_119 : memref<128x128xf32, #tpu.memory_space<hbm>>)
    %lt3A = arith.constant 2 : i32
    %lt3A_124 = arith.cmpi slt, %add3A, %lt3A : i32
    %convert_element_type3A = arith.extui %lt3A_124 : i1 to i32
    %cond3A = arith.constant 0 : i32
    %cond3A_125 = arith.cmpi ne, %convert_element_type3A, %cond3A : i32
    scf.if %cond3A_125 {
      %add3A_126 = arith.constant 1248 : i32
      %add3A_127 = arith.addi %add3A_126, %add3A : i32
      %mul3A_128 = arith.constant 128 : i32
      %mul3A_129 = arith.muli %add3A_127, %mul3A_128 : i32
      %run_scoped3A = arith.constant 0 : i32
      "tpu.region"() ({
        %run_scoped3A_186 = tpu.sem_alloc : memref<!tpu.dma_semaphore, #tpu.memory_space<semaphore_mem>>
        %dma_start3A_187 = arith.constant 0 : i32
        %dma_start3A_188 = tpu.memref_slice %arg7[%run_scoped3A, %dma_start3A_187] : memref<2x128xi32, #tpu.memory_space<vmem>> -> memref<1x128xi32, #tpu.memory_space<vmem>>
        %dma_start3A_189 = tpu.memref_squeeze %dma_start3A_188 : memref<1x128xi32, #tpu.memory_space<vmem>> -> memref<128xi32, #tpu.memory_space<vmem>>
        %dma_start3A_190 = tpu.memref_slice %arg4[%mul3A_129] : memref<160000xi32, #tpu.memory_space<hbm>> -> memref<128xi32, #tpu.memory_space<hbm>>
        %dma_start3A_191 = arith.constant 0 : i32
        %dma_start3A_192 = tpu.memref_slice %arg7[%run_scoped3A, %dma_start3A_191] : memref<2x128xi32, #tpu.memory_space<vmem>> -> memref<1x128xi32, #tpu.memory_space<vmem>>
        %dma_start3A_193 = tpu.memref_squeeze %dma_start3A_192 : memref<1x128xi32, #tpu.memory_space<vmem>> -> memref<128xi32, #tpu.memory_space<vmem>>
        %dma_start3A_194 = tpu.memref_slice %arg4[%mul3A_129] : memref<160000xi32, #tpu.memory_space<hbm>> -> memref<128xi32, #tpu.memory_space<hbm>>
        tpu.enqueue_dma source(%dma_start3A_194 : memref<128xi32, #tpu.memory_space<hbm>>) target(%dma_start3A_193 : memref<128xi32, #tpu.memory_space<vmem>>) target_semaphore(%run_scoped3A_186 : memref<!tpu.dma_semaphore, #tpu.memory_space<semaphore_mem>>)
        %dma_wait3A_195 = arith.constant 0 : i32
        %dma_wait3A_196 = tpu.memref_slice %arg7[%run_scoped3A, %dma_wait3A_195] : memref<2x128xi32, #tpu.memory_space<vmem>> -> memref<1x128xi32, #tpu.memory_space<vmem>>
        %dma_wait3A_197 = tpu.memref_squeeze %dma_wait3A_196 : memref<1x128xi32, #tpu.memory_space<vmem>> -> memref<128xi32, #tpu.memory_space<vmem>>
        %dma_wait3A_198 = tpu.memref_slice %arg4[%mul3A_129] : memref<160000xi32, #tpu.memory_space<hbm>> -> memref<128xi32, #tpu.memory_space<hbm>>
        %dma_wait3A_199 = arith.constant 0 : i32
        %dma_wait3A_200 = tpu.memref_slice %arg7[%run_scoped3A, %dma_wait3A_199] : memref<2x128xi32, #tpu.memory_space<vmem>> -> memref<1x128xi32, #tpu.memory_space<vmem>>
        %dma_wait3A_201 = tpu.memref_squeeze %dma_wait3A_200 : memref<1x128xi32, #tpu.memory_space<vmem>> -> memref<128xi32, #tpu.memory_space<vmem>>
        %dma_wait3A_202 = tpu.memref_slice %arg4[%mul3A_129] : memref<160000xi32, #tpu.memory_space<hbm>> -> memref<128xi32, #tpu.memory_space<hbm>>
        tpu.wait_dma2 semaphore(%run_scoped3A_186 : memref<!tpu.dma_semaphore, #tpu.memory_space<semaphore_mem>>) src(%dma_wait3A_202 : memref<128xi32, #tpu.memory_space<hbm>>) dst(%dma_wait3A_201 : memref<128xi32, #tpu.memory_space<vmem>>)
        tpu.yield
      }) : () -> ()
      %run_scoped3A_130 = arith.constant 0 : i32
      "tpu.region"() ({
        %run_scoped3A_186 = tpu.sem_alloc : memref<!tpu.dma_semaphore, #tpu.memory_space<semaphore_mem>>
        %dma_start3A_187 = arith.constant 0 : i32
        %dma_start3A_188 = tpu.memref_slice %arg8[%run_scoped3A_130, %dma_start3A_187] : memref<2x128xi32, #tpu.memory_space<vmem>> -> memref<1x128xi32, #tpu.memory_space<vmem>>
        %dma_start3A_189 = tpu.memref_squeeze %dma_start3A_188 : memref<1x128xi32, #tpu.memory_space<vmem>> -> memref<128xi32, #tpu.memory_space<vmem>>
        %dma_start3A_190 = tpu.memref_slice %arg5[%mul3A_129] : memref<160000xi32, #tpu.memory_space<hbm>> -> memref<128xi32, #tpu.memory_space<hbm>>
        %dma_start3A_191 = arith.constant 0 : i32
        %dma_start3A_192 = tpu.memref_slice %arg8[%run_scoped3A_130, %dma_start3A_191] : memref<2x128xi32, #tpu.memory_space<vmem>> -> memref<1x128xi32, #tpu.memory_space<vmem>>
        %dma_start3A_193 = tpu.memref_squeeze %dma_start3A_192 : memref<1x128xi32, #tpu.memory_space<vmem>> -> memref<128xi32, #tpu.memory_space<vmem>>
        %dma_start3A_194 = tpu.memref_slice %arg5[%mul3A_129] : memref<160000xi32, #tpu.memory_space<hbm>> -> memref<128xi32, #tpu.memory_space<hbm>>
        tpu.enqueue_dma source(%dma_start3A_194 : memref<128xi32, #tpu.memory_space<hbm>>) target(%dma_start3A_193 : memref<128xi32, #tpu.memory_space<vmem>>) target_semaphore(%run_scoped3A_186 : memref<!tpu.dma_semaphore, #tpu.memory_space<semaphore_mem>>)
        %dma_wait3A_195 = arith.constant 0 : i32
        %dma_wait3A_196 = tpu.memref_slice %arg8[%run_scoped3A_130, %dma_wait3A_195] : memref<2x128xi32, #tpu.memory_space<vmem>> -> memref<1x128xi32, #tpu.memory_space<vmem>>
        %dma_wait3A_197 = tpu.memref_squeeze %dma_wait3A_196 : memref<1x128xi32, #tpu.memory_space<vmem>> -> memref<128xi32, #tpu.memory_space<vmem>>
        %dma_wait3A_198 = tpu.memref_slice %arg5[%mul3A_129] : memref<160000xi32, #tpu.memory_space<hbm>> -> memref<128xi32, #tpu.memory_space<hbm>>
        %dma_wait3A_199 = arith.constant 0 : i32
        %dma_wait3A_200 = tpu.memref_slice %arg8[%run_scoped3A_130, %dma_wait3A_199] : memref<2x128xi32, #tpu.memory_space<vmem>> -> memref<1x128xi32, #tpu.memory_space<vmem>>
        %dma_wait3A_201 = tpu.memref_squeeze %dma_wait3A_200 : memref<1x128xi32, #tpu.memory_space<vmem>> -> memref<128xi32, #tpu.memory_space<vmem>>
        %dma_wait3A_202 = tpu.memref_slice %arg5[%mul3A_129] : memref<160000xi32, #tpu.memory_space<hbm>> -> memref<128xi32, #tpu.memory_space<hbm>>
        tpu.wait_dma2 semaphore(%run_scoped3A_186 : memref<!tpu.dma_semaphore, #tpu.memory_space<semaphore_mem>>) src(%dma_wait3A_202 : memref<128xi32, #tpu.memory_space<hbm>>) dst(%dma_wait3A_201 : memref<128xi32, #tpu.memory_space<vmem>>)
        tpu.yield
      }) : () -> ()
      %dma_start3A_131 = arith.constant 0 : i32
      %dma_start3A_132 = arith.constant 0 : i32
      %dma_start3A_133 = arith.constant 0 : i32
      %dma_start3A_134 = arith.constant 0 : i32
      %dma_start3A_135 = tpu.memref_slice %arg9[%dma_start3A_132, %dma_start3A_133, %dma_start3A_134] : memref<2x128x128xf32, #tpu.memory_space<vmem>> -> memref<1x128x128xf32, #tpu.memory_space<vmem>>
      %dma_start3A_136 = tpu.memref_squeeze %dma_start3A_135 : memref<1x128x128xf32, #tpu.memory_space<vmem>> -> memref<128x128xf32, #tpu.memory_space<vmem>>
      %dma_start3A_137 = arith.constant 0 : i32
      %dma_start3A_138 = tpu.memref_slice %arg7[%dma_start3A_131, %dma_start3A_137] : memref<2x128xi32, #tpu.memory_space<vmem>> -> memref<1x128xi32, #tpu.memory_space<vmem>>
      %dma_start3A_139 = tpu.memref_squeeze %dma_start3A_138 : memref<1x128xi32, #tpu.memory_space<vmem>> -> memref<128xi32, #tpu.memory_space<vmem>>
      %dma_start3A_140 = arith.constant 0 : i32
      %dma_start3A_141 = arith.constant 0 : i32
      %dma_start3A_142 = tpu.memref_slice %arg2[%dma_start3A_140, %dma_start3A_141] : memref<10000x128xf32, #tpu.memory_space<hbm>> -> memref<10000x128xf32, #tpu.memory_space<hbm>>
      tpu.enqueue_indirect_dma source(%dma_start3A_142 : memref<10000x128xf32, #tpu.memory_space<hbm>>) target(%dma_start3A_136 : memref<128x128xf32, #tpu.memory_space<vmem>>) offsets(%dma_start3A_139 : memref<128xi32, #tpu.memory_space<vmem>>) semaphore(%arg13 : memref<!tpu.dma_semaphore, #tpu.memory_space<semaphore_mem>>)
      %dma_start3A_143 = arith.constant 0 : i32
      %dma_start3A_144 = arith.constant 0 : i32
      %dma_start3A_145 = arith.constant 0 : i32
      %dma_start3A_146 = arith.constant 0 : i32
      %dma_start3A_147 = tpu.memref_slice %arg10[%dma_start3A_144, %dma_start3A_145, %dma_start3A_146] : memref<2x128x128xf32, #tpu.memory_space<vmem>> -> memref<1x128x128xf32, #tpu.memory_space<vmem>>
      %dma_start3A_148 = tpu.memref_squeeze %dma_start3A_147 : memref<1x128x128xf32, #tpu.memory_space<vmem>> -> memref<128x128xf32, #tpu.memory_space<vmem>>
      %dma_start3A_149 = arith.constant 0 : i32
      %dma_start3A_150 = tpu.memref_slice %arg8[%dma_start3A_143, %dma_start3A_149] : memref<2x128xi32, #tpu.memory_space<vmem>> -> memref<1x128xi32, #tpu.memory_space<vmem>>
      %dma_start3A_151 = tpu.memref_squeeze %dma_start3A_150 : memref<1x128xi32, #tpu.memory_space<vmem>> -> memref<128xi32, #tpu.memory_space<vmem>>
      %dma_start3A_152 = arith.constant 0 : i32
      %dma_start3A_153 = arith.constant 0 : i32
      %dma_start3A_154 = tpu.memref_slice %arg3[%dma_start3A_152, %dma_start3A_153] : memref<10000x128xf32, #tpu.memory_space<hbm>> -> memref<10000x128xf32, #tpu.memory_space<hbm>>
      tpu.enqueue_indirect_dma source(%dma_start3A_154 : memref<10000x128xf32, #tpu.memory_space<hbm>>) target(%dma_start3A_148 : memref<128x128xf32, #tpu.memory_space<vmem>>) offsets(%dma_start3A_151 : memref<128xi32, #tpu.memory_space<vmem>>) semaphore(%arg14 : memref<!tpu.dma_semaphore, #tpu.memory_space<semaphore_mem>>)
      %dma_wait3A_155 = arith.constant 0 : i32
      %dma_wait3A_156 = arith.constant 0 : i32
      %dma_wait3A_157 = arith.constant 0 : i32
      %dma_wait3A_158 = arith.constant 0 : i32
      %dma_wait3A_159 = tpu.memref_slice %arg9[%dma_wait3A_156, %dma_wait3A_157, %dma_wait3A_158] : memref<2x128x128xf32, #tpu.memory_space<vmem>> -> memref<1x128x128xf32, #tpu.memory_space<vmem>>
      %dma_wait3A_160 = tpu.memref_squeeze %dma_wait3A_159 : memref<1x128x128xf32, #tpu.memory_space<vmem>> -> memref<128x128xf32, #tpu.memory_space<vmem>>
      %dma_wait3A_161 = arith.constant 0 : i32
      %dma_wait3A_162 = tpu.memref_slice %arg7[%dma_wait3A_155, %dma_wait3A_161] : memref<2x128xi32, #tpu.memory_space<vmem>> -> memref<1x128xi32, #tpu.memory_space<vmem>>
      %dma_wait3A_163 = tpu.memref_squeeze %dma_wait3A_162 : memref<1x128xi32, #tpu.memory_space<vmem>> -> memref<128xi32, #tpu.memory_space<vmem>>
      %dma_wait3A_164 = arith.constant 0 : i32
      %dma_wait3A_165 = arith.constant 0 : i32
      %dma_wait3A_166 = tpu.memref_slice %arg2[%dma_wait3A_164, %dma_wait3A_165] : memref<10000x128xf32, #tpu.memory_space<hbm>> -> memref<10000x128xf32, #tpu.memory_space<hbm>>
      tpu.wait_indirect_dma semaphore(%arg13 : memref<!tpu.dma_semaphore, #tpu.memory_space<semaphore_mem>>) src(%dma_wait3A_166 : memref<10000x128xf32, #tpu.memory_space<hbm>>) dst(%dma_wait3A_160 : memref<128x128xf32, #tpu.memory_space<vmem>>)
      %dma_wait3A_167 = arith.constant 0 : i32
      %dma_wait3A_168 = arith.constant 0 : i32
      %dma_wait3A_169 = arith.constant 0 : i32
      %dma_wait3A_170 = arith.constant 0 : i32
      %dma_wait3A_171 = tpu.memref_slice %arg10[%dma_wait3A_168, %dma_wait3A_169, %dma_wait3A_170] : memref<2x128x128xf32, #tpu.memory_space<vmem>> -> memref<1x128x128xf32, #tpu.memory_space<vmem>>
      %dma_wait3A_172 = tpu.memref_squeeze %dma_wait3A_171 : memref<1x128x128xf32, #tpu.memory_space<vmem>> -> memref<128x128xf32, #tpu.memory_space<vmem>>
      %dma_wait3A_173 = arith.constant 0 : i32
      %dma_wait3A_174 = tpu.memref_slice %arg8[%dma_wait3A_167, %dma_wait3A_173] : memref<2x128xi32, #tpu.memory_space<vmem>> -> memref<1x128xi32, #tpu.memory_space<vmem>>
      %dma_wait3A_175 = tpu.memref_squeeze %dma_wait3A_174 : memref<1x128xi32, #tpu.memory_space<vmem>> -> memref<128xi32, #tpu.memory_space<vmem>>
      %dma_wait3A_176 = arith.constant 0 : i32
      %dma_wait3A_177 = arith.constant 0 : i32
      %dma_wait3A_178 = tpu.memref_slice %arg3[%dma_wait3A_176, %dma_wait3A_177] : memref<10000x128xf32, #tpu.memory_space<hbm>> -> memref<10000x128xf32, #tpu.memory_space<hbm>>
      tpu.wait_indirect_dma semaphore(%arg14 : memref<!tpu.dma_semaphore, #tpu.memory_space<semaphore_mem>>) src(%dma_wait3A_178 : memref<10000x128xf32, #tpu.memory_space<hbm>>) dst(%dma_wait3A_172 : memref<128x128xf32, #tpu.memory_space<vmem>>)
      %scan3A_179 = arith.constant 0 : i32
      %scan3A_180 = arith.constant 0 : i32
      %scan3A_181 = arith.constant 128 : i32
      %scan3A_182 = arith.addi %scan3A_180, %scan3A_181 : i32
      %scan3A_183 = arith.constant 1 : i32
      scf.for %scan3A_186 = %scan3A_180 to %scan3A_182 step %scan3A_183  : i32 {
        %get3A = arith.constant 0 : i32
        %get3A_187 = arith.index_cast %get3A : i32 to index
        %get3A_188 = arith.index_cast %scan3A_186 : i32 to index
        %get3A_189 = arith.constant 0 : index
        %get3A_190 = tpu.vector_load %arg9[%get3A_187, %get3A_188, %get3A_189] {strides = array<i32>} : memref<2x128x128xf32, #tpu.memory_space<vmem>>, vector<1x1x16xf32>,
        %get3A_191 = vector.shape_cast %get3A_190 : vector<1x1x16xf32> to vector<16xf32>
        %get3A_192 = arith.constant 0 : i32
        %get3A_193 = arith.index_cast %get3A_192 : i32 to index
        %get3A_194 = arith.index_cast %scan3A_186 : i32 to index
        %get3A_195 = arith.constant 0 : index
        %get3A_196 = tpu.vector_load %arg10[%get3A_193, %get3A_194, %get3A_195] {strides = array<i32>} : memref<2x128x128xf32, #tpu.memory_space<vmem>>, vector<1x1x16xf32>,
        %get3A_197 = vector.shape_cast %get3A_196 : vector<1x1x16xf32> to vector<16xf32>
        %add3A_198 = arith.addf %get3A_191, %get3A_197 : vector<16xf32>
        %swap3A = arith.constant 0 : i32
        %swap3A_199 = arith.index_cast %swap3A : i32 to index
        %swap3A_200 = arith.index_cast %scan3A_186 : i32 to index
        %swap3A_201 = arith.constant 0 : index
        %swap3A_202 = tpu.vector_load %arg9[%swap3A_199, %swap3A_200, %swap3A_201] {strides = array<i32>} : memref<2x128x128xf32, #tpu.memory_space<vmem>>, vector<1x1x16xf32>,
        %swap3A_203 = vector.shape_cast %swap3A_202 : vector<1x1x16xf32> to vector<16xf32>
        %swap3A_204 = vector.shape_cast %add3A_198 : vector<16xf32> to vector<1x1x16xf32>
        tpu.vector_store %arg9[%swap3A_199, %swap3A_200, %swap3A_201], %swap3A_204 {strides = array<i32>} : memref<2x128x128xf32, #tpu.memory_space<vmem>>, vector<1x1x16xf32>,
        %get3A_205 = arith.constant 0 : i32
        %get3A_206 = arith.index_cast %get3A_205 : i32 to index
        %get3A_207 = arith.index_cast %scan3A_186 : i32 to index
        %get3A_208 = arith.constant 16 : index
        %get3A_209 = tpu.vector_load %arg9[%get3A_206, %get3A_207, %get3A_208] {strides = array<i32>} : memref<2x128x128xf32, #tpu.memory_space<vmem>>, vector<1x1x16xf32>,
        %get3A_210 = vector.shape_cast %get3A_209 : vector<1x1x16xf32> to vector<16xf32>
        %get3A_211 = arith.constant 0 : i32
        %get3A_212 = arith.index_cast %get3A_211 : i32 to index
        %get3A_213 = arith.index_cast %scan3A_186 : i32 to index
        %get3A_214 = arith.constant 16 : index
        %get3A_215 = tpu.vector_load %arg10[%get3A_212, %get3A_213, %get3A_214] {strides = array<i32>} : memref<2x128x128xf32, #tpu.memory_space<vmem>>, vector<1x1x16xf32>,
        %get3A_216 = vector.shape_cast %get3A_215 : vector<1x1x16xf32> to vector<16xf32>
        %add3A_217 = arith.addf %get3A_210, %get3A_216 : vector<16xf32>
        %swap3A_218 = arith.constant 0 : i32
        %swap3A_219 = arith.index_cast %swap3A_218 : i32 to index
        %swap3A_220 = arith.index_cast %scan3A_186 : i32 to index
        %swap3A_221 = arith.constant 16 : index
        %swap3A_222 = tpu.vector_load %arg9[%swap3A_219, %swap3A_220, %swap3A_221] {strides = array<i32>} : memref<2x128x128xf32, #tpu.memory_space<vmem>>, vector<1x1x16xf32>,
        %swap3A_223 = vector.shape_cast %swap3A_222 : vector<1x1x16xf32> to vector<16xf32>
        %swap3A_224 = vector.shape_cast %add3A_217 : vector<16xf32> to vector<1x1x16xf32>
        tpu.vector_store %arg9[%swap3A_219, %swap3A_220, %swap3A_221], %swap3A_224 {strides = array<i32>} : memref<2x128x128xf32, #tpu.memory_space<vmem>>, vector<1x1x16xf32>,
        %get3A_225 = arith.constant 0 : i32
        %get3A_226 = arith.index_cast %get3A_225 : i32 to index
        %get3A_227 = arith.index_cast %scan3A_186 : i32 to index
        %get3A_228 = arith.constant 32 : index
        %get3A_229 = tpu.vector_load %arg9[%get3A_226, %get3A_227, %get3A_228] {strides = array<i32>} : memref<2x128x128xf32, #tpu.memory_space<vmem>>, vector<1x1x16xf32>,
        %get3A_230 = vector.shape_cast %get3A_229 : vector<1x1x16xf32> to vector<16xf32>
        %get3A_231 = arith.constant 0 : i32
        %get3A_232 = arith.index_cast %get3A_231 : i32 to index
        %get3A_233 = arith.index_cast %scan3A_186 : i32 to index
        %get3A_234 = arith.constant 32 : index
        %get3A_235 = tpu.vector_load %arg10[%get3A_232, %get3A_233, %get3A_234] {strides = array<i32>} : memref<2x128x128xf32, #tpu.memory_space<vmem>>, vector<1x1x16xf32>,
        %get3A_236 = vector.shape_cast %get3A_235 : vector<1x1x16xf32> to vector<16xf32>
        %add3A_237 = arith.addf %get3A_230, %get3A_236 : vector<16xf32>
        %swap3A_238 = arith.constant 0 : i32
        %swap3A_239 = arith.index_cast %swap3A_238 : i32 to index
        %swap3A_240 = arith.index_cast %scan3A_186 : i32 to index
        %swap3A_241 = arith.constant 32 : index
        %swap3A_242 = tpu.vector_load %arg9[%swap3A_239, %swap3A_240, %swap3A_241] {strides = array<i32>} : memref<2x128x128xf32, #tpu.memory_space<vmem>>, vector<1x1x16xf32>,
        %swap3A_243 = vector.shape_cast %swap3A_242 : vector<1x1x16xf32> to vector<16xf32>
        %swap3A_244 = vector.shape_cast %add3A_237 : vector<16xf32> to vector<1x1x16xf32>
        tpu.vector_store %arg9[%swap3A_239, %swap3A_240, %swap3A_241], %swap3A_244 {strides = array<i32>} : memref<2x128x128xf32, #tpu.memory_space<vmem>>, vector<1x1x16xf32>,
        %get3A_245 = arith.constant 0 : i32
        %get3A_246 = arith.index_cast %get3A_245 : i32 to index
        %get3A_247 = arith.index_cast %scan3A_186 : i32 to index
        %get3A_248 = arith.constant 48 : index
        %get3A_249 = tpu.vector_load %arg9[%get3A_246, %get3A_247, %get3A_248] {strides = array<i32>} : memref<2x128x128xf32, #tpu.memory_space<vmem>>, vector<1x1x16xf32>,
        %get3A_250 = vector.shape_cast %get3A_249 : vector<1x1x16xf32> to vector<16xf32>
        %get3A_251 = arith.constant 0 : i32
        %get3A_252 = arith.index_cast %get3A_251 : i32 to index
        %get3A_253 = arith.index_cast %scan3A_186 : i32 to index
        %get3A_254 = arith.constant 48 : index
        %get3A_255 = tpu.vector_load %arg10[%get3A_252, %get3A_253, %get3A_254] {strides = array<i32>} : memref<2x128x128xf32, #tpu.memory_space<vmem>>, vector<1x1x16xf32>,
        %get3A_256 = vector.shape_cast %get3A_255 : vector<1x1x16xf32> to vector<16xf32>
        %add3A_257 = arith.addf %get3A_250, %get3A_256 : vector<16xf32>
        %swap3A_258 = arith.constant 0 : i32
        %swap3A_259 = arith.index_cast %swap3A_258 : i32 to index
        %swap3A_260 = arith.index_cast %scan3A_186 : i32 to index
        %swap3A_261 = arith.constant 48 : index
        %swap3A_262 = tpu.vector_load %arg9[%swap3A_259, %swap3A_260, %swap3A_261] {strides = array<i32>} : memref<2x128x128xf32, #tpu.memory_space<vmem>>, vector<1x1x16xf32>,
        %swap3A_263 = vector.shape_cast %swap3A_262 : vector<1x1x16xf32> to vector<16xf32>
        %swap3A_264 = vector.shape_cast %add3A_257 : vector<16xf32> to vector<1x1x16xf32>
        tpu.vector_store %arg9[%swap3A_259, %swap3A_260, %swap3A_261], %swap3A_264 {strides = array<i32>} : memref<2x128x128xf32, #tpu.memory_space<vmem>>, vector<1x1x16xf32>,
        %get3A_265 = arith.constant 0 : i32
        %get3A_266 = arith.index_cast %get3A_265 : i32 to index
        %get3A_267 = arith.index_cast %scan3A_186 : i32 to index
        %get3A_268 = arith.constant 64 : index
        %get3A_269 = tpu.vector_load %arg9[%get3A_266, %get3A_267, %get3A_268] {strides = array<i32>} : memref<2x128x128xf32, #tpu.memory_space<vmem>>, vector<1x1x16xf32>,
        %get3A_270 = vector.shape_cast %get3A_269 : vector<1x1x16xf32> to vector<16xf32>
        %get3A_271 = arith.constant 0 : i32
        %get3A_272 = arith.index_cast %get3A_271 : i32 to index
        %get3A_273 = arith.index_cast %scan3A_186 : i32 to index
        %get3A_274 = arith.constant 64 : index
        %get3A_275 = tpu.vector_load %arg10[%get3A_272, %get3A_273, %get3A_274] {strides = array<i32>} : memref<2x128x128xf32, #tpu.memory_space<vmem>>, vector<1x1x16xf32>,
        %get3A_276 = vector.shape_cast %get3A_275 : vector<1x1x16xf32> to vector<16xf32>
        %add3A_277 = arith.addf %get3A_270, %get3A_276 : vector<16xf32>
        %swap3A_278 = arith.constant 0 : i32
        %swap3A_279 = arith.index_cast %swap3A_278 : i32 to index
        %swap3A_280 = arith.index_cast %scan3A_186 : i32 to index
        %swap3A_281 = arith.constant 64 : index
        %swap3A_282 = tpu.vector_load %arg9[%swap3A_279, %swap3A_280, %swap3A_281] {strides = array<i32>} : memref<2x128x128xf32, #tpu.memory_space<vmem>>, vector<1x1x16xf32>,
        %swap3A_283 = vector.shape_cast %swap3A_282 : vector<1x1x16xf32> to vector<16xf32>
        %swap3A_284 = vector.shape_cast %add3A_277 : vector<16xf32> to vector<1x1x16xf32>
        tpu.vector_store %arg9[%swap3A_279, %swap3A_280, %swap3A_281], %swap3A_284 {strides = array<i32>} : memref<2x128x128xf32, #tpu.memory_space<vmem>>, vector<1x1x16xf32>,
        %get3A_285 = arith.constant 0 : i32
        %get3A_286 = arith.index_cast %get3A_285 : i32 to index
        %get3A_287 = arith.index_cast %scan3A_186 : i32 to index
        %get3A_288 = arith.constant 80 : index
        %get3A_289 = tpu.vector_load %arg9[%get3A_286, %get3A_287, %get3A_288] {strides = array<i32>} : memref<2x128x128xf32, #tpu.memory_space<vmem>>, vector<1x1x16xf32>,
        %get3A_290 = vector.shape_cast %get3A_289 : vector<1x1x16xf32> to vector<16xf32>
        %get3A_291 = arith.constant 0 : i32
        %get3A_292 = arith.index_cast %get3A_291 : i32 to index
        %get3A_293 = arith.index_cast %scan3A_186 : i32 to index
        %get3A_294 = arith.constant 80 : index
        %get3A_295 = tpu.vector_load %arg10[%get3A_292, %get3A_293, %get3A_294] {strides = array<i32>} : memref<2x128x128xf32, #tpu.memory_space<vmem>>, vector<1x1x16xf32>,
        %get3A_296 = vector.shape_cast %get3A_295 : vector<1x1x16xf32> to vector<16xf32>
        %add3A_297 = arith.addf %get3A_290, %get3A_296 : vector<16xf32>
        %swap3A_298 = arith.constant 0 : i32
        %swap3A_299 = arith.index_cast %swap3A_298 : i32 to index
        %swap3A_300 = arith.index_cast %scan3A_186 : i32 to index
        %swap3A_301 = arith.constant 80 : index
        %swap3A_302 = tpu.vector_load %arg9[%swap3A_299, %swap3A_300, %swap3A_301] {strides = array<i32>} : memref<2x128x128xf32, #tpu.memory_space<vmem>>, vector<1x1x16xf32>,
        %swap3A_303 = vector.shape_cast %swap3A_302 : vector<1x1x16xf32> to vector<16xf32>
        %swap3A_304 = vector.shape_cast %add3A_297 : vector<16xf32> to vector<1x1x16xf32>
        tpu.vector_store %arg9[%swap3A_299, %swap3A_300, %swap3A_301], %swap3A_304 {strides = array<i32>} : memref<2x128x128xf32, #tpu.memory_space<vmem>>, vector<1x1x16xf32>,
        %get3A_305 = arith.constant 0 : i32
        %get3A_306 = arith.index_cast %get3A_305 : i32 to index
        %get3A_307 = arith.index_cast %scan3A_186 : i32 to index
        %get3A_308 = arith.constant 96 : index
        %get3A_309 = tpu.vector_load %arg9[%get3A_306, %get3A_307, %get3A_308] {strides = array<i32>} : memref<2x128x128xf32, #tpu.memory_space<vmem>>, vector<1x1x16xf32>,
        %get3A_310 = vector.shape_cast %get3A_309 : vector<1x1x16xf32> to vector<16xf32>
        %get3A_311 = arith.constant 0 : i32
        %get3A_312 = arith.index_cast %get3A_311 : i32 to index
        %get3A_313 = arith.index_cast %scan3A_186 : i32 to index
        %get3A_314 = arith.constant 96 : index
        %get3A_315 = tpu.vector_load %arg10[%get3A_312, %get3A_313, %get3A_314] {strides = array<i32>} : memref<2x128x128xf32, #tpu.memory_space<vmem>>, vector<1x1x16xf32>,
        %get3A_316 = vector.shape_cast %get3A_315 : vector<1x1x16xf32> to vector<16xf32>
        %add3A_317 = arith.addf %get3A_310, %get3A_316 : vector<16xf32>
        %swap3A_318 = arith.constant 0 : i32
        %swap3A_319 = arith.index_cast %swap3A_318 : i32 to index
        %swap3A_320 = arith.index_cast %scan3A_186 : i32 to index
        %swap3A_321 = arith.constant 96 : index
        %swap3A_322 = tpu.vector_load %arg9[%swap3A_319, %swap3A_320, %swap3A_321] {strides = array<i32>} : memref<2x128x128xf32, #tpu.memory_space<vmem>>, vector<1x1x16xf32>,
        %swap3A_323 = vector.shape_cast %swap3A_322 : vector<1x1x16xf32> to vector<16xf32>
        %swap3A_324 = vector.shape_cast %add3A_317 : vector<16xf32> to vector<1x1x16xf32>
        tpu.vector_store %arg9[%swap3A_319, %swap3A_320, %swap3A_321], %swap3A_324 {strides = array<i32>} : memref<2x128x128xf32, #tpu.memory_space<vmem>>, vector<1x1x16xf32>,
        %get3A_325 = arith.constant 0 : i32
        %get3A_326 = arith.index_cast %get3A_325 : i32 to index
        %get3A_327 = arith.index_cast %scan3A_186 : i32 to index
        %get3A_328 = arith.constant 112 : index
        %get3A_329 = tpu.vector_load %arg9[%get3A_326, %get3A_327, %get3A_328] {strides = array<i32>} : memref<2x128x128xf32, #tpu.memory_space<vmem>>, vector<1x1x16xf32>,
        %get3A_330 = vector.shape_cast %get3A_329 : vector<1x1x16xf32> to vector<16xf32>
        %get3A_331 = arith.constant 0 : i32
        %get3A_332 = arith.index_cast %get3A_331 : i32 to index
        %get3A_333 = arith.index_cast %scan3A_186 : i32 to index
        %get3A_334 = arith.constant 112 : index
        %get3A_335 = tpu.vector_load %arg10[%get3A_332, %get3A_333, %get3A_334] {strides = array<i32>} : memref<2x128x128xf32, #tpu.memory_space<vmem>>, vector<1x1x16xf32>,
        %get3A_336 = vector.shape_cast %get3A_335 : vector<1x1x16xf32> to vector<16xf32>
        %add3A_337 = arith.addf %get3A_330, %get3A_336 : vector<16xf32>
        %swap3A_338 = arith.constant 0 : i32
        %swap3A_339 = arith.index_cast %swap3A_338 : i32 to index
        %swap3A_340 = arith.index_cast %scan3A_186 : i32 to index
        %swap3A_341 = arith.constant 112 : index
        %swap3A_342 = tpu.vector_load %arg9[%swap3A_339, %swap3A_340, %swap3A_341] {strides = array<i32>} : memref<2x128x128xf32, #tpu.memory_space<vmem>>, vector<1x1x16xf32>,
        %swap3A_343 = vector.shape_cast %swap3A_342 : vector<1x1x16xf32> to vector<16xf32>
        %swap3A_344 = vector.shape_cast %add3A_337 : vector<16xf32> to vector<1x1x16xf32>
        tpu.vector_store %arg9[%swap3A_339, %swap3A_340, %swap3A_341], %swap3A_344 {strides = array<i32>} : memref<2x128x128xf32, #tpu.memory_space<vmem>>, vector<1x1x16xf32>,
      }
      %scan3A_184 = arith.constant 128 : i32
      %run_scoped3A_185 = arith.constant 0 : i32
      "tpu.region"() ({
        %run_scoped3A_186 = tpu.sem_alloc : memref<!tpu.dma_semaphore, #tpu.memory_space<semaphore_mem>>
        %dma_start3A_187 = arith.constant 0 : i32
        %dma_start3A_188 = arith.constant 0 : i32
        %dma_start3A_189 = tpu.memref_slice %arg9[%run_scoped3A_185, %dma_start3A_187, %dma_start3A_188] : memref<2x128x128xf32, #tpu.memory_space<vmem>> -> memref<1x128x128xf32, #tpu.memory_space<vmem>>
        %dma_start3A_190 = tpu.memref_squeeze %dma_start3A_189 : memref<1x128x128xf32, #tpu.memory_space<vmem>> -> memref<128x128xf32, #tpu.memory_space<vmem>>
        %dma_start3A_191 = arith.constant 0 : i32
        %dma_start3A_192 = tpu.memref_slice %arg6[%mul3A_129, %dma_start3A_191] : memref<160000x128xf32, #tpu.memory_space<hbm>> -> memref<128x128xf32, #tpu.memory_space<hbm>>
        %dma_start3A_193 = arith.constant 0 : i32
        %dma_start3A_194 = tpu.memref_slice %arg6[%mul3A_129, %dma_start3A_193] : memref<160000x128xf32, #tpu.memory_space<hbm>> -> memref<128x128xf32, #tpu.memory_space<hbm>>
        %dma_start3A_195 = arith.constant 0 : i32
        %dma_start3A_196 = arith.constant 0 : i32
        %dma_start3A_197 = tpu.memref_slice %arg9[%run_scoped3A_185, %dma_start3A_195, %dma_start3A_196] : memref<2x128x128xf32, #tpu.memory_space<vmem>> -> memref<1x128x128xf32, #tpu.memory_space<vmem>>
        %dma_start3A_198 = tpu.memref_squeeze %dma_start3A_197 : memref<1x128x128xf32, #tpu.memory_space<vmem>> -> memref<128x128xf32, #tpu.memory_space<vmem>>
        tpu.enqueue_dma source(%dma_start3A_198 : memref<128x128xf32, #tpu.memory_space<vmem>>) target(%dma_start3A_194 : memref<128x128xf32, #tpu.memory_space<hbm>>) target_semaphore(%run_scoped3A_186 : memref<!tpu.dma_semaphore, #tpu.memory_space<semaphore_mem>>)
        %dma_wait3A_199 = arith.constant 0 : i32
        %dma_wait3A_200 = arith.constant 0 : i32
        %dma_wait3A_201 = tpu.memref_slice %arg9[%run_scoped3A_185, %dma_wait3A_199, %dma_wait3A_200] : memref<2x128x128xf32, #tpu.memory_space<vmem>> -> memref<1x128x128xf32, #tpu.memory_space<vmem>>
        %dma_wait3A_202 = tpu.memref_squeeze %dma_wait3A_201 : memref<1x128x128xf32, #tpu.memory_space<vmem>> -> memref<128x128xf32, #tpu.memory_space<vmem>>
        %dma_wait3A_203 = arith.constant 0 : i32
        %dma_wait3A_204 = tpu.memref_slice %arg6[%mul3A_129, %dma_wait3A_203] : memref<160000x128xf32, #tpu.memory_space<hbm>> -> memref<128x128xf32, #tpu.memory_space<hbm>>
        %dma_wait3A_205 = arith.constant 0 : i32
        %dma_wait3A_206 = tpu.memref_slice %arg6[%mul3A_129, %dma_wait3A_205] : memref<160000x128xf32, #tpu.memory_space<hbm>> -> memref<128x128xf32, #tpu.memory_space<hbm>>
        %dma_wait3A_207 = arith.constant 0 : i32
        %dma_wait3A_208 = arith.constant 0 : i32
        %dma_wait3A_209 = tpu.memref_slice %arg9[%run_scoped3A_185, %dma_wait3A_207, %dma_wait3A_208] : memref<2x128x128xf32, #tpu.memory_space<vmem>> -> memref<1x128x128xf32, #tpu.memory_space<vmem>>
        %dma_wait3A_210 = tpu.memref_squeeze %dma_wait3A_209 : memref<1x128x128xf32, #tpu.memory_space<vmem>> -> memref<128x128xf32, #tpu.memory_space<vmem>>
        tpu.wait_dma2 semaphore(%run_scoped3A_186 : memref<!tpu.dma_semaphore, #tpu.memory_space<semaphore_mem>>) src(%dma_wait3A_210 : memref<128x128xf32, #tpu.memory_space<vmem>>) dst(%dma_wait3A_206 : memref<128x128xf32, #tpu.memory_space<hbm>>)
        tpu.yield
      }) : () -> ()
    } else {
    }
    return
  }
}

#map = affine_map<(d0, d1) -> (0, 0)>
#map1 = affine_map<(d0, d1) -> (0)>
module attributes {stable_mosaic.version = 14 : i64} {
  func.func @scatter(%arg0: i32, %arg1: i32, %arg2: memref<160000x128xf32, #tpu.memory_space<hbm>>, %arg3: memref<160000xi32, #tpu.memory_space<hbm>>, %arg4: memref<10240x128xf32, #tpu.memory_space<hbm>>, %arg5: memref<20480x128xf32, #tpu.memory_space<hbm>>, %arg6: memref<2x128xi32, #tpu.memory_space<vmem>>, %arg7: memref<2x128x128xf32, #tpu.memory_space<vmem>>, %arg8: memref<10240x128xf32, #tpu.memory_space<vmem_shared>>, %arg9: memref<!tpu.dma_semaphore, #tpu.memory_space<semaphore_mem>>, %arg10: memref<!tpu.dma_semaphore, #tpu.memory_space<semaphore_mem>>, %arg11: memref<!tpu.dma_semaphore, #tpu.memory_space<semaphore_mem>>, %arg12: memref<!tpu.dma_semaphore, #tpu.memory_space<semaphore_mem>>) attributes {dimension_semantics = [#tpu.dimension_semantics<core_parallel>, #tpu.dimension_semantics<subcore_parallel>], iteration_bounds = array<i64: 2, 16>, scalar_prefetch = 0 : i64, scratch_operands = 7 : i64, tpu.core_type = #tpu.core_type<sc_vector_subcore>, window_params = [{transform_indices = #map}, {transform_indices = #map1}, {transform_indices = #map}, {transform_indices = #map}]} {
    %mul3A = arith.constant 2 : i32
    %mul3A_0 = arith.muli %arg1, %mul3A : i32
    %add3A = arith.addi %mul3A_0, %arg0 : i32
    %mul3A_1 = arith.constant 39 : i32
    %mul3A_2 = arith.muli %add3A, %mul3A_1 : i32
    %mul3A_3 = arith.constant 128 : i32
    %mul3A_4 = arith.muli %mul3A_2, %mul3A_3 : i32
    %mul3A_5 = arith.constant 640 : i32
    %mul3A_6 = arith.muli %arg1, %mul3A_5 : i32
    %mul3A_7 = arith.constant 640 : i32
    %mul3A_8 = arith.muli %arg1, %mul3A_7 : i32
    "tpu.region"() ({
      %run_scoped3A = tpu.sem_alloc : memref<!tpu.dma_semaphore, #tpu.memory_space<semaphore_mem>>
      %dma_start3A_47 = arith.constant 0 : i32
      %dma_start3A_48 = tpu.memref_slice %arg8[%mul3A_8, %dma_start3A_47] : memref<10240x128xf32, #tpu.memory_space<vmem_shared>> -> memref<640x128xf32, #tpu.memory_space<vmem_shared>>
      %dma_start3A_49 = arith.constant 0 : i32
      %dma_start3A_50 = tpu.memref_slice %arg4[%mul3A_6, %dma_start3A_49] : memref<10240x128xf32, #tpu.memory_space<hbm>> -> memref<640x128xf32, #tpu.memory_space<hbm>>
      tpu.enqueue_dma source(%dma_start3A_50 : memref<640x128xf32, #tpu.memory_space<hbm>>) target(%dma_start3A_48 : memref<640x128xf32, #tpu.memory_space<vmem_shared>>) target_semaphore(%run_scoped3A : memref<!tpu.dma_semaphore, #tpu.memory_space<semaphore_mem>>)
      %dma_wait3A = arith.constant 0 : i32
      %dma_wait3A_51 = tpu.memref_slice %arg8[%mul3A_8, %dma_wait3A] : memref<10240x128xf32, #tpu.memory_space<vmem_shared>> -> memref<640x128xf32, #tpu.memory_space<vmem_shared>>
      %dma_wait3A_52 = arith.constant 0 : i32
      %dma_wait3A_53 = tpu.memref_slice %arg4[%mul3A_6, %dma_wait3A_52] : memref<10240x128xf32, #tpu.memory_space<hbm>> -> memref<640x128xf32, #tpu.memory_space<hbm>>
      tpu.wait_dma2 semaphore(%run_scoped3A : memref<!tpu.dma_semaphore, #tpu.memory_space<semaphore_mem>>) src(%dma_wait3A_53 : memref<640x128xf32, #tpu.memory_space<hbm>>) dst(%dma_wait3A_51 : memref<640x128xf32, #tpu.memory_space<vmem_shared>>)
      tpu.yield
    }) : () -> ()
    %barrier3A = arith.constant 0 : index
    tpu.barrier barrier_id(%barrier3A)
    %add3A_9 = arith.constant 0 : i32
    %add3A_10 = arith.addi %mul3A_4, %add3A_9 : i32
    %dma_start3A = arith.constant 0 : i32
    %dma_start3A_11 = arith.constant 0 : i32
    %dma_start3A_12 = tpu.memref_slice %arg6[%dma_start3A, %dma_start3A_11] : memref<2x128xi32, #tpu.memory_space<vmem>> -> memref<1x128xi32, #tpu.memory_space<vmem>>
    %dma_start3A_13 = tpu.memref_squeeze %dma_start3A_12 : memref<1x128xi32, #tpu.memory_space<vmem>> -> memref<128xi32, #tpu.memory_space<vmem>>
    %dma_start3A_14 = tpu.memref_slice %arg3[%add3A_10] : memref<160000xi32, #tpu.memory_space<hbm>> -> memref<128xi32, #tpu.memory_space<hbm>>
    %dma_start3A_15 = arith.constant 0 : i32
    %dma_start3A_16 = tpu.memref_slice %arg6[%dma_start3A, %dma_start3A_15] : memref<2x128xi32, #tpu.memory_space<vmem>> -> memref<1x128xi32, #tpu.memory_space<vmem>>
    %dma_start3A_17 = tpu.memref_squeeze %dma_start3A_16 : memref<1x128xi32, #tpu.memory_space<vmem>> -> memref<128xi32, #tpu.memory_space<vmem>>
    %dma_start3A_18 = tpu.memref_slice %arg3[%add3A_10] : memref<160000xi32, #tpu.memory_space<hbm>> -> memref<128xi32, #tpu.memory_space<hbm>>
    tpu.enqueue_dma source(%dma_start3A_18 : memref<128xi32, #tpu.memory_space<hbm>>) target(%dma_start3A_17 : memref<128xi32, #tpu.memory_space<vmem>>) target_semaphore(%arg9 : memref<!tpu.dma_semaphore, #tpu.memory_space<semaphore_mem>>)
    %dma_start3A_19 = arith.constant 0 : i32
    %dma_start3A_20 = arith.constant 0 : i32
    %dma_start3A_21 = arith.constant 0 : i32
    %dma_start3A_22 = tpu.memref_slice %arg7[%dma_start3A_19, %dma_start3A_20, %dma_start3A_21] : memref<2x128x128xf32, #tpu.memory_space<vmem>> -> memref<1x128x128xf32, #tpu.memory_space<vmem>>
    %dma_start3A_23 = tpu.memref_squeeze %dma_start3A_22 : memref<1x128x128xf32, #tpu.memory_space<vmem>> -> memref<128x128xf32, #tpu.memory_space<vmem>>
    %dma_start3A_24 = arith.constant 0 : i32
    %dma_start3A_25 = tpu.memref_slice %arg2[%add3A_10, %dma_start3A_24] : memref<160000x128xf32, #tpu.memory_space<hbm>> -> memref<128x128xf32, #tpu.memory_space<hbm>>
    %dma_start3A_26 = arith.constant 0 : i32
    %dma_start3A_27 = arith.constant 0 : i32
    %dma_start3A_28 = tpu.memref_slice %arg7[%dma_start3A_19, %dma_start3A_26, %dma_start3A_27] : memref<2x128x128xf32, #tpu.memory_space<vmem>> -> memref<1x128x128xf32, #tpu.memory_space<vmem>>
    %dma_start3A_29 = tpu.memref_squeeze %dma_start3A_28 : memref<1x128x128xf32, #tpu.memory_space<vmem>> -> memref<128x128xf32, #tpu.memory_space<vmem>>
    %dma_start3A_30 = arith.constant 0 : i32
    %dma_start3A_31 = tpu.memref_slice %arg2[%add3A_10, %dma_start3A_30] : memref<160000x128xf32, #tpu.memory_space<hbm>> -> memref<128x128xf32, #tpu.memory_space<hbm>>
    tpu.enqueue_dma source(%dma_start3A_31 : memref<128x128xf32, #tpu.memory_space<hbm>>) target(%dma_start3A_29 : memref<128x128xf32, #tpu.memory_space<vmem>>) target_semaphore(%arg11 : memref<!tpu.dma_semaphore, #tpu.memory_space<semaphore_mem>>)
    %scan3A = arith.constant 0 : i32
    %scan3A_32 = arith.constant 0 : i32
    %scan3A_33 = arith.constant 20 : i32
    %scan3A_34 = arith.addi %scan3A_32, %scan3A_33 : i32
    %scan3A_35 = arith.constant 1 : i32
    scf.for %scan3A_47 = %scan3A_32 to %scan3A_34 step %scan3A_35  : i32 {
      %mul3A_48 = arith.constant 2 : i32
      %mul3A_49 = arith.muli %mul3A_48, %scan3A_47 : i32
      %add3A_50 = arith.constant 1 : i32
      %add3A_51 = arith.addi %mul3A_49, %add3A_50 : i32
      %lt3A_52 = arith.constant 39 : i32
      %lt3A_53 = arith.cmpi slt, %add3A_51, %lt3A_52 : i32
      %convert_element_type3A_54 = arith.extui %lt3A_53 : i1 to i32
      %cond3A_55 = arith.constant 0 : i32
      %cond3A_56 = arith.cmpi ne, %convert_element_type3A_54, %cond3A_55 : i32
      scf.if %cond3A_56 {
        %add3A_92 = arith.constant 1 : i32
        %add3A_93 = arith.addi %mul3A_49, %add3A_92 : i32
        %mul3A_94 = arith.constant 128 : i32
        %mul3A_95 = arith.muli %add3A_93, %mul3A_94 : i32
        %add3A_96 = arith.addi %mul3A_4, %mul3A_95 : i32
        %dma_start3A_97 = arith.constant 1 : i32
        %dma_start3A_98 = arith.constant 0 : i32
        %dma_start3A_99 = tpu.memref_slice %arg6[%dma_start3A_97, %dma_start3A_98] : memref<2x128xi32, #tpu.memory_space<vmem>> -> memref<1x128xi32, #tpu.memory_space<vmem>>
        %dma_start3A_100 = tpu.memref_squeeze %dma_start3A_99 : memref<1x128xi32, #tpu.memory_space<vmem>> -> memref<128xi32, #tpu.memory_space<vmem>>
        %dma_start3A_101 = tpu.memref_slice %arg3[%add3A_96] : memref<160000xi32, #tpu.memory_space<hbm>> -> memref<128xi32, #tpu.memory_space<hbm>>
        %dma_start3A_102 = arith.constant 0 : i32
        %dma_start3A_103 = tpu.memref_slice %arg6[%dma_start3A_97, %dma_start3A_102] : memref<2x128xi32, #tpu.memory_space<vmem>> -> memref<1x128xi32, #tpu.memory_space<vmem>>
        %dma_start3A_104 = tpu.memref_squeeze %dma_start3A_103 : memref<1x128xi32, #tpu.memory_space<vmem>> -> memref<128xi32, #tpu.memory_space<vmem>>
        %dma_start3A_105 = tpu.memref_slice %arg3[%add3A_96] : memref<160000xi32, #tpu.memory_space<hbm>> -> memref<128xi32, #tpu.memory_space<hbm>>
        tpu.enqueue_dma source(%dma_start3A_105 : memref<128xi32, #tpu.memory_space<hbm>>) target(%dma_start3A_104 : memref<128xi32, #tpu.memory_space<vmem>>) target_semaphore(%arg10 : memref<!tpu.dma_semaphore, #tpu.memory_space<semaphore_mem>>)
        %dma_start3A_106 = arith.constant 1 : i32
        %dma_start3A_107 = arith.constant 0 : i32
        %dma_start3A_108 = arith.constant 0 : i32
        %dma_start3A_109 = tpu.memref_slice %arg7[%dma_start3A_106, %dma_start3A_107, %dma_start3A_108] : memref<2x128x128xf32, #tpu.memory_space<vmem>> -> memref<1x128x128xf32, #tpu.memory_space<vmem>>
        %dma_start3A_110 = tpu.memref_squeeze %dma_start3A_109 : memref<1x128x128xf32, #tpu.memory_space<vmem>> -> memref<128x128xf32, #tpu.memory_space<vmem>>
        %dma_start3A_111 = arith.constant 0 : i32
        %dma_start3A_112 = tpu.memref_slice %arg2[%add3A_96, %dma_start3A_111] : memref<160000x128xf32, #tpu.memory_space<hbm>> -> memref<128x128xf32, #tpu.memory_space<hbm>>
        %dma_start3A_113 = arith.constant 0 : i32
        %dma_start3A_114 = arith.constant 0 : i32
        %dma_start3A_115 = tpu.memref_slice %arg7[%dma_start3A_106, %dma_start3A_113, %dma_start3A_114] : memref<2x128x128xf32, #tpu.memory_space<vmem>> -> memref<1x128x128xf32, #tpu.memory_space<vmem>>
        %dma_start3A_116 = tpu.memref_squeeze %dma_start3A_115 : memref<1x128x128xf32, #tpu.memory_space<vmem>> -> memref<128x128xf32, #tpu.memory_space<vmem>>
        %dma_start3A_117 = arith.constant 0 : i32
        %dma_start3A_118 = tpu.memref_slice %arg2[%add3A_96, %dma_start3A_117] : memref<160000x128xf32, #tpu.memory_space<hbm>> -> memref<128x128xf32, #tpu.memory_space<hbm>>
        tpu.enqueue_dma source(%dma_start3A_118 : memref<128x128xf32, #tpu.memory_space<hbm>>) target(%dma_start3A_116 : memref<128x128xf32, #tpu.memory_space<vmem>>) target_semaphore(%arg12 : memref<!tpu.dma_semaphore, #tpu.memory_space<semaphore_mem>>)
      } else {
      }
      %dma_wait3A = arith.constant 0 : i32
      %dma_wait3A_57 = arith.constant 0 : i32
      %dma_wait3A_58 = tpu.memref_slice %arg6[%dma_wait3A, %dma_wait3A_57] : memref<2x128xi32, #tpu.memory_space<vmem>> -> memref<1x128xi32, #tpu.memory_space<vmem>>
      %dma_wait3A_59 = tpu.memref_squeeze %dma_wait3A_58 : memref<1x128xi32, #tpu.memory_space<vmem>> -> memref<128xi32, #tpu.memory_space<vmem>>
      %dma_wait3A_60 = arith.constant 0 : i32
      %dma_wait3A_61 = tpu.memref_slice %arg3[%dma_wait3A_60] : memref<160000xi32, #tpu.memory_space<hbm>> -> memref<128xi32, #tpu.memory_space<hbm>>
      %dma_wait3A_62 = arith.constant 0 : i32
      %dma_wait3A_63 = tpu.memref_slice %arg6[%dma_wait3A, %dma_wait3A_62] : memref<2x128xi32, #tpu.memory_space<vmem>> -> memref<1x128xi32, #tpu.memory_space<vmem>>
      %dma_wait3A_64 = tpu.memref_squeeze %dma_wait3A_63 : memref<1x128xi32, #tpu.memory_space<vmem>> -> memref<128xi32, #tpu.memory_space<vmem>>
      %dma_wait3A_65 = arith.constant 0 : i32
      %dma_wait3A_66 = tpu.memref_slice %arg3[%dma_wait3A_65] : memref<160000xi32, #tpu.memory_space<hbm>> -> memref<128xi32, #tpu.memory_space<hbm>>
      tpu.wait_dma2 semaphore(%arg9 : memref<!tpu.dma_semaphore, #tpu.memory_space<semaphore_mem>>) src(%dma_wait3A_66 : memref<128xi32, #tpu.memory_space<hbm>>) dst(%dma_wait3A_64 : memref<128xi32, #tpu.memory_space<vmem>>)
      %dma_wait3A_67 = arith.constant 0 : i32
      %dma_wait3A_68 = arith.constant 0 : i32
      %dma_wait3A_69 = arith.constant 0 : i32
      %dma_wait3A_70 = tpu.memref_slice %arg7[%dma_wait3A_67, %dma_wait3A_68, %dma_wait3A_69] : memref<2x128x128xf32, #tpu.memory_space<vmem>> -> memref<1x128x128xf32, #tpu.memory_space<vmem>>
      %dma_wait3A_71 = tpu.memref_squeeze %dma_wait3A_70 : memref<1x128x128xf32, #tpu.memory_space<vmem>> -> memref<128x128xf32, #tpu.memory_space<vmem>>
      %dma_wait3A_72 = arith.constant 0 : i32
      %dma_wait3A_73 = arith.constant 0 : i32
      %dma_wait3A_74 = tpu.memref_slice %arg2[%dma_wait3A_72, %dma_wait3A_73] : memref<160000x128xf32, #tpu.memory_space<hbm>> -> memref<128x128xf32, #tpu.memory_space<hbm>>
      %dma_wait3A_75 = arith.constant 0 : i32
      %dma_wait3A_76 = arith.constant 0 : i32
      %dma_wait3A_77 = tpu.memref_slice %arg7[%dma_wait3A_67, %dma_wait3A_75, %dma_wait3A_76] : memref<2x128x128xf32, #tpu.memory_space<vmem>> -> memref<1x128x128xf32, #tpu.memory_space<vmem>>
      %dma_wait3A_78 = tpu.memref_squeeze %dma_wait3A_77 : memref<1x128x128xf32, #tpu.memory_space<vmem>> -> memref<128x128xf32, #tpu.memory_space<vmem>>
      %dma_wait3A_79 = arith.constant 0 : i32
      %dma_wait3A_80 = arith.constant 0 : i32
      %dma_wait3A_81 = tpu.memref_slice %arg2[%dma_wait3A_79, %dma_wait3A_80] : memref<160000x128xf32, #tpu.memory_space<hbm>> -> memref<128x128xf32, #tpu.memory_space<hbm>>
      tpu.wait_dma2 semaphore(%arg11 : memref<!tpu.dma_semaphore, #tpu.memory_space<semaphore_mem>>) src(%dma_wait3A_81 : memref<128x128xf32, #tpu.memory_space<hbm>>) dst(%dma_wait3A_78 : memref<128x128xf32, #tpu.memory_space<vmem>>)
      %run_scoped3A = arith.constant 0 : i32
      %run_scoped3A_82 = arith.constant 0 : i32
      "tpu.region"() ({
        %run_scoped3A_92 = tpu.sem_alloc : memref<!tpu.dma_semaphore, #tpu.memory_space<semaphore_mem>>
        %dma_start3A_93 = arith.constant 0 : i32
        %dma_start3A_94 = arith.constant 0 : i32
        %dma_start3A_95 = tpu.memref_slice %arg7[%run_scoped3A, %dma_start3A_93, %dma_start3A_94] : memref<2x128x128xf32, #tpu.memory_space<vmem>> -> memref<1x128x128xf32, #tpu.memory_space<vmem>>
        %dma_start3A_96 = tpu.memref_squeeze %dma_start3A_95 : memref<1x128x128xf32, #tpu.memory_space<vmem>> -> memref<128x128xf32, #tpu.memory_space<vmem>>
        %dma_start3A_97 = arith.constant 0 : i32
        %dma_start3A_98 = tpu.memref_slice %arg6[%run_scoped3A_82, %dma_start3A_97] : memref<2x128xi32, #tpu.memory_space<vmem>> -> memref<1x128xi32, #tpu.memory_space<vmem>>
        %dma_start3A_99 = tpu.memref_squeeze %dma_start3A_98 : memref<1x128xi32, #tpu.memory_space<vmem>> -> memref<128xi32, #tpu.memory_space<vmem>>
        %dma_start3A_100 = arith.constant 0 : i32
        %dma_start3A_101 = arith.constant 0 : i32
        %dma_start3A_102 = tpu.memref_slice %arg8[%dma_start3A_100, %dma_start3A_101] : memref<10240x128xf32, #tpu.memory_space<vmem_shared>> -> memref<10240x128xf32, #tpu.memory_space<vmem_shared>>
        tpu.enqueue_indirect_dma source(%dma_start3A_96 : memref<128x128xf32, #tpu.memory_space<vmem>>) target(%dma_start3A_102 : memref<10240x128xf32, #tpu.memory_space<vmem_shared>>) offsets(%dma_start3A_99 : memref<128xi32, #tpu.memory_space<vmem>>) semaphore(%run_scoped3A_92 : memref<!tpu.dma_semaphore, #tpu.memory_space<semaphore_mem>>) {add = true}
        %dma_wait3A_103 = arith.constant 0 : i32
        %dma_wait3A_104 = arith.constant 0 : i32
        %dma_wait3A_105 = tpu.memref_slice %arg7[%run_scoped3A, %dma_wait3A_103, %dma_wait3A_104] : memref<2x128x128xf32, #tpu.memory_space<vmem>> -> memref<1x128x128xf32, #tpu.memory_space<vmem>>
        %dma_wait3A_106 = tpu.memref_squeeze %dma_wait3A_105 : memref<1x128x128xf32, #tpu.memory_space<vmem>> -> memref<128x128xf32, #tpu.memory_space<vmem>>
        %dma_wait3A_107 = arith.constant 0 : i32
        %dma_wait3A_108 = tpu.memref_slice %arg6[%run_scoped3A_82, %dma_wait3A_107] : memref<2x128xi32, #tpu.memory_space<vmem>> -> memref<1x128xi32, #tpu.memory_space<vmem>>
        %dma_wait3A_109 = tpu.memref_squeeze %dma_wait3A_108 : memref<1x128xi32, #tpu.memory_space<vmem>> -> memref<128xi32, #tpu.memory_space<vmem>>
        %dma_wait3A_110 = arith.constant 0 : i32
        %dma_wait3A_111 = arith.constant 0 : i32
        %dma_wait3A_112 = tpu.memref_slice %arg8[%dma_wait3A_110, %dma_wait3A_111] : memref<10240x128xf32, #tpu.memory_space<vmem_shared>> -> memref<10240x128xf32, #tpu.memory_space<vmem_shared>>
        tpu.wait_indirect_dma semaphore(%run_scoped3A_92 : memref<!tpu.dma_semaphore, #tpu.memory_space<semaphore_mem>>) src(%dma_wait3A_106 : memref<128x128xf32, #tpu.memory_space<vmem>>) dst(%dma_wait3A_112 : memref<10240x128xf32, #tpu.memory_space<vmem_shared>>)
        tpu.yield
      }) : () -> ()
      %mul3A_83 = arith.constant 2 : i32
      %mul3A_84 = arith.muli %mul3A_83, %scan3A_47 : i32
      %add3A_85 = arith.constant 1 : i32
      %add3A_86 = arith.addi %mul3A_84, %add3A_85 : i32
      %lt3A_87 = arith.constant 39 : i32
      %lt3A_88 = arith.cmpi slt, %add3A_86, %lt3A_87 : i32
      %convert_element_type3A_89 = arith.extui %lt3A_88 : i1 to i32
      %cond3A_90 = arith.constant 0 : i32
      %cond3A_91 = arith.cmpi ne, %convert_element_type3A_89, %cond3A_90 : i32
      scf.if %cond3A_91 {
        %add3A_92 = arith.constant 1 : i32
        %add3A_93 = arith.addi %add3A_86, %add3A_92 : i32
        %lt3A_94 = arith.constant 39 : i32
        %lt3A_95 = arith.cmpi slt, %add3A_93, %lt3A_94 : i32
        %convert_element_type3A_96 = arith.extui %lt3A_95 : i1 to i32
        %cond3A_97 = arith.constant 0 : i32
        %cond3A_98 = arith.cmpi ne, %convert_element_type3A_96, %cond3A_97 : i32
        scf.if %cond3A_98 {
          %add3A_127 = arith.constant 1 : i32
          %add3A_128 = arith.addi %add3A_86, %add3A_127 : i32
          %mul3A_129 = arith.constant 128 : i32
          %mul3A_130 = arith.muli %add3A_128, %mul3A_129 : i32
          %add3A_131 = arith.addi %mul3A_4, %mul3A_130 : i32
          %dma_start3A_132 = arith.constant 0 : i32
          %dma_start3A_133 = arith.constant 0 : i32
          %dma_start3A_134 = tpu.memref_slice %arg6[%dma_start3A_132, %dma_start3A_133] : memref<2x128xi32, #tpu.memory_space<vmem>> -> memref<1x128xi32, #tpu.memory_space<vmem>>
          %dma_start3A_135 = tpu.memref_squeeze %dma_start3A_134 : memref<1x128xi32, #tpu.memory_space<vmem>> -> memref<128xi32, #tpu.memory_space<vmem>>
          %dma_start3A_136 = tpu.memref_slice %arg3[%add3A_131] : memref<160000xi32, #tpu.memory_space<hbm>> -> memref<128xi32, #tpu.memory_space<hbm>>
          %dma_start3A_137 = arith.constant 0 : i32
          %dma_start3A_138 = tpu.memref_slice %arg6[%dma_start3A_132, %dma_start3A_137] : memref<2x128xi32, #tpu.memory_space<vmem>> -> memref<1x128xi32, #tpu.memory_space<vmem>>
          %dma_start3A_139 = tpu.memref_squeeze %dma_start3A_138 : memref<1x128xi32, #tpu.memory_space<vmem>> -> memref<128xi32, #tpu.memory_space<vmem>>
          %dma_start3A_140 = tpu.memref_slice %arg3[%add3A_131] : memref<160000xi32, #tpu.memory_space<hbm>> -> memref<128xi32, #tpu.memory_space<hbm>>
          tpu.enqueue_dma source(%dma_start3A_140 : memref<128xi32, #tpu.memory_space<hbm>>) target(%dma_start3A_139 : memref<128xi32, #tpu.memory_space<vmem>>) target_semaphore(%arg9 : memref<!tpu.dma_semaphore, #tpu.memory_space<semaphore_mem>>)
          %dma_start3A_141 = arith.constant 0 : i32
          %dma_start3A_142 = arith.constant 0 : i32
          %dma_start3A_143 = arith.constant 0 : i32
          %dma_start3A_144 = tpu.memref_slice %arg7[%dma_start3A_141, %dma_start3A_142, %dma_start3A_143] : memref<2x128x128xf32, #tpu.memory_space<vmem>> -> memref<1x128x128xf32, #tpu.memory_space<vmem>>
          %dma_start3A_145 = tpu.memref_squeeze %dma_start3A_144 : memref<1x128x128xf32, #tpu.memory_space<vmem>> -> memref<128x128xf32, #tpu.memory_space<vmem>>
          %dma_start3A_146 = arith.constant 0 : i32
          %dma_start3A_147 = tpu.memref_slice %arg2[%add3A_131, %dma_start3A_146] : memref<160000x128xf32, #tpu.memory_space<hbm>> -> memref<128x128xf32, #tpu.memory_space<hbm>>
          %dma_start3A_148 = arith.constant 0 : i32
          %dma_start3A_149 = arith.constant 0 : i32
          %dma_start3A_150 = tpu.memref_slice %arg7[%dma_start3A_141, %dma_start3A_148, %dma_start3A_149] : memref<2x128x128xf32, #tpu.memory_space<vmem>> -> memref<1x128x128xf32, #tpu.memory_space<vmem>>
          %dma_start3A_151 = tpu.memref_squeeze %dma_start3A_150 : memref<1x128x128xf32, #tpu.memory_space<vmem>> -> memref<128x128xf32, #tpu.memory_space<vmem>>
          %dma_start3A_152 = arith.constant 0 : i32
          %dma_start3A_153 = tpu.memref_slice %arg2[%add3A_131, %dma_start3A_152] : memref<160000x128xf32, #tpu.memory_space<hbm>> -> memref<128x128xf32, #tpu.memory_space<hbm>>
          tpu.enqueue_dma source(%dma_start3A_153 : memref<128x128xf32, #tpu.memory_space<hbm>>) target(%dma_start3A_151 : memref<128x128xf32, #tpu.memory_space<vmem>>) target_semaphore(%arg11 : memref<!tpu.dma_semaphore, #tpu.memory_space<semaphore_mem>>)
        } else {
        }
        %dma_wait3A_99 = arith.constant 1 : i32
        %dma_wait3A_100 = arith.constant 0 : i32
        %dma_wait3A_101 = tpu.memref_slice %arg6[%dma_wait3A_99, %dma_wait3A_100] : memref<2x128xi32, #tpu.memory_space<vmem>> -> memref<1x128xi32, #tpu.memory_space<vmem>>
        %dma_wait3A_102 = tpu.memref_squeeze %dma_wait3A_101 : memref<1x128xi32, #tpu.memory_space<vmem>> -> memref<128xi32, #tpu.memory_space<vmem>>
        %dma_wait3A_103 = arith.constant 0 : i32
        %dma_wait3A_104 = tpu.memref_slice %arg3[%dma_wait3A_103] : memref<160000xi32, #tpu.memory_space<hbm>> -> memref<128xi32, #tpu.memory_space<hbm>>
        %dma_wait3A_105 = arith.constant 0 : i32
        %dma_wait3A_106 = tpu.memref_slice %arg6[%dma_wait3A_99, %dma_wait3A_105] : memref<2x128xi32, #tpu.memory_space<vmem>> -> memref<1x128xi32, #tpu.memory_space<vmem>>
        %dma_wait3A_107 = tpu.memref_squeeze %dma_wait3A_106 : memref<1x128xi32, #tpu.memory_space<vmem>> -> memref<128xi32, #tpu.memory_space<vmem>>
        %dma_wait3A_108 = arith.constant 0 : i32
        %dma_wait3A_109 = tpu.memref_slice %arg3[%dma_wait3A_108] : memref<160000xi32, #tpu.memory_space<hbm>> -> memref<128xi32, #tpu.memory_space<hbm>>
        tpu.wait_dma2 semaphore(%arg10 : memref<!tpu.dma_semaphore, #tpu.memory_space<semaphore_mem>>) src(%dma_wait3A_109 : memref<128xi32, #tpu.memory_space<hbm>>) dst(%dma_wait3A_107 : memref<128xi32, #tpu.memory_space<vmem>>)
        %dma_wait3A_110 = arith.constant 1 : i32
        %dma_wait3A_111 = arith.constant 0 : i32
        %dma_wait3A_112 = arith.constant 0 : i32
        %dma_wait3A_113 = tpu.memref_slice %arg7[%dma_wait3A_110, %dma_wait3A_111, %dma_wait3A_112] : memref<2x128x128xf32, #tpu.memory_space<vmem>> -> memref<1x128x128xf32, #tpu.memory_space<vmem>>
        %dma_wait3A_114 = tpu.memref_squeeze %dma_wait3A_113 : memref<1x128x128xf32, #tpu.memory_space<vmem>> -> memref<128x128xf32, #tpu.memory_space<vmem>>
        %dma_wait3A_115 = arith.constant 0 : i32
        %dma_wait3A_116 = arith.constant 0 : i32
        %dma_wait3A_117 = tpu.memref_slice %arg2[%dma_wait3A_115, %dma_wait3A_116] : memref<160000x128xf32, #tpu.memory_space<hbm>> -> memref<128x128xf32, #tpu.memory_space<hbm>>
        %dma_wait3A_118 = arith.constant 0 : i32
        %dma_wait3A_119 = arith.constant 0 : i32
        %dma_wait3A_120 = tpu.memref_slice %arg7[%dma_wait3A_110, %dma_wait3A_118, %dma_wait3A_119] : memref<2x128x128xf32, #tpu.memory_space<vmem>> -> memref<1x128x128xf32, #tpu.memory_space<vmem>>
        %dma_wait3A_121 = tpu.memref_squeeze %dma_wait3A_120 : memref<1x128x128xf32, #tpu.memory_space<vmem>> -> memref<128x128xf32, #tpu.memory_space<vmem>>
        %dma_wait3A_122 = arith.constant 0 : i32
        %dma_wait3A_123 = arith.constant 0 : i32
        %dma_wait3A_124 = tpu.memref_slice %arg2[%dma_wait3A_122, %dma_wait3A_123] : memref<160000x128xf32, #tpu.memory_space<hbm>> -> memref<128x128xf32, #tpu.memory_space<hbm>>
        tpu.wait_dma2 semaphore(%arg12 : memref<!tpu.dma_semaphore, #tpu.memory_space<semaphore_mem>>) src(%dma_wait3A_124 : memref<128x128xf32, #tpu.memory_space<hbm>>) dst(%dma_wait3A_121 : memref<128x128xf32, #tpu.memory_space<vmem>>)
        %run_scoped3A_125 = arith.constant 1 : i32
        %run_scoped3A_126 = arith.constant 1 : i32
        "tpu.region"() ({
          %run_scoped3A_127 = tpu.sem_alloc : memref<!tpu.dma_semaphore, #tpu.memory_space<semaphore_mem>>
          %dma_start3A_128 = arith.constant 0 : i32
          %dma_start3A_129 = arith.constant 0 : i32
          %dma_start3A_130 = tpu.memref_slice %arg7[%run_scoped3A_125, %dma_start3A_128, %dma_start3A_129] : memref<2x128x128xf32, #tpu.memory_space<vmem>> -> memref<1x128x128xf32, #tpu.memory_space<vmem>>
          %dma_start3A_131 = tpu.memref_squeeze %dma_start3A_130 : memref<1x128x128xf32, #tpu.memory_space<vmem>> -> memref<128x128xf32, #tpu.memory_space<vmem>>
          %dma_start3A_132 = arith.constant 0 : i32
          %dma_start3A_133 = tpu.memref_slice %arg6[%run_scoped3A_126, %dma_start3A_132] : memref<2x128xi32, #tpu.memory_space<vmem>> -> memref<1x128xi32, #tpu.memory_space<vmem>>
          %dma_start3A_134 = tpu.memref_squeeze %dma_start3A_133 : memref<1x128xi32, #tpu.memory_space<vmem>> -> memref<128xi32, #tpu.memory_space<vmem>>
          %dma_start3A_135 = arith.constant 0 : i32
          %dma_start3A_136 = arith.constant 0 : i32
          %dma_start3A_137 = tpu.memref_slice %arg8[%dma_start3A_135, %dma_start3A_136] : memref<10240x128xf32, #tpu.memory_space<vmem_shared>> -> memref<10240x128xf32, #tpu.memory_space<vmem_shared>>
          tpu.enqueue_indirect_dma source(%dma_start3A_131 : memref<128x128xf32, #tpu.memory_space<vmem>>) target(%dma_start3A_137 : memref<10240x128xf32, #tpu.memory_space<vmem_shared>>) offsets(%dma_start3A_134 : memref<128xi32, #tpu.memory_space<vmem>>) semaphore(%run_scoped3A_127 : memref<!tpu.dma_semaphore, #tpu.memory_space<semaphore_mem>>) {add = true}
          %dma_wait3A_138 = arith.constant 0 : i32
          %dma_wait3A_139 = arith.constant 0 : i32
          %dma_wait3A_140 = tpu.memref_slice %arg7[%run_scoped3A_125, %dma_wait3A_138, %dma_wait3A_139] : memref<2x128x128xf32, #tpu.memory_space<vmem>> -> memref<1x128x128xf32, #tpu.memory_space<vmem>>
          %dma_wait3A_141 = tpu.memref_squeeze %dma_wait3A_140 : memref<1x128x128xf32, #tpu.memory_space<vmem>> -> memref<128x128xf32, #tpu.memory_space<vmem>>
          %dma_wait3A_142 = arith.constant 0 : i32
          %dma_wait3A_143 = tpu.memref_slice %arg6[%run_scoped3A_126, %dma_wait3A_142] : memref<2x128xi32, #tpu.memory_space<vmem>> -> memref<1x128xi32, #tpu.memory_space<vmem>>
          %dma_wait3A_144 = tpu.memref_squeeze %dma_wait3A_143 : memref<1x128xi32, #tpu.memory_space<vmem>> -> memref<128xi32, #tpu.memory_space<vmem>>
          %dma_wait3A_145 = arith.constant 0 : i32
          %dma_wait3A_146 = arith.constant 0 : i32
          %dma_wait3A_147 = tpu.memref_slice %arg8[%dma_wait3A_145, %dma_wait3A_146] : memref<10240x128xf32, #tpu.memory_space<vmem_shared>> -> memref<10240x128xf32, #tpu.memory_space<vmem_shared>>
          tpu.wait_indirect_dma semaphore(%run_scoped3A_127 : memref<!tpu.dma_semaphore, #tpu.memory_space<semaphore_mem>>) src(%dma_wait3A_141 : memref<128x128xf32, #tpu.memory_space<vmem>>) dst(%dma_wait3A_147 : memref<10240x128xf32, #tpu.memory_space<vmem_shared>>)
          tpu.yield
        }) : () -> ()
      } else {
      }
    }
    %scan3A_36 = arith.constant 20 : i32
    %lt3A = arith.constant 2 : i32
    %lt3A_37 = arith.cmpi slt, %add3A, %lt3A : i32
    %convert_element_type3A = arith.extui %lt3A_37 : i1 to i32
    %cond3A = arith.constant 0 : i32
    %cond3A_38 = arith.cmpi ne, %convert_element_type3A, %cond3A : i32
    scf.if %cond3A_38 {
      %add3A_47 = arith.constant 1248 : i32
      %add3A_48 = arith.addi %add3A_47, %add3A : i32
      %mul3A_49 = arith.constant 128 : i32
      %mul3A_50 = arith.muli %add3A_48, %mul3A_49 : i32
      %run_scoped3A = arith.constant 0 : i32
      "tpu.region"() ({
        %run_scoped3A_54 = tpu.sem_alloc : memref<!tpu.dma_semaphore, #tpu.memory_space<semaphore_mem>>
        %dma_start3A_55 = arith.constant 0 : i32
        %dma_start3A_56 = tpu.memref_slice %arg6[%run_scoped3A, %dma_start3A_55] : memref<2x128xi32, #tpu.memory_space<vmem>> -> memref<1x128xi32, #tpu.memory_space<vmem>>
        %dma_start3A_57 = tpu.memref_squeeze %dma_start3A_56 : memref<1x128xi32, #tpu.memory_space<vmem>> -> memref<128xi32, #tpu.memory_space<vmem>>
        %dma_start3A_58 = tpu.memref_slice %arg3[%mul3A_50] : memref<160000xi32, #tpu.memory_space<hbm>> -> memref<128xi32, #tpu.memory_space<hbm>>
        %dma_start3A_59 = arith.constant 0 : i32
        %dma_start3A_60 = tpu.memref_slice %arg6[%run_scoped3A, %dma_start3A_59] : memref<2x128xi32, #tpu.memory_space<vmem>> -> memref<1x128xi32, #tpu.memory_space<vmem>>
        %dma_start3A_61 = tpu.memref_squeeze %dma_start3A_60 : memref<1x128xi32, #tpu.memory_space<vmem>> -> memref<128xi32, #tpu.memory_space<vmem>>
        %dma_start3A_62 = tpu.memref_slice %arg3[%mul3A_50] : memref<160000xi32, #tpu.memory_space<hbm>> -> memref<128xi32, #tpu.memory_space<hbm>>
        tpu.enqueue_dma source(%dma_start3A_62 : memref<128xi32, #tpu.memory_space<hbm>>) target(%dma_start3A_61 : memref<128xi32, #tpu.memory_space<vmem>>) target_semaphore(%run_scoped3A_54 : memref<!tpu.dma_semaphore, #tpu.memory_space<semaphore_mem>>)
        %dma_wait3A = arith.constant 0 : i32
        %dma_wait3A_63 = tpu.memref_slice %arg6[%run_scoped3A, %dma_wait3A] : memref<2x128xi32, #tpu.memory_space<vmem>> -> memref<1x128xi32, #tpu.memory_space<vmem>>
        %dma_wait3A_64 = tpu.memref_squeeze %dma_wait3A_63 : memref<1x128xi32, #tpu.memory_space<vmem>> -> memref<128xi32, #tpu.memory_space<vmem>>
        %dma_wait3A_65 = tpu.memref_slice %arg3[%mul3A_50] : memref<160000xi32, #tpu.memory_space<hbm>> -> memref<128xi32, #tpu.memory_space<hbm>>
        %dma_wait3A_66 = arith.constant 0 : i32
        %dma_wait3A_67 = tpu.memref_slice %arg6[%run_scoped3A, %dma_wait3A_66] : memref<2x128xi32, #tpu.memory_space<vmem>> -> memref<1x128xi32, #tpu.memory_space<vmem>>
        %dma_wait3A_68 = tpu.memref_squeeze %dma_wait3A_67 : memref<1x128xi32, #tpu.memory_space<vmem>> -> memref<128xi32, #tpu.memory_space<vmem>>
        %dma_wait3A_69 = tpu.memref_slice %arg3[%mul3A_50] : memref<160000xi32, #tpu.memory_space<hbm>> -> memref<128xi32, #tpu.memory_space<hbm>>
        tpu.wait_dma2 semaphore(%run_scoped3A_54 : memref<!tpu.dma_semaphore, #tpu.memory_space<semaphore_mem>>) src(%dma_wait3A_69 : memref<128xi32, #tpu.memory_space<hbm>>) dst(%dma_wait3A_68 : memref<128xi32, #tpu.memory_space<vmem>>)
        tpu.yield
      }) : () -> ()
      %run_scoped3A_51 = arith.constant 0 : i32
      "tpu.region"() ({
        %run_scoped3A_54 = tpu.sem_alloc : memref<!tpu.dma_semaphore, #tpu.memory_space<semaphore_mem>>
        %dma_start3A_55 = arith.constant 0 : i32
        %dma_start3A_56 = arith.constant 0 : i32
        %dma_start3A_57 = tpu.memref_slice %arg7[%run_scoped3A_51, %dma_start3A_55, %dma_start3A_56] : memref<2x128x128xf32, #tpu.memory_space<vmem>> -> memref<1x128x128xf32, #tpu.memory_space<vmem>>
        %dma_start3A_58 = tpu.memref_squeeze %dma_start3A_57 : memref<1x128x128xf32, #tpu.memory_space<vmem>> -> memref<128x128xf32, #tpu.memory_space<vmem>>
        %dma_start3A_59 = arith.constant 0 : i32
        %dma_start3A_60 = tpu.memref_slice %arg2[%mul3A_50, %dma_start3A_59] : memref<160000x128xf32, #tpu.memory_space<hbm>> -> memref<128x128xf32, #tpu.memory_space<hbm>>
        %dma_start3A_61 = arith.constant 0 : i32
        %dma_start3A_62 = arith.constant 0 : i32
        %dma_start3A_63 = tpu.memref_slice %arg7[%run_scoped3A_51, %dma_start3A_61, %dma_start3A_62] : memref<2x128x128xf32, #tpu.memory_space<vmem>> -> memref<1x128x128xf32, #tpu.memory_space<vmem>>
        %dma_start3A_64 = tpu.memref_squeeze %dma_start3A_63 : memref<1x128x128xf32, #tpu.memory_space<vmem>> -> memref<128x128xf32, #tpu.memory_space<vmem>>
        %dma_start3A_65 = arith.constant 0 : i32
        %dma_start3A_66 = tpu.memref_slice %arg2[%mul3A_50, %dma_start3A_65] : memref<160000x128xf32, #tpu.memory_space<hbm>> -> memref<128x128xf32, #tpu.memory_space<hbm>>
        tpu.enqueue_dma source(%dma_start3A_66 : memref<128x128xf32, #tpu.memory_space<hbm>>) target(%dma_start3A_64 : memref<128x128xf32, #tpu.memory_space<vmem>>) target_semaphore(%run_scoped3A_54 : memref<!tpu.dma_semaphore, #tpu.memory_space<semaphore_mem>>)
        %dma_wait3A = arith.constant 0 : i32
        %dma_wait3A_67 = arith.constant 0 : i32
        %dma_wait3A_68 = tpu.memref_slice %arg7[%run_scoped3A_51, %dma_wait3A, %dma_wait3A_67] : memref<2x128x128xf32, #tpu.memory_space<vmem>> -> memref<1x128x128xf32, #tpu.memory_space<vmem>>
        %dma_wait3A_69 = tpu.memref_squeeze %dma_wait3A_68 : memref<1x128x128xf32, #tpu.memory_space<vmem>> -> memref<128x128xf32, #tpu.memory_space<vmem>>
        %dma_wait3A_70 = arith.constant 0 : i32
        %dma_wait3A_71 = tpu.memref_slice %arg2[%mul3A_50, %dma_wait3A_70] : memref<160000x128xf32, #tpu.memory_space<hbm>> -> memref<128x128xf32, #tpu.memory_space<hbm>>
        %dma_wait3A_72 = arith.constant 0 : i32
        %dma_wait3A_73 = arith.constant 0 : i32
        %dma_wait3A_74 = tpu.memref_slice %arg7[%run_scoped3A_51, %dma_wait3A_72, %dma_wait3A_73] : memref<2x128x128xf32, #tpu.memory_space<vmem>> -> memref<1x128x128xf32, #tpu.memory_space<vmem>>
        %dma_wait3A_75 = tpu.memref_squeeze %dma_wait3A_74 : memref<1x128x128xf32, #tpu.memory_space<vmem>> -> memref<128x128xf32, #tpu.memory_space<vmem>>
        %dma_wait3A_76 = arith.constant 0 : i32
        %dma_wait3A_77 = tpu.memref_slice %arg2[%mul3A_50, %dma_wait3A_76] : memref<160000x128xf32, #tpu.memory_space<hbm>> -> memref<128x128xf32, #tpu.memory_space<hbm>>
        tpu.wait_dma2 semaphore(%run_scoped3A_54 : memref<!tpu.dma_semaphore, #tpu.memory_space<semaphore_mem>>) src(%dma_wait3A_77 : memref<128x128xf32, #tpu.memory_space<hbm>>) dst(%dma_wait3A_75 : memref<128x128xf32, #tpu.memory_space<vmem>>)
        tpu.yield
      }) : () -> ()
      %run_scoped3A_52 = arith.constant 0 : i32
      %run_scoped3A_53 = arith.constant 0 : i32
      "tpu.region"() ({
        %run_scoped3A_54 = tpu.sem_alloc : memref<!tpu.dma_semaphore, #tpu.memory_space<semaphore_mem>>
        %dma_start3A_55 = arith.constant 0 : i32
        %dma_start3A_56 = arith.constant 0 : i32
        %dma_start3A_57 = tpu.memref_slice %arg7[%run_scoped3A_52, %dma_start3A_55, %dma_start3A_56] : memref<2x128x128xf32, #tpu.memory_space<vmem>> -> memref<1x128x128xf32, #tpu.memory_space<vmem>>
        %dma_start3A_58 = tpu.memref_squeeze %dma_start3A_57 : memref<1x128x128xf32, #tpu.memory_space<vmem>> -> memref<128x128xf32, #tpu.memory_space<vmem>>
        %dma_start3A_59 = arith.constant 0 : i32
        %dma_start3A_60 = tpu.memref_slice %arg6[%run_scoped3A_53, %dma_start3A_59] : memref<2x128xi32, #tpu.memory_space<vmem>> -> memref<1x128xi32, #tpu.memory_space<vmem>>
        %dma_start3A_61 = tpu.memref_squeeze %dma_start3A_60 : memref<1x128xi32, #tpu.memory_space<vmem>> -> memref<128xi32, #tpu.memory_space<vmem>>
        %dma_start3A_62 = arith.constant 0 : i32
        %dma_start3A_63 = arith.constant 0 : i32
        %dma_start3A_64 = tpu.memref_slice %arg8[%dma_start3A_62, %dma_start3A_63] : memref<10240x128xf32, #tpu.memory_space<vmem_shared>> -> memref<10240x128xf32, #tpu.memory_space<vmem_shared>>
        tpu.enqueue_indirect_dma source(%dma_start3A_58 : memref<128x128xf32, #tpu.memory_space<vmem>>) target(%dma_start3A_64 : memref<10240x128xf32, #tpu.memory_space<vmem_shared>>) offsets(%dma_start3A_61 : memref<128xi32, #tpu.memory_space<vmem>>) semaphore(%run_scoped3A_54 : memref<!tpu.dma_semaphore, #tpu.memory_space<semaphore_mem>>) {add = true}
        %dma_wait3A = arith.constant 0 : i32
        %dma_wait3A_65 = arith.constant 0 : i32
        %dma_wait3A_66 = tpu.memref_slice %arg7[%run_scoped3A_52, %dma_wait3A, %dma_wait3A_65] : memref<2x128x128xf32, #tpu.memory_space<vmem>> -> memref<1x128x128xf32, #tpu.memory_space<vmem>>
        %dma_wait3A_67 = tpu.memref_squeeze %dma_wait3A_66 : memref<1x128x128xf32, #tpu.memory_space<vmem>> -> memref<128x128xf32, #tpu.memory_space<vmem>>
        %dma_wait3A_68 = arith.constant 0 : i32
        %dma_wait3A_69 = tpu.memref_slice %arg6[%run_scoped3A_53, %dma_wait3A_68] : memref<2x128xi32, #tpu.memory_space<vmem>> -> memref<1x128xi32, #tpu.memory_space<vmem>>
        %dma_wait3A_70 = tpu.memref_squeeze %dma_wait3A_69 : memref<1x128xi32, #tpu.memory_space<vmem>> -> memref<128xi32, #tpu.memory_space<vmem>>
        %dma_wait3A_71 = arith.constant 0 : i32
        %dma_wait3A_72 = arith.constant 0 : i32
        %dma_wait3A_73 = tpu.memref_slice %arg8[%dma_wait3A_71, %dma_wait3A_72] : memref<10240x128xf32, #tpu.memory_space<vmem_shared>> -> memref<10240x128xf32, #tpu.memory_space<vmem_shared>>
        tpu.wait_indirect_dma semaphore(%run_scoped3A_54 : memref<!tpu.dma_semaphore, #tpu.memory_space<semaphore_mem>>) src(%dma_wait3A_67 : memref<128x128xf32, #tpu.memory_space<vmem>>) dst(%dma_wait3A_73 : memref<10240x128xf32, #tpu.memory_space<vmem_shared>>)
        tpu.yield
      }) : () -> ()
    } else {
    }
    %barrier3A_39 = arith.constant 0 : index
    tpu.barrier barrier_id(%barrier3A_39)
    %mul3A_40 = arith.constant 640 : i32
    %mul3A_41 = arith.muli %arg1, %mul3A_40 : i32
    %mul3A_42 = arith.constant 10240 : i32
    %mul3A_43 = arith.muli %arg0, %mul3A_42 : i32
    %mul3A_44 = arith.constant 640 : i32
    %mul3A_45 = arith.muli %arg1, %mul3A_44 : i32
    %add3A_46 = arith.addi %mul3A_43, %mul3A_45 : i32
    "tpu.region"() ({
      %run_scoped3A = tpu.sem_alloc : memref<!tpu.dma_semaphore, #tpu.memory_space<semaphore_mem>>
      %dma_start3A_47 = arith.constant 0 : i32
      %dma_start3A_48 = tpu.memref_slice %arg5[%add3A_46, %dma_start3A_47] : memref<20480x128xf32, #tpu.memory_space<hbm>> -> memref<640x128xf32, #tpu.memory_space<hbm>>
      %dma_start3A_49 = arith.constant 0 : i32
      %dma_start3A_50 = tpu.memref_slice %arg8[%mul3A_41, %dma_start3A_49] : memref<10240x128xf32, #tpu.memory_space<vmem_shared>> -> memref<640x128xf32, #tpu.memory_space<vmem_shared>>
      tpu.enqueue_dma source(%dma_start3A_50 : memref<640x128xf32, #tpu.memory_space<vmem_shared>>) target(%dma_start3A_48 : memref<640x128xf32, #tpu.memory_space<hbm>>) target_semaphore(%run_scoped3A : memref<!tpu.dma_semaphore, #tpu.memory_space<semaphore_mem>>)
      %dma_wait3A = arith.constant 0 : i32
      %dma_wait3A_51 = tpu.memref_slice %arg5[%add3A_46, %dma_wait3A] : memref<20480x128xf32, #tpu.memory_space<hbm>> -> memref<640x128xf32, #tpu.memory_space<hbm>>
      %dma_wait3A_52 = arith.constant 0 : i32
      %dma_wait3A_53 = tpu.memref_slice %arg8[%mul3A_41, %dma_wait3A_52] : memref<10240x128xf32, #tpu.memory_space<vmem_shared>> -> memref<640x128xf32, #tpu.memory_space<vmem_shared>>
      tpu.wait_dma2 semaphore(%run_scoped3A : memref<!tpu.dma_semaphore, #tpu.memory_space<semaphore_mem>>) src(%dma_wait3A_53 : memref<640x128xf32, #tpu.memory_space<vmem_shared>>) dst(%dma_wait3A_51 : memref<640x128xf32, #tpu.memory_space<hbm>>)
      tpu.yield
    }) : () -> ()
    return
  }
}

#map = affine_map<(d0, d1) -> (0, 0)>
#map1 = affine_map<(d0, d1) -> (0)>
module attributes {stable_mosaic.version = 14 : i64} {
  func.func @scatter(%arg0: i32, %arg1: i32, %arg2: memref<160000x128xf32, #tpu.memory_space<hbm>>, %arg3: memref<160000xi32, #tpu.memory_space<hbm>>, %arg4: memref<10240x128xf32, #tpu.memory_space<hbm>>, %arg5: memref<20480x128xf32, #tpu.memory_space<hbm>>, %arg6: memref<2x128xi32, #tpu.memory_space<vmem>>, %arg7: memref<2x128x128xf32, #tpu.memory_space<vmem>>, %arg8: memref<10240x128xf32, #tpu.memory_space<vmem_shared>>, %arg9: memref<!tpu.dma_semaphore, #tpu.memory_space<semaphore_mem>>, %arg10: memref<!tpu.dma_semaphore, #tpu.memory_space<semaphore_mem>>, %arg11: memref<!tpu.dma_semaphore, #tpu.memory_space<semaphore_mem>>, %arg12: memref<!tpu.dma_semaphore, #tpu.memory_space<semaphore_mem>>) attributes {dimension_semantics = [#tpu.dimension_semantics<core_parallel>, #tpu.dimension_semantics<subcore_parallel>], iteration_bounds = array<i64: 2, 16>, scalar_prefetch = 0 : i64, scratch_operands = 7 : i64, tpu.core_type = #tpu.core_type<sc_vector_subcore>, window_params = [{transform_indices = #map}, {transform_indices = #map1}, {transform_indices = #map}, {transform_indices = #map}]} {
    %mul3A = arith.constant 2 : i32
    %mul3A_0 = arith.muli %arg1, %mul3A : i32
    %add3A = arith.addi %mul3A_0, %arg0 : i32
    %mul3A_1 = arith.constant 39 : i32
    %mul3A_2 = arith.muli %add3A, %mul3A_1 : i32
    %mul3A_3 = arith.constant 128 : i32
    %mul3A_4 = arith.muli %mul3A_2, %mul3A_3 : i32
    %mul3A_5 = arith.constant 640 : i32
    %mul3A_6 = arith.muli %arg1, %mul3A_5 : i32
    %mul3A_7 = arith.constant 640 : i32
    %mul3A_8 = arith.muli %arg1, %mul3A_7 : i32
    "tpu.region"() ({
      %run_scoped3A = tpu.sem_alloc : memref<!tpu.dma_semaphore, #tpu.memory_space<semaphore_mem>>
      %dma_start3A_47 = arith.constant 0 : i32
      %dma_start3A_48 = tpu.memref_slice %arg8[%mul3A_8, %dma_start3A_47] : memref<10240x128xf32, #tpu.memory_space<vmem_shared>> -> memref<640x128xf32, #tpu.memory_space<vmem_shared>>
      %dma_start3A_49 = arith.constant 0 : i32
      %dma_start3A_50 = tpu.memref_slice %arg4[%mul3A_6, %dma_start3A_49] : memref<10240x128xf32, #tpu.memory_space<hbm>> -> memref<640x128xf32, #tpu.memory_space<hbm>>
      tpu.enqueue_dma source(%dma_start3A_50 : memref<640x128xf32, #tpu.memory_space<hbm>>) target(%dma_start3A_48 : memref<640x128xf32, #tpu.memory_space<vmem_shared>>) target_semaphore(%run_scoped3A : memref<!tpu.dma_semaphore, #tpu.memory_space<semaphore_mem>>)
      %dma_wait3A = arith.constant 0 : i32
      %dma_wait3A_51 = tpu.memref_slice %arg8[%mul3A_8, %dma_wait3A] : memref<10240x128xf32, #tpu.memory_space<vmem_shared>> -> memref<640x128xf32, #tpu.memory_space<vmem_shared>>
      %dma_wait3A_52 = arith.constant 0 : i32
      %dma_wait3A_53 = tpu.memref_slice %arg4[%mul3A_6, %dma_wait3A_52] : memref<10240x128xf32, #tpu.memory_space<hbm>> -> memref<640x128xf32, #tpu.memory_space<hbm>>
      tpu.wait_dma2 semaphore(%run_scoped3A : memref<!tpu.dma_semaphore, #tpu.memory_space<semaphore_mem>>) src(%dma_wait3A_53 : memref<640x128xf32, #tpu.memory_space<hbm>>) dst(%dma_wait3A_51 : memref<640x128xf32, #tpu.memory_space<vmem_shared>>)
      tpu.yield
    }) : () -> ()
    %barrier3A = arith.constant 0 : index
    tpu.barrier barrier_id(%barrier3A)
    %add3A_9 = arith.constant 0 : i32
    %add3A_10 = arith.addi %mul3A_4, %add3A_9 : i32
    %dma_start3A = arith.constant 0 : i32
    %dma_start3A_11 = arith.constant 0 : i32
    %dma_start3A_12 = tpu.memref_slice %arg6[%dma_start3A, %dma_start3A_11] : memref<2x128xi32, #tpu.memory_space<vmem>> -> memref<1x128xi32, #tpu.memory_space<vmem>>
    %dma_start3A_13 = tpu.memref_squeeze %dma_start3A_12 : memref<1x128xi32, #tpu.memory_space<vmem>> -> memref<128xi32, #tpu.memory_space<vmem>>
    %dma_start3A_14 = tpu.memref_slice %arg3[%add3A_10] : memref<160000xi32, #tpu.memory_space<hbm>> -> memref<128xi32, #tpu.memory_space<hbm>>
    %dma_start3A_15 = arith.constant 0 : i32
    %dma_start3A_16 = tpu.memref_slice %arg6[%dma_start3A, %dma_start3A_15] : memref<2x128xi32, #tpu.memory_space<vmem>> -> memref<1x128xi32, #tpu.memory_space<vmem>>
    %dma_start3A_17 = tpu.memref_squeeze %dma_start3A_16 : memref<1x128xi32, #tpu.memory_space<vmem>> -> memref<128xi32, #tpu.memory_space<vmem>>
    %dma_start3A_18 = tpu.memref_slice %arg3[%add3A_10] : memref<160000xi32, #tpu.memory_space<hbm>> -> memref<128xi32, #tpu.memory_space<hbm>>
    tpu.enqueue_dma source(%dma_start3A_18 : memref<128xi32, #tpu.memory_space<hbm>>) target(%dma_start3A_17 : memref<128xi32, #tpu.memory_space<vmem>>) target_semaphore(%arg9 : memref<!tpu.dma_semaphore, #tpu.memory_space<semaphore_mem>>)
    %dma_start3A_19 = arith.constant 0 : i32
    %dma_start3A_20 = arith.constant 0 : i32
    %dma_start3A_21 = arith.constant 0 : i32
    %dma_start3A_22 = tpu.memref_slice %arg7[%dma_start3A_19, %dma_start3A_20, %dma_start3A_21] : memref<2x128x128xf32, #tpu.memory_space<vmem>> -> memref<1x128x128xf32, #tpu.memory_space<vmem>>
    %dma_start3A_23 = tpu.memref_squeeze %dma_start3A_22 : memref<1x128x128xf32, #tpu.memory_space<vmem>> -> memref<128x128xf32, #tpu.memory_space<vmem>>
    %dma_start3A_24 = arith.constant 0 : i32
    %dma_start3A_25 = tpu.memref_slice %arg2[%add3A_10, %dma_start3A_24] : memref<160000x128xf32, #tpu.memory_space<hbm>> -> memref<128x128xf32, #tpu.memory_space<hbm>>
    %dma_start3A_26 = arith.constant 0 : i32
    %dma_start3A_27 = arith.constant 0 : i32
    %dma_start3A_28 = tpu.memref_slice %arg7[%dma_start3A_19, %dma_start3A_26, %dma_start3A_27] : memref<2x128x128xf32, #tpu.memory_space<vmem>> -> memref<1x128x128xf32, #tpu.memory_space<vmem>>
    %dma_start3A_29 = tpu.memref_squeeze %dma_start3A_28 : memref<1x128x128xf32, #tpu.memory_space<vmem>> -> memref<128x128xf32, #tpu.memory_space<vmem>>
    %dma_start3A_30 = arith.constant 0 : i32
    %dma_start3A_31 = tpu.memref_slice %arg2[%add3A_10, %dma_start3A_30] : memref<160000x128xf32, #tpu.memory_space<hbm>> -> memref<128x128xf32, #tpu.memory_space<hbm>>
    tpu.enqueue_dma source(%dma_start3A_31 : memref<128x128xf32, #tpu.memory_space<hbm>>) target(%dma_start3A_29 : memref<128x128xf32, #tpu.memory_space<vmem>>) target_semaphore(%arg11 : memref<!tpu.dma_semaphore, #tpu.memory_space<semaphore_mem>>)
    %scan3A = arith.constant 0 : i32
    %scan3A_32 = arith.constant 0 : i32
    %scan3A_33 = arith.constant 20 : i32
    %scan3A_34 = arith.addi %scan3A_32, %scan3A_33 : i32
    %scan3A_35 = arith.constant 1 : i32
    scf.for %scan3A_47 = %scan3A_32 to %scan3A_34 step %scan3A_35  : i32 {
      %mul3A_48 = arith.constant 2 : i32
      %mul3A_49 = arith.muli %mul3A_48, %scan3A_47 : i32
      %add3A_50 = arith.constant 1 : i32
      %add3A_51 = arith.addi %mul3A_49, %add3A_50 : i32
      %lt3A_52 = arith.constant 39 : i32
      %lt3A_53 = arith.cmpi slt, %add3A_51, %lt3A_52 : i32
      %convert_element_type3A_54 = arith.extui %lt3A_53 : i1 to i32
      %cond3A_55 = arith.constant 0 : i32
      %cond3A_56 = arith.cmpi ne, %convert_element_type3A_54, %cond3A_55 : i32
      scf.if %cond3A_56 {
        %add3A_92 = arith.constant 1 : i32
        %add3A_93 = arith.addi %mul3A_49, %add3A_92 : i32
        %mul3A_94 = arith.constant 128 : i32
        %mul3A_95 = arith.muli %add3A_93, %mul3A_94 : i32
        %add3A_96 = arith.addi %mul3A_4, %mul3A_95 : i32
        %dma_start3A_97 = arith.constant 1 : i32
        %dma_start3A_98 = arith.constant 0 : i32
        %dma_start3A_99 = tpu.memref_slice %arg6[%dma_start3A_97, %dma_start3A_98] : memref<2x128xi32, #tpu.memory_space<vmem>> -> memref<1x128xi32, #tpu.memory_space<vmem>>
        %dma_start3A_100 = tpu.memref_squeeze %dma_start3A_99 : memref<1x128xi32, #tpu.memory_space<vmem>> -> memref<128xi32, #tpu.memory_space<vmem>>
        %dma_start3A_101 = tpu.memref_slice %arg3[%add3A_96] : memref<160000xi32, #tpu.memory_space<hbm>> -> memref<128xi32, #tpu.memory_space<hbm>>
        %dma_start3A_102 = arith.constant 0 : i32
        %dma_start3A_103 = tpu.memref_slice %arg6[%dma_start3A_97, %dma_start3A_102] : memref<2x128xi32, #tpu.memory_space<vmem>> -> memref<1x128xi32, #tpu.memory_space<vmem>>
        %dma_start3A_104 = tpu.memref_squeeze %dma_start3A_103 : memref<1x128xi32, #tpu.memory_space<vmem>> -> memref<128xi32, #tpu.memory_space<vmem>>
        %dma_start3A_105 = tpu.memref_slice %arg3[%add3A_96] : memref<160000xi32, #tpu.memory_space<hbm>> -> memref<128xi32, #tpu.memory_space<hbm>>
        tpu.enqueue_dma source(%dma_start3A_105 : memref<128xi32, #tpu.memory_space<hbm>>) target(%dma_start3A_104 : memref<128xi32, #tpu.memory_space<vmem>>) target_semaphore(%arg10 : memref<!tpu.dma_semaphore, #tpu.memory_space<semaphore_mem>>)
        %dma_start3A_106 = arith.constant 1 : i32
        %dma_start3A_107 = arith.constant 0 : i32
        %dma_start3A_108 = arith.constant 0 : i32
        %dma_start3A_109 = tpu.memref_slice %arg7[%dma_start3A_106, %dma_start3A_107, %dma_start3A_108] : memref<2x128x128xf32, #tpu.memory_space<vmem>> -> memref<1x128x128xf32, #tpu.memory_space<vmem>>
        %dma_start3A_110 = tpu.memref_squeeze %dma_start3A_109 : memref<1x128x128xf32, #tpu.memory_space<vmem>> -> memref<128x128xf32, #tpu.memory_space<vmem>>
        %dma_start3A_111 = arith.constant 0 : i32
        %dma_start3A_112 = tpu.memref_slice %arg2[%add3A_96, %dma_start3A_111] : memref<160000x128xf32, #tpu.memory_space<hbm>> -> memref<128x128xf32, #tpu.memory_space<hbm>>
        %dma_start3A_113 = arith.constant 0 : i32
        %dma_start3A_114 = arith.constant 0 : i32
        %dma_start3A_115 = tpu.memref_slice %arg7[%dma_start3A_106, %dma_start3A_113, %dma_start3A_114] : memref<2x128x128xf32, #tpu.memory_space<vmem>> -> memref<1x128x128xf32, #tpu.memory_space<vmem>>
        %dma_start3A_116 = tpu.memref_squeeze %dma_start3A_115 : memref<1x128x128xf32, #tpu.memory_space<vmem>> -> memref<128x128xf32, #tpu.memory_space<vmem>>
        %dma_start3A_117 = arith.constant 0 : i32
        %dma_start3A_118 = tpu.memref_slice %arg2[%add3A_96, %dma_start3A_117] : memref<160000x128xf32, #tpu.memory_space<hbm>> -> memref<128x128xf32, #tpu.memory_space<hbm>>
        tpu.enqueue_dma source(%dma_start3A_118 : memref<128x128xf32, #tpu.memory_space<hbm>>) target(%dma_start3A_116 : memref<128x128xf32, #tpu.memory_space<vmem>>) target_semaphore(%arg12 : memref<!tpu.dma_semaphore, #tpu.memory_space<semaphore_mem>>)
      } else {
      }
      %dma_wait3A = arith.constant 0 : i32
      %dma_wait3A_57 = arith.constant 0 : i32
      %dma_wait3A_58 = tpu.memref_slice %arg6[%dma_wait3A, %dma_wait3A_57] : memref<2x128xi32, #tpu.memory_space<vmem>> -> memref<1x128xi32, #tpu.memory_space<vmem>>
      %dma_wait3A_59 = tpu.memref_squeeze %dma_wait3A_58 : memref<1x128xi32, #tpu.memory_space<vmem>> -> memref<128xi32, #tpu.memory_space<vmem>>
      %dma_wait3A_60 = arith.constant 0 : i32
      %dma_wait3A_61 = tpu.memref_slice %arg3[%dma_wait3A_60] : memref<160000xi32, #tpu.memory_space<hbm>> -> memref<128xi32, #tpu.memory_space<hbm>>
      %dma_wait3A_62 = arith.constant 0 : i32
      %dma_wait3A_63 = tpu.memref_slice %arg6[%dma_wait3A, %dma_wait3A_62] : memref<2x128xi32, #tpu.memory_space<vmem>> -> memref<1x128xi32, #tpu.memory_space<vmem>>
      %dma_wait3A_64 = tpu.memref_squeeze %dma_wait3A_63 : memref<1x128xi32, #tpu.memory_space<vmem>> -> memref<128xi32, #tpu.memory_space<vmem>>
      %dma_wait3A_65 = arith.constant 0 : i32
      %dma_wait3A_66 = tpu.memref_slice %arg3[%dma_wait3A_65] : memref<160000xi32, #tpu.memory_space<hbm>> -> memref<128xi32, #tpu.memory_space<hbm>>
      tpu.wait_dma2 semaphore(%arg9 : memref<!tpu.dma_semaphore, #tpu.memory_space<semaphore_mem>>) src(%dma_wait3A_66 : memref<128xi32, #tpu.memory_space<hbm>>) dst(%dma_wait3A_64 : memref<128xi32, #tpu.memory_space<vmem>>)
      %dma_wait3A_67 = arith.constant 0 : i32
      %dma_wait3A_68 = arith.constant 0 : i32
      %dma_wait3A_69 = arith.constant 0 : i32
      %dma_wait3A_70 = tpu.memref_slice %arg7[%dma_wait3A_67, %dma_wait3A_68, %dma_wait3A_69] : memref<2x128x128xf32, #tpu.memory_space<vmem>> -> memref<1x128x128xf32, #tpu.memory_space<vmem>>
      %dma_wait3A_71 = tpu.memref_squeeze %dma_wait3A_70 : memref<1x128x128xf32, #tpu.memory_space<vmem>> -> memref<128x128xf32, #tpu.memory_space<vmem>>
      %dma_wait3A_72 = arith.constant 0 : i32
      %dma_wait3A_73 = arith.constant 0 : i32
      %dma_wait3A_74 = tpu.memref_slice %arg2[%dma_wait3A_72, %dma_wait3A_73] : memref<160000x128xf32, #tpu.memory_space<hbm>> -> memref<128x128xf32, #tpu.memory_space<hbm>>
      %dma_wait3A_75 = arith.constant 0 : i32
      %dma_wait3A_76 = arith.constant 0 : i32
      %dma_wait3A_77 = tpu.memref_slice %arg7[%dma_wait3A_67, %dma_wait3A_75, %dma_wait3A_76] : memref<2x128x128xf32, #tpu.memory_space<vmem>> -> memref<1x128x128xf32, #tpu.memory_space<vmem>>
      %dma_wait3A_78 = tpu.memref_squeeze %dma_wait3A_77 : memref<1x128x128xf32, #tpu.memory_space<vmem>> -> memref<128x128xf32, #tpu.memory_space<vmem>>
      %dma_wait3A_79 = arith.constant 0 : i32
      %dma_wait3A_80 = arith.constant 0 : i32
      %dma_wait3A_81 = tpu.memref_slice %arg2[%dma_wait3A_79, %dma_wait3A_80] : memref<160000x128xf32, #tpu.memory_space<hbm>> -> memref<128x128xf32, #tpu.memory_space<hbm>>
      tpu.wait_dma2 semaphore(%arg11 : memref<!tpu.dma_semaphore, #tpu.memory_space<semaphore_mem>>) src(%dma_wait3A_81 : memref<128x128xf32, #tpu.memory_space<hbm>>) dst(%dma_wait3A_78 : memref<128x128xf32, #tpu.memory_space<vmem>>)
      %run_scoped3A = arith.constant 0 : i32
      %run_scoped3A_82 = arith.constant 0 : i32
      "tpu.region"() ({
        %run_scoped3A_92 = tpu.sem_alloc : memref<!tpu.dma_semaphore, #tpu.memory_space<semaphore_mem>>
        %dma_start3A_93 = arith.constant 0 : i32
        %dma_start3A_94 = arith.constant 0 : i32
        %dma_start3A_95 = tpu.memref_slice %arg7[%run_scoped3A, %dma_start3A_93, %dma_start3A_94] : memref<2x128x128xf32, #tpu.memory_space<vmem>> -> memref<1x128x128xf32, #tpu.memory_space<vmem>>
        %dma_start3A_96 = tpu.memref_squeeze %dma_start3A_95 : memref<1x128x128xf32, #tpu.memory_space<vmem>> -> memref<128x128xf32, #tpu.memory_space<vmem>>
        %dma_start3A_97 = arith.constant 0 : i32
        %dma_start3A_98 = tpu.memref_slice %arg6[%run_scoped3A_82, %dma_start3A_97] : memref<2x128xi32, #tpu.memory_space<vmem>> -> memref<1x128xi32, #tpu.memory_space<vmem>>
        %dma_start3A_99 = tpu.memref_squeeze %dma_start3A_98 : memref<1x128xi32, #tpu.memory_space<vmem>> -> memref<128xi32, #tpu.memory_space<vmem>>
        %dma_start3A_100 = arith.constant 0 : i32
        %dma_start3A_101 = arith.constant 0 : i32
        %dma_start3A_102 = tpu.memref_slice %arg8[%dma_start3A_100, %dma_start3A_101] : memref<10240x128xf32, #tpu.memory_space<vmem_shared>> -> memref<10240x128xf32, #tpu.memory_space<vmem_shared>>
        tpu.enqueue_indirect_dma source(%dma_start3A_96 : memref<128x128xf32, #tpu.memory_space<vmem>>) target(%dma_start3A_102 : memref<10240x128xf32, #tpu.memory_space<vmem_shared>>) offsets(%dma_start3A_99 : memref<128xi32, #tpu.memory_space<vmem>>) semaphore(%run_scoped3A_92 : memref<!tpu.dma_semaphore, #tpu.memory_space<semaphore_mem>>) {add = true}
        %dma_wait3A_103 = arith.constant 0 : i32
        %dma_wait3A_104 = arith.constant 0 : i32
        %dma_wait3A_105 = tpu.memref_slice %arg7[%run_scoped3A, %dma_wait3A_103, %dma_wait3A_104] : memref<2x128x128xf32, #tpu.memory_space<vmem>> -> memref<1x128x128xf32, #tpu.memory_space<vmem>>
        %dma_wait3A_106 = tpu.memref_squeeze %dma_wait3A_105 : memref<1x128x128xf32, #tpu.memory_space<vmem>> -> memref<128x128xf32, #tpu.memory_space<vmem>>
        %dma_wait3A_107 = arith.constant 0 : i32
        %dma_wait3A_108 = tpu.memref_slice %arg6[%run_scoped3A_82, %dma_wait3A_107] : memref<2x128xi32, #tpu.memory_space<vmem>> -> memref<1x128xi32, #tpu.memory_space<vmem>>
        %dma_wait3A_109 = tpu.memref_squeeze %dma_wait3A_108 : memref<1x128xi32, #tpu.memory_space<vmem>> -> memref<128xi32, #tpu.memory_space<vmem>>
        %dma_wait3A_110 = arith.constant 0 : i32
        %dma_wait3A_111 = arith.constant 0 : i32
        %dma_wait3A_112 = tpu.memref_slice %arg8[%dma_wait3A_110, %dma_wait3A_111] : memref<10240x128xf32, #tpu.memory_space<vmem_shared>> -> memref<10240x128xf32, #tpu.memory_space<vmem_shared>>
        tpu.wait_indirect_dma semaphore(%run_scoped3A_92 : memref<!tpu.dma_semaphore, #tpu.memory_space<semaphore_mem>>) src(%dma_wait3A_106 : memref<128x128xf32, #tpu.memory_space<vmem>>) dst(%dma_wait3A_112 : memref<10240x128xf32, #tpu.memory_space<vmem_shared>>)
        tpu.yield
      }) : () -> ()
      %mul3A_83 = arith.constant 2 : i32
      %mul3A_84 = arith.muli %mul3A_83, %scan3A_47 : i32
      %add3A_85 = arith.constant 1 : i32
      %add3A_86 = arith.addi %mul3A_84, %add3A_85 : i32
      %lt3A_87 = arith.constant 39 : i32
      %lt3A_88 = arith.cmpi slt, %add3A_86, %lt3A_87 : i32
      %convert_element_type3A_89 = arith.extui %lt3A_88 : i1 to i32
      %cond3A_90 = arith.constant 0 : i32
      %cond3A_91 = arith.cmpi ne, %convert_element_type3A_89, %cond3A_90 : i32
      scf.if %cond3A_91 {
        %add3A_92 = arith.constant 1 : i32
        %add3A_93 = arith.addi %add3A_86, %add3A_92 : i32
        %lt3A_94 = arith.constant 39 : i32
        %lt3A_95 = arith.cmpi slt, %add3A_93, %lt3A_94 : i32
        %convert_element_type3A_96 = arith.extui %lt3A_95 : i1 to i32
        %cond3A_97 = arith.constant 0 : i32
        %cond3A_98 = arith.cmpi ne, %convert_element_type3A_96, %cond3A_97 : i32
        scf.if %cond3A_98 {
          %add3A_127 = arith.constant 1 : i32
          %add3A_128 = arith.addi %add3A_86, %add3A_127 : i32
          %mul3A_129 = arith.constant 128 : i32
          %mul3A_130 = arith.muli %add3A_128, %mul3A_129 : i32
          %add3A_131 = arith.addi %mul3A_4, %mul3A_130 : i32
          %dma_start3A_132 = arith.constant 0 : i32
          %dma_start3A_133 = arith.constant 0 : i32
          %dma_start3A_134 = tpu.memref_slice %arg6[%dma_start3A_132, %dma_start3A_133] : memref<2x128xi32, #tpu.memory_space<vmem>> -> memref<1x128xi32, #tpu.memory_space<vmem>>
          %dma_start3A_135 = tpu.memref_squeeze %dma_start3A_134 : memref<1x128xi32, #tpu.memory_space<vmem>> -> memref<128xi32, #tpu.memory_space<vmem>>
          %dma_start3A_136 = tpu.memref_slice %arg3[%add3A_131] : memref<160000xi32, #tpu.memory_space<hbm>> -> memref<128xi32, #tpu.memory_space<hbm>>
          %dma_start3A_137 = arith.constant 0 : i32
          %dma_start3A_138 = tpu.memref_slice %arg6[%dma_start3A_132, %dma_start3A_137] : memref<2x128xi32, #tpu.memory_space<vmem>> -> memref<1x128xi32, #tpu.memory_space<vmem>>
          %dma_start3A_139 = tpu.memref_squeeze %dma_start3A_138 : memref<1x128xi32, #tpu.memory_space<vmem>> -> memref<128xi32, #tpu.memory_space<vmem>>
          %dma_start3A_140 = tpu.memref_slice %arg3[%add3A_131] : memref<160000xi32, #tpu.memory_space<hbm>> -> memref<128xi32, #tpu.memory_space<hbm>>
          tpu.enqueue_dma source(%dma_start3A_140 : memref<128xi32, #tpu.memory_space<hbm>>) target(%dma_start3A_139 : memref<128xi32, #tpu.memory_space<vmem>>) target_semaphore(%arg9 : memref<!tpu.dma_semaphore, #tpu.memory_space<semaphore_mem>>)
          %dma_start3A_141 = arith.constant 0 : i32
          %dma_start3A_142 = arith.constant 0 : i32
          %dma_start3A_143 = arith.constant 0 : i32
          %dma_start3A_144 = tpu.memref_slice %arg7[%dma_start3A_141, %dma_start3A_142, %dma_start3A_143] : memref<2x128x128xf32, #tpu.memory_space<vmem>> -> memref<1x128x128xf32, #tpu.memory_space<vmem>>
          %dma_start3A_145 = tpu.memref_squeeze %dma_start3A_144 : memref<1x128x128xf32, #tpu.memory_space<vmem>> -> memref<128x128xf32, #tpu.memory_space<vmem>>
          %dma_start3A_146 = arith.constant 0 : i32
          %dma_start3A_147 = tpu.memref_slice %arg2[%add3A_131, %dma_start3A_146] : memref<160000x128xf32, #tpu.memory_space<hbm>> -> memref<128x128xf32, #tpu.memory_space<hbm>>
          %dma_start3A_148 = arith.constant 0 : i32
          %dma_start3A_149 = arith.constant 0 : i32
          %dma_start3A_150 = tpu.memref_slice %arg7[%dma_start3A_141, %dma_start3A_148, %dma_start3A_149] : memref<2x128x128xf32, #tpu.memory_space<vmem>> -> memref<1x128x128xf32, #tpu.memory_space<vmem>>
          %dma_start3A_151 = tpu.memref_squeeze %dma_start3A_150 : memref<1x128x128xf32, #tpu.memory_space<vmem>> -> memref<128x128xf32, #tpu.memory_space<vmem>>
          %dma_start3A_152 = arith.constant 0 : i32
          %dma_start3A_153 = tpu.memref_slice %arg2[%add3A_131, %dma_start3A_152] : memref<160000x128xf32, #tpu.memory_space<hbm>> -> memref<128x128xf32, #tpu.memory_space<hbm>>
          tpu.enqueue_dma source(%dma_start3A_153 : memref<128x128xf32, #tpu.memory_space<hbm>>) target(%dma_start3A_151 : memref<128x128xf32, #tpu.memory_space<vmem>>) target_semaphore(%arg11 : memref<!tpu.dma_semaphore, #tpu.memory_space<semaphore_mem>>)
        } else {
        }
        %dma_wait3A_99 = arith.constant 1 : i32
        %dma_wait3A_100 = arith.constant 0 : i32
        %dma_wait3A_101 = tpu.memref_slice %arg6[%dma_wait3A_99, %dma_wait3A_100] : memref<2x128xi32, #tpu.memory_space<vmem>> -> memref<1x128xi32, #tpu.memory_space<vmem>>
        %dma_wait3A_102 = tpu.memref_squeeze %dma_wait3A_101 : memref<1x128xi32, #tpu.memory_space<vmem>> -> memref<128xi32, #tpu.memory_space<vmem>>
        %dma_wait3A_103 = arith.constant 0 : i32
        %dma_wait3A_104 = tpu.memref_slice %arg3[%dma_wait3A_103] : memref<160000xi32, #tpu.memory_space<hbm>> -> memref<128xi32, #tpu.memory_space<hbm>>
        %dma_wait3A_105 = arith.constant 0 : i32
        %dma_wait3A_106 = tpu.memref_slice %arg6[%dma_wait3A_99, %dma_wait3A_105] : memref<2x128xi32, #tpu.memory_space<vmem>> -> memref<1x128xi32, #tpu.memory_space<vmem>>
        %dma_wait3A_107 = tpu.memref_squeeze %dma_wait3A_106 : memref<1x128xi32, #tpu.memory_space<vmem>> -> memref<128xi32, #tpu.memory_space<vmem>>
        %dma_wait3A_108 = arith.constant 0 : i32
        %dma_wait3A_109 = tpu.memref_slice %arg3[%dma_wait3A_108] : memref<160000xi32, #tpu.memory_space<hbm>> -> memref<128xi32, #tpu.memory_space<hbm>>
        tpu.wait_dma2 semaphore(%arg10 : memref<!tpu.dma_semaphore, #tpu.memory_space<semaphore_mem>>) src(%dma_wait3A_109 : memref<128xi32, #tpu.memory_space<hbm>>) dst(%dma_wait3A_107 : memref<128xi32, #tpu.memory_space<vmem>>)
        %dma_wait3A_110 = arith.constant 1 : i32
        %dma_wait3A_111 = arith.constant 0 : i32
        %dma_wait3A_112 = arith.constant 0 : i32
        %dma_wait3A_113 = tpu.memref_slice %arg7[%dma_wait3A_110, %dma_wait3A_111, %dma_wait3A_112] : memref<2x128x128xf32, #tpu.memory_space<vmem>> -> memref<1x128x128xf32, #tpu.memory_space<vmem>>
        %dma_wait3A_114 = tpu.memref_squeeze %dma_wait3A_113 : memref<1x128x128xf32, #tpu.memory_space<vmem>> -> memref<128x128xf32, #tpu.memory_space<vmem>>
        %dma_wait3A_115 = arith.constant 0 : i32
        %dma_wait3A_116 = arith.constant 0 : i32
        %dma_wait3A_117 = tpu.memref_slice %arg2[%dma_wait3A_115, %dma_wait3A_116] : memref<160000x128xf32, #tpu.memory_space<hbm>> -> memref<128x128xf32, #tpu.memory_space<hbm>>
        %dma_wait3A_118 = arith.constant 0 : i32
        %dma_wait3A_119 = arith.constant 0 : i32
        %dma_wait3A_120 = tpu.memref_slice %arg7[%dma_wait3A_110, %dma_wait3A_118, %dma_wait3A_119] : memref<2x128x128xf32, #tpu.memory_space<vmem>> -> memref<1x128x128xf32, #tpu.memory_space<vmem>>
        %dma_wait3A_121 = tpu.memref_squeeze %dma_wait3A_120 : memref<1x128x128xf32, #tpu.memory_space<vmem>> -> memref<128x128xf32, #tpu.memory_space<vmem>>
        %dma_wait3A_122 = arith.constant 0 : i32
        %dma_wait3A_123 = arith.constant 0 : i32
        %dma_wait3A_124 = tpu.memref_slice %arg2[%dma_wait3A_122, %dma_wait3A_123] : memref<160000x128xf32, #tpu.memory_space<hbm>> -> memref<128x128xf32, #tpu.memory_space<hbm>>
        tpu.wait_dma2 semaphore(%arg12 : memref<!tpu.dma_semaphore, #tpu.memory_space<semaphore_mem>>) src(%dma_wait3A_124 : memref<128x128xf32, #tpu.memory_space<hbm>>) dst(%dma_wait3A_121 : memref<128x128xf32, #tpu.memory_space<vmem>>)
        %run_scoped3A_125 = arith.constant 1 : i32
        %run_scoped3A_126 = arith.constant 1 : i32
        "tpu.region"() ({
          %run_scoped3A_127 = tpu.sem_alloc : memref<!tpu.dma_semaphore, #tpu.memory_space<semaphore_mem>>
          %dma_start3A_128 = arith.constant 0 : i32
          %dma_start3A_129 = arith.constant 0 : i32
          %dma_start3A_130 = tpu.memref_slice %arg7[%run_scoped3A_125, %dma_start3A_128, %dma_start3A_129] : memref<2x128x128xf32, #tpu.memory_space<vmem>> -> memref<1x128x128xf32, #tpu.memory_space<vmem>>
          %dma_start3A_131 = tpu.memref_squeeze %dma_start3A_130 : memref<1x128x128xf32, #tpu.memory_space<vmem>> -> memref<128x128xf32, #tpu.memory_space<vmem>>
          %dma_start3A_132 = arith.constant 0 : i32
          %dma_start3A_133 = tpu.memref_slice %arg6[%run_scoped3A_126, %dma_start3A_132] : memref<2x128xi32, #tpu.memory_space<vmem>> -> memref<1x128xi32, #tpu.memory_space<vmem>>
          %dma_start3A_134 = tpu.memref_squeeze %dma_start3A_133 : memref<1x128xi32, #tpu.memory_space<vmem>> -> memref<128xi32, #tpu.memory_space<vmem>>
          %dma_start3A_135 = arith.constant 0 : i32
          %dma_start3A_136 = arith.constant 0 : i32
          %dma_start3A_137 = tpu.memref_slice %arg8[%dma_start3A_135, %dma_start3A_136] : memref<10240x128xf32, #tpu.memory_space<vmem_shared>> -> memref<10240x128xf32, #tpu.memory_space<vmem_shared>>
          tpu.enqueue_indirect_dma source(%dma_start3A_131 : memref<128x128xf32, #tpu.memory_space<vmem>>) target(%dma_start3A_137 : memref<10240x128xf32, #tpu.memory_space<vmem_shared>>) offsets(%dma_start3A_134 : memref<128xi32, #tpu.memory_space<vmem>>) semaphore(%run_scoped3A_127 : memref<!tpu.dma_semaphore, #tpu.memory_space<semaphore_mem>>) {add = true}
          %dma_wait3A_138 = arith.constant 0 : i32
          %dma_wait3A_139 = arith.constant 0 : i32
          %dma_wait3A_140 = tpu.memref_slice %arg7[%run_scoped3A_125, %dma_wait3A_138, %dma_wait3A_139] : memref<2x128x128xf32, #tpu.memory_space<vmem>> -> memref<1x128x128xf32, #tpu.memory_space<vmem>>
          %dma_wait3A_141 = tpu.memref_squeeze %dma_wait3A_140 : memref<1x128x128xf32, #tpu.memory_space<vmem>> -> memref<128x128xf32, #tpu.memory_space<vmem>>
          %dma_wait3A_142 = arith.constant 0 : i32
          %dma_wait3A_143 = tpu.memref_slice %arg6[%run_scoped3A_126, %dma_wait3A_142] : memref<2x128xi32, #tpu.memory_space<vmem>> -> memref<1x128xi32, #tpu.memory_space<vmem>>
          %dma_wait3A_144 = tpu.memref_squeeze %dma_wait3A_143 : memref<1x128xi32, #tpu.memory_space<vmem>> -> memref<128xi32, #tpu.memory_space<vmem>>
          %dma_wait3A_145 = arith.constant 0 : i32
          %dma_wait3A_146 = arith.constant 0 : i32
          %dma_wait3A_147 = tpu.memref_slice %arg8[%dma_wait3A_145, %dma_wait3A_146] : memref<10240x128xf32, #tpu.memory_space<vmem_shared>> -> memref<10240x128xf32, #tpu.memory_space<vmem_shared>>
          tpu.wait_indirect_dma semaphore(%run_scoped3A_127 : memref<!tpu.dma_semaphore, #tpu.memory_space<semaphore_mem>>) src(%dma_wait3A_141 : memref<128x128xf32, #tpu.memory_space<vmem>>) dst(%dma_wait3A_147 : memref<10240x128xf32, #tpu.memory_space<vmem_shared>>)
          tpu.yield
        }) : () -> ()
      } else {
      }
    }
    %scan3A_36 = arith.constant 20 : i32
    %lt3A = arith.constant 2 : i32
    %lt3A_37 = arith.cmpi slt, %add3A, %lt3A : i32
    %convert_element_type3A = arith.extui %lt3A_37 : i1 to i32
    %cond3A = arith.constant 0 : i32
    %cond3A_38 = arith.cmpi ne, %convert_element_type3A, %cond3A : i32
    scf.if %cond3A_38 {
      %add3A_47 = arith.constant 1248 : i32
      %add3A_48 = arith.addi %add3A_47, %add3A : i32
      %mul3A_49 = arith.constant 128 : i32
      %mul3A_50 = arith.muli %add3A_48, %mul3A_49 : i32
      %run_scoped3A = arith.constant 0 : i32
      "tpu.region"() ({
        %run_scoped3A_54 = tpu.sem_alloc : memref<!tpu.dma_semaphore, #tpu.memory_space<semaphore_mem>>
        %dma_start3A_55 = arith.constant 0 : i32
        %dma_start3A_56 = tpu.memref_slice %arg6[%run_scoped3A, %dma_start3A_55] : memref<2x128xi32, #tpu.memory_space<vmem>> -> memref<1x128xi32, #tpu.memory_space<vmem>>
        %dma_start3A_57 = tpu.memref_squeeze %dma_start3A_56 : memref<1x128xi32, #tpu.memory_space<vmem>> -> memref<128xi32, #tpu.memory_space<vmem>>
        %dma_start3A_58 = tpu.memref_slice %arg3[%mul3A_50] : memref<160000xi32, #tpu.memory_space<hbm>> -> memref<128xi32, #tpu.memory_space<hbm>>
        %dma_start3A_59 = arith.constant 0 : i32
        %dma_start3A_60 = tpu.memref_slice %arg6[%run_scoped3A, %dma_start3A_59] : memref<2x128xi32, #tpu.memory_space<vmem>> -> memref<1x128xi32, #tpu.memory_space<vmem>>
        %dma_start3A_61 = tpu.memref_squeeze %dma_start3A_60 : memref<1x128xi32, #tpu.memory_space<vmem>> -> memref<128xi32, #tpu.memory_space<vmem>>
        %dma_start3A_62 = tpu.memref_slice %arg3[%mul3A_50] : memref<160000xi32, #tpu.memory_space<hbm>> -> memref<128xi32, #tpu.memory_space<hbm>>
        tpu.enqueue_dma source(%dma_start3A_62 : memref<128xi32, #tpu.memory_space<hbm>>) target(%dma_start3A_61 : memref<128xi32, #tpu.memory_space<vmem>>) target_semaphore(%run_scoped3A_54 : memref<!tpu.dma_semaphore, #tpu.memory_space<semaphore_mem>>)
        %dma_wait3A = arith.constant 0 : i32
        %dma_wait3A_63 = tpu.memref_slice %arg6[%run_scoped3A, %dma_wait3A] : memref<2x128xi32, #tpu.memory_space<vmem>> -> memref<1x128xi32, #tpu.memory_space<vmem>>
        %dma_wait3A_64 = tpu.memref_squeeze %dma_wait3A_63 : memref<1x128xi32, #tpu.memory_space<vmem>> -> memref<128xi32, #tpu.memory_space<vmem>>
        %dma_wait3A_65 = tpu.memref_slice %arg3[%mul3A_50] : memref<160000xi32, #tpu.memory_space<hbm>> -> memref<128xi32, #tpu.memory_space<hbm>>
        %dma_wait3A_66 = arith.constant 0 : i32
        %dma_wait3A_67 = tpu.memref_slice %arg6[%run_scoped3A, %dma_wait3A_66] : memref<2x128xi32, #tpu.memory_space<vmem>> -> memref<1x128xi32, #tpu.memory_space<vmem>>
        %dma_wait3A_68 = tpu.memref_squeeze %dma_wait3A_67 : memref<1x128xi32, #tpu.memory_space<vmem>> -> memref<128xi32, #tpu.memory_space<vmem>>
        %dma_wait3A_69 = tpu.memref_slice %arg3[%mul3A_50] : memref<160000xi32, #tpu.memory_space<hbm>> -> memref<128xi32, #tpu.memory_space<hbm>>
        tpu.wait_dma2 semaphore(%run_scoped3A_54 : memref<!tpu.dma_semaphore, #tpu.memory_space<semaphore_mem>>) src(%dma_wait3A_69 : memref<128xi32, #tpu.memory_space<hbm>>) dst(%dma_wait3A_68 : memref<128xi32, #tpu.memory_space<vmem>>)
        tpu.yield
      }) : () -> ()
      %run_scoped3A_51 = arith.constant 0 : i32
      "tpu.region"() ({
        %run_scoped3A_54 = tpu.sem_alloc : memref<!tpu.dma_semaphore, #tpu.memory_space<semaphore_mem>>
        %dma_start3A_55 = arith.constant 0 : i32
        %dma_start3A_56 = arith.constant 0 : i32
        %dma_start3A_57 = tpu.memref_slice %arg7[%run_scoped3A_51, %dma_start3A_55, %dma_start3A_56] : memref<2x128x128xf32, #tpu.memory_space<vmem>> -> memref<1x128x128xf32, #tpu.memory_space<vmem>>
        %dma_start3A_58 = tpu.memref_squeeze %dma_start3A_57 : memref<1x128x128xf32, #tpu.memory_space<vmem>> -> memref<128x128xf32, #tpu.memory_space<vmem>>
        %dma_start3A_59 = arith.constant 0 : i32
        %dma_start3A_60 = tpu.memref_slice %arg2[%mul3A_50, %dma_start3A_59] : memref<160000x128xf32, #tpu.memory_space<hbm>> -> memref<128x128xf32, #tpu.memory_space<hbm>>
        %dma_start3A_61 = arith.constant 0 : i32
        %dma_start3A_62 = arith.constant 0 : i32
        %dma_start3A_63 = tpu.memref_slice %arg7[%run_scoped3A_51, %dma_start3A_61, %dma_start3A_62] : memref<2x128x128xf32, #tpu.memory_space<vmem>> -> memref<1x128x128xf32, #tpu.memory_space<vmem>>
        %dma_start3A_64 = tpu.memref_squeeze %dma_start3A_63 : memref<1x128x128xf32, #tpu.memory_space<vmem>> -> memref<128x128xf32, #tpu.memory_space<vmem>>
        %dma_start3A_65 = arith.constant 0 : i32
        %dma_start3A_66 = tpu.memref_slice %arg2[%mul3A_50, %dma_start3A_65] : memref<160000x128xf32, #tpu.memory_space<hbm>> -> memref<128x128xf32, #tpu.memory_space<hbm>>
        tpu.enqueue_dma source(%dma_start3A_66 : memref<128x128xf32, #tpu.memory_space<hbm>>) target(%dma_start3A_64 : memref<128x128xf32, #tpu.memory_space<vmem>>) target_semaphore(%run_scoped3A_54 : memref<!tpu.dma_semaphore, #tpu.memory_space<semaphore_mem>>)
        %dma_wait3A = arith.constant 0 : i32
        %dma_wait3A_67 = arith.constant 0 : i32
        %dma_wait3A_68 = tpu.memref_slice %arg7[%run_scoped3A_51, %dma_wait3A, %dma_wait3A_67] : memref<2x128x128xf32, #tpu.memory_space<vmem>> -> memref<1x128x128xf32, #tpu.memory_space<vmem>>
        %dma_wait3A_69 = tpu.memref_squeeze %dma_wait3A_68 : memref<1x128x128xf32, #tpu.memory_space<vmem>> -> memref<128x128xf32, #tpu.memory_space<vmem>>
        %dma_wait3A_70 = arith.constant 0 : i32
        %dma_wait3A_71 = tpu.memref_slice %arg2[%mul3A_50, %dma_wait3A_70] : memref<160000x128xf32, #tpu.memory_space<hbm>> -> memref<128x128xf32, #tpu.memory_space<hbm>>
        %dma_wait3A_72 = arith.constant 0 : i32
        %dma_wait3A_73 = arith.constant 0 : i32
        %dma_wait3A_74 = tpu.memref_slice %arg7[%run_scoped3A_51, %dma_wait3A_72, %dma_wait3A_73] : memref<2x128x128xf32, #tpu.memory_space<vmem>> -> memref<1x128x128xf32, #tpu.memory_space<vmem>>
        %dma_wait3A_75 = tpu.memref_squeeze %dma_wait3A_74 : memref<1x128x128xf32, #tpu.memory_space<vmem>> -> memref<128x128xf32, #tpu.memory_space<vmem>>
        %dma_wait3A_76 = arith.constant 0 : i32
        %dma_wait3A_77 = tpu.memref_slice %arg2[%mul3A_50, %dma_wait3A_76] : memref<160000x128xf32, #tpu.memory_space<hbm>> -> memref<128x128xf32, #tpu.memory_space<hbm>>
        tpu.wait_dma2 semaphore(%run_scoped3A_54 : memref<!tpu.dma_semaphore, #tpu.memory_space<semaphore_mem>>) src(%dma_wait3A_77 : memref<128x128xf32, #tpu.memory_space<hbm>>) dst(%dma_wait3A_75 : memref<128x128xf32, #tpu.memory_space<vmem>>)
        tpu.yield
      }) : () -> ()
      %run_scoped3A_52 = arith.constant 0 : i32
      %run_scoped3A_53 = arith.constant 0 : i32
      "tpu.region"() ({
        %run_scoped3A_54 = tpu.sem_alloc : memref<!tpu.dma_semaphore, #tpu.memory_space<semaphore_mem>>
        %dma_start3A_55 = arith.constant 0 : i32
        %dma_start3A_56 = arith.constant 0 : i32
        %dma_start3A_57 = tpu.memref_slice %arg7[%run_scoped3A_52, %dma_start3A_55, %dma_start3A_56] : memref<2x128x128xf32, #tpu.memory_space<vmem>> -> memref<1x128x128xf32, #tpu.memory_space<vmem>>
        %dma_start3A_58 = tpu.memref_squeeze %dma_start3A_57 : memref<1x128x128xf32, #tpu.memory_space<vmem>> -> memref<128x128xf32, #tpu.memory_space<vmem>>
        %dma_start3A_59 = arith.constant 0 : i32
        %dma_start3A_60 = tpu.memref_slice %arg6[%run_scoped3A_53, %dma_start3A_59] : memref<2x128xi32, #tpu.memory_space<vmem>> -> memref<1x128xi32, #tpu.memory_space<vmem>>
        %dma_start3A_61 = tpu.memref_squeeze %dma_start3A_60 : memref<1x128xi32, #tpu.memory_space<vmem>> -> memref<128xi32, #tpu.memory_space<vmem>>
        %dma_start3A_62 = arith.constant 0 : i32
        %dma_start3A_63 = arith.constant 0 : i32
        %dma_start3A_64 = tpu.memref_slice %arg8[%dma_start3A_62, %dma_start3A_63] : memref<10240x128xf32, #tpu.memory_space<vmem_shared>> -> memref<10240x128xf32, #tpu.memory_space<vmem_shared>>
        tpu.enqueue_indirect_dma source(%dma_start3A_58 : memref<128x128xf32, #tpu.memory_space<vmem>>) target(%dma_start3A_64 : memref<10240x128xf32, #tpu.memory_space<vmem_shared>>) offsets(%dma_start3A_61 : memref<128xi32, #tpu.memory_space<vmem>>) semaphore(%run_scoped3A_54 : memref<!tpu.dma_semaphore, #tpu.memory_space<semaphore_mem>>) {add = true}
        %dma_wait3A = arith.constant 0 : i32
        %dma_wait3A_65 = arith.constant 0 : i32
        %dma_wait3A_66 = tpu.memref_slice %arg7[%run_scoped3A_52, %dma_wait3A, %dma_wait3A_65] : memref<2x128x128xf32, #tpu.memory_space<vmem>> -> memref<1x128x128xf32, #tpu.memory_space<vmem>>
        %dma_wait3A_67 = tpu.memref_squeeze %dma_wait3A_66 : memref<1x128x128xf32, #tpu.memory_space<vmem>> -> memref<128x128xf32, #tpu.memory_space<vmem>>
        %dma_wait3A_68 = arith.constant 0 : i32
        %dma_wait3A_69 = tpu.memref_slice %arg6[%run_scoped3A_53, %dma_wait3A_68] : memref<2x128xi32, #tpu.memory_space<vmem>> -> memref<1x128xi32, #tpu.memory_space<vmem>>
        %dma_wait3A_70 = tpu.memref_squeeze %dma_wait3A_69 : memref<1x128xi32, #tpu.memory_space<vmem>> -> memref<128xi32, #tpu.memory_space<vmem>>
        %dma_wait3A_71 = arith.constant 0 : i32
        %dma_wait3A_72 = arith.constant 0 : i32
        %dma_wait3A_73 = tpu.memref_slice %arg8[%dma_wait3A_71, %dma_wait3A_72] : memref<10240x128xf32, #tpu.memory_space<vmem_shared>> -> memref<10240x128xf32, #tpu.memory_space<vmem_shared>>
        tpu.wait_indirect_dma semaphore(%run_scoped3A_54 : memref<!tpu.dma_semaphore, #tpu.memory_space<semaphore_mem>>) src(%dma_wait3A_67 : memref<128x128xf32, #tpu.memory_space<vmem>>) dst(%dma_wait3A_73 : memref<10240x128xf32, #tpu.memory_space<vmem_shared>>)
        tpu.yield
      }) : () -> ()
    } else {
    }
    %barrier3A_39 = arith.constant 0 : index
    tpu.barrier barrier_id(%barrier3A_39)
    %mul3A_40 = arith.constant 640 : i32
    %mul3A_41 = arith.muli %arg1, %mul3A_40 : i32
    %mul3A_42 = arith.constant 10240 : i32
    %mul3A_43 = arith.muli %arg0, %mul3A_42 : i32
    %mul3A_44 = arith.constant 640 : i32
    %mul3A_45 = arith.muli %arg1, %mul3A_44 : i32
    %add3A_46 = arith.addi %mul3A_43, %mul3A_45 : i32
    "tpu.region"() ({
      %run_scoped3A = tpu.sem_alloc : memref<!tpu.dma_semaphore, #tpu.memory_space<semaphore_mem>>
      %dma_start3A_47 = arith.constant 0 : i32
      %dma_start3A_48 = tpu.memref_slice %arg5[%add3A_46, %dma_start3A_47] : memref<20480x128xf32, #tpu.memory_space<hbm>> -> memref<640x128xf32, #tpu.memory_space<hbm>>
      %dma_start3A_49 = arith.constant 0 : i32
      %dma_start3A_50 = tpu.memref_slice %arg8[%mul3A_41, %dma_start3A_49] : memref<10240x128xf32, #tpu.memory_space<vmem_shared>> -> memref<640x128xf32, #tpu.memory_space<vmem_shared>>
      tpu.enqueue_dma source(%dma_start3A_50 : memref<640x128xf32, #tpu.memory_space<vmem_shared>>) target(%dma_start3A_48 : memref<640x128xf32, #tpu.memory_space<hbm>>) target_semaphore(%run_scoped3A : memref<!tpu.dma_semaphore, #tpu.memory_space<semaphore_mem>>)
      %dma_wait3A = arith.constant 0 : i32
      %dma_wait3A_51 = tpu.memref_slice %arg5[%add3A_46, %dma_wait3A] : memref<20480x128xf32, #tpu.memory_space<hbm>> -> memref<640x128xf32, #tpu.memory_space<hbm>>
      %dma_wait3A_52 = arith.constant 0 : i32
      %dma_wait3A_53 = tpu.memref_slice %arg8[%mul3A_41, %dma_wait3A_52] : memref<10240x128xf32, #tpu.memory_space<vmem_shared>> -> memref<640x128xf32, #tpu.memory_space<vmem_shared>>
      tpu.wait_dma2 semaphore(%run_scoped3A : memref<!tpu.dma_semaphore, #tpu.memory_space<semaphore_mem>>) src(%dma_wait3A_53 : memref<640x128xf32, #tpu.memory_space<vmem_shared>>) dst(%dma_wait3A_51 : memref<640x128xf32, #tpu.memory_space<hbm>>)
      tpu.yield
    }) : () -> ()
    return
  }
}

module attributes {stable_mosaic.version = 14 : i64} {
  func.func @_pre_body(%arg0: i32, %arg1: memref<2000x128xf32, #tpu.memory_space<vmem>>, %arg2: memref<2000x8xf32, #tpu.memory_space<vmem>>, %arg3: memref<128x128xf32, #tpu.memory_space<vmem>>, %arg4: memref<128x128xf32, #tpu.memory_space<vmem>>, %arg5: memref<8x128xf32, #tpu.memory_space<vmem>>, %arg6: memref<1x128xf32, #tpu.memory_space<vmem>>, %arg7: memref<2000x128xf32, #tpu.memory_space<vmem>>, %arg8: memref<2000x128xf32, #tpu.memory_space<vmem>>) attributes {dimension_semantics = [#tpu.dimension_semantics<arbitrary>], iteration_bounds = array<i64: 5>, scalar_prefetch = 0 : i64, scratch_operands = 0 : i64, tpu.core_type = #tpu.core_type<tc>, window_params = [{transform_indices = @transform_0, window_bounds = array<i64: 2000, 128>}, {transform_indices = @transform_1, window_bounds = array<i64: 2000, 8>}, {pipeline_mode = #tpu.pipeline_mode<synchronous>, transform_indices = @transform_2, window_bounds = array<i64: 128, 128>}, {pipeline_mode = #tpu.pipeline_mode<synchronous>, transform_indices = @transform_3, window_bounds = array<i64: 128, 128>}, {pipeline_mode = #tpu.pipeline_mode<synchronous>, transform_indices = @transform_4, window_bounds = array<i64: 8, 128>}, {pipeline_mode = #tpu.pipeline_mode<synchronous>, transform_indices = @transform_5, window_bounds = array<i64: 1, 128>}, {transform_indices = @transform_6, window_bounds = array<i64: 2000, 128>}, {transform_indices = @transform_7, window_bounds = array<i64: 2000, 128>}]} {
    %get3A = arith.constant 0 : index
    %get3A_0 = arith.constant 0 : index
    %get3A_1 = vector.load %arg2[%get3A, %get3A_0] : memref<2000x8xf32, #tpu.memory_space<vmem>>, vector<2000x8xf32>
    %get3A_2 = arith.constant 0 : index
    %get3A_3 = arith.constant 0 : index
    %get3A_4 = vector.load %arg5[%get3A_2, %get3A_3] : memref<8x128xf32, #tpu.memory_space<vmem>>, vector<8x128xf32>
    %dot_general3A = arith.constant dense<0.000000e+00> : vector<2000x128xf32>
    %dot_general3A_5 = tpu.matmul %get3A_1, %get3A_4, %dot_general3A {dimension_numbers = #tpu.dot_dimension_numbers<[1], [0], [0], [1], [0, 0, 1, 1], [], []>, transpose_lhs_hint = false} : vector<2000x8xf32>, vector<8x128xf32>, vector<2000x128xf32> -> vector<2000x128xf32>
    %get3A_6 = arith.constant 0 : index
    %get3A_7 = arith.constant 0 : index
    %get3A_8 = vector.load %arg1[%get3A_6, %get3A_7] : memref<2000x128xf32, #tpu.memory_space<vmem>>, vector<2000x128xf32>
    %get3A_9 = arith.constant 0 : index
    %get3A_10 = arith.constant 0 : index
    %get3A_11 = vector.load %arg3[%get3A_9, %get3A_10] : memref<128x128xf32, #tpu.memory_space<vmem>>, vector<128x128xf32>
    %dot_general3A_12 = arith.constant dense<0.000000e+00> : vector<2000x128xf32>
    %dot_general3A_13 = tpu.matmul %get3A_8, %get3A_11, %dot_general3A_12 {dimension_numbers = #tpu.dot_dimension_numbers<[1], [0], [0], [1], [0, 0, 1, 1], [], []>, transpose_lhs_hint = false} : vector<2000x128xf32>, vector<128x128xf32>, vector<2000x128xf32> -> vector<2000x128xf32>
    %get3A_14 = arith.constant 0 : index
    %get3A_15 = arith.constant 0 : index
    %get3A_16 = vector.load %arg1[%get3A_14, %get3A_15] : memref<2000x128xf32, #tpu.memory_space<vmem>>, vector<2000x128xf32>
    %get3A_17 = arith.constant 0 : index
    %get3A_18 = arith.constant 0 : index
    %get3A_19 = vector.load %arg4[%get3A_17, %get3A_18] : memref<128x128xf32, #tpu.memory_space<vmem>>, vector<128x128xf32>
    %dot_general3A_20 = arith.constant dense<0.000000e+00> : vector<2000x128xf32>
    %dot_general3A_21 = tpu.matmul %get3A_16, %get3A_19, %dot_general3A_20 {dimension_numbers = #tpu.dot_dimension_numbers<[1], [0], [0], [1], [0, 0, 1, 1], [], []>, transpose_lhs_hint = false} : vector<2000x128xf32>, vector<128x128xf32>, vector<2000x128xf32> -> vector<2000x128xf32>
    %sub3A = arith.subf %dot_general3A_13, %dot_general3A_5 : vector<2000x128xf32>
    %get3A_22 = arith.constant 0 : index
    %get3A_23 = arith.constant 0 : index
    %get3A_24 = vector.load %arg6[%get3A_22, %get3A_23] : memref<1x128xf32, #tpu.memory_space<vmem>>, vector<1x128xf32>
    %add3A = vector.broadcast %get3A_24 : vector<1x128xf32> to vector<2000x128xf32>
    %add3A_25 = arith.addf %sub3A, %add3A : vector<2000x128xf32>
    %swap3A = arith.constant 0 : index
    %swap3A_26 = arith.constant 0 : index
    %swap3A_27 = vector.load %arg7[%swap3A, %swap3A_26] : memref<2000x128xf32, #tpu.memory_space<vmem>>, vector<2000x128xf32>
    tpu.vector_store %arg7[%swap3A, %swap3A_26], %add3A_25 {strides = array<i32>} : memref<2000x128xf32, #tpu.memory_space<vmem>>, vector<2000x128xf32>,
    %add3A_28 = arith.addf %dot_general3A_21, %dot_general3A_5 : vector<2000x128xf32>
    %swap3A_29 = arith.constant 0 : index
    %swap3A_30 = arith.constant 0 : index
    %swap3A_31 = vector.load %arg8[%swap3A_29, %swap3A_30] : memref<2000x128xf32, #tpu.memory_space<vmem>>, vector<2000x128xf32>
    tpu.vector_store %arg8[%swap3A_29, %swap3A_30], %add3A_28 {strides = array<i32>} : memref<2000x128xf32, #tpu.memory_space<vmem>>, vector<2000x128xf32>,
    return
  }
  func.func @transform_0(%arg0: i32) -> (i32, i32) {
    %c0_i32 = arith.constant 0 : i32
    %c0_i32_0 = arith.constant 0 : i32
    return %arg0, %c0_i32 : i32, i32
  }
  func.func @transform_1(%arg0: i32) -> (i32, i32) {
    %c0_i32 = arith.constant 0 : i32
    %c0_i32_0 = arith.constant 0 : i32
    return %arg0, %c0_i32 : i32, i32
  }
  func.func @transform_2(%arg0: i32) -> (i32, i32) {
    %c0_i32 = arith.constant 0 : i32
    %c0_i32_0 = arith.constant 0 : i32
    %c0_i32_1 = arith.constant 0 : i32
    return %c0_i32, %c0_i32_0 : i32, i32
  }
  func.func @transform_3(%arg0: i32) -> (i32, i32) {
    %c0_i32 = arith.constant 0 : i32
    %c0_i32_0 = arith.constant 0 : i32
    %c0_i32_1 = arith.constant 0 : i32
    return %c0_i32, %c0_i32_0 : i32, i32
  }
  func.func @transform_4(%arg0: i32) -> (i32, i32) {
    %c0_i32 = arith.constant 0 : i32
    %c0_i32_0 = arith.constant 0 : i32
    %c0_i32_1 = arith.constant 0 : i32
    return %c0_i32, %c0_i32_0 : i32, i32
  }
  func.func @transform_5(%arg0: i32) -> (i32, i32) {
    %c0_i32 = arith.constant 0 : i32
    %c0_i32_0 = arith.constant 0 : i32
    %c0_i32_1 = arith.constant 0 : i32
    return %c0_i32, %c0_i32_0 : i32, i32
  }
  func.func @transform_6(%arg0: i32) -> (i32, i32) {
    %c0_i32 = arith.constant 0 : i32
    %c0_i32_0 = arith.constant 0 : i32
    return %arg0, %c0_i32 : i32, i32
  }
  func.func @transform_7(%arg0: i32) -> (i32, i32) {
    %c0_i32 = arith.constant 0 : i32
    %c0_i32_0 = arith.constant 0 : i32
    return %arg0, %c0_i32 : i32, i32
  }
}

module attributes {stable_mosaic.version = 14 : i64} {
  func.func @_edge_body(%arg0: i32, %arg1: memref<2000x128xf32, #tpu.memory_space<vmem>>, %arg2: memref<128x128xf32, #tpu.memory_space<vmem>>, %arg3: memref<1x128xf32, #tpu.memory_space<vmem>>, %arg4: memref<128x128xf32, #tpu.memory_space<vmem>>, %arg5: memref<1x128xf32, #tpu.memory_space<vmem>>, %arg6: memref<2000x128xf32, #tpu.memory_space<vmem>>) attributes {dimension_semantics = [#tpu.dimension_semantics<arbitrary>], iteration_bounds = array<i64: 80>, scalar_prefetch = 0 : i64, scratch_operands = 0 : i64, tpu.core_type = #tpu.core_type<tc>, window_params = [{transform_indices = @transform_0, window_bounds = array<i64: 2000, 128>}, {pipeline_mode = #tpu.pipeline_mode<synchronous>, transform_indices = @transform_1, window_bounds = array<i64: 128, 128>}, {pipeline_mode = #tpu.pipeline_mode<synchronous>, transform_indices = @transform_2, window_bounds = array<i64: 1, 128>}, {pipeline_mode = #tpu.pipeline_mode<synchronous>, transform_indices = @transform_3, window_bounds = array<i64: 128, 128>}, {pipeline_mode = #tpu.pipeline_mode<synchronous>, transform_indices = @transform_4, window_bounds = array<i64: 1, 128>}, {transform_indices = @transform_5, window_bounds = array<i64: 2000, 128>}]} {
    %get3A = arith.constant 0 : index
    %get3A_0 = arith.constant 0 : index
    %get3A_1 = vector.load %arg1[%get3A, %get3A_0] : memref<2000x128xf32, #tpu.memory_space<vmem>>, vector<2000x128xf32>
    %gt3A = arith.constant 0.000000e+00 : f32
    %gt3A_2 = vector.broadcast %gt3A : f32 to vector<2000x128xf32>
    %gt3A_3 = arith.cmpf ogt, %get3A_1, %gt3A_2 : vector<2000x128xf32>
    %exp3A = math.exp %get3A_1 : vector<2000x128xf32>
    %sub3A = arith.constant 1.000000e+00 : f32
    %sub3A_4 = vector.broadcast %sub3A : f32 to vector<2000x128xf32>
    %sub3A_5 = arith.subf %exp3A, %sub3A_4 : vector<2000x128xf32>
    %select_n3A = arith.select %gt3A_3, %get3A_1, %sub3A_5 : vector<2000x128xi1>, vector<2000x128xf32>
    %convert_element_type3A = arith.truncf %select_n3A : vector<2000x128xf32> to vector<2000x128xbf16>
    %get3A_6 = arith.constant 0 : index
    %get3A_7 = arith.constant 0 : index
    %get3A_8 = vector.load %arg2[%get3A_6, %get3A_7] : memref<128x128xf32, #tpu.memory_space<vmem>>, vector<128x128xf32>
    %convert_element_type3A_9 = arith.truncf %get3A_8 : vector<128x128xf32> to vector<128x128xbf16>
    %dot_general3A = arith.constant dense<0.000000e+00> : vector<2000x128xf32>
    %dot_general3A_10 = tpu.matmul %convert_element_type3A, %convert_element_type3A_9, %dot_general3A {dimension_numbers = #tpu.dot_dimension_numbers<[1], [0], [0], [1], [0, 0, 1, 1], [], []>, transpose_lhs_hint = false} : vector<2000x128xbf16>, vector<128x128xbf16>, vector<2000x128xf32> -> vector<2000x128xf32>
    %get3A_11 = arith.constant 0 : index
    %get3A_12 = arith.constant 0 : index
    %get3A_13 = vector.load %arg3[%get3A_11, %get3A_12] : memref<1x128xf32, #tpu.memory_space<vmem>>, vector<1x128xf32>
    %add3A = vector.broadcast %get3A_13 : vector<1x128xf32> to vector<2000x128xf32>
    %add3A_14 = arith.addf %dot_general3A_10, %add3A : vector<2000x128xf32>
    %gt3A_15 = arith.constant 0.000000e+00 : f32
    %gt3A_16 = vector.broadcast %gt3A_15 : f32 to vector<2000x128xf32>
    %gt3A_17 = arith.cmpf ogt, %add3A_14, %gt3A_16 : vector<2000x128xf32>
    %exp3A_18 = math.exp %add3A_14 : vector<2000x128xf32>
    %sub3A_19 = arith.constant 1.000000e+00 : f32
    %sub3A_20 = vector.broadcast %sub3A_19 : f32 to vector<2000x128xf32>
    %sub3A_21 = arith.subf %exp3A_18, %sub3A_20 : vector<2000x128xf32>
    %select_n3A_22 = arith.select %gt3A_17, %add3A_14, %sub3A_21 : vector<2000x128xi1>, vector<2000x128xf32>
    %convert_element_type3A_23 = arith.truncf %select_n3A_22 : vector<2000x128xf32> to vector<2000x128xbf16>
    %get3A_24 = arith.constant 0 : index
    %get3A_25 = arith.constant 0 : index
    %get3A_26 = vector.load %arg4[%get3A_24, %get3A_25] : memref<128x128xf32, #tpu.memory_space<vmem>>, vector<128x128xf32>
    %convert_element_type3A_27 = arith.truncf %get3A_26 : vector<128x128xf32> to vector<128x128xbf16>
    %dot_general3A_28 = arith.constant dense<0.000000e+00> : vector<2000x128xf32>
    %dot_general3A_29 = tpu.matmul %convert_element_type3A_23, %convert_element_type3A_27, %dot_general3A_28 {dimension_numbers = #tpu.dot_dimension_numbers<[1], [0], [0], [1], [0, 0, 1, 1], [], []>, transpose_lhs_hint = false} : vector<2000x128xbf16>, vector<128x128xbf16>, vector<2000x128xf32> -> vector<2000x128xf32>
    %get3A_30 = arith.constant 0 : index
    %get3A_31 = arith.constant 0 : index
    %get3A_32 = vector.load %arg5[%get3A_30, %get3A_31] : memref<1x128xf32, #tpu.memory_space<vmem>>, vector<1x128xf32>
    %add3A_33 = vector.broadcast %get3A_32 : vector<1x128xf32> to vector<2000x128xf32>
    %add3A_34 = arith.addf %dot_general3A_29, %add3A_33 : vector<2000x128xf32>
    %swap3A = arith.constant 0 : index
    %swap3A_35 = arith.constant 0 : index
    %swap3A_36 = vector.load %arg6[%swap3A, %swap3A_35] : memref<2000x128xf32, #tpu.memory_space<vmem>>, vector<2000x128xf32>
    tpu.vector_store %arg6[%swap3A, %swap3A_35], %add3A_34 {strides = array<i32>} : memref<2000x128xf32, #tpu.memory_space<vmem>>, vector<2000x128xf32>,
    return
  }
  func.func @transform_0(%arg0: i32) -> (i32, i32) {
    %c0_i32 = arith.constant 0 : i32
    %c0_i32_0 = arith.constant 0 : i32
    return %arg0, %c0_i32 : i32, i32
  }
  func.func @transform_1(%arg0: i32) -> (i32, i32) {
    %c0_i32 = arith.constant 0 : i32
    %c0_i32_0 = arith.constant 0 : i32
    %c0_i32_1 = arith.constant 0 : i32
    return %c0_i32, %c0_i32_0 : i32, i32
  }
  func.func @transform_2(%arg0: i32) -> (i32, i32) {
    %c0_i32 = arith.constant 0 : i32
    %c0_i32_0 = arith.constant 0 : i32
    %c0_i32_1 = arith.constant 0 : i32
    return %c0_i32, %c0_i32_0 : i32, i32
  }
  func.func @transform_3(%arg0: i32) -> (i32, i32) {
    %c0_i32 = arith.constant 0 : i32
    %c0_i32_0 = arith.constant 0 : i32
    %c0_i32_1 = arith.constant 0 : i32
    return %c0_i32, %c0_i32_0 : i32, i32
  }
  func.func @transform_4(%arg0: i32) -> (i32, i32) {
    %c0_i32 = arith.constant 0 : i32
    %c0_i32_0 = arith.constant 0 : i32
    %c0_i32_1 = arith.constant 0 : i32
    return %c0_i32, %c0_i32_0 : i32, i32
  }
  func.func @transform_5(%arg0: i32) -> (i32, i32) {
    %c0_i32 = arith.constant 0 : i32
    %c0_i32_0 = arith.constant 0 : i32
    return %arg0, %c0_i32 : i32, i32
  }
}

module attributes {stable_mosaic.version = 14 : i64} {
  func.func @_node_body(%arg0: i32, %arg1: memref<2000x128xf32, #tpu.memory_space<vmem>>, %arg2: memref<2000x128xf32, #tpu.memory_space<vmem>>, %arg3: memref<2000x128xf32, #tpu.memory_space<vmem>>, %arg4: memref<2000x128xf32, #tpu.memory_space<vmem>>, %arg5: memref<2000x128xf32, #tpu.memory_space<vmem>>, %arg6: memref<128x128xf32, #tpu.memory_space<vmem>>, %arg7: memref<128x128xf32, #tpu.memory_space<vmem>>, %arg8: memref<1x128xf32, #tpu.memory_space<vmem>>, %arg9: memref<128x128xf32, #tpu.memory_space<vmem>>, %arg10: memref<1x128xf32, #tpu.memory_space<vmem>>, %arg11: memref<128x128xf32, #tpu.memory_space<vmem>>, %arg12: memref<1x128xf32, #tpu.memory_space<vmem>>, %arg13: memref<128x128xf32, #tpu.memory_space<vmem>>, %arg14: memref<1x128xf32, #tpu.memory_space<vmem>>, %arg15: memref<128x128xf32, #tpu.memory_space<vmem>>, %arg16: memref<1x128xf32, #tpu.memory_space<vmem>>, %arg17: memref<128x128xf32, #tpu.memory_space<vmem>>, %arg18: memref<1x128xf32, #tpu.memory_space<vmem>>, %arg19: memref<2000x128xf32, #tpu.memory_space<vmem>>) attributes {dimension_semantics = [#tpu.dimension_semantics<arbitrary>], iteration_bounds = array<i64: 5>, scalar_prefetch = 0 : i64, scratch_operands = 0 : i64, tpu.core_type = #tpu.core_type<tc>, window_params = [{transform_indices = @transform_0, window_bounds = array<i64: 2000, 128>}, {transform_indices = @transform_1, window_bounds = array<i64: 2000, 128>}, {transform_indices = @transform_2, window_bounds = array<i64: 2000, 128>}, {transform_indices = @transform_3, window_bounds = array<i64: 2000, 128>}, {transform_indices = @transform_4, window_bounds = array<i64: 2000, 128>}, {pipeline_mode = #tpu.pipeline_mode<synchronous>, transform_indices = @transform_5, window_bounds = array<i64: 128, 128>}, {pipeline_mode = #tpu.pipeline_mode<synchronous>, transform_indices = @transform_6, window_bounds = array<i64: 128, 128>}, {pipeline_mode = #tpu.pipeline_mode<synchronous>, transform_indices = @transform_7, window_bounds = array<i64: 1, 128>}, {pipeline_mode = #tpu.pipeline_mode<synchronous>, transform_indices = @transform_8, window_bounds = array<i64: 128, 128>}, {pipeline_mode = #tpu.pipeline_mode<synchronous>, transform_indices = @transform_9, window_bounds = array<i64: 1, 128>}, {pipeline_mode = #tpu.pipeline_mode<synchronous>, transform_indices = @transform_10, window_bounds = array<i64: 128, 128>}, {pipeline_mode = #tpu.pipeline_mode<synchronous>, transform_indices = @transform_11, window_bounds = array<i64: 1, 128>}, {pipeline_mode = #tpu.pipeline_mode<synchronous>, transform_indices = @transform_12, window_bounds = array<i64: 128, 128>}, {pipeline_mode = #tpu.pipeline_mode<synchronous>, transform_indices = @transform_13, window_bounds = array<i64: 1, 128>}, {pipeline_mode = #tpu.pipeline_mode<synchronous>, transform_indices = @transform_14, window_bounds = array<i64: 128, 128>}, {pipeline_mode = #tpu.pipeline_mode<synchronous>, transform_indices = @transform_15, window_bounds = array<i64: 1, 128>}, {pipeline_mode = #tpu.pipeline_mode<synchronous>, transform_indices = @transform_16, window_bounds = array<i64: 128, 128>}, {pipeline_mode = #tpu.pipeline_mode<synchronous>, transform_indices = @transform_17, window_bounds = array<i64: 1, 128>}, {transform_indices = @transform_18, window_bounds = array<i64: 2000, 128>}]} {
    %get3A = arith.constant 0 : index
    %get3A_0 = arith.constant 0 : index
    %get3A_1 = vector.load %arg2[%get3A, %get3A_0] : memref<2000x128xf32, #tpu.memory_space<vmem>>, vector<2000x128xf32>
    %get3A_2 = arith.constant 0 : index
    %get3A_3 = arith.constant 0 : index
    %get3A_4 = vector.load %arg3[%get3A_2, %get3A_3] : memref<2000x128xf32, #tpu.memory_space<vmem>>, vector<2000x128xf32>
    %add3A = arith.addf %get3A_1, %get3A_4 : vector<2000x128xf32>
    %get3A_5 = arith.constant 0 : index
    %get3A_6 = arith.constant 0 : index
    %get3A_7 = vector.load %arg4[%get3A_5, %get3A_6] : memref<2000x128xf32, #tpu.memory_space<vmem>>, vector<2000x128xf32>
    %get3A_8 = arith.constant 0 : index
    %get3A_9 = arith.constant 0 : index
    %get3A_10 = vector.load %arg5[%get3A_8, %get3A_9] : memref<2000x128xf32, #tpu.memory_space<vmem>>, vector<2000x128xf32>
    %add3A_11 = arith.addf %get3A_7, %get3A_10 : vector<2000x128xf32>
    %add3A_12 = arith.addf %add3A, %add3A_11 : vector<2000x128xf32>
    %get3A_13 = arith.constant 0 : index
    %get3A_14 = arith.constant 0 : index
    %get3A_15 = vector.load %arg1[%get3A_13, %get3A_14] : memref<2000x128xf32, #tpu.memory_space<vmem>>, vector<2000x128xf32>
    %get3A_16 = arith.constant 0 : index
    %get3A_17 = arith.constant 0 : index
    %get3A_18 = vector.load %arg6[%get3A_16, %get3A_17] : memref<128x128xf32, #tpu.memory_space<vmem>>, vector<128x128xf32>
    %dot_general3A = arith.constant dense<0.000000e+00> : vector<2000x128xf32>
    %dot_general3A_19 = tpu.matmul %get3A_15, %get3A_18, %dot_general3A {dimension_numbers = #tpu.dot_dimension_numbers<[1], [0], [0], [1], [0, 0, 1, 1], [], []>, transpose_lhs_hint = false} : vector<2000x128xf32>, vector<128x128xf32>, vector<2000x128xf32> -> vector<2000x128xf32>
    %get3A_20 = arith.constant 0 : index
    %get3A_21 = arith.constant 0 : index
    %get3A_22 = vector.load %arg7[%get3A_20, %get3A_21] : memref<128x128xf32, #tpu.memory_space<vmem>>, vector<128x128xf32>
    %dot_general3A_23 = arith.constant dense<0.000000e+00> : vector<2000x128xf32>
    %dot_general3A_24 = tpu.matmul %add3A_12, %get3A_22, %dot_general3A_23 {dimension_numbers = #tpu.dot_dimension_numbers<[1], [0], [0], [1], [0, 0, 1, 1], [], []>, transpose_lhs_hint = false} : vector<2000x128xf32>, vector<128x128xf32>, vector<2000x128xf32> -> vector<2000x128xf32>
    %add3A_25 = arith.addf %dot_general3A_19, %dot_general3A_24 : vector<2000x128xf32>
    %get3A_26 = arith.constant 0 : index
    %get3A_27 = arith.constant 0 : index
    %get3A_28 = vector.load %arg8[%get3A_26, %get3A_27] : memref<1x128xf32, #tpu.memory_space<vmem>>, vector<1x128xf32>
    %add3A_29 = vector.broadcast %get3A_28 : vector<1x128xf32> to vector<2000x128xf32>
    %add3A_30 = arith.addf %add3A_25, %add3A_29 : vector<2000x128xf32>
    %gt3A = arith.constant 0.000000e+00 : f32
    %gt3A_31 = vector.broadcast %gt3A : f32 to vector<2000x128xf32>
    %gt3A_32 = arith.cmpf ogt, %add3A_30, %gt3A_31 : vector<2000x128xf32>
    %exp3A = math.exp %add3A_30 : vector<2000x128xf32>
    %sub3A = arith.constant 1.000000e+00 : f32
    %sub3A_33 = vector.broadcast %sub3A : f32 to vector<2000x128xf32>
    %sub3A_34 = arith.subf %exp3A, %sub3A_33 : vector<2000x128xf32>
    %select_n3A = arith.select %gt3A_32, %add3A_30, %sub3A_34 : vector<2000x128xi1>, vector<2000x128xf32>
    %get3A_35 = arith.constant 0 : index
    %get3A_36 = arith.constant 0 : index
    %get3A_37 = vector.load %arg9[%get3A_35, %get3A_36] : memref<128x128xf32, #tpu.memory_space<vmem>>, vector<128x128xf32>
    %dot_general3A_38 = arith.constant dense<0.000000e+00> : vector<2000x128xf32>
    %dot_general3A_39 = tpu.matmul %select_n3A, %get3A_37, %dot_general3A_38 {dimension_numbers = #tpu.dot_dimension_numbers<[1], [0], [0], [1], [0, 0, 1, 1], [], []>, transpose_lhs_hint = false} : vector<2000x128xf32>, vector<128x128xf32>, vector<2000x128xf32> -> vector<2000x128xf32>
    %get3A_40 = arith.constant 0 : index
    %get3A_41 = arith.constant 0 : index
    %get3A_42 = vector.load %arg10[%get3A_40, %get3A_41] : memref<1x128xf32, #tpu.memory_space<vmem>>, vector<1x128xf32>
    %add3A_43 = vector.broadcast %get3A_42 : vector<1x128xf32> to vector<2000x128xf32>
    %add3A_44 = arith.addf %dot_general3A_39, %add3A_43 : vector<2000x128xf32>
    %gt3A_45 = arith.constant 0.000000e+00 : f32
    %gt3A_46 = vector.broadcast %gt3A_45 : f32 to vector<2000x128xf32>
    %gt3A_47 = arith.cmpf ogt, %add3A_44, %gt3A_46 : vector<2000x128xf32>
    %exp3A_48 = math.exp %add3A_44 : vector<2000x128xf32>
    %sub3A_49 = arith.constant 1.000000e+00 : f32
    %sub3A_50 = vector.broadcast %sub3A_49 : f32 to vector<2000x128xf32>
    %sub3A_51 = arith.subf %exp3A_48, %sub3A_50 : vector<2000x128xf32>
    %select_n3A_52 = arith.select %gt3A_47, %add3A_44, %sub3A_51 : vector<2000x128xi1>, vector<2000x128xf32>
    %get3A_53 = arith.constant 0 : index
    %get3A_54 = arith.constant 0 : index
    %get3A_55 = vector.load %arg11[%get3A_53, %get3A_54] : memref<128x128xf32, #tpu.memory_space<vmem>>, vector<128x128xf32>
    %dot_general3A_56 = arith.constant dense<0.000000e+00> : vector<2000x128xf32>
    %dot_general3A_57 = tpu.matmul %select_n3A_52, %get3A_55, %dot_general3A_56 {dimension_numbers = #tpu.dot_dimension_numbers<[1], [0], [0], [1], [0, 0, 1, 1], [], []>, transpose_lhs_hint = false} : vector<2000x128xf32>, vector<128x128xf32>, vector<2000x128xf32> -> vector<2000x128xf32>
    %get3A_58 = arith.constant 0 : index
    %get3A_59 = arith.constant 0 : index
    %get3A_60 = vector.load %arg12[%get3A_58, %get3A_59] : memref<1x128xf32, #tpu.memory_space<vmem>>, vector<1x128xf32>
    %add3A_61 = vector.broadcast %get3A_60 : vector<1x128xf32> to vector<2000x128xf32>
    %add3A_62 = arith.addf %dot_general3A_57, %add3A_61 : vector<2000x128xf32>
    %get3A_63 = arith.constant 0 : index
    %get3A_64 = arith.constant 0 : index
    %get3A_65 = vector.load %arg13[%get3A_63, %get3A_64] : memref<128x128xf32, #tpu.memory_space<vmem>>, vector<128x128xf32>
    %dot_general3A_66 = arith.constant dense<0.000000e+00> : vector<2000x128xf32>
    %dot_general3A_67 = tpu.matmul %add3A_62, %get3A_65, %dot_general3A_66 {dimension_numbers = #tpu.dot_dimension_numbers<[1], [0], [0], [1], [0, 0, 1, 1], [], []>, transpose_lhs_hint = false} : vector<2000x128xf32>, vector<128x128xf32>, vector<2000x128xf32> -> vector<2000x128xf32>
    %get3A_68 = arith.constant 0 : index
    %get3A_69 = arith.constant 0 : index
    %get3A_70 = vector.load %arg14[%get3A_68, %get3A_69] : memref<1x128xf32, #tpu.memory_space<vmem>>, vector<1x128xf32>
    %add3A_71 = vector.broadcast %get3A_70 : vector<1x128xf32> to vector<2000x128xf32>
    %add3A_72 = arith.addf %dot_general3A_67, %add3A_71 : vector<2000x128xf32>
    %gt3A_73 = arith.constant 0.000000e+00 : f32
    %gt3A_74 = vector.broadcast %gt3A_73 : f32 to vector<2000x128xf32>
    %gt3A_75 = arith.cmpf ogt, %add3A_72, %gt3A_74 : vector<2000x128xf32>
    %exp3A_76 = math.exp %add3A_72 : vector<2000x128xf32>
    %sub3A_77 = arith.constant 1.000000e+00 : f32
    %sub3A_78 = vector.broadcast %sub3A_77 : f32 to vector<2000x128xf32>
    %sub3A_79 = arith.subf %exp3A_76, %sub3A_78 : vector<2000x128xf32>
    %select_n3A_80 = arith.select %gt3A_75, %add3A_72, %sub3A_79 : vector<2000x128xi1>, vector<2000x128xf32>
    %get3A_81 = arith.constant 0 : index
    %get3A_82 = arith.constant 0 : index
    %get3A_83 = vector.load %arg15[%get3A_81, %get3A_82] : memref<128x128xf32, #tpu.memory_space<vmem>>, vector<128x128xf32>
    %dot_general3A_84 = arith.constant dense<0.000000e+00> : vector<2000x128xf32>
    %dot_general3A_85 = tpu.matmul %select_n3A_80, %get3A_83, %dot_general3A_84 {dimension_numbers = #tpu.dot_dimension_numbers<[1], [0], [0], [1], [0, 0, 1, 1], [], []>, transpose_lhs_hint = false} : vector<2000x128xf32>, vector<128x128xf32>, vector<2000x128xf32> -> vector<2000x128xf32>
    %get3A_86 = arith.constant 0 : index
    %get3A_87 = arith.constant 0 : index
    %get3A_88 = vector.load %arg16[%get3A_86, %get3A_87] : memref<1x128xf32, #tpu.memory_space<vmem>>, vector<1x128xf32>
    %add3A_89 = vector.broadcast %get3A_88 : vector<1x128xf32> to vector<2000x128xf32>
    %add3A_90 = arith.addf %dot_general3A_85, %add3A_89 : vector<2000x128xf32>
    %gt3A_91 = arith.constant 0.000000e+00 : f32
    %gt3A_92 = vector.broadcast %gt3A_91 : f32 to vector<2000x128xf32>
    %gt3A_93 = arith.cmpf ogt, %add3A_90, %gt3A_92 : vector<2000x128xf32>
    %exp3A_94 = math.exp %add3A_90 : vector<2000x128xf32>
    %sub3A_95 = arith.constant 1.000000e+00 : f32
    %sub3A_96 = vector.broadcast %sub3A_95 : f32 to vector<2000x128xf32>
    %sub3A_97 = arith.subf %exp3A_94, %sub3A_96 : vector<2000x128xf32>
    %select_n3A_98 = arith.select %gt3A_93, %add3A_90, %sub3A_97 : vector<2000x128xi1>, vector<2000x128xf32>
    %get3A_99 = arith.constant 0 : index
    %get3A_100 = arith.constant 0 : index
    %get3A_101 = vector.load %arg17[%get3A_99, %get3A_100] : memref<128x128xf32, #tpu.memory_space<vmem>>, vector<128x128xf32>
    %dot_general3A_102 = arith.constant dense<0.000000e+00> : vector<2000x128xf32>
    %dot_general3A_103 = tpu.matmul %select_n3A_98, %get3A_101, %dot_general3A_102 {dimension_numbers = #tpu.dot_dimension_numbers<[1], [0], [0], [1], [0, 0, 1, 1], [], []>, transpose_lhs_hint = false} : vector<2000x128xf32>, vector<128x128xf32>, vector<2000x128xf32> -> vector<2000x128xf32>
    %get3A_104 = arith.constant 0 : index
    %get3A_105 = arith.constant 0 : index
    %get3A_106 = vector.load %arg18[%get3A_104, %get3A_105] : memref<1x128xf32, #tpu.memory_space<vmem>>, vector<1x128xf32>
    %add3A_107 = vector.broadcast %get3A_106 : vector<1x128xf32> to vector<2000x128xf32>
    %add3A_108 = arith.addf %dot_general3A_103, %add3A_107 : vector<2000x128xf32>
    %swap3A = arith.constant 0 : index
    %swap3A_109 = arith.constant 0 : index
    %swap3A_110 = vector.load %arg19[%swap3A, %swap3A_109] : memref<2000x128xf32, #tpu.memory_space<vmem>>, vector<2000x128xf32>
    tpu.vector_store %arg19[%swap3A, %swap3A_109], %add3A_108 {strides = array<i32>} : memref<2000x128xf32, #tpu.memory_space<vmem>>, vector<2000x128xf32>,
    return
  }
  func.func @transform_0(%arg0: i32) -> (i32, i32) {
    %c0_i32 = arith.constant 0 : i32
    %c0_i32_0 = arith.constant 0 : i32
    return %arg0, %c0_i32 : i32, i32
  }
  func.func @transform_1(%arg0: i32) -> (i32, i32) {
    %c0_i32 = arith.constant 0 : i32
    %c0_i32_0 = arith.constant 0 : i32
    return %arg0, %c0_i32 : i32, i32
  }
  func.func @transform_2(%arg0: i32) -> (i32, i32) {
    %c0_i32 = arith.constant 0 : i32
    %c0_i32_0 = arith.constant 0 : i32
    return %arg0, %c0_i32 : i32, i32
  }
  func.func @transform_3(%arg0: i32) -> (i32, i32) {
    %c0_i32 = arith.constant 0 : i32
    %c0_i32_0 = arith.constant 0 : i32
    return %arg0, %c0_i32 : i32, i32
  }
  func.func @transform_4(%arg0: i32) -> (i32, i32) {
    %c0_i32 = arith.constant 0 : i32
    %c0_i32_0 = arith.constant 0 : i32
    return %arg0, %c0_i32 : i32, i32
  }
  func.func @transform_5(%arg0: i32) -> (i32, i32) {
    %c0_i32 = arith.constant 0 : i32
    %c0_i32_0 = arith.constant 0 : i32
    %c0_i32_1 = arith.constant 0 : i32
    return %c0_i32, %c0_i32_0 : i32, i32
  }
  func.func @transform_6(%arg0: i32) -> (i32, i32) {
    %c0_i32 = arith.constant 0 : i32
    %c0_i32_0 = arith.constant 0 : i32
    %c0_i32_1 = arith.constant 0 : i32
    return %c0_i32, %c0_i32_0 : i32, i32
  }
  func.func @transform_7(%arg0: i32) -> (i32, i32) {
    %c0_i32 = arith.constant 0 : i32
    %c0_i32_0 = arith.constant 0 : i32
    %c0_i32_1 = arith.constant 0 : i32
    return %c0_i32, %c0_i32_0 : i32, i32
  }
  func.func @transform_8(%arg0: i32) -> (i32, i32) {
    %c0_i32 = arith.constant 0 : i32
    %c0_i32_0 = arith.constant 0 : i32
    %c0_i32_1 = arith.constant 0 : i32
    return %c0_i32, %c0_i32_0 : i32, i32
  }
  func.func @transform_9(%arg0: i32) -> (i32, i32) {
    %c0_i32 = arith.constant 0 : i32
    %c0_i32_0 = arith.constant 0 : i32
    %c0_i32_1 = arith.constant 0 : i32
    return %c0_i32, %c0_i32_0 : i32, i32
  }
  func.func @transform_10(%arg0: i32) -> (i32, i32) {
    %c0_i32 = arith.constant 0 : i32
    %c0_i32_0 = arith.constant 0 : i32
    %c0_i32_1 = arith.constant 0 : i32
    return %c0_i32, %c0_i32_0 : i32, i32
  }
  func.func @transform_11(%arg0: i32) -> (i32, i32) {
    %c0_i32 = arith.constant 0 : i32
    %c0_i32_0 = arith.constant 0 : i32
    %c0_i32_1 = arith.constant 0 : i32
    return %c0_i32, %c0_i32_0 : i32, i32
  }
  func.func @transform_12(%arg0: i32) -> (i32, i32) {
    %c0_i32 = arith.constant 0 : i32
    %c0_i32_0 = arith.constant 0 : i32
    %c0_i32_1 = arith.constant 0 : i32
    return %c0_i32, %c0_i32_0 : i32, i32
  }
  func.func @transform_13(%arg0: i32) -> (i32, i32) {
    %c0_i32 = arith.constant 0 : i32
    %c0_i32_0 = arith.constant 0 : i32
    %c0_i32_1 = arith.constant 0 : i32
    return %c0_i32, %c0_i32_0 : i32, i32
  }
  func.func @transform_14(%arg0: i32) -> (i32, i32) {
    %c0_i32 = arith.constant 0 : i32
    %c0_i32_0 = arith.constant 0 : i32
    %c0_i32_1 = arith.constant 0 : i32
    return %c0_i32, %c0_i32_0 : i32, i32
  }
  func.func @transform_15(%arg0: i32) -> (i32, i32) {
    %c0_i32 = arith.constant 0 : i32
    %c0_i32_0 = arith.constant 0 : i32
    %c0_i32_1 = arith.constant 0 : i32
    return %c0_i32, %c0_i32_0 : i32, i32
  }
  func.func @transform_16(%arg0: i32) -> (i32, i32) {
    %c0_i32 = arith.constant 0 : i32
    %c0_i32_0 = arith.constant 0 : i32
    %c0_i32_1 = arith.constant 0 : i32
    return %c0_i32, %c0_i32_0 : i32, i32
  }
  func.func @transform_17(%arg0: i32) -> (i32, i32) {
    %c0_i32 = arith.constant 0 : i32
    %c0_i32_0 = arith.constant 0 : i32
    %c0_i32_1 = arith.constant 0 : i32
    return %c0_i32, %c0_i32_0 : i32, i32
  }
  func.func @transform_18(%arg0: i32) -> (i32, i32) {
    %c0_i32 = arith.constant 0 : i32
    %c0_i32_0 = arith.constant 0 : i32
    return %arg0, %c0_i32 : i32, i32
  }
}

</mosaic_0001>

<sc_bundles>
// kernel: kernel.10.cloned.1.call-start
scs
__scs_entry_jumppad:
0x0: {  	(pc) =	sbr.rel $0x88, $3  }
0x1: {  	(tag) =	ssettag $0x0;
	lr =	simm.s32 $0x1  }
0x2: {  	[smem:$0x3F8C] =	sst lr;
	_ =	strace $0xD0000000  }
0x3: {  	_ = 	snop  }
0x4: {  	_ = 	snop  }
0x5: {  	_ = 	snop  }
0x6: {  	_ = 	snop  }
0x7: {  	_ = 	snop  }
__scs_overlays_trampoline_lowered:
0x8: {  	[smem:$0x3F9B] =	sst s0  }
0x9: {  	[smem:$0x3F9C] =	sst s1  }
0xa: {  	[smem:$0x3F9D] =	sst s2  }
0xb: {  	[smem:$0x3F9E] =	sst s3  }
0xc: {  	[smem:$0x3F9F] =	sst s4  }
0xd: {  	[smem:$0x3FA0] =	sst s5  }
0xe: {  	[smem:$0x3FA1] =	sst s6  }
0xf: {  	[smem:$0x3FA2] =	sst s7  }
0x10: {  	[smem:$0x3FA3] =	sst s8  }
0x11: {  	[smem:$0x3FA4] =	sst s9;
	s0 =	simm.s32 @!p0 $0x0  }
0x12: {  	s1 =	sld [smem:$0x3F8A];
	s0 =	simm.s32 @p0 $0x1  }
0x13: {  	[smem:$0x3FA5] =	sst s0;
	s0 =	simm.s32 @!p1 $0x0  }
0x14: {  	s2 =	sld [smem:$0x3F89];
	s0 =	simm.s32 @p1 $0x1  }
0x15: {  	[smem:$0x3FA6] =	sst s0;
	s0 =	simm.s32 @!p2 $0x0  }
0x16: {  	s3 =	sld [smem:$0x3FDB];
	s0 =	simm.s32 @p2 $0x1  }
0x17: {  	s4 =	simm.s32 $0x1BF5;
	[smem:$0x3FA8] =	sst s0  }
0x18: {  	s0 =	sld [smem:$0x3F8B];
	_ =	swait.ge [sflag:s4], $0x0  }
0x19: {  	s7 =	sld [smem:$0x3F8C]  }
0x1a: {  	s8 =	sadd.s32 $0xFFFFE003, lr  }
0x1b: {  	s9 =	sadd.s32 $0xFFFFFEF7, lr;
	s5 =	simm.s32 $0xFFFFFFFF;
	p2 =	slt.u32 s8, $0xFFFFF086  }
0x1c: {  	p1 =	slt.u32 s9, $0xF7A;
	s5 =	simm.s32 @!p2 $0x0  }
0x1d: {  	s5 =	simm.s32 @p1 $0x1;
	p0 =	seq.s32 s7, s2  }
0x1e: {  	s7 =	smul.u32 @!p0 $0xF7A, s2;
	p2 =	seq.s32 @!p0 s5, $0x0  }
0x1f: {  	s9 =	smul.u32 $0xF7A, s1;
	s8 =	simm.s32 @!p0 $0x1BF5;
	p2 =	por !p2, p0  }
0x20: {  	[sflag:s8] =	ssyncset.s32 @!p0 $0xFFFFF086;
	s6 =	sadd.s32 @!p0 s3, s7;
	s7 =	simm.s32 @!p0 $0x108  }
0x21: {  	s3 =	sadd.s32 s3, s9;
	s6 =	sadd.s32 @!p0 $0x88, s6;
	s7 =	simm.s32 @p2 $0x1082  }
0x22: {  	[simem:s7], [sflag:s8] =	dma.local @!p0 [hbm:s6], $0xF7A  }
0x23: {  	s9 =	sor.u32 $0xD0000000, s2;
	s6 =	simm.s32 $0x108;
	_ =	swait.ge @!p0 [sflag:s8], $0x0  }
0x24: {  	s3 =	sadd.s32 $0x88, s3;
	s6 =	simm.s32 @!p1 $0x1082;
	[sflag:s4] =	ssyncset.s32 $0xFFFFF086  }
0x25: {  	[simem:s6], [sflag:s4] =	dma.local [hbm:s3], $0xF7A  }
0x26: {  	[smem:$0x3F8C] =	sst s1;
	(tag) =	ssettag s2;
	_ =	strace s9  }
0x27: {  	s1 =	sld [smem:$0x3F9C]  }
0x28: {  	s2 =	sld [smem:$0x3F9D]  }
0x29: {  	s4 =	sld [smem:$0x3F9F]  }
0x2a: {  	p0 =	seq.s32 s5, $0x0;
	s5 =	sld [smem:$0x3FA0]  }
0x2b: {  	s6 =	sld [smem:$0x3FA1]  }
0x2c: {  	s7 =	sld [smem:$0x3FA2]  }
0x2d: {  	s3 =	simm.s32 $0x108;
	s8 =	sld [smem:$0x3FA3]  }
0x2e: {  	s3 =	simm.s32 @!p0 $0x1082;
	s9 =	sld [smem:$0x3FA4]  }
0x2f: {  	lr =	sadd.s32 s0, s3;
	s0 =	sld [smem:$0x3F9B]  }
0x30: {  	s3 =	sld [smem:$0x3F9E]  }
0x31: {  	[smem:$0x3FA7] =	sst s10  }
0x32: {  	s10 =	sld [smem:$0x3FA5];
	_ =	sdelay $0x3  }
0x33: {  	p0 =	seq.s32 s10, $0x1;
	s10 =	sld [smem:$0x3FA7];
	_ =	sdelay $0x3  }
0x34: {  	[smem:$0x3FA7] =	sst s10  }
0x35: {  	s10 =	sld [smem:$0x3FA6];
	_ =	sdelay $0x3  }
0x36: {  	p1 =	seq.s32 s10, $0x1;
	s10 =	sld [smem:$0x3FA7];
	_ =	sdelay $0x3  }
0x37: {  	[smem:$0x3FA7] =	sst s10  }
0x38: {  	s10 =	sld [smem:$0x3FA8]  }
0x39: {  	_ = 	snop;
	(pc) =	sbr.ind lr, $3  }
0x3a: {  	_ = 	snop  }
0x3b: {  	_ = 	snop  }
0x3c: {  	p2 =	seq.s32 s10, $0x1;
	s10 =	sld [smem:$0x3FA7]  }
0x3d: {  	_ =	shalt  }
0x3e: {  	_ =	shalt  }
0x3f: {  	_ =	shalt  }
0x40: {  	_ =	shalt  }
0x41: {  	_ =	shalt  }
0x42: {  	_ =	shalt  }
0x43: {  	_ =	shalt  }
0x44: {  	_ =	shalt  }
0x45: {  	_ =	shalt  }
0x46: {  	_ =	shalt  }
0x47: {  	_ =	shalt  }
0x48: {  	_ =	shalt  }
0x49: {  	_ =	shalt  }
0x4a: {  	_ =	shalt  }
0x4b: {  	_ =	shalt  }
0x4c: {  	_ =	shalt  }
0x4d: {  	_ =	shalt  }
0x4e: {  	_ =	shalt  }
0x4f: {  	_ =	shalt  }
0x50: {  	_ =	shalt  }
0x51: {  	_ =	shalt  }
0x52: {  	_ =	shalt  }
0x53: {  	_ =	shalt  }
0x54: {  	_ =	shalt  }
0x55: {  	_ =	shalt  }
0x56: {  	_ =	shalt  }
0x57: {  	_ =	shalt  }
0x58: {  	_ =	shalt  }
0x59: {  	_ =	shalt  }
0x5a: {  	_ =	shalt  }
0x5b: {  	_ =	shalt  }
0x5c: {  	_ =	shalt  }
0x5d: {  	_ =	shalt  }
0x5e: {  	_ =	shalt  }
0x5f: {  	_ =	shalt  }
0x60: {  	_ =	shalt  }
0x61: {  	_ =	shalt  }
0x62: {  	_ =	shalt  }
0x63: {  	_ =	shalt  }
0x64: {  	_ =	shalt  }
0x65: {  	_ =	shalt  }
0x66: {  	_ =	shalt  }
0x67: {  	_ =	shalt  }
0x68: {  	_ =	shalt  }
0x69: {  	_ =	shalt  }
0x6a: {  	_ =	shalt  }
0x6b: {  	_ =	shalt  }
0x6c: {  	_ =	shalt  }
0x6d: {  	_ =	shalt  }
0x6e: {  	_ =	shalt  }
0x6f: {  	_ =	shalt  }
0x70: {  	_ =	shalt  }
0x71: {  	_ =	shalt  }
0x72: {  	_ =	shalt  }
0x73: {  	_ =	shalt  }
0x74: {  	_ =	shalt  }
0x75: {  	_ =	shalt  }
0x76: {  	_ =	shalt  }
0x77: {  	_ =	shalt  }
0x78: {  	_ =	shalt  }
0x79: {  	_ =	shalt  }
0x7a: {  	_ =	shalt  }
0x7b: {  	_ =	shalt  }
0x7c: {  	_ =	shalt  }
0x7d: {  	_ =	shalt  }
0x7e: {  	_ =	shalt  }
0x7f: {  	_ =	shalt  }
0x80: {  	_ =	shalt  }
0x81: {  	_ =	shalt  }
0x82: {  	_ =	shalt  }
0x83: {  	_ =	shalt  }
0x84: {  	_ =	shalt  }
0x85: {  	_ =	shalt  }
0x86: {  	_ =	shalt  }
0x87: {  	_ =	shalt  }
.Lfunc_end0:
.L_simem_size_0:
called_computation_lowered:
.L_overlay_start_0:
0x88: {  	s2 =	sld [smem:$0x3FD9]  }
0x89: {  	s3 =	sld [smem:$0x3FFE];
	_ =	sdelay $0x1  }
0x8a: {  	s1 =	srdreg.scid  }
0x8b: {  	s0 =	sand.u32 $0x1, s1  }
0x8c: {  	s17 =	sshll.u32 s0, $0xA;
	s2 =	sadd.s32 s3, s2  }
0x8d: {  	s2 =	sadd.s32 s2, s17  }
0x8e: {  	[smem:$0x3FB3] =	sst s2  }
0x8f: {  	_ = 	snop  }
0x90: {  	s2 =	sld [smem:$0x3FD0];
	(tm) =	ssettm $0x1  }
0x91: {  	s18 =	sld [smem:$0x3FFB];
	_ =	sdelay $0x3  }
0x92: {  	_ =	strace s18  }
0x93: {  	s3 =	sld [smem:$0x3FFC];
	_ =	sdelay $0x3  }
0x94: {  	_ =	strace s3  }
0x95: {  	s3 =	sld [smem:$0x3FFD];
	_ =	sdelay $0x3  }
0x96: {  	_ =	strace s3  }
0x97: {  	_ =	strace $0x8FFFFFFF  }
0x98: {  	s19 =	sld [smem:$0x3FDB];
	_ =	sdelay $0x1  }
0x99: {  	s4 =	simm.s32 $_scs_section_size  }
0x9a: {  	s5 =	simm.s32 $_size__tile_overlayer_lowered;
	s6 =	simm.s32 $_tile_overlayer_lowered  }
0x9b: {  	s22 =	simm.s32 $0x1BFF;
	s21 =	sshll.u32 s6, $0x1;
	s3 =	sadd.s32 s4, s19  }
0x9c: {  	s7 =	simm.s32 $0x0;
	s20 =	sshll.u32 s5, $0x1;
	s5 =	sadd.s32 s21, s3  }
0x9d: {  	[timem:s7], [sflag:s22] =	dma.local [hbm:s5], s20  }
0x9e: {  	_ =	swait.ge [sflag:s22], s20  }
0x9f: {  	s4 =	ssub.s32 $0x0, s20;
	[sflag:s22] =	ssyncset.done $0x0  }
0xa0: {  	[sflag:s22] =	ssyncadd.s32 s4;
	_ =	sdelay $0x1  }
0xa1: {  	s23 =	simm.s32 $0x1B8B  }
0xa2: {  	_ =	swait.ge [sflag:s23], $0x1  }
0xa3: {  	[sflag:s23] =	ssyncset.done $0x0  }
0xa4: {  	s25 =	simm.s32 $0x1B8E;
	s24 =	sld [smem:$0x3FFE];
	[sflag:s23] =	ssyncadd.s32 $0xFFFFFFFF  }
0xa5: {  	s26 =	simm.s32 $execute0_lowered;
	[smem:$0x3FD2] =	sst s25  }
0xa6: {  	s5 =	sshll.u32 s26, $0x1;
	_ =	strace $0x80000046;
	[dreg:$0x1] =	wrdreg $0xFFFFFFFF  }
0xa7: {  	s28 =	simm.s32 $_size_execute0_lowered;
	s3 =	sadd.s32 s3, s5;
	[dreg:$0x0] =	wrdreg $0x0  }
0xa8: {  	s5 =	sshll.u32 s28, $0x1;
	[dreg:$0x2] =	wrdreg s3  }
0xa9: {  	[dreg:$0x3] =	wrdreg s5  }
0xaa: {  	[dreg:$0x4] =	wrdreg $0xC0  }
0xab: {  	_ =	task [dreg:s7], $0x5FFFF  }
0xac: {  	[dreg:$0x1] =	wrdreg $0xFFFFFFFF  }
0xad: {  	[dreg:$0x0] =	wrdreg $0x60  }
0xae: {  	[dreg:$0x2] =	wrdreg s2  }
0xaf: {  	[dreg:$0x3] =	wrdreg s24  }
0xb0: {  	[dreg:$0x4] =	wrdreg $0xA  }
0xb1: {  	_ =	task.clear_ibuf [dreg:s7], $0x5FFFF;
	_ =	strace $0x90000046  }
0xb2: {  	s29 =	simm.s32 $0xA;
	_ =	strace $0x80000048  }
0xb3: {  	_ =	swait.ge [sflag:s29], $0x1  }
0xb4: {  	[sflag:s29] =	ssyncadd.s32 $0xFFFFFFFF  }
0xb5: {  	_ =	strace $0x90000048  }
0xb6: {  	_ =	sfence  }
0xb7: {  	s30 =	sld [smem:$0x0];
	_ =	sdelay $0x2  }
0xb8: {  	s31 =	sshll.u32 s1, $0xD;
	s1 =	sshrl.u32 s1, $0x2  }
0xb9: {  	s3 =	sand.u32 $0x4000, s31;
	s1 =	sadd.s32 s1, s30  }
0xba: {  	s0 =	sor.u32 s3, s0;
	s1 =	sshll.u32 s1, $0x11  }
0xbb: {  	s0 =	sor.u32 s1, s0  }
0xbc: {  	s0 =	sadd.s32 $0x8F2B, s0  }
0xbd: {  	[sflag:s0] =	ssyncadd.remote.s32 $0x1  }
0xbe: {  	_ =	sfence.sel $0xFFFF  }
0xbf: {  	[dreg:$0x0] =	wrdreg $0xFFFFFFFF;
	(pc) =	sbr.abs _section_cstart, $3  }
0xc0: {  	[dreg:$0x1] =	wrdreg $0xFFFFFFFF  }
0xc1: {  	_ =	task.clear_ibuf [dreg:s7], $0x2FFFF;
	_ =	strace $0x9FFFFFFF  }
0xc2: {  	(tm) =	ssettm $0x7FFFFFFF  }
0xc3: {  	_ =	shalt  }
tec
execute0_lowered:
.L_overlay_start_1:
0x0: {  	(tag) =	ssettag $0x1  }
0x1: {  	s1 =	rddreg [dreg:$0x0]  }
0x2: {  	s0 =	rddreg [dreg:$0x1]  }
0x3: {  	s2 =	simm.s32 $0x0;
	s3 =	srdreg.scid;
	s14 =	stileid.u32  }
0x4: {  	s18 =	simm.s32 $0x100;
	s19 =	simm.s32 $0x80;
	s28 =	simm.s32 $0x4200  }
0x5: {  	s29 =	simm.s32 $0x6;
	s30 =	simm.s32 $0x7;
	s31 =	simm.s32 $0x0  }
0x6: {  	[smem:$0x7FF] =	sst s2;
	s11 =	sand.u32 $0x1, s3;
	s21 =	sshll.u32 s14, $0x1  }
0x7: {  	s3 =	sadd.s32 $0xE000, s0;
	s4 =	sadd.s32 $0x9000, s0;
	s5 =	sadd.s32 $0x4000, s0  }
0x8: {  	s6 =	sadd.s32 $0x35200, s0;
	p0 =	sne.s32 s14, $0x0;
	_ =	strace $0x80000047  }
0x9: {  	s12 =	sor.u32 s11, s21;
	s7 =	ssub.s32 $0x2, s11;
	s15 =	sshll.u32 s11, $0x7  }
0xa: {  	s21 =	simm.s32 $0x1;
	s13 =	smul.u32 $0x1380, s12;
	s8 =	sshrl.u32 s7, $0x1  }
0xb: {  	s12 =	smul.u32 $0x9C000, s12;
	s15 =	sor.u32 $0x27000, s15;
	s22 =	ssub.s32 s7, s8  }
0xc: {  	s16 =	sshrl.u32 s15, $0x3;
	s15 =	sshll.u32 s15, $0x4;
	s9 =	sshrl.u32 s13, $0x3  }
0xd: {  	s11 =	sadd.s32 $0x100, s13;
	s13 =	sadd.s32 $0x180, s13;
	s24 =	sadd.s32 s4, s16  }
0xe: {  	s25 =	sadd.s32 s5, s16;
	s26 =	sadd.s32 s6, s15;
	s17 =	smax.u32 s22, $0x1  }
.Ltmp0:
0xf: {  	s22 =	simm.s32 $0x200;
	[dreg:$0x4] =	wrdreg s24;
	(pc) =	sbr.rel .LBB2_1-.Ltmp0, $4  }
0x10: {  	s23 =	sadd.s32 s4, s9;
	s8 =	sadd.s32 s5, s9;
	[dreg:$0x5] =	wrdreg s25  }
0x11: {  	s10 =	sadd.s32 $0x10, s9;
	[dreg:$0x6] =	wrdreg s26;
	s24 =	simm.s32 $0x3  }
0x12: {  	s25 =	simm.s32 $0x5;
	s26 =	simm.s32 $0x4;
	[dreg:$0x3] =	wrdreg s23  }
0x13: {  	s9 =	sadd.s32 s4, s10;
	s10 =	sadd.s32 s5, s10;
	s23 =	simm.s32 $0x8200  }
.LBB2_9:
0x14: {  	_ =	swait.ge [sflag:s25], $0x4000  }
.Ltmp1:
0x15: {  	[sflag:s25] =	ssyncset.done $0x0;
	(pc) =	sbr.rel @!p0 .LBB2_10-.Ltmp1, $4  }
0x16: {  	[sflag:s25] =	ssyncadd.s32 $0xFFFFC000  }
0x17: {  	_ =	swait.ge [sflag:s29], $0x4000  }
0x18: {  	[sflag:s29] =	ssyncset.done $0x0  }
0x19: {  	[sflag:s29] =	ssyncadd.s32 $0xFFFFC000  }
.LBB2_13:
0x1a: {  	s31 =	sadd.s32 $0x1, s31  }
0x1b: {  	p1 =	sne.s32 s31, s17  }
.Ltmp2:
0x1c: {  	_ = 	snop;
	(pc) =	sbr.rel @!p1 .LBB2_14-.Ltmp2, $1  }
0x1d: {  	_ =	sdelay $0x3  }
.LBB2_1:
0x1e: {  	s0 =	rddreg [dreg:$0x3]  }
0x1f: {  	[tilespmem:s2], [sflag:$0x1] =	stream.linear.gather [hbm4b:s0+s2], $0x80, $0x38;
	[tilespmem:$0x10200] =	vst v63  }
0x20: {  	_ = 	snop  }
0x21: {  	[tilespmem:s18], [sflag:$0x1] =	stream.linear.gather [hbm4b:s8+s2], $0x80, $0x38;
	[tilespmem:$0x10200] =	vst v63  }
0x22: {  	_ = 	snop  }
0x23: {  	[tilespmem:s19], [sflag:$0x2] =	stream.linear.gather [hbm4b:s9+s2], $0x80, $0x38;
	[tilespmem:$0x10200] =	vst v63  }
0x24: {  	s20 =	simm.s32 $0x180  }
0x25: {  	[tilespmem:s20], [sflag:$0x2] =	stream.linear.gather [hbm4b:s10+s2], $0x80, $0x38;
	[tilespmem:$0x10200] =	vst v63  }
0x26: {  	_ =	swait.ge [sflag:s21], $0x80  }
0x27: {  	[sflag:s21] =	ssyncset.done $0x0  }
0x28: {  	[sflag:s21] =	ssyncadd.s32 $0xFFFFFF80  }
0x29: {  	_ =	swait.ge [sflag:s21], $0x80  }
.Ltmp3:
0x2a: {  	[sflag:s21] =	ssyncset.done $0x0;
	(pc) =	sbr.rel .LBB2_2-.Ltmp3, $4  }
0x2b: {  	[sflag:s21] =	ssyncadd.s32 $0xFFFFFF80  }
0x2c: {  	[tilespmem:s22], [sflag:$0x3] =	stream.indirect.gather [hbm4b:s1+s19], $0x80, s2, s19, $0xb8;
	[tilespmem:$0x10200] =	vst v63  }
0x2d: {  	s0 =	simm.s32 $0x0  }
0x2e: {  	[tilespmem:s23], [sflag:$0x3] =	stream.indirect.gather [hbm4b:s3+s19], $0x80, s18, s19, $0xb8;
	[tilespmem:$0x10200] =	vst v63  }
.LBB2_8:
0x2f: {  	s0 =	sadd.s32 $0x1, s0  }
0x30: {  	p1 =	sne.s32 s0, $0x14  }
.Ltmp4:
0x31: {  	_ = 	snop;
	(pc) =	sbr.rel @!p1 .LBB2_9-.Ltmp4, $1  }
0x32: {  	_ =	sdelay $0x3  }
.LBB2_2:
0x33: {  	s14 =	sshllo.u32 s0, $0x1  }
0x34: {  	p1 =	sgt.u32 s14, $0x26  }
0x35: {  	s15 =	simm.s32 @!p1 $0x2  }
0x36: {  	_ =	swait.ge @!p1 [sflag:s15], $0x80  }
0x37: {  	[sflag:s15] =	ssyncset.done @!p1 $0x0  }
0x38: {  	[sflag:s15] =	ssyncadd.s32 @!p1 $0xFFFFFF80  }
0x39: {  	p2 =	seq.s32 @!p1 s0, $0x0;
	_ =	swait.ge @!p1 [sflag:s15], $0x80  }
0x3a: {  	p2 =	por p2, p1;
	[sflag:s15] =	ssyncset.done @!p1 $0x0  }
0x3b: {  	[sflag:s15] =	ssyncadd.s32 @!p1 $0xFFFFFF80;
	s15 =	simm.s32 @!p2 $0x6  }
0x3c: {  	_ =	swait.ge @!p2 [sflag:s15], $0x4000  }
0x3d: {  	[sflag:s15] =	ssyncset.done @!p2 $0x0  }
0x3e: {  	s16 =	simm.s32 @!p1 $0x4200;
	[sflag:s15] =	ssyncadd.s32 @!p2 $0xFFFFC000;
	s15 =	simm.s32 @!p1 $0x80  }
0x3f: {  	[tilespmem:s16], [sflag:$0x4] =	stream.indirect.gather @!p1 [hbm4b:s1+s15], $0x80, s15, s15, $0xb8;
	[tilespmem:$0x10200] =	vst v63  }
0x40: {  	s20 =	simm.s32 @!p1 $0xC200;
	s16 =	simm.s32 @!p1 $0x180  }
0x41: {  	[tilespmem:s20], [sflag:$0x4] =	stream.indirect.gather @!p1 [hbm4b:s3+s15], $0x80, s16, s15, $0xb8;
	[tilespmem:$0x10200] =	vst v63  }
0x42: {  	_ =	swait.ge [sflag:s24], $0x4000  }
0x43: {  	p2 =	seq.s32 s0, $0x13;
	[sflag:s24] =	ssyncset.done $0x0  }
0x44: {  	s15 =	sshll.u32 @!p2 s0, $0x8;
	[sflag:s24] =	ssyncadd.s32 $0xFFFFC000  }
0x45: {  	s15 =	sadd.s32 @!p2 s15, s11;
	_ =	swait.ge [sflag:s24], $0x4000  }
0x46: {  	s15 =	sshrl.u32 @!p2 s15, $0x3;
	[sflag:s24] =	ssyncset.done $0x0  }
0x47: {  	s20 =	simm.s32 @!p2 $0x0;
	s16 =	sadd.s32 @!p2 s4, s15;
	[sflag:s24] =	ssyncadd.s32 $0xFFFFC000  }
0x48: {  	[tilespmem:s20], [sflag:$0x1] =	stream.linear.gather @!p2 [hbm4b:s16+s20], $0x80, $0x38;
	[tilespmem:$0x10200] =	vst v63  }
0x49: {  	s15 =	sadd.s32 @!p2 s5, s15;
	s16 =	simm.s32 @!p2 $0x100  }
0x4a: {  	[tilespmem:s16], [sflag:$0x1] =	stream.linear.gather @!p2 [hbm4b:s15+s20], $0x80, $0x38;
	[tilespmem:$0x10200] =	vst v63  }
0x4b: {  	s15 =	simm.s32 $0x0  }
0x4c: {  	v7 =	vld [tilespmem:s15+$0x8200]  }
0x4d: {  	v11 =	vld [tilespmem:s15+$0x8210]  }
0x4e: {  	v5 =	vld [tilespmem:s15+$0x8220]  }
0x4f: {  	v4 =	vld [tilespmem:s15+$0x8230]  }
0x50: {  	v3 =	vld [tilespmem:s15+$0x8240]  }
0x51: {  	v2 =	vld [tilespmem:s15+$0x8250]  }
0x52: {  	v1 =	vld [tilespmem:s15+$0x8260]  }
0x53: {  	v0 =	vld [tilespmem:s15+$0x8270]  }
0x54: {  	v12 =	vld [tilespmem:s15+$0x200]  }
0x55: {  	v13 =	vld [tilespmem:s15+$0x210]  }
0x56: {  	v10 =	vld [tilespmem:s15+$0x220]  }
0x57: {  	v9 =	vld [tilespmem:s15+$0x230]  }
0x58: {  	v8 =	vld [tilespmem:s15+$0x240]  }
0x59: {  	v6 =	vld [tilespmem:s15+$0x250];
	v12 =	vadd.f32 v7, v12  }
0x5a: {  	s16 =	simm.s32 $0x200;
	v11 =	vadd.f32 v11, v13;
	v7 =	vld [tilespmem:s15+$0x260]  }
.LBB2_3:
0x5b: {  	s20 =	sshra.s32 s16, $0x2;
	p2 =	sne.s32 s16, $0xFE00;
	[tilespmem:s15+$0x200] =	vst v12;
	v5 =	vadd.f32 v5, v10;
	v10 =	vld [tilespmem:s15+$0x270]  }
0x5c: {  	v12 =	vld [tilespmem:s20+$0x8200];
	[tilespmem:s15+$0x210] =	vst v11;
	v4 =	vadd.f32 v4, v9  }
0x5d: {  	v11 =	vld [tilespmem:s20+$0x8210];
	[tilespmem:s15+$0x220] =	vst v5;
	v3 =	vadd.f32 v3, v8  }
0x5e: {  	v5 =	vld [tilespmem:s20+$0x8220];
	[tilespmem:s15+$0x230] =	vst v4;
	v2 =	vadd.f32 v2, v6  }
0x5f: {  	v4 =	vld [tilespmem:s20+$0x8230];
	[tilespmem:s15+$0x240] =	vst v3;
	v1 =	vadd.f32 v1, v7  }
0x60: {  	v3 =	vld [tilespmem:s20+$0x8240];
	[tilespmem:s15+$0x250] =	vst v2;
	v0 =	vadd.f32 v0, v10  }
0x61: {  	v2 =	vld [tilespmem:s20+$0x8250];
	[tilespmem:s15+$0x260] =	vst v1  }
0x62: {  	v1 =	vld [tilespmem:s20+$0x8260];
	[tilespmem:s15+$0x270] =	vst v0;
	s15 =	smov.u32 s20  }
0x63: {  	v0 =	vld [tilespmem:s15+$0x8270]  }
0x64: {  	v6 =	vld [tilespmem:s15+$0x200]  }
0x65: {  	v7 =	vld [tilespmem:s15+$0x210]  }
.Ltmp5:
0x66: {  	v10 =	vld [tilespmem:s15+$0x220];
	(pc) =	sbr.rel @p2 .LBB2_3-.Ltmp5, $4  }
0x67: {  	v9 =	vld [tilespmem:s15+$0x230]  }
0x68: {  	v8 =	vld [tilespmem:s15+$0x240]  }
0x69: {  	v12 =	vadd.f32 v12, v6;
	v6 =	vld [tilespmem:s15+$0x250]  }
0x6a: {  	s16 =	sadd.s32 $0x200, s16;
	v11 =	vadd.f32 v11, v7;
	v7 =	vld [tilespmem:s15+$0x260]  }
0x6b: {  	[tilespmem:s15+$0x200] =	vst v12;
	v5 =	vadd.f32 v5, v10;
	v63 =	vld [tilespmem:s15+$0x270]  }
0x6c: {  	[tilespmem:s15+$0x210] =	vst v11;
	v4 =	vadd.f32 v4, v9  }
0x6d: {  	[tilespmem:s15+$0x220] =	vst v5;
	v3 =	vadd.f32 v3, v8  }
0x6e: {  	[tilespmem:s15+$0x230] =	vst v4;
	v2 =	vadd.f32 v2, v6  }
.Ltmp6:
0x6f: {  	s16 =	sshll.u32 s0, $0xF;
	[tilespmem:s15+$0x240] =	vst v3;
	v1 =	vadd.f32 v1, v7;
	(pc) =	sbr.rel @p1 .LBB2_8-.Ltmp6, $4  }
0x70: {  	s16 =	sadd.s32 s12, s16;
	[tilespmem:s15+$0x250] =	vst v2;
	v0 =	vadd.f32 v0, v63  }
0x71: {  	s16 =	sshrl.u32 s16, $0x3;
	[tilespmem:s15+$0x260] =	vst v1  }
0x72: {  	s20 =	sadd.s32 s6, s16;
	[tilespmem:s15+$0x270] =	vst v0  }
0x73: {  	[hbm4b:s20+s2] =	stream.linear.scatter [tilespmem:s22], [sflag:$0x5], $0x4000, $0x38;
	[tilespmem:$0x10200] =	vst v63  }
0x74: {  	_ =	swait.ge [sflag:s21], $0x80  }
0x75: {  	[sflag:s21] =	ssyncset.done $0x0  }
0x76: {  	[sflag:s21] =	ssyncadd.s32 $0xFFFFFF80  }
0x77: {  	_ =	swait.ge [sflag:s21], $0x80  }
0x78: {  	[sflag:s21] =	ssyncset.done $0x0  }
0x79: {  	[sflag:s21] =	ssyncadd.s32 $0xFFFFFF80  }
0x7a: {  	_ =	swait.ge [sflag:s25], $0x4000  }
0x7b: {  	[sflag:s25] =	ssyncset.done $0x0  }
0x7c: {  	[sflag:s25] =	ssyncadd.s32 $0xFFFFC000  }
0x7d: {  	[tilespmem:s22], [sflag:$0x3] =	stream.indirect.gather [hbm4b:s1+s19], $0x80, s2, s19, $0xb8;
	[tilespmem:$0x10200] =	vst v63  }
0x7e: {  	_ = 	snop  }
0x7f: {  	[tilespmem:s23], [sflag:$0x3] =	stream.indirect.gather [hbm4b:s3+s19], $0x80, s18, s19, $0xb8;
	[tilespmem:$0x10200] =	vst v63  }
0x80: {  	_ =	swait.ge [sflag:s26], $0x4000  }
0x81: {  	p1 =	sgt.u32 s0, $0x11;
	[sflag:s26] =	ssyncset.done $0x0  }
0x82: {  	s15 =	sshll.u32 @!p1 s0, $0x8;
	[sflag:s26] =	ssyncadd.s32 $0xFFFFC000  }
0x83: {  	s15 =	sadd.s32 @!p1 s15, s13;
	_ =	swait.ge [sflag:s26], $0x4000  }
0x84: {  	s20 =	simm.s32 @!p1 $0x0;
	s15 =	sshrl.u32 @!p1 s15, $0x3;
	[sflag:s26] =	ssyncset.done $0x0  }
0x85: {  	s7 =	simm.s32 @!p1 $0x80;
	s16 =	sadd.s32 @!p1 s4, s15;
	[sflag:s26] =	ssyncadd.s32 $0xFFFFC000  }
0x86: {  	[tilespmem:s7], [sflag:$0x2] =	stream.linear.gather @!p1 [hbm4b:s16+s20], $0x80, $0x38;
	[tilespmem:$0x10200] =	vst v63  }
0x87: {  	s7 =	sadd.s32 @!p1 s5, s15;
	s15 =	simm.s32 @!p1 $0x180  }
0x88: {  	[tilespmem:s15], [sflag:$0x2] =	stream.linear.gather @!p1 [hbm4b:s7+s20], $0x80, $0x38;
	[tilespmem:$0x10200] =	vst v63  }
0x89: {  	s15 =	simm.s32 $0x0  }
0x8a: {  	v7 =	vld [tilespmem:s15+$0xC200]  }
0x8b: {  	v11 =	vld [tilespmem:s15+$0xC210]  }
0x8c: {  	v5 =	vld [tilespmem:s15+$0xC220]  }
0x8d: {  	v4 =	vld [tilespmem:s15+$0xC230]  }
0x8e: {  	v3 =	vld [tilespmem:s15+$0xC240]  }
0x8f: {  	v2 =	vld [tilespmem:s15+$0xC250]  }
0x90: {  	v1 =	vld [tilespmem:s15+$0xC260]  }
0x91: {  	v0 =	vld [tilespmem:s15+$0xC270]  }
0x92: {  	v12 =	vld [tilespmem:s15+$0x4200]  }
0x93: {  	v13 =	vld [tilespmem:s15+$0x4210]  }
0x94: {  	v10 =	vld [tilespmem:s15+$0x4220]  }
0x95: {  	v9 =	vld [tilespmem:s15+$0x4230]  }
0x96: {  	v8 =	vld [tilespmem:s15+$0x4240]  }
0x97: {  	v6 =	vld [tilespmem:s15+$0x4250];
	v12 =	vadd.f32 v7, v12  }
0x98: {  	s16 =	simm.s32 $0x200;
	v11 =	vadd.f32 v11, v13;
	v7 =	vld [tilespmem:s15+$0x4260]  }
.LBB2_6:
0x99: {  	s7 =	sshra.s32 s16, $0x2;
	p1 =	sne.s32 s16, $0xFE00;
	[tilespmem:s15+$0x4200] =	vst v12;
	v5 =	vadd.f32 v5, v10;
	v10 =	vld [tilespmem:s15+$0x4270]  }
0x9a: {  	v12 =	vld [tilespmem:s7+$0xC200];
	[tilespmem:s15+$0x4210] =	vst v11;
	v4 =	vadd.f32 v4, v9  }
0x9b: {  	v11 =	vld [tilespmem:s7+$0xC210];
	[tilespmem:s15+$0x4220] =	vst v5;
	v3 =	vadd.f32 v3, v8  }
0x9c: {  	v5 =	vld [tilespmem:s7+$0xC220];
	[tilespmem:s15+$0x4230] =	vst v4;
	v2 =	vadd.f32 v2, v6  }
0x9d: {  	v4 =	vld [tilespmem:s7+$0xC230];
	[tilespmem:s15+$0x4240] =	vst v3;
	v1 =	vadd.f32 v1, v7  }
0x9e: {  	v3 =	vld [tilespmem:s7+$0xC240];
	[tilespmem:s15+$0x4250] =	vst v2;
	v0 =	vadd.f32 v0, v10  }
0x9f: {  	v2 =	vld [tilespmem:s7+$0xC250];
	[tilespmem:s15+$0x4260] =	vst v1  }
0xa0: {  	v1 =	vld [tilespmem:s7+$0xC260];
	[tilespmem:s15+$0x4270] =	vst v0;
	s15 =	smov.u32 s7  }
0xa1: {  	v0 =	vld [tilespmem:s15+$0xC270]  }
0xa2: {  	v6 =	vld [tilespmem:s15+$0x4200]  }
0xa3: {  	v7 =	vld [tilespmem:s15+$0x4210]  }
.Ltmp7:
0xa4: {  	v10 =	vld [tilespmem:s15+$0x4220];
	(pc) =	sbr.rel @p1 .LBB2_6-.Ltmp7, $4  }
0xa5: {  	v9 =	vld [tilespmem:s15+$0x4230]  }
0xa6: {  	v8 =	vld [tilespmem:s15+$0x4240]  }
0xa7: {  	v12 =	vadd.f32 v12, v6;
	v6 =	vld [tilespmem:s15+$0x4250]  }
0xa8: {  	s16 =	sadd.s32 $0x200, s16;
	v11 =	vadd.f32 v11, v7;
	v7 =	vld [tilespmem:s15+$0x4260]  }
0xa9: {  	[tilespmem:s15+$0x4200] =	vst v12;
	v5 =	vadd.f32 v5, v10;
	v63 =	vld [tilespmem:s15+$0x4270]  }
0xaa: {  	[tilespmem:s15+$0x4210] =	vst v11;
	v4 =	vadd.f32 v4, v9  }
0xab: {  	[tilespmem:s15+$0x4220] =	vst v5;
	v3 =	vadd.f32 v3, v8  }
0xac: {  	[tilespmem:s15+$0x4230] =	vst v4;
	v2 =	vadd.f32 v2, v6  }
.Ltmp8:
0xad: {  	s7 =	sshll.u32 s14, $0xE;
	[tilespmem:s15+$0x4240] =	vst v3;
	v1 =	vadd.f32 v1, v7;
	(pc) =	sbr.rel .LBB2_8-.Ltmp8, $4  }
0xae: {  	s7 =	sadd.s32 s12, s7;
	[tilespmem:s15+$0x4250] =	vst v2;
	v0 =	vadd.f32 v0, v63  }
0xaf: {  	s7 =	sshrl.u32 s7, $0x3;
	[tilespmem:s15+$0x4260] =	vst v1  }
0xb0: {  	s7 =	sadd.s32 s6, s7;
	[tilespmem:s15+$0x4270] =	vst v0  }
0xb1: {  	[hbm4b:s7+s2] =	stream.linear.scatter [tilespmem:s28], [sflag:$0x6], $0x4000, $0x38;
	[tilespmem:$0x10200] =	vst v63  }
.LBB2_10:
0xb2: {  	s0 =	simm.s32 $0x0;
	s7 =	rddreg [dreg:$0x4]  }
0xb3: {  	[tilespmem:s0], [sflag:$0x7] =	stream.linear.gather [hbm4b:s7+s0], $0x80, $0x38;
	[tilespmem:$0x10200] =	vst v63  }
0xb4: {  	_ =	swait.ge [sflag:s30], $0x80  }
0xb5: {  	[sflag:s30] =	ssyncset.done $0x0  }
0xb6: {  	s20 =	rddreg [dreg:$0x5];
	[sflag:s30] =	ssyncadd.s32 $0xFFFFFF80  }
0xb7: {  	[tilespmem:s18], [sflag:$0x7] =	stream.linear.gather [hbm4b:s20+s0], $0x80, $0x38;
	[tilespmem:$0x10200] =	vst v63  }
0xb8: {  	_ =	swait.ge [sflag:s30], $0x80  }
0xb9: {  	[sflag:s30] =	ssyncset.done $0x0  }
0xba: {  	[sflag:s30] =	ssyncadd.s32 $0xFFFFFF80  }
0xbb: {  	[tilespmem:s22], [sflag:$0x3] =	stream.indirect.gather [hbm4b:s1+s19], $0x80, s0, s19, $0xb8;
	[tilespmem:$0x10200] =	vst v63  }
0xbc: {  	_ = 	snop  }
0xbd: {  	[tilespmem:s23], [sflag:$0x4] =	stream.indirect.gather [hbm4b:s3+s19], $0x80, s18, s19, $0xb8;
	[tilespmem:$0x10200] =	vst v63  }
0xbe: {  	_ =	swait.ge [sflag:s24], $0x4000  }
0xbf: {  	[sflag:s24] =	ssyncset.done $0x0  }
0xc0: {  	[sflag:s24] =	ssyncadd.s32 $0xFFFFC000  }
0xc1: {  	_ =	swait.ge [sflag:s26], $0x4000  }
0xc2: {  	[sflag:s26] =	ssyncset.done $0x0  }
0xc3: {  	s0 =	simm.s32 $0x0;
	[sflag:s26] =	ssyncadd.s32 $0xFFFFC000  }
0xc4: {  	v7 =	vld [tilespmem:s0+$0x8200]  }
0xc5: {  	v11 =	vld [tilespmem:s0+$0x8210]  }
0xc6: {  	v5 =	vld [tilespmem:s0+$0x8220]  }
0xc7: {  	v4 =	vld [tilespmem:s0+$0x8230]  }
0xc8: {  	v3 =	vld [tilespmem:s0+$0x8240]  }
0xc9: {  	v2 =	vld [tilespmem:s0+$0x8250]  }
0xca: {  	v1 =	vld [tilespmem:s0+$0x8260]  }
0xcb: {  	v0 =	vld [tilespmem:s0+$0x8270]  }
0xcc: {  	v12 =	vld [tilespmem:s0+$0x200]  }
0xcd: {  	v13 =	vld [tilespmem:s0+$0x210]  }
0xce: {  	v10 =	vld [tilespmem:s0+$0x220]  }
0xcf: {  	v9 =	vld [tilespmem:s0+$0x230]  }
0xd0: {  	v8 =	vld [tilespmem:s0+$0x240]  }
0xd1: {  	v6 =	vld [tilespmem:s0+$0x250];
	v12 =	vadd.f32 v7, v12  }
0xd2: {  	s14 =	simm.s32 $0x200;
	v11 =	vadd.f32 v11, v13;
	v7 =	vld [tilespmem:s0+$0x260]  }
.LBB2_11:
0xd3: {  	s7 =	sshra.s32 s14, $0x2;
	p1 =	sne.s32 s14, $0xFE00;
	[tilespmem:s0+$0x200] =	vst v12;
	v5 =	vadd.f32 v5, v10;
	v10 =	vld [tilespmem:s0+$0x270]  }
0xd4: {  	v12 =	vld [tilespmem:s7+$0x8200];
	[tilespmem:s0+$0x210] =	vst v11;
	v4 =	vadd.f32 v4, v9  }
0xd5: {  	v11 =	vld [tilespmem:s7+$0x8210];
	[tilespmem:s0+$0x220] =	vst v5;
	v3 =	vadd.f32 v3, v8  }
0xd6: {  	v5 =	vld [tilespmem:s7+$0x8220];
	[tilespmem:s0+$0x230] =	vst v4;
	v2 =	vadd.f32 v2, v6  }
0xd7: {  	v4 =	vld [tilespmem:s7+$0x8230];
	[tilespmem:s0+$0x240] =	vst v3;
	v1 =	vadd.f32 v1, v7  }
0xd8: {  	v3 =	vld [tilespmem:s7+$0x8240];
	[tilespmem:s0+$0x250] =	vst v2;
	v0 =	vadd.f32 v0, v10  }
0xd9: {  	v2 =	vld [tilespmem:s7+$0x8250];
	[tilespmem:s0+$0x260] =	vst v1  }
0xda: {  	v1 =	vld [tilespmem:s7+$0x8260];
	[tilespmem:s0+$0x270] =	vst v0;
	s0 =	smov.u32 s7  }
0xdb: {  	v0 =	vld [tilespmem:s0+$0x8270]  }
0xdc: {  	v6 =	vld [tilespmem:s0+$0x200]  }
0xdd: {  	v7 =	vld [tilespmem:s0+$0x210]  }
.Ltmp9:
0xde: {  	v10 =	vld [tilespmem:s0+$0x220];
	(pc) =	sbr.rel @p1 .LBB2_11-.Ltmp9, $4  }
0xdf: {  	v9 =	vld [tilespmem:s0+$0x230]  }
0xe0: {  	v8 =	vld [tilespmem:s0+$0x240]  }
0xe1: {  	v12 =	vadd.f32 v12, v6;
	v6 =	vld [tilespmem:s0+$0x250]  }
0xe2: {  	s14 =	sadd.s32 $0x200, s14;
	v11 =	vadd.f32 v11, v7;
	v7 =	vld [tilespmem:s0+$0x260]  }
0xe3: {  	[tilespmem:s0+$0x200] =	vst v12;
	v5 =	vadd.f32 v5, v10;
	v63 =	vld [tilespmem:s0+$0x270]  }
0xe4: {  	[tilespmem:s0+$0x210] =	vst v11;
	v4 =	vadd.f32 v4, v9  }
0xe5: {  	[tilespmem:s0+$0x220] =	vst v5;
	v3 =	vadd.f32 v3, v8  }
0xe6: {  	[tilespmem:s0+$0x230] =	vst v4;
	v2 =	vadd.f32 v2, v6  }
0xe7: {  	[tilespmem:s0+$0x240] =	vst v3;
	v1 =	vadd.f32 v1, v7  }
0xe8: {  	[tilespmem:s0+$0x250] =	vst v2;
	v0 =	vadd.f32 v0, v63  }
0xe9: {  	[tilespmem:s0+$0x260] =	vst v1  }
.Ltmp10:
0xea: {  	s20 =	rddreg [dreg:$0x6];
	[tilespmem:s0+$0x270] =	vst v0;
	(pc) =	sbr.rel .LBB2_13-.Ltmp10, $4  }
0xeb: {  	[hbm4b:s20+s2] =	stream.linear.scatter [tilespmem:s22], [sflag:$0x7], $0x4000, $0x38;
	[tilespmem:$0x10200] =	vst v63  }
0xec: {  	_ =	swait.ge [sflag:s30], $0x4000  }
0xed: {  	[sflag:s30] =	ssyncset.done $0x0  }
0xee: {  	[sflag:s30] =	ssyncadd.s32 $0xFFFFC000  }
.LBB2_14:
0xef: {  	_ =	sfence.sel $0x180000  }
0xf0: {  	[bflag:$0x0] =	sbarrier.arrive $0xFFFF  }
0xf1: {  	_ =	strace $0x90000047  }
0xf2: {  	[bflag:$0x2] =	sbarrier.arrive $0xFFFF  }
0xf3: {  	s0 =	rddreg [dreg:$0x2]  }
0xf4: {  	s0 =	sadd.s32 @!p0 $0x100000, s0  }
0xf5: {  	[sflag:s0] =	ssyncadd.tile.s32 @!p0 $0x1;
	_ =	shalt  }
.Lfunc_end2:
_tile_overlayer_lowered:
.L_overlay_start_2:
0xf6: {  	(tag) =	ssettag $0x2  }
0xf7: {  	s0 =	rddreg [dreg:$0x0];
	s2 =	stileid.u32  }
0xf8: {  	s1 =	rddreg [dreg:$0x1];
	p0 =	sne.s32 s2, $0x0  }
0xf9: {  	s3 =	rddreg [dreg:$0x2];
	[bflag:$0x3] =	sbarrier.arrive $0xFFFF;
	s2 =	simm.s32 @!p0 $0x1C07  }
0xfa: {  	[timem:s3], [sflag:s2] =	dma.local @!p0 [hbm:s0], s1  }
0xfb: {  	s0 =	simm.s32 @!p0 $0x7  }
0xfc: {  	_ =	swait.ge @!p0 [sflag:s0], s1  }
0xfd: {  	s1 =	ssub.s32 @!p0 $0x0, s1;
	[sflag:s0] =	ssyncset.done @!p0 $0x0  }
0xfe: {  	[sflag:s0] =	ssyncadd.s32 @!p0 s1  }
0xff: {  	[bflag:$0x3] =	sbarrier.arrive $0xFFFF  }
0x100: {  	_ =	shalt  }

// kernel: kernel.13.cloned.1.call-start
scs
__scs_entry_jumppad:
0x0: {  	(pc) =	sbr.rel $0x88, $3  }
0x1: {  	(tag) =	ssettag $0x0;
	lr =	simm.s32 $0x1  }
0x2: {  	[smem:$0x3F8C] =	sst lr;
	_ =	strace $0xD0000000  }
0x3: {  	_ = 	snop  }
0x4: {  	_ = 	snop  }
0x5: {  	_ = 	snop  }
0x6: {  	_ = 	snop  }
0x7: {  	_ = 	snop  }
__scs_overlays_trampoline_lowered:
0x8: {  	[smem:$0x3F9B] =	sst s0  }
0x9: {  	[smem:$0x3F9C] =	sst s1  }
0xa: {  	[smem:$0x3F9D] =	sst s2  }
0xb: {  	[smem:$0x3F9E] =	sst s3  }
0xc: {  	[smem:$0x3F9F] =	sst s4  }
0xd: {  	[smem:$0x3FA0] =	sst s5  }
0xe: {  	[smem:$0x3FA1] =	sst s6  }
0xf: {  	[smem:$0x3FA2] =	sst s7  }
0x10: {  	[smem:$0x3FA3] =	sst s8  }
0x11: {  	[smem:$0x3FA4] =	sst s9;
	s0 =	simm.s32 @!p0 $0x0  }
0x12: {  	s1 =	sld [smem:$0x3F8A];
	s0 =	simm.s32 @p0 $0x1  }
0x13: {  	[smem:$0x3FA5] =	sst s0;
	s0 =	simm.s32 @!p1 $0x0  }
0x14: {  	s2 =	sld [smem:$0x3F89];
	s0 =	simm.s32 @p1 $0x1  }
0x15: {  	[smem:$0x3FA6] =	sst s0;
	s0 =	simm.s32 @!p2 $0x0  }
0x16: {  	s3 =	sld [smem:$0x3FDB];
	s0 =	simm.s32 @p2 $0x1  }
0x17: {  	s4 =	simm.s32 $0x1BF5;
	[smem:$0x3FA8] =	sst s0  }
0x18: {  	s0 =	sld [smem:$0x3F8B];
	_ =	swait.ge [sflag:s4], $0x0  }
0x19: {  	s7 =	sld [smem:$0x3F8C]  }
0x1a: {  	s8 =	sadd.s32 $0xFFFFE003, lr  }
0x1b: {  	s9 =	sadd.s32 $0xFFFFFEF7, lr;
	s5 =	simm.s32 $0xFFFFFFFF;
	p2 =	slt.u32 s8, $0xFFFFF086  }
0x1c: {  	p1 =	slt.u32 s9, $0xF7A;
	s5 =	simm.s32 @!p2 $0x0  }
0x1d: {  	s5 =	simm.s32 @p1 $0x1;
	p0 =	seq.s32 s7, s2  }
0x1e: {  	s7 =	smul.u32 @!p0 $0xF7A, s2;
	p2 =	seq.s32 @!p0 s5, $0x0  }
0x1f: {  	s9 =	smul.u32 $0xF7A, s1;
	s8 =	simm.s32 @!p0 $0x1BF5;
	p2 =	por !p2, p0  }
0x20: {  	[sflag:s8] =	ssyncset.s32 @!p0 $0xFFFFF086;
	s6 =	sadd.s32 @!p0 s3, s7;
	s7 =	simm.s32 @!p0 $0x108  }
0x21: {  	s3 =	sadd.s32 s3, s9;
	s6 =	sadd.s32 @!p0 $0x88, s6;
	s7 =	simm.s32 @p2 $0x1082  }
0x22: {  	[simem:s7], [sflag:s8] =	dma.local @!p0 [hbm:s6], $0xF7A  }
0x23: {  	s9 =	sor.u32 $0xD0000000, s2;
	s6 =	simm.s32 $0x108;
	_ =	swait.ge @!p0 [sflag:s8], $0x0  }
0x24: {  	s3 =	sadd.s32 $0x88, s3;
	s6 =	simm.s32 @!p1 $0x1082;
	[sflag:s4] =	ssyncset.s32 $0xFFFFF086  }
0x25: {  	[simem:s6], [sflag:s4] =	dma.local [hbm:s3], $0xF7A  }
0x26: {  	[smem:$0x3F8C] =	sst s1;
	(tag) =	ssettag s2;
	_ =	strace s9  }
0x27: {  	s1 =	sld [smem:$0x3F9C]  }
0x28: {  	s2 =	sld [smem:$0x3F9D]  }
0x29: {  	s4 =	sld [smem:$0x3F9F]  }
0x2a: {  	p0 =	seq.s32 s5, $0x0;
	s5 =	sld [smem:$0x3FA0]  }
0x2b: {  	s6 =	sld [smem:$0x3FA1]  }
0x2c: {  	s7 =	sld [smem:$0x3FA2]  }
0x2d: {  	s3 =	simm.s32 $0x108;
	s8 =	sld [smem:$0x3FA3]  }
0x2e: {  	s3 =	simm.s32 @!p0 $0x1082;
	s9 =	sld [smem:$0x3FA4]  }
0x2f: {  	lr =	sadd.s32 s0, s3;
	s0 =	sld [smem:$0x3F9B]  }
0x30: {  	s3 =	sld [smem:$0x3F9E]  }
0x31: {  	[smem:$0x3FA7] =	sst s10  }
0x32: {  	s10 =	sld [smem:$0x3FA5];
	_ =	sdelay $0x3  }
0x33: {  	p0 =	seq.s32 s10, $0x1;
	s10 =	sld [smem:$0x3FA7];
	_ =	sdelay $0x3  }
0x34: {  	[smem:$0x3FA7] =	sst s10  }
0x35: {  	s10 =	sld [smem:$0x3FA6];
	_ =	sdelay $0x3  }
0x36: {  	p1 =	seq.s32 s10, $0x1;
	s10 =	sld [smem:$0x3FA7];
	_ =	sdelay $0x3  }
0x37: {  	[smem:$0x3FA7] =	sst s10  }
0x38: {  	s10 =	sld [smem:$0x3FA8]  }
0x39: {  	_ = 	snop;
	(pc) =	sbr.ind lr, $3  }
0x3a: {  	_ = 	snop  }
0x3b: {  	_ = 	snop  }
0x3c: {  	p2 =	seq.s32 s10, $0x1;
	s10 =	sld [smem:$0x3FA7]  }
0x3d: {  	_ =	shalt  }
0x3e: {  	_ =	shalt  }
0x3f: {  	_ =	shalt  }
0x40: {  	_ =	shalt  }
0x41: {  	_ =	shalt  }
0x42: {  	_ =	shalt  }
0x43: {  	_ =	shalt  }
0x44: {  	_ =	shalt  }
0x45: {  	_ =	shalt  }
0x46: {  	_ =	shalt  }
0x47: {  	_ =	shalt  }
0x48: {  	_ =	shalt  }
0x49: {  	_ =	shalt  }
0x4a: {  	_ =	shalt  }
0x4b: {  	_ =	shalt  }
0x4c: {  	_ =	shalt  }
0x4d: {  	_ =	shalt  }
0x4e: {  	_ =	shalt  }
0x4f: {  	_ =	shalt  }
0x50: {  	_ =	shalt  }
0x51: {  	_ =	shalt  }
0x52: {  	_ =	shalt  }
0x53: {  	_ =	shalt  }
0x54: {  	_ =	shalt  }
0x55: {  	_ =	shalt  }
0x56: {  	_ =	shalt  }
0x57: {  	_ =	shalt  }
0x58: {  	_ =	shalt  }
0x59: {  	_ =	shalt  }
0x5a: {  	_ =	shalt  }
0x5b: {  	_ =	shalt  }
0x5c: {  	_ =	shalt  }
0x5d: {  	_ =	shalt  }
0x5e: {  	_ =	shalt  }
0x5f: {  	_ =	shalt  }
0x60: {  	_ =	shalt  }
0x61: {  	_ =	shalt  }
0x62: {  	_ =	shalt  }
0x63: {  	_ =	shalt  }
0x64: {  	_ =	shalt  }
0x65: {  	_ =	shalt  }
0x66: {  	_ =	shalt  }
0x67: {  	_ =	shalt  }
0x68: {  	_ =	shalt  }
0x69: {  	_ =	shalt  }
0x6a: {  	_ =	shalt  }
0x6b: {  	_ =	shalt  }
0x6c: {  	_ =	shalt  }
0x6d: {  	_ =	shalt  }
0x6e: {  	_ =	shalt  }
0x6f: {  	_ =	shalt  }
0x70: {  	_ =	shalt  }
0x71: {  	_ =	shalt  }
0x72: {  	_ =	shalt  }
0x73: {  	_ =	shalt  }
0x74: {  	_ =	shalt  }
0x75: {  	_ =	shalt  }
0x76: {  	_ =	shalt  }
0x77: {  	_ =	shalt  }
0x78: {  	_ =	shalt  }
0x79: {  	_ =	shalt  }
0x7a: {  	_ =	shalt  }
0x7b: {  	_ =	shalt  }
0x7c: {  	_ =	shalt  }
0x7d: {  	_ =	shalt  }
0x7e: {  	_ =	shalt  }
0x7f: {  	_ =	shalt  }
0x80: {  	_ =	shalt  }
0x81: {  	_ =	shalt  }
0x82: {  	_ =	shalt  }
0x83: {  	_ =	shalt  }
0x84: {  	_ =	shalt  }
0x85: {  	_ =	shalt  }
0x86: {  	_ =	shalt  }
0x87: {  	_ =	shalt  }
.Lfunc_end0:
.L_simem_size_0:
called_computation.1_lowered:
.L_overlay_start_0:
0x88: {  	s2 =	sld [smem:$0x3FD9]  }
0x89: {  	s3 =	sld [smem:$0x3FFE];
	_ =	sdelay $0x1  }
0x8a: {  	s1 =	srdreg.scid  }
0x8b: {  	s0 =	sand.u32 $0x1, s1  }
0x8c: {  	s17 =	sshll.u32 s0, $0xA;
	s2 =	sadd.s32 s3, s2  }
0x8d: {  	s2 =	sadd.s32 s2, s17  }
0x8e: {  	[smem:$0x3FB3] =	sst s2  }
0x8f: {  	_ = 	snop  }
0x90: {  	s18 =	sld [smem:$0x3FD0];
	(tm) =	ssettm $0x1  }
0x91: {  	s19 =	sld [smem:$0x3FFB];
	_ =	sdelay $0x3  }
0x92: {  	_ =	strace s19  }
0x93: {  	s2 =	sld [smem:$0x3FFC];
	_ =	sdelay $0x3  }
0x94: {  	_ =	strace s2  }
0x95: {  	s2 =	sld [smem:$0x3FFD];
	_ =	sdelay $0x3  }
0x96: {  	_ =	strace s2  }
0x97: {  	_ =	strace $0x8FFFFFFF  }
0x98: {  	s20 =	sld [smem:$0x3FDB];
	_ =	sdelay $0x1  }
0x99: {  	s4 =	simm.s32 $_scs_section_size  }
0x9a: {  	s5 =	simm.s32 $_size__tile_overlayer_lowered;
	s6 =	simm.s32 $_tile_overlayer_lowered  }
0x9b: {  	s7 =	simm.s32 $0x1BFF;
	s21 =	sshll.u32 s6, $0x1;
	s4 =	sadd.s32 s4, s20  }
0x9c: {  	s22 =	simm.s32 $0x0;
	s5 =	sshll.u32 s5, $0x1;
	s6 =	sadd.s32 s21, s4  }
0x9d: {  	[timem:s22], [sflag:s7] =	dma.local [hbm:s6], s5  }
0x9e: {  	_ =	swait.ge [sflag:s7], s5  }
0x9f: {  	s5 =	ssub.s32 $0x0, s5;
	[sflag:s7] =	ssyncset.done $0x0  }
0xa0: {  	[sflag:s7] =	ssyncadd.s32 s5;
	_ =	sdelay $0x1  }
0xa1: {  	s23 =	simm.s32 $0x1B8B  }
0xa2: {  	_ =	swait.ge [sflag:s23], $0x1  }
0xa3: {  	[sflag:s23] =	ssyncset.done $0x0  }
0xa4: {  	[sflag:s23] =	ssyncadd.s32 $0xFFFFFFFF  }
0xa5: {  	s5 =	sld [smem:$0x0]  }
0xa6: {  	s6 =	sand.u32 $0xFFFFFFFE, s1  }
0xa7: {  	p0 =	sne.s32 s1, s6  }
0xa8: {  	s6 =	sshll.u32 @p0 s6, $0xE  }
0xa9: {  	s6 =	sadd.s32 @p0 $0x11B8D, s6;
	s7 =	sshll.u32 @p0 s5, $0x11  }
0xaa: {  	s6 =	sor.u32 @p0 s7, s6  }
0xab: {  	[sflag:s6] =	ssyncadd.remote.s32 @p0 $0x1;
	_ =	sdelay $0x1  }
0xac: {  	s6 =	simm.s32 @p0 $0x1B8D  }
0xad: {  	_ =	swait.eq @p0 [sflag:s6], $0x1  }
0xae: {  	[sflag:s6] =	ssyncadd.s32 @p0 $0xFFFFFFFF  }
0xaf: {  	s7 =	sshll.u32 @!p0 s1, $0xE  }
0xb0: {  	s7 =	sor.u32 @!p0 $0x4000, s7;
	s6 =	simm.s32 @!p0 $0x1B8D  }
0xb1: {  	s5 =	sshll.u32 @!p0 s5, $0x11;
	s7 =	sadd.s32 @!p0 $0x11B8D, s7;
	_ =	swait.eq @!p0 [sflag:s6], $0x1  }
0xb2: {  	s5 =	sor.u32 @!p0 s5, s7;
	[sflag:s6] =	ssyncadd.s32 @!p0 $0xFFFFFFFF  }
0xb3: {  	s25 =	simm.s32 $0x1B8E;
	s24 =	sld [smem:$0x3FFE];
	[sflag:s5] =	ssyncadd.remote.s32 @!p0 $0x1  }
0xb4: {  	s26 =	simm.s32 $execute0_lowered;
	[smem:$0x3FD2] =	sst s25  }
0xb5: {  	s6 =	sshll.u32 s26, $0x1;
	_ =	strace $0x80000049;
	[dreg:$0x1] =	wrdreg $0xFFFFFFFF  }
0xb6: {  	s28 =	simm.s32 $_size_execute0_lowered;
	s4 =	sadd.s32 s4, s6;
	[dreg:$0x0] =	wrdreg $0x0  }
0xb7: {  	s6 =	sshll.u32 s28, $0x1;
	[dreg:$0x2] =	wrdreg s4  }
0xb8: {  	[dreg:$0x3] =	wrdreg s6  }
0xb9: {  	[dreg:$0x4] =	wrdreg $0xC0  }
0xba: {  	_ =	task [dreg:s22], $0x5FFFF  }
0xbb: {  	[dreg:$0x1] =	wrdreg $0xFFFFFFFF  }
0xbc: {  	[dreg:$0x0] =	wrdreg $0x60  }
0xbd: {  	[dreg:$0x2] =	wrdreg s18  }
0xbe: {  	[dreg:$0x3] =	wrdreg s24  }
0xbf: {  	[dreg:$0x4] =	wrdreg $0x9  }
0xc0: {  	_ =	task.clear_ibuf [dreg:s22], $0x5FFFF;
	_ =	strace $0x90000049  }
0xc1: {  	s29 =	simm.s32 $0x9;
	_ =	strace $0x8000004B  }
0xc2: {  	_ =	swait.ge [sflag:s29], $0x1  }
0xc3: {  	[sflag:s29] =	ssyncadd.s32 $0xFFFFFFFF  }
0xc4: {  	_ =	strace $0x9000004B  }
0xc5: {  	_ =	sfence  }
0xc6: {  	s30 =	sld [smem:$0x0];
	_ =	sdelay $0x2  }
0xc7: {  	s31 =	sshll.u32 s1, $0xD;
	s1 =	sshrl.u32 s1, $0x2  }
0xc8: {  	s4 =	sand.u32 $0x4000, s31;
	s1 =	sadd.s32 s1, s30  }
0xc9: {  	s0 =	sor.u32 s4, s0;
	s1 =	sshll.u32 s1, $0x11  }
0xca: {  	s0 =	sor.u32 s1, s0  }
0xcb: {  	s0 =	sadd.s32 $0x8F2B, s0  }
0xcc: {  	[sflag:s0] =	ssyncadd.remote.s32 $0x1  }
0xcd: {  	_ =	sfence.sel $0xFFFF  }
0xce: {  	[dreg:$0x0] =	wrdreg $0xFFFFFFFF;
	(pc) =	sbr.abs _section_cstart, $3  }
0xcf: {  	[dreg:$0x1] =	wrdreg $0xFFFFFFFF  }
0xd0: {  	_ =	task.clear_ibuf [dreg:s22], $0x2FFFF;
	_ =	strace $0x9FFFFFFF  }
0xd1: {  	(tm) =	ssettm $0x7FFFFFFF  }
tec
execute0_lowered:
.L_overlay_start_1:
0x0: {  	(tag) =	ssettag $0x1  }
0x1: {  	s1 =	rddreg [dreg:$0x0]  }
0x2: {  	s0 =	rddreg [dreg:$0x1]  }
0x3: {  	s2 =	simm.s32 $0x0;
	s3 =	srdreg.scid;
	s14 =	stileid.u32  }
0x4: {  	s18 =	simm.s32 $0x100;
	s19 =	simm.s32 $0x80;
	s28 =	simm.s32 $0x4200  }
0x5: {  	s29 =	simm.s32 $0x6;
	s30 =	simm.s32 $0x7;
	s31 =	simm.s32 $0x0  }
0x6: {  	[smem:$0x7FF] =	sst s2;
	s11 =	sand.u32 $0x1, s3;
	s3 =	sadd.s32 $0xE000, s0  }
0x7: {  	s21 =	sshll.u32 s14, $0x1;
	s4 =	sadd.s32 $0x2A6200, s0;
	s5 =	sadd.s32 $0x2AB200, s0  }
0x8: {  	s6 =	sadd.s32 $0x2B0200, s0;
	p0 =	sne.s32 s14, $0x0;
	_ =	strace $0x8000004A  }
0x9: {  	s12 =	sor.u32 s11, s21;
	s7 =	ssub.s32 $0x2, s11;
	s15 =	sshll.u32 s11, $0x7  }
0xa: {  	s21 =	simm.s32 $0x1;
	s13 =	smul.u32 $0x1380, s12;
	s8 =	sshrl.u32 s7, $0x1  }
0xb: {  	s12 =	smul.u32 $0x9C000, s12;
	s15 =	sor.u32 $0x27000, s15;
	s22 =	ssub.s32 s7, s8  }
0xc: {  	s16 =	sshrl.u32 s15, $0x3;
	s15 =	sshll.u32 s15, $0x4;
	s9 =	sshrl.u32 s13, $0x3  }
0xd: {  	s11 =	sadd.s32 $0x100, s13;
	s13 =	sadd.s32 $0x180, s13;
	s24 =	sadd.s32 s4, s16  }
0xe: {  	s25 =	sadd.s32 s5, s16;
	s26 =	sadd.s32 s6, s15;
	s17 =	smax.u32 s22, $0x1  }
.Ltmp0:
0xf: {  	s22 =	simm.s32 $0x200;
	[dreg:$0x4] =	wrdreg s24;
	(pc) =	sbr.rel .LBB2_1-.Ltmp0, $4  }
0x10: {  	s23 =	sadd.s32 s4, s9;
	s8 =	sadd.s32 s5, s9;
	[dreg:$0x5] =	wrdreg s25  }
0x11: {  	s10 =	sadd.s32 $0x10, s9;
	[dreg:$0x6] =	wrdreg s26;
	s24 =	simm.s32 $0x3  }
0x12: {  	s25 =	simm.s32 $0x5;
	s26 =	simm.s32 $0x4;
	[dreg:$0x3] =	wrdreg s23  }
0x13: {  	s9 =	sadd.s32 s4, s10;
	s10 =	sadd.s32 s5, s10;
	s23 =	simm.s32 $0x8200  }
.LBB2_9:
0x14: {  	_ =	swait.ge [sflag:s25], $0x4000  }
.Ltmp1:
0x15: {  	[sflag:s25] =	ssyncset.done $0x0;
	(pc) =	sbr.rel @!p0 .LBB2_10-.Ltmp1, $4  }
0x16: {  	[sflag:s25] =	ssyncadd.s32 $0xFFFFC000  }
0x17: {  	_ =	swait.ge [sflag:s29], $0x4000  }
0x18: {  	[sflag:s29] =	ssyncset.done $0x0  }
0x19: {  	[sflag:s29] =	ssyncadd.s32 $0xFFFFC000  }
.LBB2_13:
0x1a: {  	s31 =	sadd.s32 $0x1, s31  }
0x1b: {  	p1 =	sne.s32 s31, s17  }
.Ltmp2:
0x1c: {  	_ = 	snop;
	(pc) =	sbr.rel @!p1 .LBB2_14-.Ltmp2, $1  }
0x1d: {  	_ =	sdelay $0x3  }
.LBB2_1:
0x1e: {  	s0 =	rddreg [dreg:$0x3]  }
0x1f: {  	[tilespmem:s2], [sflag:$0x1] =	stream.linear.gather [hbm4b:s0+s2], $0x80, $0x38;
	[tilespmem:$0x10200] =	vst v63  }
0x20: {  	_ = 	snop  }
0x21: {  	[tilespmem:s18], [sflag:$0x1] =	stream.linear.gather [hbm4b:s8+s2], $0x80, $0x38;
	[tilespmem:$0x10200] =	vst v63  }
0x22: {  	_ = 	snop  }
0x23: {  	[tilespmem:s19], [sflag:$0x2] =	stream.linear.gather [hbm4b:s9+s2], $0x80, $0x38;
	[tilespmem:$0x10200] =	vst v63  }
0x24: {  	s20 =	simm.s32 $0x180  }
0x25: {  	[tilespmem:s20], [sflag:$0x2] =	stream.linear.gather [hbm4b:s10+s2], $0x80, $0x38;
	[tilespmem:$0x10200] =	vst v63  }
0x26: {  	_ =	swait.ge [sflag:s21], $0x80  }
0x27: {  	[sflag:s21] =	ssyncset.done $0x0  }
0x28: {  	[sflag:s21] =	ssyncadd.s32 $0xFFFFFF80  }
0x29: {  	_ =	swait.ge [sflag:s21], $0x80  }
.Ltmp3:
0x2a: {  	[sflag:s21] =	ssyncset.done $0x0;
	(pc) =	sbr.rel .LBB2_2-.Ltmp3, $4  }
0x2b: {  	[sflag:s21] =	ssyncadd.s32 $0xFFFFFF80  }
0x2c: {  	[tilespmem:s22], [sflag:$0x3] =	stream.indirect.gather [hbm4b:s1+s19], $0x80, s2, s19, $0xb8;
	[tilespmem:$0x10200] =	vst v63  }
0x2d: {  	s0 =	simm.s32 $0x0  }
0x2e: {  	[tilespmem:s23], [sflag:$0x3] =	stream.indirect.gather [hbm4b:s3+s19], $0x80, s18, s19, $0xb8;
	[tilespmem:$0x10200] =	vst v63  }
.LBB2_8:
0x2f: {  	s0 =	sadd.s32 $0x1, s0  }
0x30: {  	p1 =	sne.s32 s0, $0x14  }
.Ltmp4:
0x31: {  	_ = 	snop;
	(pc) =	sbr.rel @!p1 .LBB2_9-.Ltmp4, $1  }
0x32: {  	_ =	sdelay $0x3  }
.LBB2_2:
0x33: {  	s14 =	sshllo.u32 s0, $0x1  }
0x34: {  	p1 =	sgt.u32 s14, $0x26  }
0x35: {  	s15 =	simm.s32 @!p1 $0x2  }
0x36: {  	_ =	swait.ge @!p1 [sflag:s15], $0x80  }
0x37: {  	[sflag:s15] =	ssyncset.done @!p1 $0x0  }
0x38: {  	[sflag:s15] =	ssyncadd.s32 @!p1 $0xFFFFFF80  }
0x39: {  	p2 =	seq.s32 @!p1 s0, $0x0;
	_ =	swait.ge @!p1 [sflag:s15], $0x80  }
0x3a: {  	p2 =	por p2, p1;
	[sflag:s15] =	ssyncset.done @!p1 $0x0  }
0x3b: {  	[sflag:s15] =	ssyncadd.s32 @!p1 $0xFFFFFF80;
	s15 =	simm.s32 @!p2 $0x6  }
0x3c: {  	_ =	swait.ge @!p2 [sflag:s15], $0x4000  }
0x3d: {  	[sflag:s15] =	ssyncset.done @!p2 $0x0  }
0x3e: {  	s16 =	simm.s32 @!p1 $0x4200;
	[sflag:s15] =	ssyncadd.s32 @!p2 $0xFFFFC000;
	s15 =	simm.s32 @!p1 $0x80  }
0x3f: {  	[tilespmem:s16], [sflag:$0x4] =	stream.indirect.gather @!p1 [hbm4b:s1+s15], $0x80, s15, s15, $0xb8;
	[tilespmem:$0x10200] =	vst v63  }
0x40: {  	s20 =	simm.s32 @!p1 $0xC200;
	s16 =	simm.s32 @!p1 $0x180  }
0x41: {  	[tilespmem:s20], [sflag:$0x4] =	stream.indirect.gather @!p1 [hbm4b:s3+s15], $0x80, s16, s15, $0xb8;
	[tilespmem:$0x10200] =	vst v63  }
0x42: {  	_ =	swait.ge [sflag:s24], $0x4000  }
0x43: {  	p2 =	seq.s32 s0, $0x13;
	[sflag:s24] =	ssyncset.done $0x0  }
0x44: {  	s15 =	sshll.u32 @!p2 s0, $0x8;
	[sflag:s24] =	ssyncadd.s32 $0xFFFFC000  }
0x45: {  	s15 =	sadd.s32 @!p2 s15, s11;
	_ =	swait.ge [sflag:s24], $0x4000  }
0x46: {  	s15 =	sshrl.u32 @!p2 s15, $0x3;
	[sflag:s24] =	ssyncset.done $0x0  }
0x47: {  	s20 =	simm.s32 @!p2 $0x0;
	s16 =	sadd.s32 @!p2 s4, s15;
	[sflag:s24] =	ssyncadd.s32 $0xFFFFC000  }
0x48: {  	[tilespmem:s20], [sflag:$0x1] =	stream.linear.gather @!p2 [hbm4b:s16+s20], $0x80, $0x38;
	[tilespmem:$0x10200] =	vst v63  }
0x49: {  	s15 =	sadd.s32 @!p2 s5, s15;
	s16 =	simm.s32 @!p2 $0x100  }
0x4a: {  	[tilespmem:s16], [sflag:$0x1] =	stream.linear.gather @!p2 [hbm4b:s15+s20], $0x80, $0x38;
	[tilespmem:$0x10200] =	vst v63  }
0x4b: {  	s15 =	simm.s32 $0x0  }
0x4c: {  	v7 =	vld [tilespmem:s15+$0x8200]  }
0x4d: {  	v11 =	vld [tilespmem:s15+$0x8210]  }
0x4e: {  	v5 =	vld [tilespmem:s15+$0x8220]  }
0x4f: {  	v4 =	vld [tilespmem:s15+$0x8230]  }
0x50: {  	v3 =	vld [tilespmem:s15+$0x8240]  }
0x51: {  	v2 =	vld [tilespmem:s15+$0x8250]  }
0x52: {  	v1 =	vld [tilespmem:s15+$0x8260]  }
0x53: {  	v0 =	vld [tilespmem:s15+$0x8270]  }
0x54: {  	v12 =	vld [tilespmem:s15+$0x200]  }
0x55: {  	v13 =	vld [tilespmem:s15+$0x210]  }
0x56: {  	v10 =	vld [tilespmem:s15+$0x220]  }
0x57: {  	v9 =	vld [tilespmem:s15+$0x230]  }
0x58: {  	v8 =	vld [tilespmem:s15+$0x240]  }
0x59: {  	v6 =	vld [tilespmem:s15+$0x250];
	v12 =	vadd.f32 v7, v12  }
0x5a: {  	s16 =	simm.s32 $0x200;
	v11 =	vadd.f32 v11, v13;
	v7 =	vld [tilespmem:s15+$0x260]  }
.LBB2_3:
0x5b: {  	s20 =	sshra.s32 s16, $0x2;
	p2 =	sne.s32 s16, $0xFE00;
	[tilespmem:s15+$0x200] =	vst v12;
	v5 =	vadd.f32 v5, v10;
	v10 =	vld [tilespmem:s15+$0x270]  }
0x5c: {  	v12 =	vld [tilespmem:s20+$0x8200];
	[tilespmem:s15+$0x210] =	vst v11;
	v4 =	vadd.f32 v4, v9  }
0x5d: {  	v11 =	vld [tilespmem:s20+$0x8210];
	[tilespmem:s15+$0x220] =	vst v5;
	v3 =	vadd.f32 v3, v8  }
0x5e: {  	v5 =	vld [tilespmem:s20+$0x8220];
	[tilespmem:s15+$0x230] =	vst v4;
	v2 =	vadd.f32 v2, v6  }
0x5f: {  	v4 =	vld [tilespmem:s20+$0x8230];
	[tilespmem:s15+$0x240] =	vst v3;
	v1 =	vadd.f32 v1, v7  }
0x60: {  	v3 =	vld [tilespmem:s20+$0x8240];
	[tilespmem:s15+$0x250] =	vst v2;
	v0 =	vadd.f32 v0, v10  }
0x61: {  	v2 =	vld [tilespmem:s20+$0x8250];
	[tilespmem:s15+$0x260] =	vst v1  }
0x62: {  	v1 =	vld [tilespmem:s20+$0x8260];
	[tilespmem:s15+$0x270] =	vst v0;
	s15 =	smov.u32 s20  }
0x63: {  	v0 =	vld [tilespmem:s15+$0x8270]  }
0x64: {  	v6 =	vld [tilespmem:s15+$0x200]  }
0x65: {  	v7 =	vld [tilespmem:s15+$0x210]  }
.Ltmp5:
0x66: {  	v10 =	vld [tilespmem:s15+$0x220];
	(pc) =	sbr.rel @p2 .LBB2_3-.Ltmp5, $4  }
0x67: {  	v9 =	vld [tilespmem:s15+$0x230]  }
0x68: {  	v8 =	vld [tilespmem:s15+$0x240]  }
0x69: {  	v12 =	vadd.f32 v12, v6;
	v6 =	vld [tilespmem:s15+$0x250]  }
0x6a: {  	s16 =	sadd.s32 $0x200, s16;
	v11 =	vadd.f32 v11, v7;
	v7 =	vld [tilespmem:s15+$0x260]  }
0x6b: {  	[tilespmem:s15+$0x200] =	vst v12;
	v5 =	vadd.f32 v5, v10;
	v63 =	vld [tilespmem:s15+$0x270]  }
0x6c: {  	[tilespmem:s15+$0x210] =	vst v11;
	v4 =	vadd.f32 v4, v9  }
0x6d: {  	[tilespmem:s15+$0x220] =	vst v5;
	v3 =	vadd.f32 v3, v8  }
0x6e: {  	[tilespmem:s15+$0x230] =	vst v4;
	v2 =	vadd.f32 v2, v6  }
.Ltmp6:
0x6f: {  	s16 =	sshll.u32 s0, $0xF;
	[tilespmem:s15+$0x240] =	vst v3;
	v1 =	vadd.f32 v1, v7;
	(pc) =	sbr.rel @p1 .LBB2_8-.Ltmp6, $4  }
0x70: {  	s16 =	sadd.s32 s12, s16;
	[tilespmem:s15+$0x250] =	vst v2;
	v0 =	vadd.f32 v0, v63  }
0x71: {  	s16 =	sshrl.u32 s16, $0x3;
	[tilespmem:s15+$0x260] =	vst v1  }
0x72: {  	s20 =	sadd.s32 s6, s16;
	[tilespmem:s15+$0x270] =	vst v0  }
0x73: {  	[hbm4b:s20+s2] =	stream.linear.scatter [tilespmem:s22], [sflag:$0x5], $0x4000, $0x38;
	[tilespmem:$0x10200] =	vst v63  }
0x74: {  	_ =	swait.ge [sflag:s21], $0x80  }
0x75: {  	[sflag:s21] =	ssyncset.done $0x0  }
0x76: {  	[sflag:s21] =	ssyncadd.s32 $0xFFFFFF80  }
0x77: {  	_ =	swait.ge [sflag:s21], $0x80  }
0x78: {  	[sflag:s21] =	ssyncset.done $0x0  }
0x79: {  	[sflag:s21] =	ssyncadd.s32 $0xFFFFFF80  }
0x7a: {  	_ =	swait.ge [sflag:s25], $0x4000  }
0x7b: {  	[sflag:s25] =	ssyncset.done $0x0  }
0x7c: {  	[sflag:s25] =	ssyncadd.s32 $0xFFFFC000  }
0x7d: {  	[tilespmem:s22], [sflag:$0x3] =	stream.indirect.gather [hbm4b:s1+s19], $0x80, s2, s19, $0xb8;
	[tilespmem:$0x10200] =	vst v63  }
0x7e: {  	_ = 	snop  }
0x7f: {  	[tilespmem:s23], [sflag:$0x3] =	stream.indirect.gather [hbm4b:s3+s19], $0x80, s18, s19, $0xb8;
	[tilespmem:$0x10200] =	vst v63  }
0x80: {  	_ =	swait.ge [sflag:s26], $0x4000  }
0x81: {  	p1 =	sgt.u32 s0, $0x11;
	[sflag:s26] =	ssyncset.done $0x0  }
0x82: {  	s15 =	sshll.u32 @!p1 s0, $0x8;
	[sflag:s26] =	ssyncadd.s32 $0xFFFFC000  }
0x83: {  	s15 =	sadd.s32 @!p1 s15, s13;
	_ =	swait.ge [sflag:s26], $0x4000  }
0x84: {  	s20 =	simm.s32 @!p1 $0x0;
	s15 =	sshrl.u32 @!p1 s15, $0x3;
	[sflag:s26] =	ssyncset.done $0x0  }
0x85: {  	s7 =	simm.s32 @!p1 $0x80;
	s16 =	sadd.s32 @!p1 s4, s15;
	[sflag:s26] =	ssyncadd.s32 $0xFFFFC000  }
0x86: {  	[tilespmem:s7], [sflag:$0x2] =	stream.linear.gather @!p1 [hbm4b:s16+s20], $0x80, $0x38;
	[tilespmem:$0x10200] =	vst v63  }
0x87: {  	s7 =	sadd.s32 @!p1 s5, s15;
	s15 =	simm.s32 @!p1 $0x180  }
0x88: {  	[tilespmem:s15], [sflag:$0x2] =	stream.linear.gather @!p1 [hbm4b:s7+s20], $0x80, $0x38;
	[tilespmem:$0x10200] =	vst v63  }
0x89: {  	s15 =	simm.s32 $0x0  }
0x8a: {  	v7 =	vld [tilespmem:s15+$0xC200]  }
0x8b: {  	v11 =	vld [tilespmem:s15+$0xC210]  }
0x8c: {  	v5 =	vld [tilespmem:s15+$0xC220]  }
0x8d: {  	v4 =	vld [tilespmem:s15+$0xC230]  }
0x8e: {  	v3 =	vld [tilespmem:s15+$0xC240]  }
0x8f: {  	v2 =	vld [tilespmem:s15+$0xC250]  }
0x90: {  	v1 =	vld [tilespmem:s15+$0xC260]  }
0x91: {  	v0 =	vld [tilespmem:s15+$0xC270]  }
0x92: {  	v12 =	vld [tilespmem:s15+$0x4200]  }
0x93: {  	v13 =	vld [tilespmem:s15+$0x4210]  }
0x94: {  	v10 =	vld [tilespmem:s15+$0x4220]  }
0x95: {  	v9 =	vld [tilespmem:s15+$0x4230]  }
0x96: {  	v8 =	vld [tilespmem:s15+$0x4240]  }
0x97: {  	v6 =	vld [tilespmem:s15+$0x4250];
	v12 =	vadd.f32 v7, v12  }
0x98: {  	s16 =	simm.s32 $0x200;
	v11 =	vadd.f32 v11, v13;
	v7 =	vld [tilespmem:s15+$0x4260]  }
.LBB2_6:
0x99: {  	s7 =	sshra.s32 s16, $0x2;
	p1 =	sne.s32 s16, $0xFE00;
	[tilespmem:s15+$0x4200] =	vst v12;
	v5 =	vadd.f32 v5, v10;
	v10 =	vld [tilespmem:s15+$0x4270]  }
0x9a: {  	v12 =	vld [tilespmem:s7+$0xC200];
	[tilespmem:s15+$0x4210] =	vst v11;
	v4 =	vadd.f32 v4, v9  }
0x9b: {  	v11 =	vld [tilespmem:s7+$0xC210];
	[tilespmem:s15+$0x4220] =	vst v5;
	v3 =	vadd.f32 v3, v8  }
0x9c: {  	v5 =	vld [tilespmem:s7+$0xC220];
	[tilespmem:s15+$0x4230] =	vst v4;
	v2 =	vadd.f32 v2, v6  }
0x9d: {  	v4 =	vld [tilespmem:s7+$0xC230];
	[tilespmem:s15+$0x4240] =	vst v3;
	v1 =	vadd.f32 v1, v7  }
0x9e: {  	v3 =	vld [tilespmem:s7+$0xC240];
	[tilespmem:s15+$0x4250] =	vst v2;
	v0 =	vadd.f32 v0, v10  }
0x9f: {  	v2 =	vld [tilespmem:s7+$0xC250];
	[tilespmem:s15+$0x4260] =	vst v1  }
0xa0: {  	v1 =	vld [tilespmem:s7+$0xC260];
	[tilespmem:s15+$0x4270] =	vst v0;
	s15 =	smov.u32 s7  }
0xa1: {  	v0 =	vld [tilespmem:s15+$0xC270]  }
0xa2: {  	v6 =	vld [tilespmem:s15+$0x4200]  }
0xa3: {  	v7 =	vld [tilespmem:s15+$0x4210]  }
.Ltmp7:
0xa4: {  	v10 =	vld [tilespmem:s15+$0x4220];
	(pc) =	sbr.rel @p1 .LBB2_6-.Ltmp7, $4  }
0xa5: {  	v9 =	vld [tilespmem:s15+$0x4230]  }
0xa6: {  	v8 =	vld [tilespmem:s15+$0x4240]  }
0xa7: {  	v12 =	vadd.f32 v12, v6;
	v6 =	vld [tilespmem:s15+$0x4250]  }
0xa8: {  	s16 =	sadd.s32 $0x200, s16;
	v11 =	vadd.f32 v11, v7;
	v7 =	vld [tilespmem:s15+$0x4260]  }
0xa9: {  	[tilespmem:s15+$0x4200] =	vst v12;
	v5 =	vadd.f32 v5, v10;
	v63 =	vld [tilespmem:s15+$0x4270]  }
0xaa: {  	[tilespmem:s15+$0x4210] =	vst v11;
	v4 =	vadd.f32 v4, v9  }
0xab: {  	[tilespmem:s15+$0x4220] =	vst v5;
	v3 =	vadd.f32 v3, v8  }
0xac: {  	[tilespmem:s15+$0x4230] =	vst v4;
	v2 =	vadd.f32 v2, v6  }
.Ltmp8:
0xad: {  	s7 =	sshll.u32 s14, $0xE;
	[tilespmem:s15+$0x4240] =	vst v3;
	v1 =	vadd.f32 v1, v7;
	(pc) =	sbr.rel .LBB2_8-.Ltmp8, $4  }
0xae: {  	s7 =	sadd.s32 s12, s7;
	[tilespmem:s15+$0x4250] =	vst v2;
	v0 =	vadd.f32 v0, v63  }
0xaf: {  	s7 =	sshrl.u32 s7, $0x3;
	[tilespmem:s15+$0x4260] =	vst v1  }
0xb0: {  	s7 =	sadd.s32 s6, s7;
	[tilespmem:s15+$0x4270] =	vst v0  }
0xb1: {  	[hbm4b:s7+s2] =	stream.linear.scatter [tilespmem:s28], [sflag:$0x6], $0x4000, $0x38;
	[tilespmem:$0x10200] =	vst v63  }
.LBB2_10:
0xb2: {  	s0 =	simm.s32 $0x0;
	s7 =	rddreg [dreg:$0x4]  }
0xb3: {  	[tilespmem:s0], [sflag:$0x7] =	stream.linear.gather [hbm4b:s7+s0], $0x80, $0x38;
	[tilespmem:$0x10200] =	vst v63  }
0xb4: {  	_ =	swait.ge [sflag:s30], $0x80  }
0xb5: {  	[sflag:s30] =	ssyncset.done $0x0  }
0xb6: {  	s20 =	rddreg [dreg:$0x5];
	[sflag:s30] =	ssyncadd.s32 $0xFFFFFF80  }
0xb7: {  	[tilespmem:s18], [sflag:$0x7] =	stream.linear.gather [hbm4b:s20+s0], $0x80, $0x38;
	[tilespmem:$0x10200] =	vst v63  }
0xb8: {  	_ =	swait.ge [sflag:s30], $0x80  }
0xb9: {  	[sflag:s30] =	ssyncset.done $0x0  }
0xba: {  	[sflag:s30] =	ssyncadd.s32 $0xFFFFFF80  }
0xbb: {  	[tilespmem:s22], [sflag:$0x3] =	stream.indirect.gather [hbm4b:s1+s19], $0x80, s0, s19, $0xb8;
	[tilespmem:$0x10200] =	vst v63  }
0xbc: {  	_ = 	snop  }
0xbd: {  	[tilespmem:s23], [sflag:$0x4] =	stream.indirect.gather [hbm4b:s3+s19], $0x80, s18, s19, $0xb8;
	[tilespmem:$0x10200] =	vst v63  }
0xbe: {  	_ =	swait.ge [sflag:s24], $0x4000  }
0xbf: {  	[sflag:s24] =	ssyncset.done $0x0  }
0xc0: {  	[sflag:s24] =	ssyncadd.s32 $0xFFFFC000  }
0xc1: {  	_ =	swait.ge [sflag:s26], $0x4000  }
0xc2: {  	[sflag:s26] =	ssyncset.done $0x0  }
0xc3: {  	s0 =	simm.s32 $0x0;
	[sflag:s26] =	ssyncadd.s32 $0xFFFFC000  }
0xc4: {  	v7 =	vld [tilespmem:s0+$0x8200]  }
0xc5: {  	v11 =	vld [tilespmem:s0+$0x8210]  }
0xc6: {  	v5 =	vld [tilespmem:s0+$0x8220]  }
0xc7: {  	v4 =	vld [tilespmem:s0+$0x8230]  }
0xc8: {  	v3 =	vld [tilespmem:s0+$0x8240]  }
0xc9: {  	v2 =	vld [tilespmem:s0+$0x8250]  }
0xca: {  	v1 =	vld [tilespmem:s0+$0x8260]  }
0xcb: {  	v0 =	vld [tilespmem:s0+$0x8270]  }
0xcc: {  	v12 =	vld [tilespmem:s0+$0x200]  }
0xcd: {  	v13 =	vld [tilespmem:s0+$0x210]  }
0xce: {  	v10 =	vld [tilespmem:s0+$0x220]  }
0xcf: {  	v9 =	vld [tilespmem:s0+$0x230]  }
0xd0: {  	v8 =	vld [tilespmem:s0+$0x240]  }
0xd1: {  	v6 =	vld [tilespmem:s0+$0x250];
	v12 =	vadd.f32 v7, v12  }
0xd2: {  	s14 =	simm.s32 $0x200;
	v11 =	vadd.f32 v11, v13;
	v7 =	vld [tilespmem:s0+$0x260]  }
.LBB2_11:
0xd3: {  	s7 =	sshra.s32 s14, $0x2;
	p1 =	sne.s32 s14, $0xFE00;
	[tilespmem:s0+$0x200] =	vst v12;
	v5 =	vadd.f32 v5, v10;
	v10 =	vld [tilespmem:s0+$0x270]  }
0xd4: {  	v12 =	vld [tilespmem:s7+$0x8200];
	[tilespmem:s0+$0x210] =	vst v11;
	v4 =	vadd.f32 v4, v9  }
0xd5: {  	v11 =	vld [tilespmem:s7+$0x8210];
	[tilespmem:s0+$0x220] =	vst v5;
	v3 =	vadd.f32 v3, v8  }
0xd6: {  	v5 =	vld [tilespmem:s7+$0x8220];
	[tilespmem:s0+$0x230] =	vst v4;
	v2 =	vadd.f32 v2, v6  }
0xd7: {  	v4 =	vld [tilespmem:s7+$0x8230];
	[tilespmem:s0+$0x240] =	vst v3;
	v1 =	vadd.f32 v1, v7  }
0xd8: {  	v3 =	vld [tilespmem:s7+$0x8240];
	[tilespmem:s0+$0x250] =	vst v2;
	v0 =	vadd.f32 v0, v10  }
0xd9: {  	v2 =	vld [tilespmem:s7+$0x8250];
	[tilespmem:s0+$0x260] =	vst v1  }
0xda: {  	v1 =	vld [tilespmem:s7+$0x8260];
	[tilespmem:s0+$0x270] =	vst v0;
	s0 =	smov.u32 s7  }
0xdb: {  	v0 =	vld [tilespmem:s0+$0x8270]  }
0xdc: {  	v6 =	vld [tilespmem:s0+$0x200]  }
0xdd: {  	v7 =	vld [tilespmem:s0+$0x210]  }
.Ltmp9:
0xde: {  	v10 =	vld [tilespmem:s0+$0x220];
	(pc) =	sbr.rel @p1 .LBB2_11-.Ltmp9, $4  }
0xdf: {  	v9 =	vld [tilespmem:s0+$0x230]  }
0xe0: {  	v8 =	vld [tilespmem:s0+$0x240]  }
0xe1: {  	v12 =	vadd.f32 v12, v6;
	v6 =	vld [tilespmem:s0+$0x250]  }
0xe2: {  	s14 =	sadd.s32 $0x200, s14;
	v11 =	vadd.f32 v11, v7;
	v7 =	vld [tilespmem:s0+$0x260]  }
0xe3: {  	[tilespmem:s0+$0x200] =	vst v12;
	v5 =	vadd.f32 v5, v10;
	v63 =	vld [tilespmem:s0+$0x270]  }
0xe4: {  	[tilespmem:s0+$0x210] =	vst v11;
	v4 =	vadd.f32 v4, v9  }
0xe5: {  	[tilespmem:s0+$0x220] =	vst v5;
	v3 =	vadd.f32 v3, v8  }
0xe6: {  	[tilespmem:s0+$0x230] =	vst v4;
	v2 =	vadd.f32 v2, v6  }
0xe7: {  	[tilespmem:s0+$0x240] =	vst v3;
	v1 =	vadd.f32 v1, v7  }
0xe8: {  	[tilespmem:s0+$0x250] =	vst v2;
	v0 =	vadd.f32 v0, v63  }
0xe9: {  	[tilespmem:s0+$0x260] =	vst v1  }
.Ltmp10:
0xea: {  	s20 =	rddreg [dreg:$0x6];
	[tilespmem:s0+$0x270] =	vst v0;
	(pc) =	sbr.rel .LBB2_13-.Ltmp10, $4  }
0xeb: {  	[hbm4b:s20+s2] =	stream.linear.scatter [tilespmem:s22], [sflag:$0x7], $0x4000, $0x38;
	[tilespmem:$0x10200] =	vst v63  }
0xec: {  	_ =	swait.ge [sflag:s30], $0x4000  }
0xed: {  	[sflag:s30] =	ssyncset.done $0x0  }
0xee: {  	[sflag:s30] =	ssyncadd.s32 $0xFFFFC000  }
.LBB2_14:
0xef: {  	_ =	sfence.sel $0x180000  }
0xf0: {  	[bflag:$0x0] =	sbarrier.arrive $0xFFFF  }
0xf1: {  	_ =	strace $0x9000004A  }
0xf2: {  	[bflag:$0x2] =	sbarrier.arrive $0xFFFF  }
0xf3: {  	s0 =	rddreg [dreg:$0x2]  }
0xf4: {  	s0 =	sadd.s32 @!p0 $0x100000, s0  }
0xf5: {  	[sflag:s0] =	ssyncadd.tile.s32 @!p0 $0x1;
	_ =	shalt  }
.Lfunc_end2:
_tile_overlayer_lowered:
.L_overlay_start_2:
0xf6: {  	(tag) =	ssettag $0x2  }
0xf7: {  	s0 =	rddreg [dreg:$0x0];
	s2 =	stileid.u32  }
0xf8: {  	s1 =	rddreg [dreg:$0x1];
	p0 =	sne.s32 s2, $0x0  }
0xf9: {  	s3 =	rddreg [dreg:$0x2];
	[bflag:$0x3] =	sbarrier.arrive $0xFFFF;
	s2 =	simm.s32 @!p0 $0x1C07  }
0xfa: {  	[timem:s3], [sflag:s2] =	dma.local @!p0 [hbm:s0], s1  }
0xfb: {  	s0 =	simm.s32 @!p0 $0x7  }
0xfc: {  	_ =	swait.ge @!p0 [sflag:s0], s1  }
0xfd: {  	s1 =	ssub.s32 @!p0 $0x0, s1;
	[sflag:s0] =	ssyncset.done @!p0 $0x0  }
0xfe: {  	[sflag:s0] =	ssyncadd.s32 @!p0 s1  }
0xff: {  	[bflag:$0x3] =	sbarrier.arrive $0xFFFF  }
0x100: {  	_ =	shalt  }

// kernel: kernel.16.cloned.1.call-start
scs
__scs_entry_jumppad:
0x0: {  	(pc) =	sbr.rel $0x88, $3  }
0x1: {  	(tag) =	ssettag $0x0;
	lr =	simm.s32 $0x1  }
0x2: {  	[smem:$0x3F8C] =	sst lr;
	_ =	strace $0xD0000000  }
0x3: {  	_ = 	snop  }
0x4: {  	_ = 	snop  }
0x5: {  	_ = 	snop  }
0x6: {  	_ = 	snop  }
0x7: {  	_ = 	snop  }
__scs_overlays_trampoline_lowered:
0x8: {  	[smem:$0x3F9B] =	sst s0  }
0x9: {  	[smem:$0x3F9C] =	sst s1  }
0xa: {  	[smem:$0x3F9D] =	sst s2  }
0xb: {  	[smem:$0x3F9E] =	sst s3  }
0xc: {  	[smem:$0x3F9F] =	sst s4  }
0xd: {  	[smem:$0x3FA0] =	sst s5  }
0xe: {  	[smem:$0x3FA1] =	sst s6  }
0xf: {  	[smem:$0x3FA2] =	sst s7  }
0x10: {  	[smem:$0x3FA3] =	sst s8  }
0x11: {  	[smem:$0x3FA4] =	sst s9;
	s0 =	simm.s32 @!p0 $0x0  }
0x12: {  	s1 =	sld [smem:$0x3F8A];
	s0 =	simm.s32 @p0 $0x1  }
0x13: {  	[smem:$0x3FA5] =	sst s0;
	s0 =	simm.s32 @!p1 $0x0  }
0x14: {  	s2 =	sld [smem:$0x3F89];
	s0 =	simm.s32 @p1 $0x1  }
0x15: {  	[smem:$0x3FA6] =	sst s0;
	s0 =	simm.s32 @!p2 $0x0  }
0x16: {  	s3 =	sld [smem:$0x3FDB];
	s0 =	simm.s32 @p2 $0x1  }
0x17: {  	s4 =	simm.s32 $0x1BF5;
	[smem:$0x3FA8] =	sst s0  }
0x18: {  	s0 =	sld [smem:$0x3F8B];
	_ =	swait.ge [sflag:s4], $0x0  }
0x19: {  	s7 =	sld [smem:$0x3F8C]  }
0x1a: {  	s8 =	sadd.s32 $0xFFFFE003, lr  }
0x1b: {  	s9 =	sadd.s32 $0xFFFFFEF7, lr;
	s5 =	simm.s32 $0xFFFFFFFF;
	p2 =	slt.u32 s8, $0xFFFFF086  }
0x1c: {  	p1 =	slt.u32 s9, $0xF7A;
	s5 =	simm.s32 @!p2 $0x0  }
0x1d: {  	s5 =	simm.s32 @p1 $0x1;
	p0 =	seq.s32 s7, s2  }
0x1e: {  	s7 =	smul.u32 @!p0 $0xF7A, s2;
	p2 =	seq.s32 @!p0 s5, $0x0  }
0x1f: {  	s9 =	smul.u32 $0xF7A, s1;
	s8 =	simm.s32 @!p0 $0x1BF5;
	p2 =	por !p2, p0  }
0x20: {  	[sflag:s8] =	ssyncset.s32 @!p0 $0xFFFFF086;
	s6 =	sadd.s32 @!p0 s3, s7;
	s7 =	simm.s32 @!p0 $0x108  }
0x21: {  	s3 =	sadd.s32 s3, s9;
	s6 =	sadd.s32 @!p0 $0x88, s6;
	s7 =	simm.s32 @p2 $0x1082  }
0x22: {  	[simem:s7], [sflag:s8] =	dma.local @!p0 [hbm:s6], $0xF7A  }
0x23: {  	s9 =	sor.u32 $0xD0000000, s2;
	s6 =	simm.s32 $0x108;
	_ =	swait.ge @!p0 [sflag:s8], $0x0  }
0x24: {  	s3 =	sadd.s32 $0x88, s3;
	s6 =	simm.s32 @!p1 $0x1082;
	[sflag:s4] =	ssyncset.s32 $0xFFFFF086  }
0x25: {  	[simem:s6], [sflag:s4] =	dma.local [hbm:s3], $0xF7A  }
0x26: {  	[smem:$0x3F8C] =	sst s1;
	(tag) =	ssettag s2;
	_ =	strace s9  }
0x27: {  	s1 =	sld [smem:$0x3F9C]  }
0x28: {  	s2 =	sld [smem:$0x3F9D]  }
0x29: {  	s4 =	sld [smem:$0x3F9F]  }
0x2a: {  	p0 =	seq.s32 s5, $0x0;
	s5 =	sld [smem:$0x3FA0]  }
0x2b: {  	s6 =	sld [smem:$0x3FA1]  }
0x2c: {  	s7 =	sld [smem:$0x3FA2]  }
0x2d: {  	s3 =	simm.s32 $0x108;
	s8 =	sld [smem:$0x3FA3]  }
0x2e: {  	s3 =	simm.s32 @!p0 $0x1082;
	s9 =	sld [smem:$0x3FA4]  }
0x2f: {  	lr =	sadd.s32 s0, s3;
	s0 =	sld [smem:$0x3F9B]  }
0x30: {  	s3 =	sld [smem:$0x3F9E]  }
0x31: {  	[smem:$0x3FA7] =	sst s10  }
0x32: {  	s10 =	sld [smem:$0x3FA5];
	_ =	sdelay $0x3  }
0x33: {  	p0 =	seq.s32 s10, $0x1;
	s10 =	sld [smem:$0x3FA7];
	_ =	sdelay $0x3  }
0x34: {  	[smem:$0x3FA7] =	sst s10  }
0x35: {  	s10 =	sld [smem:$0x3FA6];
	_ =	sdelay $0x3  }
0x36: {  	p1 =	seq.s32 s10, $0x1;
	s10 =	sld [smem:$0x3FA7];
	_ =	sdelay $0x3  }
0x37: {  	[smem:$0x3FA7] =	sst s10  }
0x38: {  	s10 =	sld [smem:$0x3FA8]  }
0x39: {  	_ = 	snop;
	(pc) =	sbr.ind lr, $3  }
0x3a: {  	_ = 	snop  }
0x3b: {  	_ = 	snop  }
0x3c: {  	p2 =	seq.s32 s10, $0x1;
	s10 =	sld [smem:$0x3FA7]  }
0x3d: {  	_ =	shalt  }
0x3e: {  	_ =	shalt  }
0x3f: {  	_ =	shalt  }
0x40: {  	_ =	shalt  }
0x41: {  	_ =	shalt  }
0x42: {  	_ =	shalt  }
0x43: {  	_ =	shalt  }
0x44: {  	_ =	shalt  }
0x45: {  	_ =	shalt  }
0x46: {  	_ =	shalt  }
0x47: {  	_ =	shalt  }
0x48: {  	_ =	shalt  }
0x49: {  	_ =	shalt  }
0x4a: {  	_ =	shalt  }
0x4b: {  	_ =	shalt  }
0x4c: {  	_ =	shalt  }
0x4d: {  	_ =	shalt  }
0x4e: {  	_ =	shalt  }
0x4f: {  	_ =	shalt  }
0x50: {  	_ =	shalt  }
0x51: {  	_ =	shalt  }
0x52: {  	_ =	shalt  }
0x53: {  	_ =	shalt  }
0x54: {  	_ =	shalt  }
0x55: {  	_ =	shalt  }
0x56: {  	_ =	shalt  }
0x57: {  	_ =	shalt  }
0x58: {  	_ =	shalt  }
0x59: {  	_ =	shalt  }
0x5a: {  	_ =	shalt  }
0x5b: {  	_ =	shalt  }
0x5c: {  	_ =	shalt  }
0x5d: {  	_ =	shalt  }
0x5e: {  	_ =	shalt  }
0x5f: {  	_ =	shalt  }
0x60: {  	_ =	shalt  }
0x61: {  	_ =	shalt  }
0x62: {  	_ =	shalt  }
0x63: {  	_ =	shalt  }
0x64: {  	_ =	shalt  }
0x65: {  	_ =	shalt  }
0x66: {  	_ =	shalt  }
0x67: {  	_ =	shalt  }
0x68: {  	_ =	shalt  }
0x69: {  	_ =	shalt  }
0x6a: {  	_ =	shalt  }
0x6b: {  	_ =	shalt  }
0x6c: {  	_ =	shalt  }
0x6d: {  	_ =	shalt  }
0x6e: {  	_ =	shalt  }
0x6f: {  	_ =	shalt  }
0x70: {  	_ =	shalt  }
0x71: {  	_ =	shalt  }
0x72: {  	_ =	shalt  }
0x73: {  	_ =	shalt  }
0x74: {  	_ =	shalt  }
0x75: {  	_ =	shalt  }
0x76: {  	_ =	shalt  }
0x77: {  	_ =	shalt  }
0x78: {  	_ =	shalt  }
0x79: {  	_ =	shalt  }
0x7a: {  	_ =	shalt  }
0x7b: {  	_ =	shalt  }
0x7c: {  	_ =	shalt  }
0x7d: {  	_ =	shalt  }
0x7e: {  	_ =	shalt  }
0x7f: {  	_ =	shalt  }
0x80: {  	_ =	shalt  }
0x81: {  	_ =	shalt  }
0x82: {  	_ =	shalt  }
0x83: {  	_ =	shalt  }
0x84: {  	_ =	shalt  }
0x85: {  	_ =	shalt  }
0x86: {  	_ =	shalt  }
0x87: {  	_ =	shalt  }
.Lfunc_end0:
.L_simem_size_0:
called_computation.2_lowered:
.L_overlay_start_0:
0x88: {  	s2 =	sld [smem:$0x3FD9]  }
0x89: {  	s3 =	sld [smem:$0x3FFE];
	_ =	sdelay $0x1  }
0x8a: {  	s1 =	srdreg.scid  }
0x8b: {  	s0 =	sand.u32 $0x1, s1  }
0x8c: {  	s17 =	sshll.u32 s0, $0xA;
	s2 =	sadd.s32 s3, s2  }
0x8d: {  	s2 =	sadd.s32 s2, s17  }
0x8e: {  	[smem:$0x3FB3] =	sst s2  }
0x8f: {  	_ = 	snop  }
0x90: {  	(tm) =	ssettm $0x1  }
0x91: {  	s18 =	sld [smem:$0x3FFB];
	_ =	sdelay $0x3  }
0x92: {  	_ =	strace s18  }
0x93: {  	s2 =	sld [smem:$0x3FFC];
	_ =	sdelay $0x3  }
0x94: {  	_ =	strace s2  }
0x95: {  	s2 =	sld [smem:$0x3FFD];
	_ =	sdelay $0x3  }
0x96: {  	_ =	strace s2  }
0x97: {  	_ =	strace $0x8FFFFFFF  }
0x98: {  	s19 =	sld [smem:$0x3FDB];
	_ =	sdelay $0x1  }
0x99: {  	s20 =	simm.s32 $_scs_section_size  }
0x9a: {  	s4 =	simm.s32 $_size__tile_overlayer_lowered;
	s5 =	simm.s32 $_tile_overlayer_lowered  }
0x9b: {  	s6 =	simm.s32 $0x1BFF;
	s21 =	sshll.u32 s5, $0x1;
	s3 =	sadd.s32 s20, s19  }
0x9c: {  	s22 =	simm.s32 $0x0;
	s4 =	sshll.u32 s4, $0x1;
	s5 =	sadd.s32 s21, s3  }
0x9d: {  	[timem:s22], [sflag:s6] =	dma.local [hbm:s5], s4  }
0x9e: {  	_ =	swait.ge [sflag:s6], s4  }
0x9f: {  	s4 =	ssub.s32 $0x0, s4;
	[sflag:s6] =	ssyncset.done $0x0  }
0xa0: {  	[sflag:s6] =	ssyncadd.s32 s4;
	_ =	sdelay $0x1  }
0xa1: {  	s23 =	simm.s32 $0x1B8B  }
0xa2: {  	_ =	swait.ge [sflag:s23], $0x1  }
0xa3: {  	[sflag:s23] =	ssyncset.done $0x0  }
0xa4: {  	[sflag:s23] =	ssyncadd.s32 $0xFFFFFFFF  }
0xa5: {  	s4 =	sld [smem:$0x0]  }
0xa6: {  	s5 =	sand.u32 $0xFFFFFFFE, s1  }
0xa7: {  	p0 =	sne.s32 s1, s5  }
0xa8: {  	s5 =	sshll.u32 @p0 s5, $0xE  }
0xa9: {  	s5 =	sadd.s32 @p0 $0x11B8D, s5;
	s6 =	sshll.u32 @p0 s4, $0x11  }
0xaa: {  	s5 =	sor.u32 @p0 s6, s5  }
0xab: {  	[sflag:s5] =	ssyncadd.remote.s32 @p0 $0x1;
	_ =	sdelay $0x1  }
0xac: {  	s5 =	simm.s32 @p0 $0x1B8D  }
0xad: {  	_ =	swait.eq @p0 [sflag:s5], $0x1  }
0xae: {  	[sflag:s5] =	ssyncadd.s32 @p0 $0xFFFFFFFF  }
0xaf: {  	s6 =	sshll.u32 @!p0 s1, $0xE  }
0xb0: {  	s6 =	sor.u32 @!p0 $0x4000, s6;
	s5 =	simm.s32 @!p0 $0x1B8D  }
0xb1: {  	s4 =	sshll.u32 @!p0 s4, $0x11;
	s6 =	sadd.s32 @!p0 $0x11B8D, s6;
	_ =	swait.eq @!p0 [sflag:s5], $0x1  }
0xb2: {  	s4 =	sor.u32 @!p0 s4, s6;
	[sflag:s5] =	ssyncadd.s32 @!p0 $0xFFFFFFFF  }
0xb3: {  	s25 =	simm.s32 $0x1B8E;
	s24 =	sld [smem:$0x3FFE];
	[sflag:s4] =	ssyncadd.remote.s32 @!p0 $0x1  }
0xb4: {  	s26 =	simm.s32 $execute0_lowered;
	[smem:$0x3FD2] =	sst s25  }
0xb5: {  	s5 =	sshll.u32 s26, $0x1;
	_ =	strace $0x8000004C;
	[dreg:$0x1] =	wrdreg $0xFFFFFFFF  }
0xb6: {  	s28 =	simm.s32 $_size_execute0_lowered;
	s3 =	sadd.s32 s3, s5;
	[dreg:$0x0] =	wrdreg $0x0  }
0xb7: {  	s5 =	sshll.u32 s28, $0x1;
	[dreg:$0x2] =	wrdreg s3  }
0xb8: {  	[dreg:$0x3] =	wrdreg s5  }
0xb9: {  	[dreg:$0x4] =	wrdreg $0xC0  }
0xba: {  	_ =	task [dreg:s22], $0x5FFFF  }
0xbb: {  	[dreg:$0x1] =	wrdreg $0xFFFFFFFF  }
0xbc: {  	[dreg:$0x0] =	wrdreg $0x60  }
0xbd: {  	[dreg:$0x2] =	wrdreg s24  }
0xbe: {  	[dreg:$0x3] =	wrdreg $0x81000  }
0xbf: {  	[dreg:$0x4] =	wrdreg $0xA  }
0xc0: {  	_ =	task.clear_ibuf [dreg:s22], $0x5FFFF;
	_ =	strace $0x9000004C  }
0xc1: {  	s29 =	simm.s32 $0xA;
	_ =	strace $0x8000004E  }
0xc2: {  	_ =	swait.ge [sflag:s29], $0x1  }
0xc3: {  	[sflag:s29] =	ssyncadd.s32 $0xFFFFFFFF  }
0xc4: {  	_ =	strace $0x9000004E  }
0xc5: {  	_ =	sfence  }
0xc6: {  	s30 =	sld [smem:$0x0];
	_ =	sdelay $0x2  }
0xc7: {  	s31 =	sshll.u32 s1, $0xD;
	s1 =	sshrl.u32 s1, $0x2  }
0xc8: {  	s4 =	sand.u32 $0x4000, s31;
	s1 =	sadd.s32 s1, s30  }
0xc9: {  	s0 =	sor.u32 s4, s0;
	s1 =	sshll.u32 s1, $0x11  }
0xca: {  	s0 =	sor.u32 s1, s0  }
0xcb: {  	s0 =	sadd.s32 $0x8F2B, s0  }
0xcc: {  	[sflag:s0] =	ssyncadd.remote.s32 $0x1  }
0xcd: {  	_ =	sfence.sel $0xFFFF  }
0xce: {  	[dreg:$0x0] =	wrdreg $0xFFFFFFFF;
	(pc) =	sbr.abs _section_cstart, $3  }
0xcf: {  	[dreg:$0x1] =	wrdreg $0xFFFFFFFF  }
0xd0: {  	_ =	task.clear_ibuf [dreg:s22], $0x2FFFF;
	_ =	strace $0x9FFFFFFF  }
0xd1: {  	(tm) =	ssettm $0x7FFFFFFF  }
tec
execute0_lowered:
.L_overlay_start_1:
0x0: {  	(tag) =	ssettag $0x1  }
0x1: {  	s4 =	rddreg [dreg:$0x0]  }
0x2: {  	s1 =	rddreg [dreg:$0x1];
	s2 =	simm.s32 $0x0;
	s25 =	stileid.u32  }
0x3: {  	s3 =	srdreg.scid;
	[smem:$0x7FF] =	sst s2  }
0x4: {  	s5 =	smul.u32 $0x2800, s25;
	s10 =	sand.u32 $0x1, s3;
	s11 =	sadd.s32 $0x521200, s4  }
0x5: {  	s3 =	sadd.s32 $0x9000, s4;
	s9 =	sshll.u32 s25, $0x1;
	s12 =	smul.u32 $0x50000, s25  }
0x6: {  	s21 =	sshll.u32 s25, $0x6;
	s26 =	smul.u32 $0x2700, s25;
	p0 =	sne.s32 s25, $0x0  }
0x7: {  	_ =	strace $0x8000004D;
	s6 =	smul.u32 $0x28000, s10;
	s17 =	ssub.s32 $0x2, s10  }
0x8: {  	s18 =	sor.u32 s10, s9;
	s24 =	sshll.u32 s10, $0x7;
	s16 =	smul.u32 $0x1380, s10  }
0x9: {  	s7 =	sadd.s32 s5, s4;
	s8 =	sshrl.u32 s17, $0x1;
	s19 =	smul.u32 $0x1380, s18  }
0xa: {  	s20 =	sshrl.u32 s12, $0x2;
	s23 =	smul.u32 $0x13800, s18;
	s9 =	sor.u32 $0x27000, s24  }
0xb: {  	s18 =	smul.u32 $0x13800, s10;
	s24 =	simm.s32 $0x4;
	s5 =	sadd.s32 s5, s6  }
0xc: {  	s14 =	ssub.s32 s17, s8;
	s15 =	sadd.s32 s20, s1;
	s28 =	sshrl.u32 s9, $0x3  }
0xd: {  	s9 =	sshll.u32 s9, $0x4;
	s17 =	smul.u32 $0x27000, s25;
	s16 =	sadd.s32 s16, s26  }
0xe: {  	s20 =	simm.s32 $0x1;
	s25 =	simm.s32 $0x0;
	s13 =	sadd.s32 s5, s4  }
0xf: {  	s4 =	sadd.s32 $0x35200, s7;
	s5 =	sor.u32 $0x1C05, s21;
	s22 =	sshrl.u32 s19, $0x3  }
0x10: {  	s7 =	sadd.s32 s11, s23;
	s8 =	sadd.s32 s3, s28;
	s9 =	sadd.s32 s11, s9  }
0x11: {  	s30 =	sadd.s32 $0x80, s16;
	s15 =	sshrl.u32 s15, $0x3;
	s19 =	simm.s32 $0x4100  }
0x12: {  	s21 =	simm.s32 $0x3;
	s23 =	simm.s32 $0x2;
	s6 =	sadd.s32 s3, s22  }
0x13: {  	s10 =	sadd.s32 $0x5D200, s13;
	s29 =	sadd.s32 s17, s11;
	s11 =	smax.u32 s14, $0x1  }
0x14: {  	s31 =	sshrl.u32 s30, $0x3;
	s13 =	sadd.s32 $0x100, s16;
	s16 =	simm.s32 $0x5  }
0x15: {  	s17 =	simm.s32 $0x100;
	s22 =	simm.s32 $0x6;
	s12 =	sadd.s32 s18, s29  }
0x16: {  	s14 =	sadd.s32 s31, s3;
	s18 =	simm.s32 $0x80;
	s12 =	sadd.s32 $0x1000, s12  }
.LBB2_1:
0x17: {  	[spmem:s15], [sflag:s5] =	dma.local [hbm:s4], $0x2800  }
0x18: {  	_ =	swait.ge [sflag:s16], $0x2800  }
0x19: {  	[sflag:s16] =	ssyncset.done $0x0  }
0x1a: {  	[sflag:s16] =	ssyncadd.s32 $0xFFFFD800  }
0x1b: {  	[bflag:$0x0] =	sbarrier.arrive $0xFFFF  }
0x1c: {  	[tilespmem:s2], [sflag:$0x1] =	stream.linear.gather [hbm4b:s6+s2], $0x80, $0x38;
	[tilespmem:$0x1C100] =	vst v63  }
0x1d: {  	_ = 	snop  }
0x1e: {  	[tilespmem:s17], [sflag:$0x3] =	stream.linear.gather [hbm4b:s7+s2], $0x4000, $0x38;
	[tilespmem:$0x1C100] =	vst v63  }
0x1f: {  	s26 =	sadd.s32 $0x0, s14  }
0x20: {  	[tilespmem:s18], [sflag:$0x2] =	stream.linear.gather [hbm4b:s26+s2], $0x80, $0x38;
	[tilespmem:$0x1C100] =	vst v63  }
0x21: {  	s0 =	sadd.s32 $0xFFFFF800, s12  }
0x22: {  	[tilespmem:s19], [sflag:$0x4] =	stream.linear.gather [hbm4b:s0+s2], $0x4000, $0x38;
	[tilespmem:$0x1C100] =	vst v63  }
0x23: {  	_ =	swait.ge [sflag:s20], $0x80  }
0x24: {  	[sflag:s20] =	ssyncset.done $0x0  }
0x25: {  	[sflag:s20] =	ssyncadd.s32 $0xFFFFFF80  }
0x26: {  	_ =	swait.ge [sflag:s21], $0x4000  }
0x27: {  	[sflag:s21] =	ssyncset.done $0x0  }
0x28: {  	[sflag:s21] =	ssyncadd.s32 $0xFFFFC000  }
0x29: {  	[spmem:s1] =	stream.indirect.scatter.add.f32 [tilespmem:s17], [sflag:$0x6], $0x80, s2, s18, $0xb8;
	[tilespmem:$0x1C100] =	vst v63  }
0x2a: {  	_ =	swait.ge [sflag:s22], $0x4000  }
0x2b: {  	s31 =	sshrl.u32 s13, $0x3;
	[sflag:s22] =	ssyncset.done $0x0  }
0x2c: {  	s26 =	sadd.s32 s3, s31;
	[sflag:s22] =	ssyncadd.s32 $0xFFFFC000  }
0x2d: {  	[tilespmem:s2], [sflag:$0x1] =	stream.linear.gather [hbm4b:s26+s2], $0x80, $0x38;
	[tilespmem:$0x1C100] =	vst v63  }
0x2e: {  	_ = 	snop  }
0x2f: {  	[tilespmem:s17], [sflag:$0x3] =	stream.linear.gather [hbm4b:s12+s2], $0x4000, $0x38;
	[tilespmem:$0x1C100] =	vst v63  }
0x30: {  	_ =	swait.ge [sflag:s23], $0x80  }
0x31: {  	[sflag:s23] =	ssyncset.done $0x0  }
0x32: {  	[sflag:s23] =	ssyncadd.s32 $0xFFFFFF80  }
0x33: {  	_ =	swait.ge [sflag:s24], $0x4000  }
0x34: {  	[sflag:s24] =	ssyncset.done $0x0  }
0x35: {  	[sflag:s24] =	ssyncadd.s32 $0xFFFFC000  }
0x36: {  	[spmem:s1] =	stream.indirect.scatter.add.f32 [tilespmem:s19], [sflag:$0x5], $0x80, s18, s18, $0xb8;
	[tilespmem:$0x1C100] =	vst v63  }
0x37: {  	s29 =	simm.s32 $0x20;
	s30 =	simm.s32 $0x40;
	_ =	swait.ge [sflag:s16], $0x4000  }
0x38: {  	s28 =	sadd.s32 $0x100, s13;
	s26 =	sadd.s32 $0x1000, s12;
	[sflag:s16] =	ssyncset.done $0x0  }
.LBB2_2:
0x39: {  	s31 =	sadd.s32 s29, s14  }
0x3a: {  	[sflag:s16] =	ssyncadd.s32 $0xFFFFC000;
	s29 =	smov.u32 s30;
	s0 =	sadd.s32 $0x20, s30  }
0x3b: {  	[tilespmem:s18], [sflag:$0x2] =	stream.linear.gather [hbm4b:s31+s2], $0x80, $0x38;
	[tilespmem:$0x1C100] =	vst v63  }
0x3c: {  	p1 =	sne.s32 s30, $0x240;
	s30 =	sadd.s32 $0xFFFFF800, s26  }
0x3d: {  	[tilespmem:s19], [sflag:$0x4] =	stream.linear.gather [hbm4b:s30+s2], $0x4000, $0x38;
	[tilespmem:$0x1C100] =	vst v63  }
0x3e: {  	_ =	swait.ge [sflag:s20], $0x80  }
0x3f: {  	[sflag:s20] =	ssyncset.done $0x0  }
0x40: {  	[sflag:s20] =	ssyncadd.s32 $0xFFFFFF80  }
0x41: {  	_ =	swait.ge [sflag:s21], $0x4000  }
0x42: {  	[sflag:s21] =	ssyncset.done $0x0  }
0x43: {  	[sflag:s21] =	ssyncadd.s32 $0xFFFFC000  }
0x44: {  	[spmem:s1] =	stream.indirect.scatter.add.f32 [tilespmem:s17], [sflag:$0x6], $0x80, s2, s18, $0xb8;
	[tilespmem:$0x1C100] =	vst v63  }
0x45: {  	_ =	swait.ge [sflag:s22], $0x4000  }
0x46: {  	s30 =	sshrl.u32 s28, $0x3;
	[sflag:s22] =	ssyncset.done $0x0  }
0x47: {  	s30 =	sadd.s32 s3, s30;
	[sflag:s22] =	ssyncadd.s32 $0xFFFFC000  }
0x48: {  	[tilespmem:s2], [sflag:$0x1] =	stream.linear.gather [hbm4b:s30+s2], $0x80, $0x38;
	[tilespmem:$0x1C100] =	vst v63  }
0x49: {  	_ = 	snop  }
0x4a: {  	[tilespmem:s17], [sflag:$0x3] =	stream.linear.gather [hbm4b:s26+s2], $0x4000, $0x38;
	[tilespmem:$0x1C100] =	vst v63  }
0x4b: {  	_ =	swait.ge [sflag:s23], $0x80  }
0x4c: {  	[sflag:s23] =	ssyncset.done $0x0  }
0x4d: {  	[sflag:s23] =	ssyncadd.s32 $0xFFFFFF80  }
0x4e: {  	_ =	swait.ge [sflag:s24], $0x4000  }
.Ltmp0:
0x4f: {  	[sflag:s24] =	ssyncset.done $0x0;
	(pc) =	sbr.rel @p1 .LBB2_2-.Ltmp0, $4  }
0x50: {  	[sflag:s24] =	ssyncadd.s32 $0xFFFFC000  }
0x51: {  	[spmem:s1] =	stream.indirect.scatter.add.f32 [tilespmem:s19], [sflag:$0x5], $0x80, s18, s18, $0xb8;
	[tilespmem:$0x1C100] =	vst v63  }
0x52: {  	s28 =	sadd.s32 $0x100, s28;
	_ =	swait.ge [sflag:s16], $0x4000  }
0x53: {  	s30 =	smov.u32 s0;
	s26 =	sadd.s32 $0x1000, s26;
	[sflag:s16] =	ssyncset.done $0x0  }
0x54: {  	s0 =	sadd.s32 s29, s14;
	[sflag:s16] =	ssyncadd.s32 $0xFFFFC000  }
0x55: {  	[tilespmem:s18], [sflag:$0x2] =	stream.linear.gather [hbm4b:s0+s2], $0x80, $0x38;
	[tilespmem:$0x1C100] =	vst v63  }
0x56: {  	s30 =	sadd.s32 $0xFFFFF800, s26  }
0x57: {  	[tilespmem:s19], [sflag:$0x4] =	stream.linear.gather [hbm4b:s30+s2], $0x4000, $0x38;
	[tilespmem:$0x1C100] =	vst v63  }
0x58: {  	_ =	swait.ge [sflag:s20], $0x80  }
0x59: {  	[sflag:s20] =	ssyncset.done $0x0  }
0x5a: {  	[sflag:s20] =	ssyncadd.s32 $0xFFFFFF80  }
0x5b: {  	_ =	swait.ge [sflag:s21], $0x4000  }
0x5c: {  	[sflag:s21] =	ssyncset.done $0x0  }
0x5d: {  	[sflag:s21] =	ssyncadd.s32 $0xFFFFC000  }
0x5e: {  	[spmem:s1] =	stream.indirect.scatter.add.f32 [tilespmem:s17], [sflag:$0x6], $0x80, s2, s18, $0xb8;
	[tilespmem:$0x1C100] =	vst v63  }
0x5f: {  	_ =	swait.ge [sflag:s22], $0x4000  }
0x60: {  	s31 =	sshrl.u32 s28, $0x3;
	[sflag:s22] =	ssyncset.done $0x0  }
0x61: {  	s0 =	sadd.s32 s3, s31;
	[sflag:s22] =	ssyncadd.s32 $0xFFFFC000  }
0x62: {  	[tilespmem:s2], [sflag:$0x1] =	stream.linear.gather [hbm4b:s0+s2], $0x80, $0x38;
	[tilespmem:$0x1C100] =	vst v63  }
0x63: {  	_ = 	snop  }
0x64: {  	[tilespmem:s17], [sflag:$0x3] =	stream.linear.gather [hbm4b:s26+s2], $0x4000, $0x38;
	[tilespmem:$0x1C100] =	vst v63  }
0x65: {  	_ =	swait.ge [sflag:s23], $0x80  }
0x66: {  	[sflag:s23] =	ssyncset.done $0x0  }
0x67: {  	[sflag:s23] =	ssyncadd.s32 $0xFFFFFF80  }
0x68: {  	_ =	swait.ge [sflag:s24], $0x4000  }
0x69: {  	[sflag:s24] =	ssyncset.done $0x0  }
0x6a: {  	[sflag:s24] =	ssyncadd.s32 $0xFFFFC000  }
0x6b: {  	[spmem:s1] =	stream.indirect.scatter.add.f32 [tilespmem:s19], [sflag:$0x5], $0x80, s18, s18, $0xb8;
	[tilespmem:$0x1C100] =	vst v63  }
0x6c: {  	_ =	swait.ge [sflag:s16], $0x4000  }
0x6d: {  	[sflag:s16] =	ssyncset.done $0x0  }
0x6e: {  	[sflag:s16] =	ssyncadd.s32 $0xFFFFC000  }
0x6f: {  	_ =	swait.ge [sflag:s20], $0x80  }
0x70: {  	[sflag:s20] =	ssyncset.done $0x0  }
0x71: {  	[sflag:s20] =	ssyncadd.s32 $0xFFFFFF80  }
0x72: {  	_ =	swait.ge [sflag:s21], $0x4000  }
0x73: {  	[sflag:s21] =	ssyncset.done $0x0  }
0x74: {  	[sflag:s21] =	ssyncadd.s32 $0xFFFFC000  }
0x75: {  	[spmem:s1] =	stream.indirect.scatter.add.f32 [tilespmem:s17], [sflag:$0x6], $0x80, s2, s18, $0xb8;
	[tilespmem:$0x1C100] =	vst v63  }
0x76: {  	_ =	swait.ge [sflag:s22], $0x4000  }
0x77: {  	[sflag:s22] =	ssyncset.done $0x0  }
0x78: {  	s0 =	simm.s32 @!p0 $0x0;
	s26 =	simm.s32 @!p0 $0x5;
	[sflag:s22] =	ssyncadd.s32 $0xFFFFC000  }
0x79: {  	[tilespmem:s0], [sflag:$0x5] =	stream.linear.gather @!p0 [hbm4b:s8+s0], $0x80, $0x38;
	[tilespmem:$0x1C100] =	vst v63  }
0x7a: {  	_ =	swait.ge @!p0 [sflag:s26], $0x80  }
0x7b: {  	[sflag:s26] =	ssyncset.done @!p0 $0x0  }
0x7c: {  	s28 =	simm.s32 @!p0 $0x100;
	[sflag:s26] =	ssyncadd.s32 @!p0 $0xFFFFFF80  }
0x7d: {  	[tilespmem:s28], [sflag:$0x5] =	stream.linear.gather @!p0 [hbm4b:s9+s0], $0x4000, $0x38;
	[tilespmem:$0x1C100] =	vst v63  }
0x7e: {  	_ =	swait.ge @!p0 [sflag:s26], $0x4000  }
0x7f: {  	[sflag:s26] =	ssyncset.done @!p0 $0x0  }
0x80: {  	s29 =	simm.s32 @!p0 $0x80;
	[sflag:s26] =	ssyncadd.s32 @!p0 $0xFFFFC000  }
0x81: {  	[spmem:s1] =	stream.indirect.scatter.add.f32 @!p0 [tilespmem:s28], [sflag:$0x5], $0x80, s0, s29, $0xb8;
	[tilespmem:$0x1C100] =	vst v63  }
0x82: {  	_ =	swait.ge @!p0 [sflag:s26], $0x4000  }
0x83: {  	s25 =	sadd.s32 $0x1, s25;
	[sflag:s26] =	ssyncset.done @!p0 $0x0  }
0x84: {  	p1 =	sne.s32 s25, s11;
	[sflag:s26] =	ssyncadd.s32 @!p0 $0xFFFFC000  }
.Ltmp1:
0x85: {  	[bflag:$0x0] =	sbarrier.arrive $0xFFFF;
	(pc) =	sbr.rel @p1 .LBB2_1-.Ltmp1, $4  }
0x86: {  	[hbm:s10], [sflag:s5] =	dma.local [spmem:s15], $0x2800  }
0x87: {  	_ =	swait.ge [sflag:s16], $0x2800  }
0x88: {  	[sflag:s16] =	ssyncset.done $0x0  }
0x89: {  	[sflag:s16] =	ssyncadd.s32 $0xFFFFD800  }
0x8a: {  	_ =	sfence.sel $0x180000  }
0x8b: {  	[bflag:$0x0] =	sbarrier.arrive $0xFFFF  }
0x8c: {  	_ =	strace $0x9000004D  }
0x8d: {  	[bflag:$0x2] =	sbarrier.arrive $0xFFFF  }
0x8e: {  	s0 =	rddreg [dreg:$0x2]  }
0x8f: {  	s0 =	sadd.s32 @!p0 $0x100000, s0  }
0x90: {  	[sflag:s0] =	ssyncadd.tile.s32 @!p0 $0x1;
	_ =	shalt  }
.Lfunc_end2:
_tile_overlayer_lowered:
.L_overlay_start_2:
0x91: {  	(tag) =	ssettag $0x2  }
0x92: {  	s0 =	rddreg [dreg:$0x0];
	s2 =	stileid.u32  }
0x93: {  	s1 =	rddreg [dreg:$0x1];
	p0 =	sne.s32 s2, $0x0  }
0x94: {  	s3 =	rddreg [dreg:$0x2];
	[bflag:$0x3] =	sbarrier.arrive $0xFFFF;
	s2 =	simm.s32 @!p0 $0x1C05  }
0x95: {  	[timem:s3], [sflag:s2] =	dma.local @!p0 [hbm:s0], s1  }
0x96: {  	s0 =	simm.s32 @!p0 $0x5  }
0x97: {  	_ =	swait.ge @!p0 [sflag:s0], s1  }
0x98: {  	s1 =	ssub.s32 @!p0 $0x0, s1;
	[sflag:s0] =	ssyncset.done @!p0 $0x0  }
0x99: {  	[sflag:s0] =	ssyncadd.s32 @!p0 s1  }
0x9a: {  	[bflag:$0x3] =	sbarrier.arrive $0xFFFF  }
0x9b: {  	_ =	shalt  }

// kernel: kernel.19.cloned.1.call-start
scs
__scs_entry_jumppad:
0x0: {  	(pc) =	sbr.rel $0x88, $3  }
0x1: {  	(tag) =	ssettag $0x0;
	lr =	simm.s32 $0x1  }
0x2: {  	[smem:$0x3F8C] =	sst lr;
	_ =	strace $0xD0000000  }
0x3: {  	_ = 	snop  }
0x4: {  	_ = 	snop  }
0x5: {  	_ = 	snop  }
0x6: {  	_ = 	snop  }
0x7: {  	_ = 	snop  }
__scs_overlays_trampoline_lowered:
0x8: {  	[smem:$0x3F9B] =	sst s0  }
0x9: {  	[smem:$0x3F9C] =	sst s1  }
0xa: {  	[smem:$0x3F9D] =	sst s2  }
0xb: {  	[smem:$0x3F9E] =	sst s3  }
0xc: {  	[smem:$0x3F9F] =	sst s4  }
0xd: {  	[smem:$0x3FA0] =	sst s5  }
0xe: {  	[smem:$0x3FA1] =	sst s6  }
0xf: {  	[smem:$0x3FA2] =	sst s7  }
0x10: {  	[smem:$0x3FA3] =	sst s8  }
0x11: {  	[smem:$0x3FA4] =	sst s9;
	s0 =	simm.s32 @!p0 $0x0  }
0x12: {  	s1 =	sld [smem:$0x3F8A];
	s0 =	simm.s32 @p0 $0x1  }
0x13: {  	[smem:$0x3FA5] =	sst s0;
	s0 =	simm.s32 @!p1 $0x0  }
0x14: {  	s2 =	sld [smem:$0x3F89];
	s0 =	simm.s32 @p1 $0x1  }
0x15: {  	[smem:$0x3FA6] =	sst s0;
	s0 =	simm.s32 @!p2 $0x0  }
0x16: {  	s3 =	sld [smem:$0x3FDB];
	s0 =	simm.s32 @p2 $0x1  }
0x17: {  	s4 =	simm.s32 $0x1BF5;
	[smem:$0x3FA8] =	sst s0  }
0x18: {  	s0 =	sld [smem:$0x3F8B];
	_ =	swait.ge [sflag:s4], $0x0  }
0x19: {  	s7 =	sld [smem:$0x3F8C]  }
0x1a: {  	s8 =	sadd.s32 $0xFFFFE003, lr  }
0x1b: {  	s9 =	sadd.s32 $0xFFFFFEF7, lr;
	s5 =	simm.s32 $0xFFFFFFFF;
	p2 =	slt.u32 s8, $0xFFFFF086  }
0x1c: {  	p1 =	slt.u32 s9, $0xF7A;
	s5 =	simm.s32 @!p2 $0x0  }
0x1d: {  	s5 =	simm.s32 @p1 $0x1;
	p0 =	seq.s32 s7, s2  }
0x1e: {  	s7 =	smul.u32 @!p0 $0xF7A, s2;
	p2 =	seq.s32 @!p0 s5, $0x0  }
0x1f: {  	s9 =	smul.u32 $0xF7A, s1;
	s8 =	simm.s32 @!p0 $0x1BF5;
	p2 =	por !p2, p0  }
0x20: {  	[sflag:s8] =	ssyncset.s32 @!p0 $0xFFFFF086;
	s6 =	sadd.s32 @!p0 s3, s7;
	s7 =	simm.s32 @!p0 $0x108  }
0x21: {  	s3 =	sadd.s32 s3, s9;
	s6 =	sadd.s32 @!p0 $0x88, s6;
	s7 =	simm.s32 @p2 $0x1082  }
0x22: {  	[simem:s7], [sflag:s8] =	dma.local @!p0 [hbm:s6], $0xF7A  }
0x23: {  	s9 =	sor.u32 $0xD0000000, s2;
	s6 =	simm.s32 $0x108;
	_ =	swait.ge @!p0 [sflag:s8], $0x0  }
0x24: {  	s3 =	sadd.s32 $0x88, s3;
	s6 =	simm.s32 @!p1 $0x1082;
	[sflag:s4] =	ssyncset.s32 $0xFFFFF086  }
0x25: {  	[simem:s6], [sflag:s4] =	dma.local [hbm:s3], $0xF7A  }
0x26: {  	[smem:$0x3F8C] =	sst s1;
	(tag) =	ssettag s2;
	_ =	strace s9  }
0x27: {  	s1 =	sld [smem:$0x3F9C]  }
0x28: {  	s2 =	sld [smem:$0x3F9D]  }
0x29: {  	s4 =	sld [smem:$0x3F9F]  }
0x2a: {  	p0 =	seq.s32 s5, $0x0;
	s5 =	sld [smem:$0x3FA0]  }
0x2b: {  	s6 =	sld [smem:$0x3FA1]  }
0x2c: {  	s7 =	sld [smem:$0x3FA2]  }
0x2d: {  	s3 =	simm.s32 $0x108;
	s8 =	sld [smem:$0x3FA3]  }
0x2e: {  	s3 =	simm.s32 @!p0 $0x1082;
	s9 =	sld [smem:$0x3FA4]  }
0x2f: {  	lr =	sadd.s32 s0, s3;
	s0 =	sld [smem:$0x3F9B]  }
0x30: {  	s3 =	sld [smem:$0x3F9E]  }
0x31: {  	[smem:$0x3FA7] =	sst s10  }
0x32: {  	s10 =	sld [smem:$0x3FA5];
	_ =	sdelay $0x3  }
0x33: {  	p0 =	seq.s32 s10, $0x1;
	s10 =	sld [smem:$0x3FA7];
	_ =	sdelay $0x3  }
0x34: {  	[smem:$0x3FA7] =	sst s10  }
0x35: {  	s10 =	sld [smem:$0x3FA6];
	_ =	sdelay $0x3  }
0x36: {  	p1 =	seq.s32 s10, $0x1;
	s10 =	sld [smem:$0x3FA7];
	_ =	sdelay $0x3  }
0x37: {  	[smem:$0x3FA7] =	sst s10  }
0x38: {  	s10 =	sld [smem:$0x3FA8]  }
0x39: {  	_ = 	snop;
	(pc) =	sbr.ind lr, $3  }
0x3a: {  	_ = 	snop  }
0x3b: {  	_ = 	snop  }
0x3c: {  	p2 =	seq.s32 s10, $0x1;
	s10 =	sld [smem:$0x3FA7]  }
0x3d: {  	_ =	shalt  }
0x3e: {  	_ =	shalt  }
0x3f: {  	_ =	shalt  }
0x40: {  	_ =	shalt  }
0x41: {  	_ =	shalt  }
0x42: {  	_ =	shalt  }
0x43: {  	_ =	shalt  }
0x44: {  	_ =	shalt  }
0x45: {  	_ =	shalt  }
0x46: {  	_ =	shalt  }
0x47: {  	_ =	shalt  }
0x48: {  	_ =	shalt  }
0x49: {  	_ =	shalt  }
0x4a: {  	_ =	shalt  }
0x4b: {  	_ =	shalt  }
0x4c: {  	_ =	shalt  }
0x4d: {  	_ =	shalt  }
0x4e: {  	_ =	shalt  }
0x4f: {  	_ =	shalt  }
0x50: {  	_ =	shalt  }
0x51: {  	_ =	shalt  }
0x52: {  	_ =	shalt  }
0x53: {  	_ =	shalt  }
0x54: {  	_ =	shalt  }
0x55: {  	_ =	shalt  }
0x56: {  	_ =	shalt  }
0x57: {  	_ =	shalt  }
0x58: {  	_ =	shalt  }
0x59: {  	_ =	shalt  }
0x5a: {  	_ =	shalt  }
0x5b: {  	_ =	shalt  }
0x5c: {  	_ =	shalt  }
0x5d: {  	_ =	shalt  }
0x5e: {  	_ =	shalt  }
0x5f: {  	_ =	shalt  }
0x60: {  	_ =	shalt  }
0x61: {  	_ =	shalt  }
0x62: {  	_ =	shalt  }
0x63: {  	_ =	shalt  }
0x64: {  	_ =	shalt  }
0x65: {  	_ =	shalt  }
0x66: {  	_ =	shalt  }
0x67: {  	_ =	shalt  }
0x68: {  	_ =	shalt  }
0x69: {  	_ =	shalt  }
0x6a: {  	_ =	shalt  }
0x6b: {  	_ =	shalt  }
0x6c: {  	_ =	shalt  }
0x6d: {  	_ =	shalt  }
0x6e: {  	_ =	shalt  }
0x6f: {  	_ =	shalt  }
0x70: {  	_ =	shalt  }
0x71: {  	_ =	shalt  }
0x72: {  	_ =	shalt  }
0x73: {  	_ =	shalt  }
0x74: {  	_ =	shalt  }
0x75: {  	_ =	shalt  }
0x76: {  	_ =	shalt  }
0x77: {  	_ =	shalt  }
0x78: {  	_ =	shalt  }
0x79: {  	_ =	shalt  }
0x7a: {  	_ =	shalt  }
0x7b: {  	_ =	shalt  }
0x7c: {  	_ =	shalt  }
0x7d: {  	_ =	shalt  }
0x7e: {  	_ =	shalt  }
0x7f: {  	_ =	shalt  }
0x80: {  	_ =	shalt  }
0x81: {  	_ =	shalt  }
0x82: {  	_ =	shalt  }
0x83: {  	_ =	shalt  }
0x84: {  	_ =	shalt  }
0x85: {  	_ =	shalt  }
0x86: {  	_ =	shalt  }
0x87: {  	_ =	shalt  }
.Lfunc_end0:
.L_simem_size_0:
called_computation.3_lowered:
.L_overlay_start_0:
0x88: {  	s2 =	sld [smem:$0x3FD9]  }
0x89: {  	s3 =	sld [smem:$0x3FFE];
	_ =	sdelay $0x1  }
0x8a: {  	s1 =	srdreg.scid  }
0x8b: {  	s0 =	sand.u32 $0x1, s1  }
0x8c: {  	s17 =	sshll.u32 s0, $0xA;
	s2 =	sadd.s32 s3, s2  }
0x8d: {  	s2 =	sadd.s32 s2, s17  }
0x8e: {  	[smem:$0x3FB3] =	sst s2  }
0x8f: {  	_ = 	snop  }
0x90: {  	(tm) =	ssettm $0x1  }
0x91: {  	s18 =	sld [smem:$0x3FFB];
	_ =	sdelay $0x3  }
0x92: {  	_ =	strace s18  }
0x93: {  	s2 =	sld [smem:$0x3FFC];
	_ =	sdelay $0x3  }
0x94: {  	_ =	strace s2  }
0x95: {  	s2 =	sld [smem:$0x3FFD];
	_ =	sdelay $0x3  }
0x96: {  	_ =	strace s2  }
0x97: {  	_ =	strace $0x8FFFFFFF  }
0x98: {  	s19 =	sld [smem:$0x3FDB];
	_ =	sdelay $0x1  }
0x99: {  	s20 =	simm.s32 $_scs_section_size  }
0x9a: {  	s4 =	simm.s32 $_size__tile_overlayer_lowered;
	s5 =	simm.s32 $_tile_overlayer_lowered  }
0x9b: {  	s6 =	simm.s32 $0x1BFF;
	s21 =	sshll.u32 s5, $0x1;
	s3 =	sadd.s32 s20, s19  }
0x9c: {  	s22 =	simm.s32 $0x0;
	s4 =	sshll.u32 s4, $0x1;
	s5 =	sadd.s32 s21, s3  }
0x9d: {  	[timem:s22], [sflag:s6] =	dma.local [hbm:s5], s4  }
0x9e: {  	_ =	swait.ge [sflag:s6], s4  }
0x9f: {  	s4 =	ssub.s32 $0x0, s4;
	[sflag:s6] =	ssyncset.done $0x0  }
0xa0: {  	[sflag:s6] =	ssyncadd.s32 s4;
	_ =	sdelay $0x1  }
0xa1: {  	s23 =	simm.s32 $0x1B8B  }
0xa2: {  	_ =	swait.ge [sflag:s23], $0x1  }
0xa3: {  	[sflag:s23] =	ssyncset.done $0x0  }
0xa4: {  	[sflag:s23] =	ssyncadd.s32 $0xFFFFFFFF  }
0xa5: {  	s4 =	sld [smem:$0x0]  }
0xa6: {  	s5 =	sand.u32 $0xFFFFFFFE, s1  }
0xa7: {  	p0 =	sne.s32 s1, s5  }
0xa8: {  	s5 =	sshll.u32 @p0 s5, $0xE  }
0xa9: {  	s5 =	sadd.s32 @p0 $0x11B8D, s5;
	s6 =	sshll.u32 @p0 s4, $0x11  }
0xaa: {  	s5 =	sor.u32 @p0 s6, s5  }
0xab: {  	[sflag:s5] =	ssyncadd.remote.s32 @p0 $0x1;
	_ =	sdelay $0x1  }
0xac: {  	s5 =	simm.s32 @p0 $0x1B8D  }
0xad: {  	_ =	swait.eq @p0 [sflag:s5], $0x1  }
0xae: {  	[sflag:s5] =	ssyncadd.s32 @p0 $0xFFFFFFFF  }
0xaf: {  	s6 =	sshll.u32 @!p0 s1, $0xE  }
0xb0: {  	s6 =	sor.u32 @!p0 $0x4000, s6;
	s5 =	simm.s32 @!p0 $0x1B8D  }
0xb1: {  	s4 =	sshll.u32 @!p0 s4, $0x11;
	s6 =	sadd.s32 @!p0 $0x11B8D, s6;
	_ =	swait.eq @!p0 [sflag:s5], $0x1  }
0xb2: {  	s4 =	sor.u32 @!p0 s4, s6;
	[sflag:s5] =	ssyncadd.s32 @!p0 $0xFFFFFFFF  }
0xb3: {  	s25 =	simm.s32 $0x1B8E;
	s24 =	sld [smem:$0x3FFE];
	[sflag:s4] =	ssyncadd.remote.s32 @!p0 $0x1  }
0xb4: {  	s26 =	simm.s32 $execute0_lowered;
	[smem:$0x3FD2] =	sst s25  }
0xb5: {  	s5 =	sshll.u32 s26, $0x1;
	_ =	strace $0x8000004F;
	[dreg:$0x1] =	wrdreg $0xFFFFFFFF  }
0xb6: {  	s28 =	simm.s32 $_size_execute0_lowered;
	s3 =	sadd.s32 s3, s5;
	[dreg:$0x0] =	wrdreg $0x0  }
0xb7: {  	s5 =	sshll.u32 s28, $0x1;
	[dreg:$0x2] =	wrdreg s3  }
0xb8: {  	[dreg:$0x3] =	wrdreg s5  }
0xb9: {  	[dreg:$0x4] =	wrdreg $0xC0  }
0xba: {  	_ =	task [dreg:s22], $0x5FFFF  }
0xbb: {  	[dreg:$0x1] =	wrdreg $0xFFFFFFFF  }
0xbc: {  	[dreg:$0x0] =	wrdreg $0x60  }
0xbd: {  	[dreg:$0x2] =	wrdreg s24  }
0xbe: {  	[dreg:$0x3] =	wrdreg $0x81000  }
0xbf: {  	[dreg:$0x4] =	wrdreg $0x9  }
0xc0: {  	_ =	task.clear_ibuf [dreg:s22], $0x5FFFF;
	_ =	strace $0x9000004F  }
0xc1: {  	s29 =	simm.s32 $0x9;
	_ =	strace $0x80000051  }
0xc2: {  	_ =	swait.ge [sflag:s29], $0x1  }
0xc3: {  	[sflag:s29] =	ssyncadd.s32 $0xFFFFFFFF  }
0xc4: {  	_ =	strace $0x90000051  }
0xc5: {  	_ =	sfence  }
0xc6: {  	s30 =	sld [smem:$0x0];
	_ =	sdelay $0x2  }
0xc7: {  	s31 =	sshll.u32 s1, $0xD;
	s1 =	sshrl.u32 s1, $0x2  }
0xc8: {  	s4 =	sand.u32 $0x4000, s31;
	s1 =	sadd.s32 s1, s30  }
0xc9: {  	s0 =	sor.u32 s4, s0;
	s1 =	sshll.u32 s1, $0x11  }
0xca: {  	s0 =	sor.u32 s1, s0  }
0xcb: {  	s0 =	sadd.s32 $0x8F2B, s0  }
0xcc: {  	[sflag:s0] =	ssyncadd.remote.s32 $0x1  }
0xcd: {  	_ =	sfence.sel $0xFFFF  }
0xce: {  	[dreg:$0x0] =	wrdreg $0xFFFFFFFF;
	(pc) =	sbr.abs _section_cstart, $3  }
0xcf: {  	[dreg:$0x1] =	wrdreg $0xFFFFFFFF  }
0xd0: {  	_ =	task.clear_ibuf [dreg:s22], $0x2FFFF;
	_ =	strace $0x9FFFFFFF  }
0xd1: {  	(tm) =	ssettm $0x7FFFFFFF  }
tec
execute0_lowered:
.L_overlay_start_1:
0x0: {  	(tag) =	ssettag $0x1  }
0x1: {  	s4 =	rddreg [dreg:$0x0]  }
0x2: {  	s1 =	rddreg [dreg:$0x1];
	s2 =	simm.s32 $0x0;
	s25 =	stileid.u32  }
0x3: {  	s3 =	srdreg.scid;
	[smem:$0x7FF] =	sst s2  }
0x4: {  	s5 =	smul.u32 $0x2800, s25;
	s10 =	sand.u32 $0x1, s3;
	s11 =	sadd.s32 $0x792200, s4  }
0x5: {  	s3 =	sadd.s32 $0x2A6200, s4;
	s9 =	sshll.u32 s25, $0x1;
	s12 =	smul.u32 $0x50000, s25  }
0x6: {  	s21 =	sshll.u32 s25, $0x6;
	s26 =	smul.u32 $0x2700, s25;
	p0 =	sne.s32 s25, $0x0  }
0x7: {  	_ =	strace $0x80000050;
	s6 =	smul.u32 $0x28000, s10;
	s17 =	ssub.s32 $0x2, s10  }
0x8: {  	s18 =	sor.u32 s10, s9;
	s24 =	sshll.u32 s10, $0x7;
	s16 =	smul.u32 $0x1380, s10  }
0x9: {  	s7 =	sadd.s32 s5, s4;
	s8 =	sshrl.u32 s17, $0x1;
	s19 =	smul.u32 $0x1380, s18  }
0xa: {  	s20 =	sshrl.u32 s12, $0x2;
	s23 =	smul.u32 $0x13800, s18;
	s9 =	sor.u32 $0x27000, s24  }
0xb: {  	s18 =	smul.u32 $0x13800, s10;
	s24 =	simm.s32 $0x4;
	s5 =	sadd.s32 s5, s6  }
0xc: {  	s14 =	ssub.s32 s17, s8;
	s15 =	sadd.s32 s20, s1;
	s28 =	sshrl.u32 s9, $0x3  }
0xd: {  	s9 =	sshll.u32 s9, $0x4;
	s17 =	smul.u32 $0x27000, s25;
	s16 =	sadd.s32 s16, s26  }
0xe: {  	s20 =	simm.s32 $0x1;
	s25 =	simm.s32 $0x0;
	s13 =	sadd.s32 s5, s4  }
0xf: {  	s4 =	sadd.s32 $0x35200, s7;
	s5 =	sor.u32 $0x1C05, s21;
	s22 =	sshrl.u32 s19, $0x3  }
0x10: {  	s7 =	sadd.s32 s11, s23;
	s8 =	sadd.s32 s3, s28;
	s9 =	sadd.s32 s11, s9  }
0x11: {  	s30 =	sadd.s32 $0x80, s16;
	s15 =	sshrl.u32 s15, $0x3;
	s19 =	simm.s32 $0x4100  }
0x12: {  	s21 =	simm.s32 $0x3;
	s23 =	simm.s32 $0x2;
	s6 =	sadd.s32 s3, s22  }
0x13: {  	s10 =	sadd.s32 $0xAD200, s13;
	s29 =	sadd.s32 s17, s11;
	s11 =	smax.u32 s14, $0x1  }
0x14: {  	s31 =	sshrl.u32 s30, $0x3;
	s13 =	sadd.s32 $0x100, s16;
	s16 =	simm.s32 $0x5  }
0x15: {  	s17 =	simm.s32 $0x100;
	s22 =	simm.s32 $0x6;
	s12 =	sadd.s32 s18, s29  }
0x16: {  	s14 =	sadd.s32 s31, s3;
	s18 =	simm.s32 $0x80;
	s12 =	sadd.s32 $0x1000, s12  }
.LBB2_1:
0x17: {  	[spmem:s15], [sflag:s5] =	dma.local [hbm:s4], $0x2800  }
0x18: {  	_ =	swait.ge [sflag:s16], $0x2800  }
0x19: {  	[sflag:s16] =	ssyncset.done $0x0  }
0x1a: {  	[sflag:s16] =	ssyncadd.s32 $0xFFFFD800  }
0x1b: {  	[bflag:$0x0] =	sbarrier.arrive $0xFFFF  }
0x1c: {  	[tilespmem:s2], [sflag:$0x1] =	stream.linear.gather [hbm4b:s6+s2], $0x80, $0x38;
	[tilespmem:$0x1C100] =	vst v63  }
0x1d: {  	_ = 	snop  }
0x1e: {  	[tilespmem:s17], [sflag:$0x3] =	stream.linear.gather [hbm4b:s7+s2], $0x4000, $0x38;
	[tilespmem:$0x1C100] =	vst v63  }
0x1f: {  	s26 =	sadd.s32 $0x0, s14  }
0x20: {  	[tilespmem:s18], [sflag:$0x2] =	stream.linear.gather [hbm4b:s26+s2], $0x80, $0x38;
	[tilespmem:$0x1C100] =	vst v63  }
0x21: {  	s0 =	sadd.s32 $0xFFFFF800, s12  }
0x22: {  	[tilespmem:s19], [sflag:$0x4] =	stream.linear.gather [hbm4b:s0+s2], $0x4000, $0x38;
	[tilespmem:$0x1C100] =	vst v63  }
0x23: {  	_ =	swait.ge [sflag:s20], $0x80  }
0x24: {  	[sflag:s20] =	ssyncset.done $0x0  }
0x25: {  	[sflag:s20] =	ssyncadd.s32 $0xFFFFFF80  }
0x26: {  	_ =	swait.ge [sflag:s21], $0x4000  }
0x27: {  	[sflag:s21] =	ssyncset.done $0x0  }
0x28: {  	[sflag:s21] =	ssyncadd.s32 $0xFFFFC000  }
0x29: {  	[spmem:s1] =	stream.indirect.scatter.add.f32 [tilespmem:s17], [sflag:$0x6], $0x80, s2, s18, $0xb8;
	[tilespmem:$0x1C100] =	vst v63  }
0x2a: {  	_ =	swait.ge [sflag:s22], $0x4000  }
0x2b: {  	s31 =	sshrl.u32 s13, $0x3;
	[sflag:s22] =	ssyncset.done $0x0  }
0x2c: {  	s26 =	sadd.s32 s3, s31;
	[sflag:s22] =	ssyncadd.s32 $0xFFFFC000  }
0x2d: {  	[tilespmem:s2], [sflag:$0x1] =	stream.linear.gather [hbm4b:s26+s2], $0x80, $0x38;
	[tilespmem:$0x1C100] =	vst v63  }
0x2e: {  	_ = 	snop  }
0x2f: {  	[tilespmem:s17], [sflag:$0x3] =	stream.linear.gather [hbm4b:s12+s2], $0x4000, $0x38;
	[tilespmem:$0x1C100] =	vst v63  }
0x30: {  	_ =	swait.ge [sflag:s23], $0x80  }
0x31: {  	[sflag:s23] =	ssyncset.done $0x0  }
0x32: {  	[sflag:s23] =	ssyncadd.s32 $0xFFFFFF80  }
0x33: {  	_ =	swait.ge [sflag:s24], $0x4000  }
0x34: {  	[sflag:s24] =	ssyncset.done $0x0  }
0x35: {  	[sflag:s24] =	ssyncadd.s32 $0xFFFFC000  }
0x36: {  	[spmem:s1] =	stream.indirect.scatter.add.f32 [tilespmem:s19], [sflag:$0x5], $0x80, s18, s18, $0xb8;
	[tilespmem:$0x1C100] =	vst v63  }
0x37: {  	s29 =	simm.s32 $0x20;
	s30 =	simm.s32 $0x40;
	_ =	swait.ge [sflag:s16], $0x4000  }
0x38: {  	s28 =	sadd.s32 $0x100, s13;
	s26 =	sadd.s32 $0x1000, s12;
	[sflag:s16] =	ssyncset.done $0x0  }
.LBB2_2:
0x39: {  	s31 =	sadd.s32 s29, s14  }
0x3a: {  	[sflag:s16] =	ssyncadd.s32 $0xFFFFC000;
	s29 =	smov.u32 s30;
	s0 =	sadd.s32 $0x20, s30  }
0x3b: {  	[tilespmem:s18], [sflag:$0x2] =	stream.linear.gather [hbm4b:s31+s2], $0x80, $0x38;
	[tilespmem:$0x1C100] =	vst v63  }
0x3c: {  	p1 =	sne.s32 s30, $0x240;
	s30 =	sadd.s32 $0xFFFFF800, s26  }
0x3d: {  	[tilespmem:s19], [sflag:$0x4] =	stream.linear.gather [hbm4b:s30+s2], $0x4000, $0x38;
	[tilespmem:$0x1C100] =	vst v63  }
0x3e: {  	_ =	swait.ge [sflag:s20], $0x80  }
0x3f: {  	[sflag:s20] =	ssyncset.done $0x0  }
0x40: {  	[sflag:s20] =	ssyncadd.s32 $0xFFFFFF80  }
0x41: {  	_ =	swait.ge [sflag:s21], $0x4000  }
0x42: {  	[sflag:s21] =	ssyncset.done $0x0  }
0x43: {  	[sflag:s21] =	ssyncadd.s32 $0xFFFFC000  }
0x44: {  	[spmem:s1] =	stream.indirect.scatter.add.f32 [tilespmem:s17], [sflag:$0x6], $0x80, s2, s18, $0xb8;
	[tilespmem:$0x1C100] =	vst v63  }
0x45: {  	_ =	swait.ge [sflag:s22], $0x4000  }
0x46: {  	s30 =	sshrl.u32 s28, $0x3;
	[sflag:s22] =	ssyncset.done $0x0  }
0x47: {  	s30 =	sadd.s32 s3, s30;
	[sflag:s22] =	ssyncadd.s32 $0xFFFFC000  }
0x48: {  	[tilespmem:s2], [sflag:$0x1] =	stream.linear.gather [hbm4b:s30+s2], $0x80, $0x38;
	[tilespmem:$0x1C100] =	vst v63  }
0x49: {  	_ = 	snop  }
0x4a: {  	[tilespmem:s17], [sflag:$0x3] =	stream.linear.gather [hbm4b:s26+s2], $0x4000, $0x38;
	[tilespmem:$0x1C100] =	vst v63  }
0x4b: {  	_ =	swait.ge [sflag:s23], $0x80  }
0x4c: {  	[sflag:s23] =	ssyncset.done $0x0  }
0x4d: {  	[sflag:s23] =	ssyncadd.s32 $0xFFFFFF80  }
0x4e: {  	_ =	swait.ge [sflag:s24], $0x4000  }
.Ltmp0:
0x4f: {  	[sflag:s24] =	ssyncset.done $0x0;
	(pc) =	sbr.rel @p1 .LBB2_2-.Ltmp0, $4  }
0x50: {  	[sflag:s24] =	ssyncadd.s32 $0xFFFFC000  }
0x51: {  	[spmem:s1] =	stream.indirect.scatter.add.f32 [tilespmem:s19], [sflag:$0x5], $0x80, s18, s18, $0xb8;
	[tilespmem:$0x1C100] =	vst v63  }
0x52: {  	s28 =	sadd.s32 $0x100, s28;
	_ =	swait.ge [sflag:s16], $0x4000  }
0x53: {  	s30 =	smov.u32 s0;
	s26 =	sadd.s32 $0x1000, s26;
	[sflag:s16] =	ssyncset.done $0x0  }
0x54: {  	s0 =	sadd.s32 s29, s14;
	[sflag:s16] =	ssyncadd.s32 $0xFFFFC000  }
0x55: {  	[tilespmem:s18], [sflag:$0x2] =	stream.linear.gather [hbm4b:s0+s2], $0x80, $0x38;
	[tilespmem:$0x1C100] =	vst v63  }
0x56: {  	s30 =	sadd.s32 $0xFFFFF800, s26  }
0x57: {  	[tilespmem:s19], [sflag:$0x4] =	stream.linear.gather [hbm4b:s30+s2], $0x4000, $0x38;
	[tilespmem:$0x1C100] =	vst v63  }
0x58: {  	_ =	swait.ge [sflag:s20], $0x80  }
0x59: {  	[sflag:s20] =	ssyncset.done $0x0  }
0x5a: {  	[sflag:s20] =	ssyncadd.s32 $0xFFFFFF80  }
0x5b: {  	_ =	swait.ge [sflag:s21], $0x4000  }
0x5c: {  	[sflag:s21] =	ssyncset.done $0x0  }
0x5d: {  	[sflag:s21] =	ssyncadd.s32 $0xFFFFC000  }
0x5e: {  	[spmem:s1] =	stream.indirect.scatter.add.f32 [tilespmem:s17], [sflag:$0x6], $0x80, s2, s18, $0xb8;
	[tilespmem:$0x1C100] =	vst v63  }
0x5f: {  	_ =	swait.ge [sflag:s22], $0x4000  }
0x60: {  	s31 =	sshrl.u32 s28, $0x3;
	[sflag:s22] =	ssyncset.done $0x0  }
0x61: {  	s0 =	sadd.s32 s3, s31;
	[sflag:s22] =	ssyncadd.s32 $0xFFFFC000  }
0x62: {  	[tilespmem:s2], [sflag:$0x1] =	stream.linear.gather [hbm4b:s0+s2], $0x80, $0x38;
	[tilespmem:$0x1C100] =	vst v63  }
0x63: {  	_ = 	snop  }
0x64: {  	[tilespmem:s17], [sflag:$0x3] =	stream.linear.gather [hbm4b:s26+s2], $0x4000, $0x38;
	[tilespmem:$0x1C100] =	vst v63  }
0x65: {  	_ =	swait.ge [sflag:s23], $0x80  }
0x66: {  	[sflag:s23] =	ssyncset.done $0x0  }
0x67: {  	[sflag:s23] =	ssyncadd.s32 $0xFFFFFF80  }
0x68: {  	_ =	swait.ge [sflag:s24], $0x4000  }
0x69: {  	[sflag:s24] =	ssyncset.done $0x0  }
0x6a: {  	[sflag:s24] =	ssyncadd.s32 $0xFFFFC000  }
0x6b: {  	[spmem:s1] =	stream.indirect.scatter.add.f32 [tilespmem:s19], [sflag:$0x5], $0x80, s18, s18, $0xb8;
	[tilespmem:$0x1C100] =	vst v63  }
0x6c: {  	_ =	swait.ge [sflag:s16], $0x4000  }
0x6d: {  	[sflag:s16] =	ssyncset.done $0x0  }
0x6e: {  	[sflag:s16] =	ssyncadd.s32 $0xFFFFC000  }
0x6f: {  	_ =	swait.ge [sflag:s20], $0x80  }
0x70: {  	[sflag:s20] =	ssyncset.done $0x0  }
0x71: {  	[sflag:s20] =	ssyncadd.s32 $0xFFFFFF80  }
0x72: {  	_ =	swait.ge [sflag:s21], $0x4000  }
0x73: {  	[sflag:s21] =	ssyncset.done $0x0  }
0x74: {  	[sflag:s21] =	ssyncadd.s32 $0xFFFFC000  }
0x75: {  	[spmem:s1] =	stream.indirect.scatter.add.f32 [tilespmem:s17], [sflag:$0x6], $0x80, s2, s18, $0xb8;
	[tilespmem:$0x1C100] =	vst v63  }
0x76: {  	_ =	swait.ge [sflag:s22], $0x4000  }
0x77: {  	[sflag:s22] =	ssyncset.done $0x0  }
0x78: {  	s0 =	simm.s32 @!p0 $0x0;
	s26 =	simm.s32 @!p0 $0x5;
	[sflag:s22] =	ssyncadd.s32 $0xFFFFC000  }
0x79: {  	[tilespmem:s0], [sflag:$0x5] =	stream.linear.gather @!p0 [hbm4b:s8+s0], $0x80, $0x38;
	[tilespmem:$0x1C100] =	vst v63  }
0x7a: {  	_ =	swait.ge @!p0 [sflag:s26], $0x80  }
0x7b: {  	[sflag:s26] =	ssyncset.done @!p0 $0x0  }
0x7c: {  	s28 =	simm.s32 @!p0 $0x100;
	[sflag:s26] =	ssyncadd.s32 @!p0 $0xFFFFFF80  }
0x7d: {  	[tilespmem:s28], [sflag:$0x5] =	stream.linear.gather @!p0 [hbm4b:s9+s0], $0x4000, $0x38;
	[tilespmem:$0x1C100] =	vst v63  }
0x7e: {  	_ =	swait.ge @!p0 [sflag:s26], $0x4000  }
0x7f: {  	[sflag:s26] =	ssyncset.done @!p0 $0x0  }
0x80: {  	s29 =	simm.s32 @!p0 $0x80;
	[sflag:s26] =	ssyncadd.s32 @!p0 $0xFFFFC000  }
0x81: {  	[spmem:s1] =	stream.indirect.scatter.add.f32 @!p0 [tilespmem:s28], [sflag:$0x5], $0x80, s0, s29, $0xb8;
	[tilespmem:$0x1C100] =	vst v63  }
0x82: {  	_ =	swait.ge @!p0 [sflag:s26], $0x4000  }
0x83: {  	s25 =	sadd.s32 $0x1, s25;
	[sflag:s26] =	ssyncset.done @!p0 $0x0  }
0x84: {  	p1 =	sne.s32 s25, s11;
	[sflag:s26] =	ssyncadd.s32 @!p0 $0xFFFFC000  }
.Ltmp1:
0x85: {  	[bflag:$0x0] =	sbarrier.arrive $0xFFFF;
	(pc) =	sbr.rel @p1 .LBB2_1-.Ltmp1, $4  }
0x86: {  	[hbm:s10], [sflag:s5] =	dma.local [spmem:s15], $0x2800  }
0x87: {  	_ =	swait.ge [sflag:s16], $0x2800  }
0x88: {  	[sflag:s16] =	ssyncset.done $0x0  }
0x89: {  	[sflag:s16] =	ssyncadd.s32 $0xFFFFD800  }
0x8a: {  	_ =	sfence.sel $0x180000  }
0x8b: {  	[bflag:$0x0] =	sbarrier.arrive $0xFFFF  }
0x8c: {  	_ =	strace $0x90000050  }
0x8d: {  	[bflag:$0x2] =	sbarrier.arrive $0xFFFF  }
0x8e: {  	s0 =	rddreg [dreg:$0x2]  }
0x8f: {  	s0 =	sadd.s32 @!p0 $0x100000, s0  }
0x90: {  	[sflag:s0] =	ssyncadd.tile.s32 @!p0 $0x1;
	_ =	shalt  }
.Lfunc_end2:
_tile_overlayer_lowered:
.L_overlay_start_2:
0x91: {  	(tag) =	ssettag $0x2  }
0x92: {  	s0 =	rddreg [dreg:$0x0];
	s2 =	stileid.u32  }
0x93: {  	s1 =	rddreg [dreg:$0x1];
	p0 =	sne.s32 s2, $0x0  }
0x94: {  	s3 =	rddreg [dreg:$0x2];
	[bflag:$0x3] =	sbarrier.arrive $0xFFFF;
	s2 =	simm.s32 @!p0 $0x1C05  }
0x95: {  	[timem:s3], [sflag:s2] =	dma.local @!p0 [hbm:s0], s1  }
0x96: {  	s0 =	simm.s32 @!p0 $0x5  }
0x97: {  	_ =	swait.ge @!p0 [sflag:s0], s1  }
0x98: {  	s1 =	ssub.s32 @!p0 $0x0, s1;
	[sflag:s0] =	ssyncset.done @!p0 $0x0  }
0x99: {  	[sflag:s0] =	ssyncadd.s32 @!p0 s1  }
0x9a: {  	[bflag:$0x3] =	sbarrier.arrive $0xFFFF  }
0x9b: {  	_ =	shalt  }

</sc_bundles>
